<compile_context>
chip_gen: v7x
topology: tpu7x:2x2x1
jax: 0.10.2.dev20260603
libtpu: 0.0.44.dev20260713+nightly
codegen_flags: <defaults>
</compile_context>

<pallas_src>
import jax
import jax.numpy as jnp
from jax import lax
from jax.experimental import pallas as pl
from jax.experimental.pallas import tpu as pltpu
from jax.experimental.pallas import tpu_sc as plsc

N = 10000
D = 128
H1, C1 = 8, 8
NC = 40
E = 320000

T1W = 72
T2W = 48
CH = 100
NBUF = 4
NCORES, NSUB = 2, 16
NTILES = NCORES * NSUB
NCHT = E // (CH * NTILES)
RPS = 632
RPSL = N - (NSUB - 1) * RPS
BR = 1000
F32 = jnp.float32
I32 = jnp.int32

_SC_PARAMS = dict(
    compiler_params=pltpu.CompilerParams(needs_layout_passes=False,
                                         use_tc_tiling_on_sc=False),
)


def _l1_dense_body(x_ref, w_ref, as_ref, ad_ref, t_ref, ad1_ref):
    h = jnp.dot(x_ref[...], w_ref[...], preferred_element_type=F32)
    asrc = jnp.dot(h, as_ref[...], preferred_element_type=F32)
    t_ref[...] = jnp.concatenate([h, asrc], axis=1)
    ad1_ref[...] = jnp.dot(h, ad_ref[...], preferred_element_type=F32)


def _l1_dense(x, W1, As, Ad):
    return pl.pallas_call(
        _l1_dense_body,
        grid=(N // BR,),
        in_specs=[
            pl.BlockSpec((BR, D), lambda i: (i, 0)),
            pl.BlockSpec((D, H1 * C1), lambda i: (0, 0)),
            pl.BlockSpec((H1 * C1, H1), lambda i: (0, 0)),
            pl.BlockSpec((H1 * C1, H1), lambda i: (0, 0)),
        ],
        out_specs=[
            pl.BlockSpec((BR, T1W), lambda i: (i, 0)),
            pl.BlockSpec((BR, H1), lambda i: (i, 0)),
        ],
        out_shape=[
            jax.ShapeDtypeStruct((N, T1W), F32),
            jax.ShapeDtypeStruct((N, H1), F32),
        ],
    )(x, W1, As, Ad)


def _edge_body_factory(tw, adw, compute_chunk):

    def body(t_hbm, ad_hbm, src_hbm, dst_hbm, z_hbm, out_hbm,
             acc_sh, src_all, dst_all, *bufs):
        rows = bufs[0:NBUF]
        adst = bufs[NBUF:2 * NBUF]
        msg = bufs[2 * NBUF:3 * NBUF]
        ex_v = bufs[3 * NBUF]
        gsem = bufs[3 * NBUF + 1:3 * NBUF + 1 + NBUF]
        ssem = bufs[3 * NBUF + 1 + NBUF:]
        c = lax.axis_index("c")
        s = lax.axis_index("s")
        w = c * NSUB + s

        pltpu.sync_copy(src_hbm.at[w], src_all)
        pltpu.sync_copy(dst_hbm.at[w], dst_all)

        off = pl.multiple_of(s * RPS, 8)

        @pl.when(s < NSUB - 1)
        def _zero_main():
            pltpu.sync_copy(z_hbm, acc_sh.at[pl.ds(off, RPS)])

        @pl.when(s == NSUB - 1)
        def _zero_tail():
            pltpu.sync_copy(z_hbm.at[pl.ds(0, RPSL)], acc_sh.at[pl.ds(off, RPSL)])

        plsc.subcore_barrier()

        def issue(j, b):
            pltpu.async_copy(t_hbm.at[src_all.at[j]], rows[b], gsem[b])
            pltpu.async_copy(ad_hbm.at[dst_all.at[j]], adst[b], gsem[b])

        def wait_gather(b):
            pltpu.make_async_copy(z_hbm.at[pl.ds(0, CH)], rows[b], gsem[b]).wait()
            pltpu.make_async_copy(ad_hbm.at[pl.ds(0, CH)], adst[b], gsem[b]).wait()

        def wait_scatter(b):
            pltpu.make_async_copy(z_hbm.at[pl.ds(0, CH)], msg[b], ssem[b]).wait()

        for b in range(NBUF):
            issue(b, b)

        def outer(jj, carry):
            for b in range(NBUF):
                j = NBUF * jj + b
                wait_gather(b)

                @pl.when(jj > 0)
                def _drain_prev():
                    wait_scatter(b)

                compute_chunk(rows[b], adst[b], ex_v, msg[b])
                pltpu.async_copy(msg[b], acc_sh.at[dst_all.at[j]], ssem[b],
                                 add=True)

                @pl.when(j + NBUF < NCHT)
                def _prefetch():
                    issue(j + NBUF, b)

            return carry

        lax.fori_loop(0, NCHT // NBUF, outer, 0)

        for b in range(NBUF):
            wait_scatter(b)

        plsc.subcore_barrier()

        @pl.when(s < NSUB - 1)
        def _wb_main():
            pltpu.sync_copy(acc_sh.at[pl.ds(off, RPS)],
                            out_hbm.at[c, pl.ds(off, RPS)])

        @pl.when(s == NSUB - 1)
        def _wb_tail():
            pltpu.sync_copy(acc_sh.at[pl.ds(off, RPSL)],
                            out_hbm.at[c, pl.ds(off, RPSL)])

    return body


def _compute1(rows_v, adst_v, ex_v, msg_v):
    lane = lax.iota(I32, 16)
    half = lane >> 3
    lane8 = lane & 7

    @plsc.parallel_loop(0, CH // 2, unroll=4)
    def pair_body(j2):
        rix = 2 * j2 + half
        a = (plsc.load_gather(rows_v, [rix, 64 + lane8])
             + plsc.load_gather(adst_v, [rix, lane8]))
        a = jnp.where(a >= 0.0, a, 0.2 * a)
        ex = jnp.exp(a)
        plsc.store_scatter(ex_v, [rix, lane8], ex)
        plsc.store_scatter(msg_v, [rix, 64 + lane8], ex)

    @plsc.parallel_loop(0, CH, unroll=4)
    def msg_body(e):
        rix = jnp.full((16,), e, I32)
        for g in range(4):
            h16 = rows_v[e, pl.ds(g * 16, 16)]
            exb = plsc.load_gather(ex_v, [rix, 2 * g + half])
            msg_v[e, pl.ds(g * 16, 16)] = h16 * exb


def _compute2(rows_v, adst_v, ex_v, msg_v):
    lane = lax.iota(I32, 16)
    c41 = jnp.full((16,), NC + 1, I32)
    c0 = jnp.zeros((16,), I32)

    @plsc.parallel_loop(0, (CH + 15) // 16, unroll=1)
    def alpha_body(j16):
        rix = jnp.minimum(16 * j16 + lane, CH - 1)
        a = (plsc.load_gather(rows_v, [rix, c41])
             + plsc.load_gather(adst_v, [rix, c0]))
        a = jnp.where(a >= 0.0, a, 0.2 * a)
        ex_v[pl.ds(16 * j16, 16)] = jnp.exp(a)

    @plsc.parallel_loop(0, CH, unroll=4)
    def msg_body(e):
        exb = plsc.load_gather(ex_v, [jnp.full((16,), e, I32)])
        for g in range(3):
            msg_v[e, pl.ds(g * 16, 16)] = rows_v[e, pl.ds(g * 16, 16)] * exb


def _edge_call(tw, adw, ex_shape, compute_chunk):
    return pl.kernel(
        _edge_body_factory(tw, adw, compute_chunk),
        out_type=jax.ShapeDtypeStruct((NCORES, N, tw), F32),
        mesh=plsc.VectorSubcoreMesh(core_axis_name="c", subcore_axis_name="s",
                                    num_cores=NCORES, num_subcores=NSUB),
        scratch_types=(
            [pltpu.VMEM_SHARED((N, tw), F32)]
            + [pltpu.VMEM((NCHT, CH), I32)] * 2
            + [pltpu.VMEM((CH, tw), F32)] * NBUF
            + [pltpu.VMEM((CH, adw), F32)] * NBUF
            + [pltpu.VMEM((CH, tw), F32)] * NBUF
            + [pltpu.VMEM(ex_shape, F32)]
            + [pltpu.SemaphoreType.DMA] * (2 * NBUF)
        ),
        **_SC_PARAMS,
    )


def _mid_dense_body(p_ref, b1_ref, w2_ref, a2s_ref, a2d_ref, t2_ref, ad2_ref):
    p = p_ref[0] + p_ref[1]
    den = p[:, 64:72] + 1e-16
    parts = [p[:, 8 * h:8 * h + 8] / den[:, h:h + 1] for h in range(H1)]
    hv = jnp.concatenate(parts, axis=1) + b1_ref[...]
    hv = jnp.where(hv > 0.0, hv, jnp.exp(hv) - 1.0)
    h2 = jnp.dot(hv, w2_ref[...], preferred_element_type=F32)
    asrc = jnp.sum(h2 * a2s_ref[...], axis=1, keepdims=True)
    adst = jnp.sum(h2 * a2d_ref[...], axis=1, keepdims=True)
    ones = jnp.ones((BR, 1), F32)
    pad = jnp.zeros((BR, T2W - NC - 2), F32)
    t2_ref[...] = jnp.concatenate([h2, ones, asrc, pad], axis=1)
    ad2_ref[...] = jnp.broadcast_to(adst, (BR, 8))


def _mid_dense(outp1, b1, W2, a2s, a2d):
    return pl.pallas_call(
        _mid_dense_body,
        grid=(N // BR,),
        in_specs=[
            pl.BlockSpec((NCORES, BR, T1W), lambda i: (0, i, 0)),
            pl.BlockSpec((1, H1 * C1), lambda i: (0, 0)),
            pl.BlockSpec((H1 * C1, NC), lambda i: (0, 0)),
            pl.BlockSpec((1, NC), lambda i: (0, 0)),
            pl.BlockSpec((1, NC), lambda i: (0, 0)),
        ],
        out_specs=[
            pl.BlockSpec((BR, T2W), lambda i: (i, 0)),
            pl.BlockSpec((BR, 8), lambda i: (i, 0)),
        ],
        out_shape=[
            jax.ShapeDtypeStruct((N, T2W), F32),
            jax.ShapeDtypeStruct((N, 8), F32),
        ],
    )(outp1, b1, W2, a2s, a2d)


def _final_body(p_ref, b2_ref, o_ref):
    p = p_ref[0] + p_ref[1]
    o = p[:, :NC] / (p[:, NC:NC + 1] + 1e-16) + b2_ref[...]
    m = jnp.max(o, axis=1, keepdims=True)
    sh = o - m
    o_ref[...] = sh - jnp.log(jnp.sum(jnp.exp(sh), axis=1, keepdims=True))


def _final(outp2, b2):
    return pl.pallas_call(
        _final_body,
        grid=(N // BR,),
        in_specs=[
            pl.BlockSpec((NCORES, BR, T2W), lambda i: (0, i, 0)),
            pl.BlockSpec((1, NC), lambda i: (0, 0)),
        ],
        out_specs=pl.BlockSpec((BR, NC), lambda i: (i, 0)),
        out_shape=jax.ShapeDtypeStruct((N, NC), F32),
    )(outp2, b2)


def kernel(x, edge_index, W1, a1s, a1d, b1, W2, a2s, a2d, b2):
    src = edge_index[0].reshape(NTILES, NCHT, CH)
    dst = edge_index[1].reshape(NTILES, NCHT, CH)
    eye = jnp.eye(H1, dtype=F32)
    As = (a1s[0][:, :, None] * eye[:, None, :]).reshape(H1 * C1, H1)
    Ad = (a1d[0][:, :, None] * eye[:, None, :]).reshape(H1 * C1, H1)

    table1, adst1 = _l1_dense(x, W1, As, Ad)
    z1 = jnp.zeros((RPS, T1W), F32)
    outp1 = _edge_call(T1W, H1, (CH, H1), _compute1)(
        table1, adst1, src, dst, z1)

    table2, adst2 = _mid_dense(outp1, b1.reshape(1, H1 * C1), W2,
                               a2s.reshape(1, NC), a2d.reshape(1, NC))
    z2 = jnp.zeros((RPS, T2W), F32)
    outp2 = _edge_call(T2W, 8, (((CH + 15) // 16) * 16,), _compute2)(
        table2, adst2, src, dst, z2)

    return _final(outp2, b2.reshape(1, NC))

# --- scband reference (transcript-rebuilt; emitter-appended) ---
"""Pipeline reference for scband-gat-net-class-31172872635027 (READ-ONLY COPY).

The authoritative reference and input builder live on the scoring server;
editing this copy changes nothing except your own understanding.
"""

import jax, jax.numpy as jnp
import numpy as np

N, D, H1, C1, NC, E = 10000, 128, 8, 8, 40, 320000


def _gat_conv(x, edge_index, W, att_src, att_dst, bias, heads, out_ch, concat):
    n = x.shape[0]
    h = (x @ W).reshape(n, heads, out_ch)
    a_src = (h * att_src).sum(-1)
    a_dst = (h * att_dst).sum(-1)
    src = edge_index[0]
    dst = edge_index[1]
    alpha = a_src[src] + a_dst[dst]
    alpha = jax.nn.leaky_relu(alpha, negative_slope=0.2)
    amax = jax.lax.stop_gradient(jax.ops.segment_max(alpha, dst, num_segments=n))
    amax = jnp.where(jnp.isfinite(amax), amax, 0.0)
    ex = jnp.exp(alpha - amax[dst])
    denom = jax.ops.segment_sum(ex, dst, num_segments=n)
    coef = ex / (denom[dst] + 1e-16)
    msg = h[src] * coef[:, :, None]
    out = jax.ops.segment_sum(msg, dst, num_segments=n)
    if concat:
        out = out.reshape(n, heads * out_ch)
    else:
        out = out.mean(axis=1)
    return out + bias


def setup_inputs(seed: int = 0):
    key = jax.random.key(seed)
    ks = jax.random.split(key, 12)
    x = jax.random.normal(ks[0], (N, D), dtype=jnp.float32)
    edge_index = jax.random.randint(ks[1], (2, E), 0, N, dtype=jnp.int32)
    W1 = jax.random.normal(ks[2], (D, H1 * C1), dtype=jnp.float32) * (1.0 / np.sqrt(D))
    a1s = jax.random.normal(ks[3], (1, H1, C1), dtype=jnp.float32) * 0.1
    a1d = jax.random.normal(ks[4], (1, H1, C1), dtype=jnp.float32) * 0.1
    b1 = jnp.zeros((H1 * C1,), dtype=jnp.float32)
    W2 = jax.random.normal(ks[5], (H1 * C1, NC), dtype=jnp.float32) * (1.0 / np.sqrt(H1 * C1))
    a2s = jax.random.normal(ks[6], (1, 1, NC), dtype=jnp.float32) * 0.1
    a2d = jax.random.normal(ks[7], (1, 1, NC), dtype=jnp.float32) * 0.1
    b2 = jnp.zeros((NC,), dtype=jnp.float32)
    return {"x": x, "edge_index": edge_index, "W1": W1, "a1s": a1s, "a1d": a1d, "b1": b1, "W2": W2, "a2s": a2s, "a2d": a2d, "b2": b2}


def reference(x, edge_index, W1, a1s, a1d, b1, W2, a2s, a2d, b2):
    # eval-mode: dropout layers are identity
    h = _gat_conv(x, edge_index, W1, a1s, a1d, b1, H1, C1, True)
    h = jax.nn.elu(h)
    out = _gat_conv(h, edge_index, W2, a2s, a2d, b2, 1, NC, True)
    return jax.nn.log_softmax(out, axis=1)

if __name__ == "__main__":
    import jax
    _d = setup_inputs()
    print(jax.jit(kernel)(*tuple(_d.values())))

</pallas_src>

<mosaic_0001>
#map = affine_map<(d0, d1) -> (0, 0)>
#map1 = affine_map<(d0, d1) -> (0, 0, 0)>
module attributes {stable_mosaic.version = 14 : i64} {
  func.func @body(%arg0: i32, %arg1: i32, %arg2: memref<10000x72xf32, #tpu.memory_space<hbm>>, %arg3: memref<10000x8xf32, #tpu.memory_space<hbm>>, %arg4: memref<32x100x100xi32, #tpu.memory_space<hbm>>, %arg5: memref<32x100x100xi32, #tpu.memory_space<hbm>>, %arg6: memref<632x72xf32, #tpu.memory_space<hbm>>, %arg7: memref<2x10000x72xf32, #tpu.memory_space<hbm>>, %arg8: memref<10000x72xf32, #tpu.memory_space<vmem_shared>>, %arg9: memref<100x100xi32, #tpu.memory_space<vmem>>, %arg10: memref<100x100xi32, #tpu.memory_space<vmem>>, %arg11: memref<100x72xf32, #tpu.memory_space<vmem>>, %arg12: memref<100x72xf32, #tpu.memory_space<vmem>>, %arg13: memref<100x72xf32, #tpu.memory_space<vmem>>, %arg14: memref<100x72xf32, #tpu.memory_space<vmem>>, %arg15: memref<100x8xf32, #tpu.memory_space<vmem>>, %arg16: memref<100x8xf32, #tpu.memory_space<vmem>>, %arg17: memref<100x8xf32, #tpu.memory_space<vmem>>, %arg18: memref<100x8xf32, #tpu.memory_space<vmem>>, %arg19: memref<100x72xf32, #tpu.memory_space<vmem>>, %arg20: memref<100x72xf32, #tpu.memory_space<vmem>>, %arg21: memref<100x72xf32, #tpu.memory_space<vmem>>, %arg22: memref<100x72xf32, #tpu.memory_space<vmem>>, %arg23: memref<100x8xf32, #tpu.memory_space<vmem>>, %arg24: memref<!tpu.dma_semaphore, #tpu.memory_space<semaphore_mem>>, %arg25: memref<!tpu.dma_semaphore, #tpu.memory_space<semaphore_mem>>, %arg26: memref<!tpu.dma_semaphore, #tpu.memory_space<semaphore_mem>>, %arg27: memref<!tpu.dma_semaphore, #tpu.memory_space<semaphore_mem>>, %arg28: memref<!tpu.dma_semaphore, #tpu.memory_space<semaphore_mem>>, %arg29: memref<!tpu.dma_semaphore, #tpu.memory_space<semaphore_mem>>, %arg30: memref<!tpu.dma_semaphore, #tpu.memory_space<semaphore_mem>>, %arg31: memref<!tpu.dma_semaphore, #tpu.memory_space<semaphore_mem>>) attributes {dimension_semantics = [#tpu.dimension_semantics<core_parallel>, #tpu.dimension_semantics<subcore_parallel>], iteration_bounds = array<i64: 2, 16>, scalar_prefetch = 0 : i64, scratch_operands = 24 : i64, tpu.core_type = #tpu.core_type<sc_vector_subcore>, window_params = [{transform_indices = #map}, {transform_indices = #map}, {transform_indices = #map1}, {transform_indices = #map1}, {transform_indices = #map}, {transform_indices = #map1}]} {
    %mul3A = arith.constant 16 : i32
    %mul3A_0 = arith.muli %arg0, %mul3A : i32
    %add3A = arith.addi %mul3A_0, %arg1 : i32
    "tpu.region"() ({
      %run_scoped3A = tpu.sem_alloc : memref<!tpu.dma_semaphore, #tpu.memory_space<semaphore_mem>>
      %dma_start3A_103 = arith.constant 0 : i32
      %dma_start3A_104 = arith.constant 0 : i32
      %dma_start3A_105 = tpu.memref_slice %arg4[%add3A, %dma_start3A_103, %dma_start3A_104] : memref<32x100x100xi32, #tpu.memory_space<hbm>> -> memref<1x100x100xi32, #tpu.memory_space<hbm>>
      %dma_start3A_106 = tpu.memref_squeeze %dma_start3A_105 : memref<1x100x100xi32, #tpu.memory_space<hbm>> -> memref<100x100xi32, #tpu.memory_space<hbm>>
      %dma_start3A_107 = arith.constant 0 : i32
      %dma_start3A_108 = arith.constant 0 : i32
      %dma_start3A_109 = tpu.memref_slice %arg4[%add3A, %dma_start3A_107, %dma_start3A_108] : memref<32x100x100xi32, #tpu.memory_space<hbm>> -> memref<1x100x100xi32, #tpu.memory_space<hbm>>
      %dma_start3A_110 = tpu.memref_squeeze %dma_start3A_109 : memref<1x100x100xi32, #tpu.memory_space<hbm>> -> memref<100x100xi32, #tpu.memory_space<hbm>>
      tpu.enqueue_dma source(%dma_start3A_110 : memref<100x100xi32, #tpu.memory_space<hbm>>) target(%arg9 : memref<100x100xi32, #tpu.memory_space<vmem>>) target_semaphore(%run_scoped3A : memref<!tpu.dma_semaphore, #tpu.memory_space<semaphore_mem>>)
      %dma_wait3A_111 = arith.constant 0 : i32
      %dma_wait3A_112 = arith.constant 0 : i32
      %dma_wait3A_113 = tpu.memref_slice %arg4[%add3A, %dma_wait3A_111, %dma_wait3A_112] : memref<32x100x100xi32, #tpu.memory_space<hbm>> -> memref<1x100x100xi32, #tpu.memory_space<hbm>>
      %dma_wait3A_114 = tpu.memref_squeeze %dma_wait3A_113 : memref<1x100x100xi32, #tpu.memory_space<hbm>> -> memref<100x100xi32, #tpu.memory_space<hbm>>
      %dma_wait3A_115 = arith.constant 0 : i32
      %dma_wait3A_116 = arith.constant 0 : i32
      %dma_wait3A_117 = tpu.memref_slice %arg4[%add3A, %dma_wait3A_115, %dma_wait3A_116] : memref<32x100x100xi32, #tpu.memory_space<hbm>> -> memref<1x100x100xi32, #tpu.memory_space<hbm>>
      %dma_wait3A_118 = tpu.memref_squeeze %dma_wait3A_117 : memref<1x100x100xi32, #tpu.memory_space<hbm>> -> memref<100x100xi32, #tpu.memory_space<hbm>>
      tpu.wait_dma2 semaphore(%run_scoped3A : memref<!tpu.dma_semaphore, #tpu.memory_space<semaphore_mem>>) src(%dma_wait3A_118 : memref<100x100xi32, #tpu.memory_space<hbm>>) dst(%arg9 : memref<100x100xi32, #tpu.memory_space<vmem>>)
      tpu.yield
    }) : () -> ()
    "tpu.region"() ({
      %run_scoped3A = tpu.sem_alloc : memref<!tpu.dma_semaphore, #tpu.memory_space<semaphore_mem>>
      %dma_start3A_103 = arith.constant 0 : i32
      %dma_start3A_104 = arith.constant 0 : i32
      %dma_start3A_105 = tpu.memref_slice %arg5[%add3A, %dma_start3A_103, %dma_start3A_104] : memref<32x100x100xi32, #tpu.memory_space<hbm>> -> memref<1x100x100xi32, #tpu.memory_space<hbm>>
      %dma_start3A_106 = tpu.memref_squeeze %dma_start3A_105 : memref<1x100x100xi32, #tpu.memory_space<hbm>> -> memref<100x100xi32, #tpu.memory_space<hbm>>
      %dma_start3A_107 = arith.constant 0 : i32
      %dma_start3A_108 = arith.constant 0 : i32
      %dma_start3A_109 = tpu.memref_slice %arg5[%add3A, %dma_start3A_107, %dma_start3A_108] : memref<32x100x100xi32, #tpu.memory_space<hbm>> -> memref<1x100x100xi32, #tpu.memory_space<hbm>>
      %dma_start3A_110 = tpu.memref_squeeze %dma_start3A_109 : memref<1x100x100xi32, #tpu.memory_space<hbm>> -> memref<100x100xi32, #tpu.memory_space<hbm>>
      tpu.enqueue_dma source(%dma_start3A_110 : memref<100x100xi32, #tpu.memory_space<hbm>>) target(%arg10 : memref<100x100xi32, #tpu.memory_space<vmem>>) target_semaphore(%run_scoped3A : memref<!tpu.dma_semaphore, #tpu.memory_space<semaphore_mem>>)
      %dma_wait3A_111 = arith.constant 0 : i32
      %dma_wait3A_112 = arith.constant 0 : i32
      %dma_wait3A_113 = tpu.memref_slice %arg5[%add3A, %dma_wait3A_111, %dma_wait3A_112] : memref<32x100x100xi32, #tpu.memory_space<hbm>> -> memref<1x100x100xi32, #tpu.memory_space<hbm>>
      %dma_wait3A_114 = tpu.memref_squeeze %dma_wait3A_113 : memref<1x100x100xi32, #tpu.memory_space<hbm>> -> memref<100x100xi32, #tpu.memory_space<hbm>>
      %dma_wait3A_115 = arith.constant 0 : i32
      %dma_wait3A_116 = arith.constant 0 : i32
      %dma_wait3A_117 = tpu.memref_slice %arg5[%add3A, %dma_wait3A_115, %dma_wait3A_116] : memref<32x100x100xi32, #tpu.memory_space<hbm>> -> memref<1x100x100xi32, #tpu.memory_space<hbm>>
      %dma_wait3A_118 = tpu.memref_squeeze %dma_wait3A_117 : memref<1x100x100xi32, #tpu.memory_space<hbm>> -> memref<100x100xi32, #tpu.memory_space<hbm>>
      tpu.wait_dma2 semaphore(%run_scoped3A : memref<!tpu.dma_semaphore, #tpu.memory_space<semaphore_mem>>) src(%dma_wait3A_118 : memref<100x100xi32, #tpu.memory_space<hbm>>) dst(%arg10 : memref<100x100xi32, #tpu.memory_space<vmem>>)
      tpu.yield
    }) : () -> ()
    %mul3A_1 = arith.constant 632 : i32
    %mul3A_2 = arith.muli %arg1, %mul3A_1 : i32
    %multiple_of3A = tpu.assume_multiple %mul3A_2, 8 : i32
    %lt3A = arith.constant 15 : i32
    %lt3A_3 = arith.cmpi slt, %arg1, %lt3A : i32
    %convert_element_type3A = arith.extui %lt3A_3 : i1 to i32
    %cond3A = arith.constant 0 : i32
    %cond3A_4 = arith.cmpi ne, %convert_element_type3A, %cond3A : i32
    scf.if %cond3A_4 {
      "tpu.region"() ({
        %run_scoped3A = tpu.sem_alloc : memref<!tpu.dma_semaphore, #tpu.memory_space<semaphore_mem>>
        %dma_start3A_103 = arith.constant 0 : i32
        %dma_start3A_104 = tpu.memref_slice %arg8[%multiple_of3A, %dma_start3A_103] : memref<10000x72xf32, #tpu.memory_space<vmem_shared>> -> memref<632x72xf32, #tpu.memory_space<vmem_shared>>
        tpu.enqueue_dma source(%arg6 : memref<632x72xf32, #tpu.memory_space<hbm>>) target(%dma_start3A_104 : memref<632x72xf32, #tpu.memory_space<vmem_shared>>) target_semaphore(%run_scoped3A : memref<!tpu.dma_semaphore, #tpu.memory_space<semaphore_mem>>)
        %dma_wait3A_105 = arith.constant 0 : i32
        %dma_wait3A_106 = tpu.memref_slice %arg8[%multiple_of3A, %dma_wait3A_105] : memref<10000x72xf32, #tpu.memory_space<vmem_shared>> -> memref<632x72xf32, #tpu.memory_space<vmem_shared>>
        tpu.wait_dma2 semaphore(%run_scoped3A : memref<!tpu.dma_semaphore, #tpu.memory_space<semaphore_mem>>) src(%arg6 : memref<632x72xf32, #tpu.memory_space<hbm>>) dst(%dma_wait3A_106 : memref<632x72xf32, #tpu.memory_space<vmem_shared>>)
        tpu.yield
      }) : () -> ()
    } else {
    }
    %eq3A = arith.constant 15 : i32
    %eq3A_5 = arith.cmpi eq, %arg1, %eq3A : i32
    %convert_element_type3A_6 = arith.extui %eq3A_5 : i1 to i32
    %cond3A_7 = arith.constant 0 : i32
    %cond3A_8 = arith.cmpi ne, %convert_element_type3A_6, %cond3A_7 : i32
    scf.if %cond3A_8 {
      "tpu.region"() ({
        %run_scoped3A = tpu.sem_alloc : memref<!tpu.dma_semaphore, #tpu.memory_space<semaphore_mem>>
        %dma_start3A_103 = arith.constant 0 : i32
        %dma_start3A_104 = tpu.memref_slice %arg8[%multiple_of3A, %dma_start3A_103] : memref<10000x72xf32, #tpu.memory_space<vmem_shared>> -> memref<520x72xf32, #tpu.memory_space<vmem_shared>>
        %dma_start3A_105 = arith.constant 0 : i32
        %dma_start3A_106 = arith.constant 0 : i32
        %dma_start3A_107 = tpu.memref_slice %arg6[%dma_start3A_105, %dma_start3A_106] : memref<632x72xf32, #tpu.memory_space<hbm>> -> memref<520x72xf32, #tpu.memory_space<hbm>>
        tpu.enqueue_dma source(%dma_start3A_107 : memref<520x72xf32, #tpu.memory_space<hbm>>) target(%dma_start3A_104 : memref<520x72xf32, #tpu.memory_space<vmem_shared>>) target_semaphore(%run_scoped3A : memref<!tpu.dma_semaphore, #tpu.memory_space<semaphore_mem>>)
        %dma_wait3A_108 = arith.constant 0 : i32
        %dma_wait3A_109 = tpu.memref_slice %arg8[%multiple_of3A, %dma_wait3A_108] : memref<10000x72xf32, #tpu.memory_space<vmem_shared>> -> memref<520x72xf32, #tpu.memory_space<vmem_shared>>
        %dma_wait3A_110 = arith.constant 0 : i32
        %dma_wait3A_111 = arith.constant 0 : i32
        %dma_wait3A_112 = tpu.memref_slice %arg6[%dma_wait3A_110, %dma_wait3A_111] : memref<632x72xf32, #tpu.memory_space<hbm>> -> memref<520x72xf32, #tpu.memory_space<hbm>>
        tpu.wait_dma2 semaphore(%run_scoped3A : memref<!tpu.dma_semaphore, #tpu.memory_space<semaphore_mem>>) src(%dma_wait3A_112 : memref<520x72xf32, #tpu.memory_space<hbm>>) dst(%dma_wait3A_109 : memref<520x72xf32, #tpu.memory_space<vmem_shared>>)
        tpu.yield
      }) : () -> ()
    } else {
    }
    %barrier3A = arith.constant 0 : index
    tpu.barrier barrier_id(%barrier3A)
    %dma_start3A = arith.constant 0 : i32
    %dma_start3A_9 = arith.constant 0 : i32
    %dma_start3A_10 = tpu.memref_slice %arg9[%dma_start3A, %dma_start3A_9] : memref<100x100xi32, #tpu.memory_space<vmem>> -> memref<1x100xi32, #tpu.memory_space<vmem>>
    %dma_start3A_11 = tpu.memref_squeeze %dma_start3A_10 : memref<1x100xi32, #tpu.memory_space<vmem>> -> memref<100xi32, #tpu.memory_space<vmem>>
    %dma_start3A_12 = arith.constant 0 : i32
    %dma_start3A_13 = arith.constant 0 : i32
    %dma_start3A_14 = tpu.memref_slice %arg2[%dma_start3A_12, %dma_start3A_13] : memref<10000x72xf32, #tpu.memory_space<hbm>> -> memref<10000x72xf32, #tpu.memory_space<hbm>>
    tpu.enqueue_indirect_dma source(%dma_start3A_14 : memref<10000x72xf32, #tpu.memory_space<hbm>>) target(%arg11 : memref<100x72xf32, #tpu.memory_space<vmem>>) offsets(%dma_start3A_11 : memref<100xi32, #tpu.memory_space<vmem>>) semaphore(%arg24 : memref<!tpu.dma_semaphore, #tpu.memory_space<semaphore_mem>>)
    %dma_start3A_15 = arith.constant 0 : i32
    %dma_start3A_16 = arith.constant 0 : i32
    %dma_start3A_17 = tpu.memref_slice %arg10[%dma_start3A_15, %dma_start3A_16] : memref<100x100xi32, #tpu.memory_space<vmem>> -> memref<1x100xi32, #tpu.memory_space<vmem>>
    %dma_start3A_18 = tpu.memref_squeeze %dma_start3A_17 : memref<1x100xi32, #tpu.memory_space<vmem>> -> memref<100xi32, #tpu.memory_space<vmem>>
    %dma_start3A_19 = arith.constant 0 : i32
    %dma_start3A_20 = arith.constant 0 : i32
    %dma_start3A_21 = tpu.memref_slice %arg3[%dma_start3A_19, %dma_start3A_20] : memref<10000x8xf32, #tpu.memory_space<hbm>> -> memref<10000x8xf32, #tpu.memory_space<hbm>>
    tpu.enqueue_indirect_dma source(%dma_start3A_21 : memref<10000x8xf32, #tpu.memory_space<hbm>>) target(%arg15 : memref<100x8xf32, #tpu.memory_space<vmem>>) offsets(%dma_start3A_18 : memref<100xi32, #tpu.memory_space<vmem>>) semaphore(%arg24 : memref<!tpu.dma_semaphore, #tpu.memory_space<semaphore_mem>>)
    %dma_start3A_22 = arith.constant 1 : i32
    %dma_start3A_23 = arith.constant 0 : i32
    %dma_start3A_24 = tpu.memref_slice %arg9[%dma_start3A_22, %dma_start3A_23] : memref<100x100xi32, #tpu.memory_space<vmem>> -> memref<1x100xi32, #tpu.memory_space<vmem>>
    %dma_start3A_25 = tpu.memref_squeeze %dma_start3A_24 : memref<1x100xi32, #tpu.memory_space<vmem>> -> memref<100xi32, #tpu.memory_space<vmem>>
    %dma_start3A_26 = arith.constant 0 : i32
    %dma_start3A_27 = arith.constant 0 : i32
    %dma_start3A_28 = tpu.memref_slice %arg2[%dma_start3A_26, %dma_start3A_27] : memref<10000x72xf32, #tpu.memory_space<hbm>> -> memref<10000x72xf32, #tpu.memory_space<hbm>>
    tpu.enqueue_indirect_dma source(%dma_start3A_28 : memref<10000x72xf32, #tpu.memory_space<hbm>>) target(%arg12 : memref<100x72xf32, #tpu.memory_space<vmem>>) offsets(%dma_start3A_25 : memref<100xi32, #tpu.memory_space<vmem>>) semaphore(%arg25 : memref<!tpu.dma_semaphore, #tpu.memory_space<semaphore_mem>>)
    %dma_start3A_29 = arith.constant 1 : i32
    %dma_start3A_30 = arith.constant 0 : i32
    %dma_start3A_31 = tpu.memref_slice %arg10[%dma_start3A_29, %dma_start3A_30] : memref<100x100xi32, #tpu.memory_space<vmem>> -> memref<1x100xi32, #tpu.memory_space<vmem>>
    %dma_start3A_32 = tpu.memref_squeeze %dma_start3A_31 : memref<1x100xi32, #tpu.memory_space<vmem>> -> memref<100xi32, #tpu.memory_space<vmem>>
    %dma_start3A_33 = arith.constant 0 : i32
    %dma_start3A_34 = arith.constant 0 : i32
    %dma_start3A_35 = tpu.memref_slice %arg3[%dma_start3A_33, %dma_start3A_34] : memref<10000x8xf32, #tpu.memory_space<hbm>> -> memref<10000x8xf32, #tpu.memory_space<hbm>>
    tpu.enqueue_indirect_dma source(%dma_start3A_35 : memref<10000x8xf32, #tpu.memory_space<hbm>>) target(%arg16 : memref<100x8xf32, #tpu.memory_space<vmem>>) offsets(%dma_start3A_32 : memref<100xi32, #tpu.memory_space<vmem>>) semaphore(%arg25 : memref<!tpu.dma_semaphore, #tpu.memory_space<semaphore_mem>>)
    %dma_start3A_36 = arith.constant 2 : i32
    %dma_start3A_37 = arith.constant 0 : i32
    %dma_start3A_38 = tpu.memref_slice %arg9[%dma_start3A_36, %dma_start3A_37] : memref<100x100xi32, #tpu.memory_space<vmem>> -> memref<1x100xi32, #tpu.memory_space<vmem>>
    %dma_start3A_39 = tpu.memref_squeeze %dma_start3A_38 : memref<1x100xi32, #tpu.memory_space<vmem>> -> memref<100xi32, #tpu.memory_space<vmem>>
    %dma_start3A_40 = arith.constant 0 : i32
    %dma_start3A_41 = arith.constant 0 : i32
    %dma_start3A_42 = tpu.memref_slice %arg2[%dma_start3A_40, %dma_start3A_41] : memref<10000x72xf32, #tpu.memory_space<hbm>> -> memref<10000x72xf32, #tpu.memory_space<hbm>>
    tpu.enqueue_indirect_dma source(%dma_start3A_42 : memref<10000x72xf32, #tpu.memory_space<hbm>>) target(%arg13 : memref<100x72xf32, #tpu.memory_space<vmem>>) offsets(%dma_start3A_39 : memref<100xi32, #tpu.memory_space<vmem>>) semaphore(%arg26 : memref<!tpu.dma_semaphore, #tpu.memory_space<semaphore_mem>>)
    %dma_start3A_43 = arith.constant 2 : i32
    %dma_start3A_44 = arith.constant 0 : i32
    %dma_start3A_45 = tpu.memref_slice %arg10[%dma_start3A_43, %dma_start3A_44] : memref<100x100xi32, #tpu.memory_space<vmem>> -> memref<1x100xi32, #tpu.memory_space<vmem>>
    %dma_start3A_46 = tpu.memref_squeeze %dma_start3A_45 : memref<1x100xi32, #tpu.memory_space<vmem>> -> memref<100xi32, #tpu.memory_space<vmem>>
    %dma_start3A_47 = arith.constant 0 : i32
    %dma_start3A_48 = arith.constant 0 : i32
    %dma_start3A_49 = tpu.memref_slice %arg3[%dma_start3A_47, %dma_start3A_48] : memref<10000x8xf32, #tpu.memory_space<hbm>> -> memref<10000x8xf32, #tpu.memory_space<hbm>>
    tpu.enqueue_indirect_dma source(%dma_start3A_49 : memref<10000x8xf32, #tpu.memory_space<hbm>>) target(%arg17 : memref<100x8xf32, #tpu.memory_space<vmem>>) offsets(%dma_start3A_46 : memref<100xi32, #tpu.memory_space<vmem>>) semaphore(%arg26 : memref<!tpu.dma_semaphore, #tpu.memory_space<semaphore_mem>>)
    %dma_start3A_50 = arith.constant 3 : i32
    %dma_start3A_51 = arith.constant 0 : i32
    %dma_start3A_52 = tpu.memref_slice %arg9[%dma_start3A_50, %dma_start3A_51] : memref<100x100xi32, #tpu.memory_space<vmem>> -> memref<1x100xi32, #tpu.memory_space<vmem>>
    %dma_start3A_53 = tpu.memref_squeeze %dma_start3A_52 : memref<1x100xi32, #tpu.memory_space<vmem>> -> memref<100xi32, #tpu.memory_space<vmem>>
    %dma_start3A_54 = arith.constant 0 : i32
    %dma_start3A_55 = arith.constant 0 : i32
    %dma_start3A_56 = tpu.memref_slice %arg2[%dma_start3A_54, %dma_start3A_55] : memref<10000x72xf32, #tpu.memory_space<hbm>> -> memref<10000x72xf32, #tpu.memory_space<hbm>>
    tpu.enqueue_indirect_dma source(%dma_start3A_56 : memref<10000x72xf32, #tpu.memory_space<hbm>>) target(%arg14 : memref<100x72xf32, #tpu.memory_space<vmem>>) offsets(%dma_start3A_53 : memref<100xi32, #tpu.memory_space<vmem>>) semaphore(%arg27 : memref<!tpu.dma_semaphore, #tpu.memory_space<semaphore_mem>>)
    %dma_start3A_57 = arith.constant 3 : i32
    %dma_start3A_58 = arith.constant 0 : i32
    %dma_start3A_59 = tpu.memref_slice %arg10[%dma_start3A_57, %dma_start3A_58] : memref<100x100xi32, #tpu.memory_space<vmem>> -> memref<1x100xi32, #tpu.memory_space<vmem>>
    %dma_start3A_60 = tpu.memref_squeeze %dma_start3A_59 : memref<1x100xi32, #tpu.memory_space<vmem>> -> memref<100xi32, #tpu.memory_space<vmem>>
    %dma_start3A_61 = arith.constant 0 : i32
    %dma_start3A_62 = arith.constant 0 : i32
    %dma_start3A_63 = tpu.memref_slice %arg3[%dma_start3A_61, %dma_start3A_62] : memref<10000x8xf32, #tpu.memory_space<hbm>> -> memref<10000x8xf32, #tpu.memory_space<hbm>>
    tpu.enqueue_indirect_dma source(%dma_start3A_63 : memref<10000x8xf32, #tpu.memory_space<hbm>>) target(%arg18 : memref<100x8xf32, #tpu.memory_space<vmem>>) offsets(%dma_start3A_60 : memref<100xi32, #tpu.memory_space<vmem>>) semaphore(%arg27 : memref<!tpu.dma_semaphore, #tpu.memory_space<semaphore_mem>>)
    %scan3A = arith.constant 0 : i32
    %scan3A_64 = arith.constant 0 : i32
    %scan3A_65 = arith.constant 25 : i32
    %scan3A_66 = arith.addi %scan3A_64, %scan3A_65 : i32
    %scan3A_67 = arith.constant 1 : i32
    scf.for %scan3A_103 = %scan3A_64 to %scan3A_66 step %scan3A_67  : i32 {
      %mul3A_104 = arith.constant 4 : i32
      %mul3A_105 = arith.muli %mul3A_104, %scan3A_103 : i32
      %add3A_106 = arith.constant 0 : i32
      %add3A_107 = arith.addi %mul3A_105, %add3A_106 : i32
      %dma_wait3A_108 = arith.constant 0 : i32
      %dma_wait3A_109 = arith.constant 0 : i32
      %dma_wait3A_110 = tpu.memref_slice %arg6[%dma_wait3A_108, %dma_wait3A_109] : memref<632x72xf32, #tpu.memory_space<hbm>> -> memref<100x72xf32, #tpu.memory_space<hbm>>
      %dma_wait3A_111 = arith.constant 0 : i32
      %dma_wait3A_112 = arith.constant 0 : i32
      %dma_wait3A_113 = tpu.memref_slice %arg6[%dma_wait3A_111, %dma_wait3A_112] : memref<632x72xf32, #tpu.memory_space<hbm>> -> memref<100x72xf32, #tpu.memory_space<hbm>>
      tpu.wait_dma2 semaphore(%arg24 : memref<!tpu.dma_semaphore, #tpu.memory_space<semaphore_mem>>) src(%dma_wait3A_113 : memref<100x72xf32, #tpu.memory_space<hbm>>) dst(%arg11 : memref<100x72xf32, #tpu.memory_space<vmem>>)
      %dma_wait3A_114 = arith.constant 0 : i32
      %dma_wait3A_115 = arith.constant 0 : i32
      %dma_wait3A_116 = tpu.memref_slice %arg3[%dma_wait3A_114, %dma_wait3A_115] : memref<10000x8xf32, #tpu.memory_space<hbm>> -> memref<100x8xf32, #tpu.memory_space<hbm>>
      %dma_wait3A_117 = arith.constant 0 : i32
      %dma_wait3A_118 = arith.constant 0 : i32
      %dma_wait3A_119 = tpu.memref_slice %arg3[%dma_wait3A_117, %dma_wait3A_118] : memref<10000x8xf32, #tpu.memory_space<hbm>> -> memref<100x8xf32, #tpu.memory_space<hbm>>
      tpu.wait_dma2 semaphore(%arg24 : memref<!tpu.dma_semaphore, #tpu.memory_space<semaphore_mem>>) src(%dma_wait3A_119 : memref<100x8xf32, #tpu.memory_space<hbm>>) dst(%arg15 : memref<100x8xf32, #tpu.memory_space<vmem>>)
      %gt3A = arith.constant 0 : i32
      %gt3A_120 = arith.cmpi sgt, %scan3A_103, %gt3A : i32
      %convert_element_type3A_121 = arith.extui %gt3A_120 : i1 to i32
      %cond3A_122 = arith.constant 0 : i32
      %cond3A_123 = arith.cmpi ne, %convert_element_type3A_121, %cond3A_122 : i32
      scf.if %cond3A_123 {
        %dma_wait3A_287 = arith.constant 0 : i32
        %dma_wait3A_288 = arith.constant 0 : i32
        %dma_wait3A_289 = tpu.memref_slice %arg6[%dma_wait3A_287, %dma_wait3A_288] : memref<632x72xf32, #tpu.memory_space<hbm>> -> memref<100x72xf32, #tpu.memory_space<hbm>>
        %dma_wait3A_290 = arith.constant 0 : i32
        %dma_wait3A_291 = arith.constant 0 : i32
        %dma_wait3A_292 = tpu.memref_slice %arg6[%dma_wait3A_290, %dma_wait3A_291] : memref<632x72xf32, #tpu.memory_space<hbm>> -> memref<100x72xf32, #tpu.memory_space<hbm>>
        tpu.wait_dma2 semaphore(%arg28 : memref<!tpu.dma_semaphore, #tpu.memory_space<semaphore_mem>>) src(%dma_wait3A_292 : memref<100x72xf32, #tpu.memory_space<hbm>>) dst(%arg19 : memref<100x72xf32, #tpu.memory_space<vmem>>)
      } else {
      }
      %iota3A = tpu.iota {dimensions = array<i32: 0>} : vector<16xi32>
      %shift_right_arithmetic3A = arith.constant 3 : i32
      %shift_right_arithmetic3A_124 = vector.broadcast %shift_right_arithmetic3A : i32 to vector<16xi32>
      %shift_right_arithmetic3A_125 = arith.shrsi %iota3A, %shift_right_arithmetic3A_124 : vector<16xi32>
      %and3A = arith.constant 7 : i32
      %and3A_126 = vector.broadcast %and3A : i32 to vector<16xi32>
      %and3A_127 = arith.andi %iota3A, %and3A_126 : vector<16xi32>
      %parallel_loop3A = arith.constant 0 : i32
      %parallel_loop3A_128 = arith.constant 50 : i32
      %parallel_loop3A_129 = arith.constant 1 : i32
      scf.for %parallel_loop3A_287 = %parallel_loop3A to %parallel_loop3A_128 step %parallel_loop3A_129  : i32 {
        %parallel_loop3A_288 = arith.constant 2 : i32
        %parallel_loop3A_289 = arith.muli %parallel_loop3A_288, %parallel_loop3A_287 : i32
        %parallel_loop3A_290 = vector.broadcast %parallel_loop3A_289 : i32 to vector<16xi32>
        %parallel_loop3A_291 = arith.addi %parallel_loop3A_290, %shift_right_arithmetic3A_125 : vector<16xi32>
        %parallel_loop3A_292 = arith.constant 64 : i32
        %parallel_loop3A_293 = vector.broadcast %parallel_loop3A_292 : i32 to vector<16xi32>
        %parallel_loop3A_294 = arith.addi %parallel_loop3A_293, %and3A_127 : vector<16xi32>
        %parallel_loop3A_295 = tpu.vector_load_idx %arg11[%parallel_loop3A_291, %parallel_loop3A_294] : memref<100x72xf32, #tpu.memory_space<vmem>>[vector<16xi32>, vector<16xi32>], vector<16xf32>,
        %parallel_loop3A_296 = tpu.vector_load_idx %arg15[%parallel_loop3A_291, %and3A_127] : memref<100x8xf32, #tpu.memory_space<vmem>>[vector<16xi32>, vector<16xi32>], vector<16xf32>,
        %parallel_loop3A_297 = arith.addf %parallel_loop3A_295, %parallel_loop3A_296 : vector<16xf32>
        %parallel_loop3A_298 = arith.constant 0.000000e+00 : f32
        %parallel_loop3A_299 = vector.broadcast %parallel_loop3A_298 : f32 to vector<16xf32>
        %parallel_loop3A_300 = arith.cmpf oge, %parallel_loop3A_297, %parallel_loop3A_299 : vector<16xf32>
        %parallel_loop3A_301 = arith.constant 2.000000e-01 : f32
        %parallel_loop3A_302 = vector.broadcast %parallel_loop3A_301 : f32 to vector<16xf32>
        %parallel_loop3A_303 = arith.mulf %parallel_loop3A_302, %parallel_loop3A_297 : vector<16xf32>
        %parallel_loop3A_304 = arith.select %parallel_loop3A_300, %parallel_loop3A_297, %parallel_loop3A_303 : vector<16xi1>, vector<16xf32>
        %parallel_loop3A_305 = math.exp %parallel_loop3A_304 : vector<16xf32>
        tpu.vector_store_idx %arg23[%parallel_loop3A_291, %and3A_127], %parallel_loop3A_305 : memref<100x8xf32, #tpu.memory_space<vmem>>[vector<16xi32>, vector<16xi32>], vector<16xf32>,
        %parallel_loop3A_306 = arith.constant 64 : i32
        %parallel_loop3A_307 = vector.broadcast %parallel_loop3A_306 : i32 to vector<16xi32>
        %parallel_loop3A_308 = arith.addi %parallel_loop3A_307, %and3A_127 : vector<16xi32>
        tpu.vector_store_idx %arg19[%parallel_loop3A_291, %parallel_loop3A_308], %parallel_loop3A_305 : memref<100x72xf32, #tpu.memory_space<vmem>>[vector<16xi32>, vector<16xi32>], vector<16xf32>,
      } {sc.loop_unroll_factor = 4 : i64, sc.parallel_access}
      %parallel_loop3A_130 = arith.constant 0 : i32
      %parallel_loop3A_131 = arith.constant 100 : i32
      %parallel_loop3A_132 = arith.constant 1 : i32
      scf.for %parallel_loop3A_287 = %parallel_loop3A_130 to %parallel_loop3A_131 step %parallel_loop3A_132  : i32 {
        %parallel_loop3A_288 = vector.broadcast %parallel_loop3A_287 : i32 to vector<16xi32>
        %parallel_loop3A_289 = arith.index_cast %parallel_loop3A_287 : i32 to index
        %parallel_loop3A_290 = arith.constant 0 : index
        %parallel_loop3A_291 = tpu.vector_load %arg11[%parallel_loop3A_289, %parallel_loop3A_290] {strides = array<i32>} : memref<100x72xf32, #tpu.memory_space<vmem>>, vector<16xf32>,
        %parallel_loop3A_292 = arith.constant 0 : i32
        %parallel_loop3A_293 = vector.broadcast %parallel_loop3A_292 : i32 to vector<16xi32>
        %parallel_loop3A_294 = arith.addi %parallel_loop3A_293, %shift_right_arithmetic3A_125 : vector<16xi32>
        %parallel_loop3A_295 = tpu.vector_load_idx %arg23[%parallel_loop3A_288, %parallel_loop3A_294] : memref<100x8xf32, #tpu.memory_space<vmem>>[vector<16xi32>, vector<16xi32>], vector<16xf32>,
        %parallel_loop3A_296 = arith.mulf %parallel_loop3A_291, %parallel_loop3A_295 : vector<16xf32>
        %parallel_loop3A_297 = arith.index_cast %parallel_loop3A_287 : i32 to index
        %parallel_loop3A_298 = arith.constant 0 : index
        %parallel_loop3A_299 = tpu.vector_load %arg19[%parallel_loop3A_297, %parallel_loop3A_298] {strides = array<i32>} : memref<100x72xf32, #tpu.memory_space<vmem>>, vector<16xf32>,
        tpu.vector_store %arg19[%parallel_loop3A_297, %parallel_loop3A_298], %parallel_loop3A_296 {strides = array<i32>} : memref<100x72xf32, #tpu.memory_space<vmem>>, vector<16xf32>,
        %parallel_loop3A_300 = arith.index_cast %parallel_loop3A_287 : i32 to index
        %parallel_loop3A_301 = arith.constant 16 : index
        %parallel_loop3A_302 = tpu.vector_load %arg11[%parallel_loop3A_300, %parallel_loop3A_301] {strides = array<i32>} : memref<100x72xf32, #tpu.memory_space<vmem>>, vector<16xf32>,
        %parallel_loop3A_303 = arith.constant 2 : i32
        %parallel_loop3A_304 = vector.broadcast %parallel_loop3A_303 : i32 to vector<16xi32>
        %parallel_loop3A_305 = arith.addi %parallel_loop3A_304, %shift_right_arithmetic3A_125 : vector<16xi32>
        %parallel_loop3A_306 = tpu.vector_load_idx %arg23[%parallel_loop3A_288, %parallel_loop3A_305] : memref<100x8xf32, #tpu.memory_space<vmem>>[vector<16xi32>, vector<16xi32>], vector<16xf32>,
        %parallel_loop3A_307 = arith.mulf %parallel_loop3A_302, %parallel_loop3A_306 : vector<16xf32>
        %parallel_loop3A_308 = arith.index_cast %parallel_loop3A_287 : i32 to index
        %parallel_loop3A_309 = arith.constant 16 : index
        %parallel_loop3A_310 = tpu.vector_load %arg19[%parallel_loop3A_308, %parallel_loop3A_309] {strides = array<i32>} : memref<100x72xf32, #tpu.memory_space<vmem>>, vector<16xf32>,
        tpu.vector_store %arg19[%parallel_loop3A_308, %parallel_loop3A_309], %parallel_loop3A_307 {strides = array<i32>} : memref<100x72xf32, #tpu.memory_space<vmem>>, vector<16xf32>,
        %parallel_loop3A_311 = arith.index_cast %parallel_loop3A_287 : i32 to index
        %parallel_loop3A_312 = arith.constant 32 : index
        %parallel_loop3A_313 = tpu.vector_load %arg11[%parallel_loop3A_311, %parallel_loop3A_312] {strides = array<i32>} : memref<100x72xf32, #tpu.memory_space<vmem>>, vector<16xf32>,
        %parallel_loop3A_314 = arith.constant 4 : i32
        %parallel_loop3A_315 = vector.broadcast %parallel_loop3A_314 : i32 to vector<16xi32>
        %parallel_loop3A_316 = arith.addi %parallel_loop3A_315, %shift_right_arithmetic3A_125 : vector<16xi32>
        %parallel_loop3A_317 = tpu.vector_load_idx %arg23[%parallel_loop3A_288, %parallel_loop3A_316] : memref<100x8xf32, #tpu.memory_space<vmem>>[vector<16xi32>, vector<16xi32>], vector<16xf32>,
        %parallel_loop3A_318 = arith.mulf %parallel_loop3A_313, %parallel_loop3A_317 : vector<16xf32>
        %parallel_loop3A_319 = arith.index_cast %parallel_loop3A_287 : i32 to index
        %parallel_loop3A_320 = arith.constant 32 : index
        %parallel_loop3A_321 = tpu.vector_load %arg19[%parallel_loop3A_319, %parallel_loop3A_320] {strides = array<i32>} : memref<100x72xf32, #tpu.memory_space<vmem>>, vector<16xf32>,
        tpu.vector_store %arg19[%parallel_loop3A_319, %parallel_loop3A_320], %parallel_loop3A_318 {strides = array<i32>} : memref<100x72xf32, #tpu.memory_space<vmem>>, vector<16xf32>,
        %parallel_loop3A_322 = arith.index_cast %parallel_loop3A_287 : i32 to index
        %parallel_loop3A_323 = arith.constant 48 : index
        %parallel_loop3A_324 = tpu.vector_load %arg11[%parallel_loop3A_322, %parallel_loop3A_323] {strides = array<i32>} : memref<100x72xf32, #tpu.memory_space<vmem>>, vector<16xf32>,
        %parallel_loop3A_325 = arith.constant 6 : i32
        %parallel_loop3A_326 = vector.broadcast %parallel_loop3A_325 : i32 to vector<16xi32>
        %parallel_loop3A_327 = arith.addi %parallel_loop3A_326, %shift_right_arithmetic3A_125 : vector<16xi32>
        %parallel_loop3A_328 = tpu.vector_load_idx %arg23[%parallel_loop3A_288, %parallel_loop3A_327] : memref<100x8xf32, #tpu.memory_space<vmem>>[vector<16xi32>, vector<16xi32>], vector<16xf32>,
        %parallel_loop3A_329 = arith.mulf %parallel_loop3A_324, %parallel_loop3A_328 : vector<16xf32>
        %parallel_loop3A_330 = arith.index_cast %parallel_loop3A_287 : i32 to index
        %parallel_loop3A_331 = arith.constant 48 : index
        %parallel_loop3A_332 = tpu.vector_load %arg19[%parallel_loop3A_330, %parallel_loop3A_331] {strides = array<i32>} : memref<100x72xf32, #tpu.memory_space<vmem>>, vector<16xf32>,
        tpu.vector_store %arg19[%parallel_loop3A_330, %parallel_loop3A_331], %parallel_loop3A_329 {strides = array<i32>} : memref<100x72xf32, #tpu.memory_space<vmem>>, vector<16xf32>,
      } {sc.loop_unroll_factor = 4 : i64, sc.parallel_access}
      %dma_start3A_133 = arith.constant 0 : i32
      %dma_start3A_134 = tpu.memref_slice %arg10[%add3A_107, %dma_start3A_133] : memref<100x100xi32, #tpu.memory_space<vmem>> -> memref<1x100xi32, #tpu.memory_space<vmem>>
      %dma_start3A_135 = tpu.memref_squeeze %dma_start3A_134 : memref<1x100xi32, #tpu.memory_space<vmem>> -> memref<100xi32, #tpu.memory_space<vmem>>
      %dma_start3A_136 = arith.constant 0 : i32
      %dma_start3A_137 = arith.constant 0 : i32
      %dma_start3A_138 = tpu.memref_slice %arg8[%dma_start3A_136, %dma_start3A_137] : memref<10000x72xf32, #tpu.memory_space<vmem_shared>> -> memref<10000x72xf32, #tpu.memory_space<vmem_shared>>
      tpu.enqueue_indirect_dma source(%arg19 : memref<100x72xf32, #tpu.memory_space<vmem>>) target(%dma_start3A_138 : memref<10000x72xf32, #tpu.memory_space<vmem_shared>>) offsets(%dma_start3A_135 : memref<100xi32, #tpu.memory_space<vmem>>) semaphore(%arg28 : memref<!tpu.dma_semaphore, #tpu.memory_space<semaphore_mem>>) {add = true}
      %add3A_139 = arith.constant 4 : i32
      %add3A_140 = arith.addi %add3A_107, %add3A_139 : i32
      %lt3A_141 = arith.constant 100 : i32
      %lt3A_142 = arith.cmpi slt, %add3A_140, %lt3A_141 : i32
      %convert_element_type3A_143 = arith.extui %lt3A_142 : i1 to i32
      %cond3A_144 = arith.constant 0 : i32
      %cond3A_145 = arith.cmpi ne, %convert_element_type3A_143, %cond3A_144 : i32
      scf.if %cond3A_145 {
        %add3A_287 = arith.constant 4 : i32
        %add3A_288 = arith.addi %add3A_107, %add3A_287 : i32
        %dma_start3A_289 = arith.constant 0 : i32
        %dma_start3A_290 = tpu.memref_slice %arg9[%add3A_288, %dma_start3A_289] : memref<100x100xi32, #tpu.memory_space<vmem>> -> memref<1x100xi32, #tpu.memory_space<vmem>>
        %dma_start3A_291 = tpu.memref_squeeze %dma_start3A_290 : memref<1x100xi32, #tpu.memory_space<vmem>> -> memref<100xi32, #tpu.memory_space<vmem>>
        %dma_start3A_292 = arith.constant 0 : i32
        %dma_start3A_293 = arith.constant 0 : i32
        %dma_start3A_294 = tpu.memref_slice %arg2[%dma_start3A_292, %dma_start3A_293] : memref<10000x72xf32, #tpu.memory_space<hbm>> -> memref<10000x72xf32, #tpu.memory_space<hbm>>
        tpu.enqueue_indirect_dma source(%dma_start3A_294 : memref<10000x72xf32, #tpu.memory_space<hbm>>) target(%arg11 : memref<100x72xf32, #tpu.memory_space<vmem>>) offsets(%dma_start3A_291 : memref<100xi32, #tpu.memory_space<vmem>>) semaphore(%arg24 : memref<!tpu.dma_semaphore, #tpu.memory_space<semaphore_mem>>)
        %dma_start3A_295 = arith.constant 0 : i32
        %dma_start3A_296 = tpu.memref_slice %arg10[%add3A_288, %dma_start3A_295] : memref<100x100xi32, #tpu.memory_space<vmem>> -> memref<1x100xi32, #tpu.memory_space<vmem>>
        %dma_start3A_297 = tpu.memref_squeeze %dma_start3A_296 : memref<1x100xi32, #tpu.memory_space<vmem>> -> memref<100xi32, #tpu.memory_space<vmem>>
        %dma_start3A_298 = arith.constant 0 : i32
        %dma_start3A_299 = arith.constant 0 : i32
        %dma_start3A_300 = tpu.memref_slice %arg3[%dma_start3A_298, %dma_start3A_299] : memref<10000x8xf32, #tpu.memory_space<hbm>> -> memref<10000x8xf32, #tpu.memory_space<hbm>>
        tpu.enqueue_indirect_dma source(%dma_start3A_300 : memref<10000x8xf32, #tpu.memory_space<hbm>>) target(%arg15 : memref<100x8xf32, #tpu.memory_space<vmem>>) offsets(%dma_start3A_297 : memref<100xi32, #tpu.memory_space<vmem>>) semaphore(%arg24 : memref<!tpu.dma_semaphore, #tpu.memory_space<semaphore_mem>>)
      } else {
      }
      %mul3A_146 = arith.constant 4 : i32
      %mul3A_147 = arith.muli %mul3A_146, %scan3A_103 : i32
      %add3A_148 = arith.constant 1 : i32
      %add3A_149 = arith.addi %mul3A_147, %add3A_148 : i32
      %dma_wait3A_150 = arith.constant 0 : i32
      %dma_wait3A_151 = arith.constant 0 : i32
      %dma_wait3A_152 = tpu.memref_slice %arg6[%dma_wait3A_150, %dma_wait3A_151] : memref<632x72xf32, #tpu.memory_space<hbm>> -> memref<100x72xf32, #tpu.memory_space<hbm>>
      %dma_wait3A_153 = arith.constant 0 : i32
      %dma_wait3A_154 = arith.constant 0 : i32
      %dma_wait3A_155 = tpu.memref_slice %arg6[%dma_wait3A_153, %dma_wait3A_154] : memref<632x72xf32, #tpu.memory_space<hbm>> -> memref<100x72xf32, #tpu.memory_space<hbm>>
      tpu.wait_dma2 semaphore(%arg25 : memref<!tpu.dma_semaphore, #tpu.memory_space<semaphore_mem>>) src(%dma_wait3A_155 : memref<100x72xf32, #tpu.memory_space<hbm>>) dst(%arg12 : memref<100x72xf32, #tpu.memory_space<vmem>>)
      %dma_wait3A_156 = arith.constant 0 : i32
      %dma_wait3A_157 = arith.constant 0 : i32
      %dma_wait3A_158 = tpu.memref_slice %arg3[%dma_wait3A_156, %dma_wait3A_157] : memref<10000x8xf32, #tpu.memory_space<hbm>> -> memref<100x8xf32, #tpu.memory_space<hbm>>
      %dma_wait3A_159 = arith.constant 0 : i32
      %dma_wait3A_160 = arith.constant 0 : i32
      %dma_wait3A_161 = tpu.memref_slice %arg3[%dma_wait3A_159, %dma_wait3A_160] : memref<10000x8xf32, #tpu.memory_space<hbm>> -> memref<100x8xf32, #tpu.memory_space<hbm>>
      tpu.wait_dma2 semaphore(%arg25 : memref<!tpu.dma_semaphore, #tpu.memory_space<semaphore_mem>>) src(%dma_wait3A_161 : memref<100x8xf32, #tpu.memory_space<hbm>>) dst(%arg16 : memref<100x8xf32, #tpu.memory_space<vmem>>)
      %gt3A_162 = arith.constant 0 : i32
      %gt3A_163 = arith.cmpi sgt, %scan3A_103, %gt3A_162 : i32
      %convert_element_type3A_164 = arith.extui %gt3A_163 : i1 to i32
      %cond3A_165 = arith.constant 0 : i32
      %cond3A_166 = arith.cmpi ne, %convert_element_type3A_164, %cond3A_165 : i32
      scf.if %cond3A_166 {
        %dma_wait3A_287 = arith.constant 0 : i32
        %dma_wait3A_288 = arith.constant 0 : i32
        %dma_wait3A_289 = tpu.memref_slice %arg6[%dma_wait3A_287, %dma_wait3A_288] : memref<632x72xf32, #tpu.memory_space<hbm>> -> memref<100x72xf32, #tpu.memory_space<hbm>>
        %dma_wait3A_290 = arith.constant 0 : i32
        %dma_wait3A_291 = arith.constant 0 : i32
        %dma_wait3A_292 = tpu.memref_slice %arg6[%dma_wait3A_290, %dma_wait3A_291] : memref<632x72xf32, #tpu.memory_space<hbm>> -> memref<100x72xf32, #tpu.memory_space<hbm>>
        tpu.wait_dma2 semaphore(%arg29 : memref<!tpu.dma_semaphore, #tpu.memory_space<semaphore_mem>>) src(%dma_wait3A_292 : memref<100x72xf32, #tpu.memory_space<hbm>>) dst(%arg20 : memref<100x72xf32, #tpu.memory_space<vmem>>)
      } else {
      }
      %iota3A_167 = tpu.iota {dimensions = array<i32: 0>} : vector<16xi32>
      %shift_right_arithmetic3A_168 = arith.constant 3 : i32
      %shift_right_arithmetic3A_169 = vector.broadcast %shift_right_arithmetic3A_168 : i32 to vector<16xi32>
      %shift_right_arithmetic3A_170 = arith.shrsi %iota3A_167, %shift_right_arithmetic3A_169 : vector<16xi32>
      %and3A_171 = arith.constant 7 : i32
      %and3A_172 = vector.broadcast %and3A_171 : i32 to vector<16xi32>
      %and3A_173 = arith.andi %iota3A_167, %and3A_172 : vector<16xi32>
      %parallel_loop3A_174 = arith.constant 0 : i32
      %parallel_loop3A_175 = arith.constant 50 : i32
      %parallel_loop3A_176 = arith.constant 1 : i32
      scf.for %parallel_loop3A_287 = %parallel_loop3A_174 to %parallel_loop3A_175 step %parallel_loop3A_176  : i32 {
        %parallel_loop3A_288 = arith.constant 2 : i32
        %parallel_loop3A_289 = arith.muli %parallel_loop3A_288, %parallel_loop3A_287 : i32
        %parallel_loop3A_290 = vector.broadcast %parallel_loop3A_289 : i32 to vector<16xi32>
        %parallel_loop3A_291 = arith.addi %parallel_loop3A_290, %shift_right_arithmetic3A_170 : vector<16xi32>
        %parallel_loop3A_292 = arith.constant 64 : i32
        %parallel_loop3A_293 = vector.broadcast %parallel_loop3A_292 : i32 to vector<16xi32>
        %parallel_loop3A_294 = arith.addi %parallel_loop3A_293, %and3A_173 : vector<16xi32>
        %parallel_loop3A_295 = tpu.vector_load_idx %arg12[%parallel_loop3A_291, %parallel_loop3A_294] : memref<100x72xf32, #tpu.memory_space<vmem>>[vector<16xi32>, vector<16xi32>], vector<16xf32>,
        %parallel_loop3A_296 = tpu.vector_load_idx %arg16[%parallel_loop3A_291, %and3A_173] : memref<100x8xf32, #tpu.memory_space<vmem>>[vector<16xi32>, vector<16xi32>], vector<16xf32>,
        %parallel_loop3A_297 = arith.addf %parallel_loop3A_295, %parallel_loop3A_296 : vector<16xf32>
        %parallel_loop3A_298 = arith.constant 0.000000e+00 : f32
        %parallel_loop3A_299 = vector.broadcast %parallel_loop3A_298 : f32 to vector<16xf32>
        %parallel_loop3A_300 = arith.cmpf oge, %parallel_loop3A_297, %parallel_loop3A_299 : vector<16xf32>
        %parallel_loop3A_301 = arith.constant 2.000000e-01 : f32
        %parallel_loop3A_302 = vector.broadcast %parallel_loop3A_301 : f32 to vector<16xf32>
        %parallel_loop3A_303 = arith.mulf %parallel_loop3A_302, %parallel_loop3A_297 : vector<16xf32>
        %parallel_loop3A_304 = arith.select %parallel_loop3A_300, %parallel_loop3A_297, %parallel_loop3A_303 : vector<16xi1>, vector<16xf32>
        %parallel_loop3A_305 = math.exp %parallel_loop3A_304 : vector<16xf32>
        tpu.vector_store_idx %arg23[%parallel_loop3A_291, %and3A_173], %parallel_loop3A_305 : memref<100x8xf32, #tpu.memory_space<vmem>>[vector<16xi32>, vector<16xi32>], vector<16xf32>,
        %parallel_loop3A_306 = arith.constant 64 : i32
        %parallel_loop3A_307 = vector.broadcast %parallel_loop3A_306 : i32 to vector<16xi32>
        %parallel_loop3A_308 = arith.addi %parallel_loop3A_307, %and3A_173 : vector<16xi32>
        tpu.vector_store_idx %arg20[%parallel_loop3A_291, %parallel_loop3A_308], %parallel_loop3A_305 : memref<100x72xf32, #tpu.memory_space<vmem>>[vector<16xi32>, vector<16xi32>], vector<16xf32>,
      } {sc.loop_unroll_factor = 4 : i64, sc.parallel_access}
      %parallel_loop3A_177 = arith.constant 0 : i32
      %parallel_loop3A_178 = arith.constant 100 : i32
      %parallel_loop3A_179 = arith.constant 1 : i32
      scf.for %parallel_loop3A_287 = %parallel_loop3A_177 to %parallel_loop3A_178 step %parallel_loop3A_179  : i32 {
        %parallel_loop3A_288 = vector.broadcast %parallel_loop3A_287 : i32 to vector<16xi32>
        %parallel_loop3A_289 = arith.index_cast %parallel_loop3A_287 : i32 to index
        %parallel_loop3A_290 = arith.constant 0 : index
        %parallel_loop3A_291 = tpu.vector_load %arg12[%parallel_loop3A_289, %parallel_loop3A_290] {strides = array<i32>} : memref<100x72xf32, #tpu.memory_space<vmem>>, vector<16xf32>,
        %parallel_loop3A_292 = arith.constant 0 : i32
        %parallel_loop3A_293 = vector.broadcast %parallel_loop3A_292 : i32 to vector<16xi32>
        %parallel_loop3A_294 = arith.addi %parallel_loop3A_293, %shift_right_arithmetic3A_170 : vector<16xi32>
        %parallel_loop3A_295 = tpu.vector_load_idx %arg23[%parallel_loop3A_288, %parallel_loop3A_294] : memref<100x8xf32, #tpu.memory_space<vmem>>[vector<16xi32>, vector<16xi32>], vector<16xf32>,
        %parallel_loop3A_296 = arith.mulf %parallel_loop3A_291, %parallel_loop3A_295 : vector<16xf32>
        %parallel_loop3A_297 = arith.index_cast %parallel_loop3A_287 : i32 to index
        %parallel_loop3A_298 = arith.constant 0 : index
        %parallel_loop3A_299 = tpu.vector_load %arg20[%parallel_loop3A_297, %parallel_loop3A_298] {strides = array<i32>} : memref<100x72xf32, #tpu.memory_space<vmem>>, vector<16xf32>,
        tpu.vector_store %arg20[%parallel_loop3A_297, %parallel_loop3A_298], %parallel_loop3A_296 {strides = array<i32>} : memref<100x72xf32, #tpu.memory_space<vmem>>, vector<16xf32>,
        %parallel_loop3A_300 = arith.index_cast %parallel_loop3A_287 : i32 to index
        %parallel_loop3A_301 = arith.constant 16 : index
        %parallel_loop3A_302 = tpu.vector_load %arg12[%parallel_loop3A_300, %parallel_loop3A_301] {strides = array<i32>} : memref<100x72xf32, #tpu.memory_space<vmem>>, vector<16xf32>,
        %parallel_loop3A_303 = arith.constant 2 : i32
        %parallel_loop3A_304 = vector.broadcast %parallel_loop3A_303 : i32 to vector<16xi32>
        %parallel_loop3A_305 = arith.addi %parallel_loop3A_304, %shift_right_arithmetic3A_170 : vector<16xi32>
        %parallel_loop3A_306 = tpu.vector_load_idx %arg23[%parallel_loop3A_288, %parallel_loop3A_305] : memref<100x8xf32, #tpu.memory_space<vmem>>[vector<16xi32>, vector<16xi32>], vector<16xf32>,
        %parallel_loop3A_307 = arith.mulf %parallel_loop3A_302, %parallel_loop3A_306 : vector<16xf32>
        %parallel_loop3A_308 = arith.index_cast %parallel_loop3A_287 : i32 to index
        %parallel_loop3A_309 = arith.constant 16 : index
        %parallel_loop3A_310 = tpu.vector_load %arg20[%parallel_loop3A_308, %parallel_loop3A_309] {strides = array<i32>} : memref<100x72xf32, #tpu.memory_space<vmem>>, vector<16xf32>,
        tpu.vector_store %arg20[%parallel_loop3A_308, %parallel_loop3A_309], %parallel_loop3A_307 {strides = array<i32>} : memref<100x72xf32, #tpu.memory_space<vmem>>, vector<16xf32>,
        %parallel_loop3A_311 = arith.index_cast %parallel_loop3A_287 : i32 to index
        %parallel_loop3A_312 = arith.constant 32 : index
        %parallel_loop3A_313 = tpu.vector_load %arg12[%parallel_loop3A_311, %parallel_loop3A_312] {strides = array<i32>} : memref<100x72xf32, #tpu.memory_space<vmem>>, vector<16xf32>,
        %parallel_loop3A_314 = arith.constant 4 : i32
        %parallel_loop3A_315 = vector.broadcast %parallel_loop3A_314 : i32 to vector<16xi32>
        %parallel_loop3A_316 = arith.addi %parallel_loop3A_315, %shift_right_arithmetic3A_170 : vector<16xi32>
        %parallel_loop3A_317 = tpu.vector_load_idx %arg23[%parallel_loop3A_288, %parallel_loop3A_316] : memref<100x8xf32, #tpu.memory_space<vmem>>[vector<16xi32>, vector<16xi32>], vector<16xf32>,
        %parallel_loop3A_318 = arith.mulf %parallel_loop3A_313, %parallel_loop3A_317 : vector<16xf32>
        %parallel_loop3A_319 = arith.index_cast %parallel_loop3A_287 : i32 to index
        %parallel_loop3A_320 = arith.constant 32 : index
        %parallel_loop3A_321 = tpu.vector_load %arg20[%parallel_loop3A_319, %parallel_loop3A_320] {strides = array<i32>} : memref<100x72xf32, #tpu.memory_space<vmem>>, vector<16xf32>,
        tpu.vector_store %arg20[%parallel_loop3A_319, %parallel_loop3A_320], %parallel_loop3A_318 {strides = array<i32>} : memref<100x72xf32, #tpu.memory_space<vmem>>, vector<16xf32>,
        %parallel_loop3A_322 = arith.index_cast %parallel_loop3A_287 : i32 to index
        %parallel_loop3A_323 = arith.constant 48 : index
        %parallel_loop3A_324 = tpu.vector_load %arg12[%parallel_loop3A_322, %parallel_loop3A_323] {strides = array<i32>} : memref<100x72xf32, #tpu.memory_space<vmem>>, vector<16xf32>,
        %parallel_loop3A_325 = arith.constant 6 : i32
        %parallel_loop3A_326 = vector.broadcast %parallel_loop3A_325 : i32 to vector<16xi32>
        %parallel_loop3A_327 = arith.addi %parallel_loop3A_326, %shift_right_arithmetic3A_170 : vector<16xi32>
        %parallel_loop3A_328 = tpu.vector_load_idx %arg23[%parallel_loop3A_288, %parallel_loop3A_327] : memref<100x8xf32, #tpu.memory_space<vmem>>[vector<16xi32>, vector<16xi32>], vector<16xf32>,
        %parallel_loop3A_329 = arith.mulf %parallel_loop3A_324, %parallel_loop3A_328 : vector<16xf32>
        %parallel_loop3A_330 = arith.index_cast %parallel_loop3A_287 : i32 to index
        %parallel_loop3A_331 = arith.constant 48 : index
        %parallel_loop3A_332 = tpu.vector_load %arg20[%parallel_loop3A_330, %parallel_loop3A_331] {strides = array<i32>} : memref<100x72xf32, #tpu.memory_space<vmem>>, vector<16xf32>,
        tpu.vector_store %arg20[%parallel_loop3A_330, %parallel_loop3A_331], %parallel_loop3A_329 {strides = array<i32>} : memref<100x72xf32, #tpu.memory_space<vmem>>, vector<16xf32>,
      } {sc.loop_unroll_factor = 4 : i64, sc.parallel_access}
      %dma_start3A_180 = arith.constant 0 : i32
      %dma_start3A_181 = tpu.memref_slice %arg10[%add3A_149, %dma_start3A_180] : memref<100x100xi32, #tpu.memory_space<vmem>> -> memref<1x100xi32, #tpu.memory_space<vmem>>
      %dma_start3A_182 = tpu.memref_squeeze %dma_start3A_181 : memref<1x100xi32, #tpu.memory_space<vmem>> -> memref<100xi32, #tpu.memory_space<vmem>>
      %dma_start3A_183 = arith.constant 0 : i32
      %dma_start3A_184 = arith.constant 0 : i32
      %dma_start3A_185 = tpu.memref_slice %arg8[%dma_start3A_183, %dma_start3A_184] : memref<10000x72xf32, #tpu.memory_space<vmem_shared>> -> memref<10000x72xf32, #tpu.memory_space<vmem_shared>>
      tpu.enqueue_indirect_dma source(%arg20 : memref<100x72xf32, #tpu.memory_space<vmem>>) target(%dma_start3A_185 : memref<10000x72xf32, #tpu.memory_space<vmem_shared>>) offsets(%dma_start3A_182 : memref<100xi32, #tpu.memory_space<vmem>>) semaphore(%arg29 : memref<!tpu.dma_semaphore, #tpu.memory_space<semaphore_mem>>) {add = true}
      %add3A_186 = arith.constant 4 : i32
      %add3A_187 = arith.addi %add3A_149, %add3A_186 : i32
      %lt3A_188 = arith.constant 100 : i32
      %lt3A_189 = arith.cmpi slt, %add3A_187, %lt3A_188 : i32
      %convert_element_type3A_190 = arith.extui %lt3A_189 : i1 to i32
      %cond3A_191 = arith.constant 0 : i32
      %cond3A_192 = arith.cmpi ne, %convert_element_type3A_190, %cond3A_191 : i32
      scf.if %cond3A_192 {
        %add3A_287 = arith.constant 4 : i32
        %add3A_288 = arith.addi %add3A_149, %add3A_287 : i32
        %dma_start3A_289 = arith.constant 0 : i32
        %dma_start3A_290 = tpu.memref_slice %arg9[%add3A_288, %dma_start3A_289] : memref<100x100xi32, #tpu.memory_space<vmem>> -> memref<1x100xi32, #tpu.memory_space<vmem>>
        %dma_start3A_291 = tpu.memref_squeeze %dma_start3A_290 : memref<1x100xi32, #tpu.memory_space<vmem>> -> memref<100xi32, #tpu.memory_space<vmem>>
        %dma_start3A_292 = arith.constant 0 : i32
        %dma_start3A_293 = arith.constant 0 : i32
        %dma_start3A_294 = tpu.memref_slice %arg2[%dma_start3A_292, %dma_start3A_293] : memref<10000x72xf32, #tpu.memory_space<hbm>> -> memref<10000x72xf32, #tpu.memory_space<hbm>>
        tpu.enqueue_indirect_dma source(%dma_start3A_294 : memref<10000x72xf32, #tpu.memory_space<hbm>>) target(%arg12 : memref<100x72xf32, #tpu.memory_space<vmem>>) offsets(%dma_start3A_291 : memref<100xi32, #tpu.memory_space<vmem>>) semaphore(%arg25 : memref<!tpu.dma_semaphore, #tpu.memory_space<semaphore_mem>>)
        %dma_start3A_295 = arith.constant 0 : i32
        %dma_start3A_296 = tpu.memref_slice %arg10[%add3A_288, %dma_start3A_295] : memref<100x100xi32, #tpu.memory_space<vmem>> -> memref<1x100xi32, #tpu.memory_space<vmem>>
        %dma_start3A_297 = tpu.memref_squeeze %dma_start3A_296 : memref<1x100xi32, #tpu.memory_space<vmem>> -> memref<100xi32, #tpu.memory_space<vmem>>
        %dma_start3A_298 = arith.constant 0 : i32
        %dma_start3A_299 = arith.constant 0 : i32
        %dma_start3A_300 = tpu.memref_slice %arg3[%dma_start3A_298, %dma_start3A_299] : memref<10000x8xf32, #tpu.memory_space<hbm>> -> memref<10000x8xf32, #tpu.memory_space<hbm>>
        tpu.enqueue_indirect_dma source(%dma_start3A_300 : memref<10000x8xf32, #tpu.memory_space<hbm>>) target(%arg16 : memref<100x8xf32, #tpu.memory_space<vmem>>) offsets(%dma_start3A_297 : memref<100xi32, #tpu.memory_space<vmem>>) semaphore(%arg25 : memref<!tpu.dma_semaphore, #tpu.memory_space<semaphore_mem>>)
      } else {
      }
      %mul3A_193 = arith.constant 4 : i32
      %mul3A_194 = arith.muli %mul3A_193, %scan3A_103 : i32
      %add3A_195 = arith.constant 2 : i32
      %add3A_196 = arith.addi %mul3A_194, %add3A_195 : i32
      %dma_wait3A_197 = arith.constant 0 : i32
      %dma_wait3A_198 = arith.constant 0 : i32
      %dma_wait3A_199 = tpu.memref_slice %arg6[%dma_wait3A_197, %dma_wait3A_198] : memref<632x72xf32, #tpu.memory_space<hbm>> -> memref<100x72xf32, #tpu.memory_space<hbm>>
      %dma_wait3A_200 = arith.constant 0 : i32
      %dma_wait3A_201 = arith.constant 0 : i32
      %dma_wait3A_202 = tpu.memref_slice %arg6[%dma_wait3A_200, %dma_wait3A_201] : memref<632x72xf32, #tpu.memory_space<hbm>> -> memref<100x72xf32, #tpu.memory_space<hbm>>
      tpu.wait_dma2 semaphore(%arg26 : memref<!tpu.dma_semaphore, #tpu.memory_space<semaphore_mem>>) src(%dma_wait3A_202 : memref<100x72xf32, #tpu.memory_space<hbm>>) dst(%arg13 : memref<100x72xf32, #tpu.memory_space<vmem>>)
      %dma_wait3A_203 = arith.constant 0 : i32
      %dma_wait3A_204 = arith.constant 0 : i32
      %dma_wait3A_205 = tpu.memref_slice %arg3[%dma_wait3A_203, %dma_wait3A_204] : memref<10000x8xf32, #tpu.memory_space<hbm>> -> memref<100x8xf32, #tpu.memory_space<hbm>>
      %dma_wait3A_206 = arith.constant 0 : i32
      %dma_wait3A_207 = arith.constant 0 : i32
      %dma_wait3A_208 = tpu.memref_slice %arg3[%dma_wait3A_206, %dma_wait3A_207] : memref<10000x8xf32, #tpu.memory_space<hbm>> -> memref<100x8xf32, #tpu.memory_space<hbm>>
      tpu.wait_dma2 semaphore(%arg26 : memref<!tpu.dma_semaphore, #tpu.memory_space<semaphore_mem>>) src(%dma_wait3A_208 : memref<100x8xf32, #tpu.memory_space<hbm>>) dst(%arg17 : memref<100x8xf32, #tpu.memory_space<vmem>>)
      %gt3A_209 = arith.constant 0 : i32
      %gt3A_210 = arith.cmpi sgt, %scan3A_103, %gt3A_209 : i32
      %convert_element_type3A_211 = arith.extui %gt3A_210 : i1 to i32
      %cond3A_212 = arith.constant 0 : i32
      %cond3A_213 = arith.cmpi ne, %convert_element_type3A_211, %cond3A_212 : i32
      scf.if %cond3A_213 {
        %dma_wait3A_287 = arith.constant 0 : i32
        %dma_wait3A_288 = arith.constant 0 : i32
        %dma_wait3A_289 = tpu.memref_slice %arg6[%dma_wait3A_287, %dma_wait3A_288] : memref<632x72xf32, #tpu.memory_space<hbm>> -> memref<100x72xf32, #tpu.memory_space<hbm>>
        %dma_wait3A_290 = arith.constant 0 : i32
        %dma_wait3A_291 = arith.constant 0 : i32
        %dma_wait3A_292 = tpu.memref_slice %arg6[%dma_wait3A_290, %dma_wait3A_291] : memref<632x72xf32, #tpu.memory_space<hbm>> -> memref<100x72xf32, #tpu.memory_space<hbm>>
        tpu.wait_dma2 semaphore(%arg30 : memref<!tpu.dma_semaphore, #tpu.memory_space<semaphore_mem>>) src(%dma_wait3A_292 : memref<100x72xf32, #tpu.memory_space<hbm>>) dst(%arg21 : memref<100x72xf32, #tpu.memory_space<vmem>>)
      } else {
      }
      %iota3A_214 = tpu.iota {dimensions = array<i32: 0>} : vector<16xi32>
      %shift_right_arithmetic3A_215 = arith.constant 3 : i32
      %shift_right_arithmetic3A_216 = vector.broadcast %shift_right_arithmetic3A_215 : i32 to vector<16xi32>
      %shift_right_arithmetic3A_217 = arith.shrsi %iota3A_214, %shift_right_arithmetic3A_216 : vector<16xi32>
      %and3A_218 = arith.constant 7 : i32
      %and3A_219 = vector.broadcast %and3A_218 : i32 to vector<16xi32>
      %and3A_220 = arith.andi %iota3A_214, %and3A_219 : vector<16xi32>
      %parallel_loop3A_221 = arith.constant 0 : i32
      %parallel_loop3A_222 = arith.constant 50 : i32
      %parallel_loop3A_223 = arith.constant 1 : i32
      scf.for %parallel_loop3A_287 = %parallel_loop3A_221 to %parallel_loop3A_222 step %parallel_loop3A_223  : i32 {
        %parallel_loop3A_288 = arith.constant 2 : i32
        %parallel_loop3A_289 = arith.muli %parallel_loop3A_288, %parallel_loop3A_287 : i32
        %parallel_loop3A_290 = vector.broadcast %parallel_loop3A_289 : i32 to vector<16xi32>
        %parallel_loop3A_291 = arith.addi %parallel_loop3A_290, %shift_right_arithmetic3A_217 : vector<16xi32>
        %parallel_loop3A_292 = arith.constant 64 : i32
        %parallel_loop3A_293 = vector.broadcast %parallel_loop3A_292 : i32 to vector<16xi32>
        %parallel_loop3A_294 = arith.addi %parallel_loop3A_293, %and3A_220 : vector<16xi32>
        %parallel_loop3A_295 = tpu.vector_load_idx %arg13[%parallel_loop3A_291, %parallel_loop3A_294] : memref<100x72xf32, #tpu.memory_space<vmem>>[vector<16xi32>, vector<16xi32>], vector<16xf32>,
        %parallel_loop3A_296 = tpu.vector_load_idx %arg17[%parallel_loop3A_291, %and3A_220] : memref<100x8xf32, #tpu.memory_space<vmem>>[vector<16xi32>, vector<16xi32>], vector<16xf32>,
        %parallel_loop3A_297 = arith.addf %parallel_loop3A_295, %parallel_loop3A_296 : vector<16xf32>
        %parallel_loop3A_298 = arith.constant 0.000000e+00 : f32
        %parallel_loop3A_299 = vector.broadcast %parallel_loop3A_298 : f32 to vector<16xf32>
        %parallel_loop3A_300 = arith.cmpf oge, %parallel_loop3A_297, %parallel_loop3A_299 : vector<16xf32>
        %parallel_loop3A_301 = arith.constant 2.000000e-01 : f32
        %parallel_loop3A_302 = vector.broadcast %parallel_loop3A_301 : f32 to vector<16xf32>
        %parallel_loop3A_303 = arith.mulf %parallel_loop3A_302, %parallel_loop3A_297 : vector<16xf32>
        %parallel_loop3A_304 = arith.select %parallel_loop3A_300, %parallel_loop3A_297, %parallel_loop3A_303 : vector<16xi1>, vector<16xf32>
        %parallel_loop3A_305 = math.exp %parallel_loop3A_304 : vector<16xf32>
        tpu.vector_store_idx %arg23[%parallel_loop3A_291, %and3A_220], %parallel_loop3A_305 : memref<100x8xf32, #tpu.memory_space<vmem>>[vector<16xi32>, vector<16xi32>], vector<16xf32>,
        %parallel_loop3A_306 = arith.constant 64 : i32
        %parallel_loop3A_307 = vector.broadcast %parallel_loop3A_306 : i32 to vector<16xi32>
        %parallel_loop3A_308 = arith.addi %parallel_loop3A_307, %and3A_220 : vector<16xi32>
        tpu.vector_store_idx %arg21[%parallel_loop3A_291, %parallel_loop3A_308], %parallel_loop3A_305 : memref<100x72xf32, #tpu.memory_space<vmem>>[vector<16xi32>, vector<16xi32>], vector<16xf32>,
      } {sc.loop_unroll_factor = 4 : i64, sc.parallel_access}
      %parallel_loop3A_224 = arith.constant 0 : i32
      %parallel_loop3A_225 = arith.constant 100 : i32
      %parallel_loop3A_226 = arith.constant 1 : i32
      scf.for %parallel_loop3A_287 = %parallel_loop3A_224 to %parallel_loop3A_225 step %parallel_loop3A_226  : i32 {
        %parallel_loop3A_288 = vector.broadcast %parallel_loop3A_287 : i32 to vector<16xi32>
        %parallel_loop3A_289 = arith.index_cast %parallel_loop3A_287 : i32 to index
        %parallel_loop3A_290 = arith.constant 0 : index
        %parallel_loop3A_291 = tpu.vector_load %arg13[%parallel_loop3A_289, %parallel_loop3A_290] {strides = array<i32>} : memref<100x72xf32, #tpu.memory_space<vmem>>, vector<16xf32>,
        %parallel_loop3A_292 = arith.constant 0 : i32
        %parallel_loop3A_293 = vector.broadcast %parallel_loop3A_292 : i32 to vector<16xi32>
        %parallel_loop3A_294 = arith.addi %parallel_loop3A_293, %shift_right_arithmetic3A_217 : vector<16xi32>
        %parallel_loop3A_295 = tpu.vector_load_idx %arg23[%parallel_loop3A_288, %parallel_loop3A_294] : memref<100x8xf32, #tpu.memory_space<vmem>>[vector<16xi32>, vector<16xi32>], vector<16xf32>,
        %parallel_loop3A_296 = arith.mulf %parallel_loop3A_291, %parallel_loop3A_295 : vector<16xf32>
        %parallel_loop3A_297 = arith.index_cast %parallel_loop3A_287 : i32 to index
        %parallel_loop3A_298 = arith.constant 0 : index
        %parallel_loop3A_299 = tpu.vector_load %arg21[%parallel_loop3A_297, %parallel_loop3A_298] {strides = array<i32>} : memref<100x72xf32, #tpu.memory_space<vmem>>, vector<16xf32>,
        tpu.vector_store %arg21[%parallel_loop3A_297, %parallel_loop3A_298], %parallel_loop3A_296 {strides = array<i32>} : memref<100x72xf32, #tpu.memory_space<vmem>>, vector<16xf32>,
        %parallel_loop3A_300 = arith.index_cast %parallel_loop3A_287 : i32 to index
        %parallel_loop3A_301 = arith.constant 16 : index
        %parallel_loop3A_302 = tpu.vector_load %arg13[%parallel_loop3A_300, %parallel_loop3A_301] {strides = array<i32>} : memref<100x72xf32, #tpu.memory_space<vmem>>, vector<16xf32>,
        %parallel_loop3A_303 = arith.constant 2 : i32
        %parallel_loop3A_304 = vector.broadcast %parallel_loop3A_303 : i32 to vector<16xi32>
        %parallel_loop3A_305 = arith.addi %parallel_loop3A_304, %shift_right_arithmetic3A_217 : vector<16xi32>
        %parallel_loop3A_306 = tpu.vector_load_idx %arg23[%parallel_loop3A_288, %parallel_loop3A_305] : memref<100x8xf32, #tpu.memory_space<vmem>>[vector<16xi32>, vector<16xi32>], vector<16xf32>,
        %parallel_loop3A_307 = arith.mulf %parallel_loop3A_302, %parallel_loop3A_306 : vector<16xf32>
        %parallel_loop3A_308 = arith.index_cast %parallel_loop3A_287 : i32 to index
        %parallel_loop3A_309 = arith.constant 16 : index
        %parallel_loop3A_310 = tpu.vector_load %arg21[%parallel_loop3A_308, %parallel_loop3A_309] {strides = array<i32>} : memref<100x72xf32, #tpu.memory_space<vmem>>, vector<16xf32>,
        tpu.vector_store %arg21[%parallel_loop3A_308, %parallel_loop3A_309], %parallel_loop3A_307 {strides = array<i32>} : memref<100x72xf32, #tpu.memory_space<vmem>>, vector<16xf32>,
        %parallel_loop3A_311 = arith.index_cast %parallel_loop3A_287 : i32 to index
        %parallel_loop3A_312 = arith.constant 32 : index
        %parallel_loop3A_313 = tpu.vector_load %arg13[%parallel_loop3A_311, %parallel_loop3A_312] {strides = array<i32>} : memref<100x72xf32, #tpu.memory_space<vmem>>, vector<16xf32>,
        %parallel_loop3A_314 = arith.constant 4 : i32
        %parallel_loop3A_315 = vector.broadcast %parallel_loop3A_314 : i32 to vector<16xi32>
        %parallel_loop3A_316 = arith.addi %parallel_loop3A_315, %shift_right_arithmetic3A_217 : vector<16xi32>
        %parallel_loop3A_317 = tpu.vector_load_idx %arg23[%parallel_loop3A_288, %parallel_loop3A_316] : memref<100x8xf32, #tpu.memory_space<vmem>>[vector<16xi32>, vector<16xi32>], vector<16xf32>,
        %parallel_loop3A_318 = arith.mulf %parallel_loop3A_313, %parallel_loop3A_317 : vector<16xf32>
        %parallel_loop3A_319 = arith.index_cast %parallel_loop3A_287 : i32 to index
        %parallel_loop3A_320 = arith.constant 32 : index
        %parallel_loop3A_321 = tpu.vector_load %arg21[%parallel_loop3A_319, %parallel_loop3A_320] {strides = array<i32>} : memref<100x72xf32, #tpu.memory_space<vmem>>, vector<16xf32>,
        tpu.vector_store %arg21[%parallel_loop3A_319, %parallel_loop3A_320], %parallel_loop3A_318 {strides = array<i32>} : memref<100x72xf32, #tpu.memory_space<vmem>>, vector<16xf32>,
        %parallel_loop3A_322 = arith.index_cast %parallel_loop3A_287 : i32 to index
        %parallel_loop3A_323 = arith.constant 48 : index
        %parallel_loop3A_324 = tpu.vector_load %arg13[%parallel_loop3A_322, %parallel_loop3A_323] {strides = array<i32>} : memref<100x72xf32, #tpu.memory_space<vmem>>, vector<16xf32>,
        %parallel_loop3A_325 = arith.constant 6 : i32
        %parallel_loop3A_326 = vector.broadcast %parallel_loop3A_325 : i32 to vector<16xi32>
        %parallel_loop3A_327 = arith.addi %parallel_loop3A_326, %shift_right_arithmetic3A_217 : vector<16xi32>
        %parallel_loop3A_328 = tpu.vector_load_idx %arg23[%parallel_loop3A_288, %parallel_loop3A_327] : memref<100x8xf32, #tpu.memory_space<vmem>>[vector<16xi32>, vector<16xi32>], vector<16xf32>,
        %parallel_loop3A_329 = arith.mulf %parallel_loop3A_324, %parallel_loop3A_328 : vector<16xf32>
        %parallel_loop3A_330 = arith.index_cast %parallel_loop3A_287 : i32 to index
        %parallel_loop3A_331 = arith.constant 48 : index
        %parallel_loop3A_332 = tpu.vector_load %arg21[%parallel_loop3A_330, %parallel_loop3A_331] {strides = array<i32>} : memref<100x72xf32, #tpu.memory_space<vmem>>, vector<16xf32>,
        tpu.vector_store %arg21[%parallel_loop3A_330, %parallel_loop3A_331], %parallel_loop3A_329 {strides = array<i32>} : memref<100x72xf32, #tpu.memory_space<vmem>>, vector<16xf32>,
      } {sc.loop_unroll_factor = 4 : i64, sc.parallel_access}
      %dma_start3A_227 = arith.constant 0 : i32
      %dma_start3A_228 = tpu.memref_slice %arg10[%add3A_196, %dma_start3A_227] : memref<100x100xi32, #tpu.memory_space<vmem>> -> memref<1x100xi32, #tpu.memory_space<vmem>>
      %dma_start3A_229 = tpu.memref_squeeze %dma_start3A_228 : memref<1x100xi32, #tpu.memory_space<vmem>> -> memref<100xi32, #tpu.memory_space<vmem>>
      %dma_start3A_230 = arith.constant 0 : i32
      %dma_start3A_231 = arith.constant 0 : i32
      %dma_start3A_232 = tpu.memref_slice %arg8[%dma_start3A_230, %dma_start3A_231] : memref<10000x72xf32, #tpu.memory_space<vmem_shared>> -> memref<10000x72xf32, #tpu.memory_space<vmem_shared>>
      tpu.enqueue_indirect_dma source(%arg21 : memref<100x72xf32, #tpu.memory_space<vmem>>) target(%dma_start3A_232 : memref<10000x72xf32, #tpu.memory_space<vmem_shared>>) offsets(%dma_start3A_229 : memref<100xi32, #tpu.memory_space<vmem>>) semaphore(%arg30 : memref<!tpu.dma_semaphore, #tpu.memory_space<semaphore_mem>>) {add = true}
      %add3A_233 = arith.constant 4 : i32
      %add3A_234 = arith.addi %add3A_196, %add3A_233 : i32
      %lt3A_235 = arith.constant 100 : i32
      %lt3A_236 = arith.cmpi slt, %add3A_234, %lt3A_235 : i32
      %convert_element_type3A_237 = arith.extui %lt3A_236 : i1 to i32
      %cond3A_238 = arith.constant 0 : i32
      %cond3A_239 = arith.cmpi ne, %convert_element_type3A_237, %cond3A_238 : i32
      scf.if %cond3A_239 {
        %add3A_287 = arith.constant 4 : i32
        %add3A_288 = arith.addi %add3A_196, %add3A_287 : i32
        %dma_start3A_289 = arith.constant 0 : i32
        %dma_start3A_290 = tpu.memref_slice %arg9[%add3A_288, %dma_start3A_289] : memref<100x100xi32, #tpu.memory_space<vmem>> -> memref<1x100xi32, #tpu.memory_space<vmem>>
        %dma_start3A_291 = tpu.memref_squeeze %dma_start3A_290 : memref<1x100xi32, #tpu.memory_space<vmem>> -> memref<100xi32, #tpu.memory_space<vmem>>
        %dma_start3A_292 = arith.constant 0 : i32
        %dma_start3A_293 = arith.constant 0 : i32
        %dma_start3A_294 = tpu.memref_slice %arg2[%dma_start3A_292, %dma_start3A_293] : memref<10000x72xf32, #tpu.memory_space<hbm>> -> memref<10000x72xf32, #tpu.memory_space<hbm>>
        tpu.enqueue_indirect_dma source(%dma_start3A_294 : memref<10000x72xf32, #tpu.memory_space<hbm>>) target(%arg13 : memref<100x72xf32, #tpu.memory_space<vmem>>) offsets(%dma_start3A_291 : memref<100xi32, #tpu.memory_space<vmem>>) semaphore(%arg26 : memref<!tpu.dma_semaphore, #tpu.memory_space<semaphore_mem>>)
        %dma_start3A_295 = arith.constant 0 : i32
        %dma_start3A_296 = tpu.memref_slice %arg10[%add3A_288, %dma_start3A_295] : memref<100x100xi32, #tpu.memory_space<vmem>> -> memref<1x100xi32, #tpu.memory_space<vmem>>
        %dma_start3A_297 = tpu.memref_squeeze %dma_start3A_296 : memref<1x100xi32, #tpu.memory_space<vmem>> -> memref<100xi32, #tpu.memory_space<vmem>>
        %dma_start3A_298 = arith.constant 0 : i32
        %dma_start3A_299 = arith.constant 0 : i32
        %dma_start3A_300 = tpu.memref_slice %arg3[%dma_start3A_298, %dma_start3A_299] : memref<10000x8xf32, #tpu.memory_space<hbm>> -> memref<10000x8xf32, #tpu.memory_space<hbm>>
        tpu.enqueue_indirect_dma source(%dma_start3A_300 : memref<10000x8xf32, #tpu.memory_space<hbm>>) target(%arg17 : memref<100x8xf32, #tpu.memory_space<vmem>>) offsets(%dma_start3A_297 : memref<100xi32, #tpu.memory_space<vmem>>) semaphore(%arg26 : memref<!tpu.dma_semaphore, #tpu.memory_space<semaphore_mem>>)
      } else {
      }
      %mul3A_240 = arith.constant 4 : i32
      %mul3A_241 = arith.muli %mul3A_240, %scan3A_103 : i32
      %add3A_242 = arith.constant 3 : i32
      %add3A_243 = arith.addi %mul3A_241, %add3A_242 : i32
      %dma_wait3A_244 = arith.constant 0 : i32
      %dma_wait3A_245 = arith.constant 0 : i32
      %dma_wait3A_246 = tpu.memref_slice %arg6[%dma_wait3A_244, %dma_wait3A_245] : memref<632x72xf32, #tpu.memory_space<hbm>> -> memref<100x72xf32, #tpu.memory_space<hbm>>
      %dma_wait3A_247 = arith.constant 0 : i32
      %dma_wait3A_248 = arith.constant 0 : i32
      %dma_wait3A_249 = tpu.memref_slice %arg6[%dma_wait3A_247, %dma_wait3A_248] : memref<632x72xf32, #tpu.memory_space<hbm>> -> memref<100x72xf32, #tpu.memory_space<hbm>>
      tpu.wait_dma2 semaphore(%arg27 : memref<!tpu.dma_semaphore, #tpu.memory_space<semaphore_mem>>) src(%dma_wait3A_249 : memref<100x72xf32, #tpu.memory_space<hbm>>) dst(%arg14 : memref<100x72xf32, #tpu.memory_space<vmem>>)
      %dma_wait3A_250 = arith.constant 0 : i32
      %dma_wait3A_251 = arith.constant 0 : i32
      %dma_wait3A_252 = tpu.memref_slice %arg3[%dma_wait3A_250, %dma_wait3A_251] : memref<10000x8xf32, #tpu.memory_space<hbm>> -> memref<100x8xf32, #tpu.memory_space<hbm>>
      %dma_wait3A_253 = arith.constant 0 : i32
      %dma_wait3A_254 = arith.constant 0 : i32
      %dma_wait3A_255 = tpu.memref_slice %arg3[%dma_wait3A_253, %dma_wait3A_254] : memref<10000x8xf32, #tpu.memory_space<hbm>> -> memref<100x8xf32, #tpu.memory_space<hbm>>
      tpu.wait_dma2 semaphore(%arg27 : memref<!tpu.dma_semaphore, #tpu.memory_space<semaphore_mem>>) src(%dma_wait3A_255 : memref<100x8xf32, #tpu.memory_space<hbm>>) dst(%arg18 : memref<100x8xf32, #tpu.memory_space<vmem>>)
      %gt3A_256 = arith.constant 0 : i32
      %gt3A_257 = arith.cmpi sgt, %scan3A_103, %gt3A_256 : i32
      %convert_element_type3A_258 = arith.extui %gt3A_257 : i1 to i32
      %cond3A_259 = arith.constant 0 : i32
      %cond3A_260 = arith.cmpi ne, %convert_element_type3A_258, %cond3A_259 : i32
      scf.if %cond3A_260 {
        %dma_wait3A_287 = arith.constant 0 : i32
        %dma_wait3A_288 = arith.constant 0 : i32
        %dma_wait3A_289 = tpu.memref_slice %arg6[%dma_wait3A_287, %dma_wait3A_288] : memref<632x72xf32, #tpu.memory_space<hbm>> -> memref<100x72xf32, #tpu.memory_space<hbm>>
        %dma_wait3A_290 = arith.constant 0 : i32
        %dma_wait3A_291 = arith.constant 0 : i32
        %dma_wait3A_292 = tpu.memref_slice %arg6[%dma_wait3A_290, %dma_wait3A_291] : memref<632x72xf32, #tpu.memory_space<hbm>> -> memref<100x72xf32, #tpu.memory_space<hbm>>
        tpu.wait_dma2 semaphore(%arg31 : memref<!tpu.dma_semaphore, #tpu.memory_space<semaphore_mem>>) src(%dma_wait3A_292 : memref<100x72xf32, #tpu.memory_space<hbm>>) dst(%arg22 : memref<100x72xf32, #tpu.memory_space<vmem>>)
      } else {
      }
      %iota3A_261 = tpu.iota {dimensions = array<i32: 0>} : vector<16xi32>
      %shift_right_arithmetic3A_262 = arith.constant 3 : i32
      %shift_right_arithmetic3A_263 = vector.broadcast %shift_right_arithmetic3A_262 : i32 to vector<16xi32>
      %shift_right_arithmetic3A_264 = arith.shrsi %iota3A_261, %shift_right_arithmetic3A_263 : vector<16xi32>
      %and3A_265 = arith.constant 7 : i32
      %and3A_266 = vector.broadcast %and3A_265 : i32 to vector<16xi32>
      %and3A_267 = arith.andi %iota3A_261, %and3A_266 : vector<16xi32>
      %parallel_loop3A_268 = arith.constant 0 : i32
      %parallel_loop3A_269 = arith.constant 50 : i32
      %parallel_loop3A_270 = arith.constant 1 : i32
      scf.for %parallel_loop3A_287 = %parallel_loop3A_268 to %parallel_loop3A_269 step %parallel_loop3A_270  : i32 {
        %parallel_loop3A_288 = arith.constant 2 : i32
        %parallel_loop3A_289 = arith.muli %parallel_loop3A_288, %parallel_loop3A_287 : i32
        %parallel_loop3A_290 = vector.broadcast %parallel_loop3A_289 : i32 to vector<16xi32>
        %parallel_loop3A_291 = arith.addi %parallel_loop3A_290, %shift_right_arithmetic3A_264 : vector<16xi32>
        %parallel_loop3A_292 = arith.constant 64 : i32
        %parallel_loop3A_293 = vector.broadcast %parallel_loop3A_292 : i32 to vector<16xi32>
        %parallel_loop3A_294 = arith.addi %parallel_loop3A_293, %and3A_267 : vector<16xi32>
        %parallel_loop3A_295 = tpu.vector_load_idx %arg14[%parallel_loop3A_291, %parallel_loop3A_294] : memref<100x72xf32, #tpu.memory_space<vmem>>[vector<16xi32>, vector<16xi32>], vector<16xf32>,
        %parallel_loop3A_296 = tpu.vector_load_idx %arg18[%parallel_loop3A_291, %and3A_267] : memref<100x8xf32, #tpu.memory_space<vmem>>[vector<16xi32>, vector<16xi32>], vector<16xf32>,
        %parallel_loop3A_297 = arith.addf %parallel_loop3A_295, %parallel_loop3A_296 : vector<16xf32>
        %parallel_loop3A_298 = arith.constant 0.000000e+00 : f32
        %parallel_loop3A_299 = vector.broadcast %parallel_loop3A_298 : f32 to vector<16xf32>
        %parallel_loop3A_300 = arith.cmpf oge, %parallel_loop3A_297, %parallel_loop3A_299 : vector<16xf32>
        %parallel_loop3A_301 = arith.constant 2.000000e-01 : f32
        %parallel_loop3A_302 = vector.broadcast %parallel_loop3A_301 : f32 to vector<16xf32>
        %parallel_loop3A_303 = arith.mulf %parallel_loop3A_302, %parallel_loop3A_297 : vector<16xf32>
        %parallel_loop3A_304 = arith.select %parallel_loop3A_300, %parallel_loop3A_297, %parallel_loop3A_303 : vector<16xi1>, vector<16xf32>
        %parallel_loop3A_305 = math.exp %parallel_loop3A_304 : vector<16xf32>
        tpu.vector_store_idx %arg23[%parallel_loop3A_291, %and3A_267], %parallel_loop3A_305 : memref<100x8xf32, #tpu.memory_space<vmem>>[vector<16xi32>, vector<16xi32>], vector<16xf32>,
        %parallel_loop3A_306 = arith.constant 64 : i32
        %parallel_loop3A_307 = vector.broadcast %parallel_loop3A_306 : i32 to vector<16xi32>
        %parallel_loop3A_308 = arith.addi %parallel_loop3A_307, %and3A_267 : vector<16xi32>
        tpu.vector_store_idx %arg22[%parallel_loop3A_291, %parallel_loop3A_308], %parallel_loop3A_305 : memref<100x72xf32, #tpu.memory_space<vmem>>[vector<16xi32>, vector<16xi32>], vector<16xf32>,
      } {sc.loop_unroll_factor = 4 : i64, sc.parallel_access}
      %parallel_loop3A_271 = arith.constant 0 : i32
      %parallel_loop3A_272 = arith.constant 100 : i32
      %parallel_loop3A_273 = arith.constant 1 : i32
      scf.for %parallel_loop3A_287 = %parallel_loop3A_271 to %parallel_loop3A_272 step %parallel_loop3A_273  : i32 {
        %parallel_loop3A_288 = vector.broadcast %parallel_loop3A_287 : i32 to vector<16xi32>
        %parallel_loop3A_289 = arith.index_cast %parallel_loop3A_287 : i32 to index
        %parallel_loop3A_290 = arith.constant 0 : index
        %parallel_loop3A_291 = tpu.vector_load %arg14[%parallel_loop3A_289, %parallel_loop3A_290] {strides = array<i32>} : memref<100x72xf32, #tpu.memory_space<vmem>>, vector<16xf32>,
        %parallel_loop3A_292 = arith.constant 0 : i32
        %parallel_loop3A_293 = vector.broadcast %parallel_loop3A_292 : i32 to vector<16xi32>
        %parallel_loop3A_294 = arith.addi %parallel_loop3A_293, %shift_right_arithmetic3A_264 : vector<16xi32>
        %parallel_loop3A_295 = tpu.vector_load_idx %arg23[%parallel_loop3A_288, %parallel_loop3A_294] : memref<100x8xf32, #tpu.memory_space<vmem>>[vector<16xi32>, vector<16xi32>], vector<16xf32>,
        %parallel_loop3A_296 = arith.mulf %parallel_loop3A_291, %parallel_loop3A_295 : vector<16xf32>
        %parallel_loop3A_297 = arith.index_cast %parallel_loop3A_287 : i32 to index
        %parallel_loop3A_298 = arith.constant 0 : index
        %parallel_loop3A_299 = tpu.vector_load %arg22[%parallel_loop3A_297, %parallel_loop3A_298] {strides = array<i32>} : memref<100x72xf32, #tpu.memory_space<vmem>>, vector<16xf32>,
        tpu.vector_store %arg22[%parallel_loop3A_297, %parallel_loop3A_298], %parallel_loop3A_296 {strides = array<i32>} : memref<100x72xf32, #tpu.memory_space<vmem>>, vector<16xf32>,
        %parallel_loop3A_300 = arith.index_cast %parallel_loop3A_287 : i32 to index
        %parallel_loop3A_301 = arith.constant 16 : index
        %parallel_loop3A_302 = tpu.vector_load %arg14[%parallel_loop3A_300, %parallel_loop3A_301] {strides = array<i32>} : memref<100x72xf32, #tpu.memory_space<vmem>>, vector<16xf32>,
        %parallel_loop3A_303 = arith.constant 2 : i32
        %parallel_loop3A_304 = vector.broadcast %parallel_loop3A_303 : i32 to vector<16xi32>
        %parallel_loop3A_305 = arith.addi %parallel_loop3A_304, %shift_right_arithmetic3A_264 : vector<16xi32>
        %parallel_loop3A_306 = tpu.vector_load_idx %arg23[%parallel_loop3A_288, %parallel_loop3A_305] : memref<100x8xf32, #tpu.memory_space<vmem>>[vector<16xi32>, vector<16xi32>], vector<16xf32>,
        %parallel_loop3A_307 = arith.mulf %parallel_loop3A_302, %parallel_loop3A_306 : vector<16xf32>
        %parallel_loop3A_308 = arith.index_cast %parallel_loop3A_287 : i32 to index
        %parallel_loop3A_309 = arith.constant 16 : index
        %parallel_loop3A_310 = tpu.vector_load %arg22[%parallel_loop3A_308, %parallel_loop3A_309] {strides = array<i32>} : memref<100x72xf32, #tpu.memory_space<vmem>>, vector<16xf32>,
        tpu.vector_store %arg22[%parallel_loop3A_308, %parallel_loop3A_309], %parallel_loop3A_307 {strides = array<i32>} : memref<100x72xf32, #tpu.memory_space<vmem>>, vector<16xf32>,
        %parallel_loop3A_311 = arith.index_cast %parallel_loop3A_287 : i32 to index
        %parallel_loop3A_312 = arith.constant 32 : index
        %parallel_loop3A_313 = tpu.vector_load %arg14[%parallel_loop3A_311, %parallel_loop3A_312] {strides = array<i32>} : memref<100x72xf32, #tpu.memory_space<vmem>>, vector<16xf32>,
        %parallel_loop3A_314 = arith.constant 4 : i32
        %parallel_loop3A_315 = vector.broadcast %parallel_loop3A_314 : i32 to vector<16xi32>
        %parallel_loop3A_316 = arith.addi %parallel_loop3A_315, %shift_right_arithmetic3A_264 : vector<16xi32>
        %parallel_loop3A_317 = tpu.vector_load_idx %arg23[%parallel_loop3A_288, %parallel_loop3A_316] : memref<100x8xf32, #tpu.memory_space<vmem>>[vector<16xi32>, vector<16xi32>], vector<16xf32>,
        %parallel_loop3A_318 = arith.mulf %parallel_loop3A_313, %parallel_loop3A_317 : vector<16xf32>
        %parallel_loop3A_319 = arith.index_cast %parallel_loop3A_287 : i32 to index
        %parallel_loop3A_320 = arith.constant 32 : index
        %parallel_loop3A_321 = tpu.vector_load %arg22[%parallel_loop3A_319, %parallel_loop3A_320] {strides = array<i32>} : memref<100x72xf32, #tpu.memory_space<vmem>>, vector<16xf32>,
        tpu.vector_store %arg22[%parallel_loop3A_319, %parallel_loop3A_320], %parallel_loop3A_318 {strides = array<i32>} : memref<100x72xf32, #tpu.memory_space<vmem>>, vector<16xf32>,
        %parallel_loop3A_322 = arith.index_cast %parallel_loop3A_287 : i32 to index
        %parallel_loop3A_323 = arith.constant 48 : index
        %parallel_loop3A_324 = tpu.vector_load %arg14[%parallel_loop3A_322, %parallel_loop3A_323] {strides = array<i32>} : memref<100x72xf32, #tpu.memory_space<vmem>>, vector<16xf32>,
        %parallel_loop3A_325 = arith.constant 6 : i32
        %parallel_loop3A_326 = vector.broadcast %parallel_loop3A_325 : i32 to vector<16xi32>
        %parallel_loop3A_327 = arith.addi %parallel_loop3A_326, %shift_right_arithmetic3A_264 : vector<16xi32>
        %parallel_loop3A_328 = tpu.vector_load_idx %arg23[%parallel_loop3A_288, %parallel_loop3A_327] : memref<100x8xf32, #tpu.memory_space<vmem>>[vector<16xi32>, vector<16xi32>], vector<16xf32>,
        %parallel_loop3A_329 = arith.mulf %parallel_loop3A_324, %parallel_loop3A_328 : vector<16xf32>
        %parallel_loop3A_330 = arith.index_cast %parallel_loop3A_287 : i32 to index
        %parallel_loop3A_331 = arith.constant 48 : index
        %parallel_loop3A_332 = tpu.vector_load %arg22[%parallel_loop3A_330, %parallel_loop3A_331] {strides = array<i32>} : memref<100x72xf32, #tpu.memory_space<vmem>>, vector<16xf32>,
        tpu.vector_store %arg22[%parallel_loop3A_330, %parallel_loop3A_331], %parallel_loop3A_329 {strides = array<i32>} : memref<100x72xf32, #tpu.memory_space<vmem>>, vector<16xf32>,
      } {sc.loop_unroll_factor = 4 : i64, sc.parallel_access}
      %dma_start3A_274 = arith.constant 0 : i32
      %dma_start3A_275 = tpu.memref_slice %arg10[%add3A_243, %dma_start3A_274] : memref<100x100xi32, #tpu.memory_space<vmem>> -> memref<1x100xi32, #tpu.memory_space<vmem>>
      %dma_start3A_276 = tpu.memref_squeeze %dma_start3A_275 : memref<1x100xi32, #tpu.memory_space<vmem>> -> memref<100xi32, #tpu.memory_space<vmem>>
      %dma_start3A_277 = arith.constant 0 : i32
      %dma_start3A_278 = arith.constant 0 : i32
      %dma_start3A_279 = tpu.memref_slice %arg8[%dma_start3A_277, %dma_start3A_278] : memref<10000x72xf32, #tpu.memory_space<vmem_shared>> -> memref<10000x72xf32, #tpu.memory_space<vmem_shared>>
      tpu.enqueue_indirect_dma source(%arg22 : memref<100x72xf32, #tpu.memory_space<vmem>>) target(%dma_start3A_279 : memref<10000x72xf32, #tpu.memory_space<vmem_shared>>) offsets(%dma_start3A_276 : memref<100xi32, #tpu.memory_space<vmem>>) semaphore(%arg31 : memref<!tpu.dma_semaphore, #tpu.memory_space<semaphore_mem>>) {add = true}
      %add3A_280 = arith.constant 4 : i32
      %add3A_281 = arith.addi %add3A_243, %add3A_280 : i32
      %lt3A_282 = arith.constant 100 : i32
      %lt3A_283 = arith.cmpi slt, %add3A_281, %lt3A_282 : i32
      %convert_element_type3A_284 = arith.extui %lt3A_283 : i1 to i32
      %cond3A_285 = arith.constant 0 : i32
      %cond3A_286 = arith.cmpi ne, %convert_element_type3A_284, %cond3A_285 : i32
      scf.if %cond3A_286 {
        %add3A_287 = arith.constant 4 : i32
        %add3A_288 = arith.addi %add3A_243, %add3A_287 : i32
        %dma_start3A_289 = arith.constant 0 : i32
        %dma_start3A_290 = tpu.memref_slice %arg9[%add3A_288, %dma_start3A_289] : memref<100x100xi32, #tpu.memory_space<vmem>> -> memref<1x100xi32, #tpu.memory_space<vmem>>
        %dma_start3A_291 = tpu.memref_squeeze %dma_start3A_290 : memref<1x100xi32, #tpu.memory_space<vmem>> -> memref<100xi32, #tpu.memory_space<vmem>>
        %dma_start3A_292 = arith.constant 0 : i32
        %dma_start3A_293 = arith.constant 0 : i32
        %dma_start3A_294 = tpu.memref_slice %arg2[%dma_start3A_292, %dma_start3A_293] : memref<10000x72xf32, #tpu.memory_space<hbm>> -> memref<10000x72xf32, #tpu.memory_space<hbm>>
        tpu.enqueue_indirect_dma source(%dma_start3A_294 : memref<10000x72xf32, #tpu.memory_space<hbm>>) target(%arg14 : memref<100x72xf32, #tpu.memory_space<vmem>>) offsets(%dma_start3A_291 : memref<100xi32, #tpu.memory_space<vmem>>) semaphore(%arg27 : memref<!tpu.dma_semaphore, #tpu.memory_space<semaphore_mem>>)
        %dma_start3A_295 = arith.constant 0 : i32
        %dma_start3A_296 = tpu.memref_slice %arg10[%add3A_288, %dma_start3A_295] : memref<100x100xi32, #tpu.memory_space<vmem>> -> memref<1x100xi32, #tpu.memory_space<vmem>>
        %dma_start3A_297 = tpu.memref_squeeze %dma_start3A_296 : memref<1x100xi32, #tpu.memory_space<vmem>> -> memref<100xi32, #tpu.memory_space<vmem>>
        %dma_start3A_298 = arith.constant 0 : i32
        %dma_start3A_299 = arith.constant 0 : i32
        %dma_start3A_300 = tpu.memref_slice %arg3[%dma_start3A_298, %dma_start3A_299] : memref<10000x8xf32, #tpu.memory_space<hbm>> -> memref<10000x8xf32, #tpu.memory_space<hbm>>
        tpu.enqueue_indirect_dma source(%dma_start3A_300 : memref<10000x8xf32, #tpu.memory_space<hbm>>) target(%arg18 : memref<100x8xf32, #tpu.memory_space<vmem>>) offsets(%dma_start3A_297 : memref<100xi32, #tpu.memory_space<vmem>>) semaphore(%arg27 : memref<!tpu.dma_semaphore, #tpu.memory_space<semaphore_mem>>)
      } else {
      }
    }
    %scan3A_68 = arith.constant 25 : i32
    %dma_wait3A = arith.constant 0 : i32
    %dma_wait3A_69 = arith.constant 0 : i32
    %dma_wait3A_70 = tpu.memref_slice %arg6[%dma_wait3A, %dma_wait3A_69] : memref<632x72xf32, #tpu.memory_space<hbm>> -> memref<100x72xf32, #tpu.memory_space<hbm>>
    %dma_wait3A_71 = arith.constant 0 : i32
    %dma_wait3A_72 = arith.constant 0 : i32
    %dma_wait3A_73 = tpu.memref_slice %arg6[%dma_wait3A_71, %dma_wait3A_72] : memref<632x72xf32, #tpu.memory_space<hbm>> -> memref<100x72xf32, #tpu.memory_space<hbm>>
    tpu.wait_dma2 semaphore(%arg28 : memref<!tpu.dma_semaphore, #tpu.memory_space<semaphore_mem>>) src(%dma_wait3A_73 : memref<100x72xf32, #tpu.memory_space<hbm>>) dst(%arg19 : memref<100x72xf32, #tpu.memory_space<vmem>>)
    %dma_wait3A_74 = arith.constant 0 : i32
    %dma_wait3A_75 = arith.constant 0 : i32
    %dma_wait3A_76 = tpu.memref_slice %arg6[%dma_wait3A_74, %dma_wait3A_75] : memref<632x72xf32, #tpu.memory_space<hbm>> -> memref<100x72xf32, #tpu.memory_space<hbm>>
    %dma_wait3A_77 = arith.constant 0 : i32
    %dma_wait3A_78 = arith.constant 0 : i32
    %dma_wait3A_79 = tpu.memref_slice %arg6[%dma_wait3A_77, %dma_wait3A_78] : memref<632x72xf32, #tpu.memory_space<hbm>> -> memref<100x72xf32, #tpu.memory_space<hbm>>
    tpu.wait_dma2 semaphore(%arg29 : memref<!tpu.dma_semaphore, #tpu.memory_space<semaphore_mem>>) src(%dma_wait3A_79 : memref<100x72xf32, #tpu.memory_space<hbm>>) dst(%arg20 : memref<100x72xf32, #tpu.memory_space<vmem>>)
    %dma_wait3A_80 = arith.constant 0 : i32
    %dma_wait3A_81 = arith.constant 0 : i32
    %dma_wait3A_82 = tpu.memref_slice %arg6[%dma_wait3A_80, %dma_wait3A_81] : memref<632x72xf32, #tpu.memory_space<hbm>> -> memref<100x72xf32, #tpu.memory_space<hbm>>
    %dma_wait3A_83 = arith.constant 0 : i32
    %dma_wait3A_84 = arith.constant 0 : i32
    %dma_wait3A_85 = tpu.memref_slice %arg6[%dma_wait3A_83, %dma_wait3A_84] : memref<632x72xf32, #tpu.memory_space<hbm>> -> memref<100x72xf32, #tpu.memory_space<hbm>>
    tpu.wait_dma2 semaphore(%arg30 : memref<!tpu.dma_semaphore, #tpu.memory_space<semaphore_mem>>) src(%dma_wait3A_85 : memref<100x72xf32, #tpu.memory_space<hbm>>) dst(%arg21 : memref<100x72xf32, #tpu.memory_space<vmem>>)
    %dma_wait3A_86 = arith.constant 0 : i32
    %dma_wait3A_87 = arith.constant 0 : i32
    %dma_wait3A_88 = tpu.memref_slice %arg6[%dma_wait3A_86, %dma_wait3A_87] : memref<632x72xf32, #tpu.memory_space<hbm>> -> memref<100x72xf32, #tpu.memory_space<hbm>>
    %dma_wait3A_89 = arith.constant 0 : i32
    %dma_wait3A_90 = arith.constant 0 : i32
    %dma_wait3A_91 = tpu.memref_slice %arg6[%dma_wait3A_89, %dma_wait3A_90] : memref<632x72xf32, #tpu.memory_space<hbm>> -> memref<100x72xf32, #tpu.memory_space<hbm>>
    tpu.wait_dma2 semaphore(%arg31 : memref<!tpu.dma_semaphore, #tpu.memory_space<semaphore_mem>>) src(%dma_wait3A_91 : memref<100x72xf32, #tpu.memory_space<hbm>>) dst(%arg22 : memref<100x72xf32, #tpu.memory_space<vmem>>)
    %barrier3A_92 = arith.constant 0 : index
    tpu.barrier barrier_id(%barrier3A_92)
    %lt3A_93 = arith.constant 15 : i32
    %lt3A_94 = arith.cmpi slt, %arg1, %lt3A_93 : i32
    %convert_element_type3A_95 = arith.extui %lt3A_94 : i1 to i32
    %cond3A_96 = arith.constant 0 : i32
    %cond3A_97 = arith.cmpi ne, %convert_element_type3A_95, %cond3A_96 : i32
    scf.if %cond3A_97 {
      "tpu.region"() ({
        %run_scoped3A = tpu.sem_alloc : memref<!tpu.dma_semaphore, #tpu.memory_space<semaphore_mem>>
        %dma_start3A_103 = arith.constant 0 : i32
        %dma_start3A_104 = tpu.memref_slice %arg7[%arg0, %multiple_of3A, %dma_start3A_103] : memref<2x10000x72xf32, #tpu.memory_space<hbm>> -> memref<1x632x72xf32, #tpu.memory_space<hbm>>
        %dma_start3A_105 = tpu.memref_squeeze %dma_start3A_104 : memref<1x632x72xf32, #tpu.memory_space<hbm>> -> memref<632x72xf32, #tpu.memory_space<hbm>>
        %dma_start3A_106 = arith.constant 0 : i32
        %dma_start3A_107 = tpu.memref_slice %arg8[%multiple_of3A, %dma_start3A_106] : memref<10000x72xf32, #tpu.memory_space<vmem_shared>> -> memref<632x72xf32, #tpu.memory_space<vmem_shared>>
        tpu.enqueue_dma source(%dma_start3A_107 : memref<632x72xf32, #tpu.memory_space<vmem_shared>>) target(%dma_start3A_105 : memref<632x72xf32, #tpu.memory_space<hbm>>) target_semaphore(%run_scoped3A : memref<!tpu.dma_semaphore, #tpu.memory_space<semaphore_mem>>)
        %dma_wait3A_108 = arith.constant 0 : i32
        %dma_wait3A_109 = tpu.memref_slice %arg7[%arg0, %multiple_of3A, %dma_wait3A_108] : memref<2x10000x72xf32, #tpu.memory_space<hbm>> -> memref<1x632x72xf32, #tpu.memory_space<hbm>>
        %dma_wait3A_110 = tpu.memref_squeeze %dma_wait3A_109 : memref<1x632x72xf32, #tpu.memory_space<hbm>> -> memref<632x72xf32, #tpu.memory_space<hbm>>
        %dma_wait3A_111 = arith.constant 0 : i32
        %dma_wait3A_112 = tpu.memref_slice %arg8[%multiple_of3A, %dma_wait3A_111] : memref<10000x72xf32, #tpu.memory_space<vmem_shared>> -> memref<632x72xf32, #tpu.memory_space<vmem_shared>>
        tpu.wait_dma2 semaphore(%run_scoped3A : memref<!tpu.dma_semaphore, #tpu.memory_space<semaphore_mem>>) src(%dma_wait3A_112 : memref<632x72xf32, #tpu.memory_space<vmem_shared>>) dst(%dma_wait3A_110 : memref<632x72xf32, #tpu.memory_space<hbm>>)
        tpu.yield
      }) : () -> ()
    } else {
    }
    %eq3A_98 = arith.constant 15 : i32
    %eq3A_99 = arith.cmpi eq, %arg1, %eq3A_98 : i32
    %convert_element_type3A_100 = arith.extui %eq3A_99 : i1 to i32
    %cond3A_101 = arith.constant 0 : i32
    %cond3A_102 = arith.cmpi ne, %convert_element_type3A_100, %cond3A_101 : i32
    scf.if %cond3A_102 {
      "tpu.region"() ({
        %run_scoped3A = tpu.sem_alloc : memref<!tpu.dma_semaphore, #tpu.memory_space<semaphore_mem>>
        %dma_start3A_103 = arith.constant 0 : i32
        %dma_start3A_104 = tpu.memref_slice %arg7[%arg0, %multiple_of3A, %dma_start3A_103] : memref<2x10000x72xf32, #tpu.memory_space<hbm>> -> memref<1x520x72xf32, #tpu.memory_space<hbm>>
        %dma_start3A_105 = tpu.memref_squeeze %dma_start3A_104 : memref<1x520x72xf32, #tpu.memory_space<hbm>> -> memref<520x72xf32, #tpu.memory_space<hbm>>
        %dma_start3A_106 = arith.constant 0 : i32
        %dma_start3A_107 = tpu.memref_slice %arg8[%multiple_of3A, %dma_start3A_106] : memref<10000x72xf32, #tpu.memory_space<vmem_shared>> -> memref<520x72xf32, #tpu.memory_space<vmem_shared>>
        tpu.enqueue_dma source(%dma_start3A_107 : memref<520x72xf32, #tpu.memory_space<vmem_shared>>) target(%dma_start3A_105 : memref<520x72xf32, #tpu.memory_space<hbm>>) target_semaphore(%run_scoped3A : memref<!tpu.dma_semaphore, #tpu.memory_space<semaphore_mem>>)
        %dma_wait3A_108 = arith.constant 0 : i32
        %dma_wait3A_109 = tpu.memref_slice %arg7[%arg0, %multiple_of3A, %dma_wait3A_108] : memref<2x10000x72xf32, #tpu.memory_space<hbm>> -> memref<1x520x72xf32, #tpu.memory_space<hbm>>
        %dma_wait3A_110 = tpu.memref_squeeze %dma_wait3A_109 : memref<1x520x72xf32, #tpu.memory_space<hbm>> -> memref<520x72xf32, #tpu.memory_space<hbm>>
        %dma_wait3A_111 = arith.constant 0 : i32
        %dma_wait3A_112 = tpu.memref_slice %arg8[%multiple_of3A, %dma_wait3A_111] : memref<10000x72xf32, #tpu.memory_space<vmem_shared>> -> memref<520x72xf32, #tpu.memory_space<vmem_shared>>
        tpu.wait_dma2 semaphore(%run_scoped3A : memref<!tpu.dma_semaphore, #tpu.memory_space<semaphore_mem>>) src(%dma_wait3A_112 : memref<520x72xf32, #tpu.memory_space<vmem_shared>>) dst(%dma_wait3A_110 : memref<520x72xf32, #tpu.memory_space<hbm>>)
        tpu.yield
      }) : () -> ()
    } else {
    }
    return
  }
}

#map = affine_map<(d0, d1) -> (0, 0)>
#map1 = affine_map<(d0, d1) -> (0, 0, 0)>
module attributes {stable_mosaic.version = 14 : i64} {
  func.func @body(%arg0: i32, %arg1: i32, %arg2: memref<10000x48xf32, #tpu.memory_space<hbm>>, %arg3: memref<10000x8xf32, #tpu.memory_space<hbm>>, %arg4: memref<32x100x100xi32, #tpu.memory_space<hbm>>, %arg5: memref<32x100x100xi32, #tpu.memory_space<hbm>>, %arg6: memref<632x48xf32, #tpu.memory_space<hbm>>, %arg7: memref<2x10000x48xf32, #tpu.memory_space<hbm>>, %arg8: memref<10000x48xf32, #tpu.memory_space<vmem_shared>>, %arg9: memref<100x100xi32, #tpu.memory_space<vmem>>, %arg10: memref<100x100xi32, #tpu.memory_space<vmem>>, %arg11: memref<100x48xf32, #tpu.memory_space<vmem>>, %arg12: memref<100x48xf32, #tpu.memory_space<vmem>>, %arg13: memref<100x48xf32, #tpu.memory_space<vmem>>, %arg14: memref<100x48xf32, #tpu.memory_space<vmem>>, %arg15: memref<100x8xf32, #tpu.memory_space<vmem>>, %arg16: memref<100x8xf32, #tpu.memory_space<vmem>>, %arg17: memref<100x8xf32, #tpu.memory_space<vmem>>, %arg18: memref<100x8xf32, #tpu.memory_space<vmem>>, %arg19: memref<100x48xf32, #tpu.memory_space<vmem>>, %arg20: memref<100x48xf32, #tpu.memory_space<vmem>>, %arg21: memref<100x48xf32, #tpu.memory_space<vmem>>, %arg22: memref<100x48xf32, #tpu.memory_space<vmem>>, %arg23: memref<112xf32, #tpu.memory_space<vmem>>, %arg24: memref<!tpu.dma_semaphore, #tpu.memory_space<semaphore_mem>>, %arg25: memref<!tpu.dma_semaphore, #tpu.memory_space<semaphore_mem>>, %arg26: memref<!tpu.dma_semaphore, #tpu.memory_space<semaphore_mem>>, %arg27: memref<!tpu.dma_semaphore, #tpu.memory_space<semaphore_mem>>, %arg28: memref<!tpu.dma_semaphore, #tpu.memory_space<semaphore_mem>>, %arg29: memref<!tpu.dma_semaphore, #tpu.memory_space<semaphore_mem>>, %arg30: memref<!tpu.dma_semaphore, #tpu.memory_space<semaphore_mem>>, %arg31: memref<!tpu.dma_semaphore, #tpu.memory_space<semaphore_mem>>) attributes {dimension_semantics = [#tpu.dimension_semantics<core_parallel>, #tpu.dimension_semantics<subcore_parallel>], iteration_bounds = array<i64: 2, 16>, scalar_prefetch = 0 : i64, scratch_operands = 24 : i64, tpu.core_type = #tpu.core_type<sc_vector_subcore>, window_params = [{transform_indices = #map}, {transform_indices = #map}, {transform_indices = #map1}, {transform_indices = #map1}, {transform_indices = #map}, {transform_indices = #map1}]} {
    %mul3A = arith.constant 16 : i32
    %mul3A_0 = arith.muli %arg0, %mul3A : i32
    %add3A = arith.addi %mul3A_0, %arg1 : i32
    "tpu.region"() ({
      %run_scoped3A = tpu.sem_alloc : memref<!tpu.dma_semaphore, #tpu.memory_space<semaphore_mem>>
      %dma_start3A_103 = arith.constant 0 : i32
      %dma_start3A_104 = arith.constant 0 : i32
      %dma_start3A_105 = tpu.memref_slice %arg4[%add3A, %dma_start3A_103, %dma_start3A_104] : memref<32x100x100xi32, #tpu.memory_space<hbm>> -> memref<1x100x100xi32, #tpu.memory_space<hbm>>
      %dma_start3A_106 = tpu.memref_squeeze %dma_start3A_105 : memref<1x100x100xi32, #tpu.memory_space<hbm>> -> memref<100x100xi32, #tpu.memory_space<hbm>>
      %dma_start3A_107 = arith.constant 0 : i32
      %dma_start3A_108 = arith.constant 0 : i32
      %dma_start3A_109 = tpu.memref_slice %arg4[%add3A, %dma_start3A_107, %dma_start3A_108] : memref<32x100x100xi32, #tpu.memory_space<hbm>> -> memref<1x100x100xi32, #tpu.memory_space<hbm>>
      %dma_start3A_110 = tpu.memref_squeeze %dma_start3A_109 : memref<1x100x100xi32, #tpu.memory_space<hbm>> -> memref<100x100xi32, #tpu.memory_space<hbm>>
      tpu.enqueue_dma source(%dma_start3A_110 : memref<100x100xi32, #tpu.memory_space<hbm>>) target(%arg9 : memref<100x100xi32, #tpu.memory_space<vmem>>) target_semaphore(%run_scoped3A : memref<!tpu.dma_semaphore, #tpu.memory_space<semaphore_mem>>)
      %dma_wait3A_111 = arith.constant 0 : i32
      %dma_wait3A_112 = arith.constant 0 : i32
      %dma_wait3A_113 = tpu.memref_slice %arg4[%add3A, %dma_wait3A_111, %dma_wait3A_112] : memref<32x100x100xi32, #tpu.memory_space<hbm>> -> memref<1x100x100xi32, #tpu.memory_space<hbm>>
      %dma_wait3A_114 = tpu.memref_squeeze %dma_wait3A_113 : memref<1x100x100xi32, #tpu.memory_space<hbm>> -> memref<100x100xi32, #tpu.memory_space<hbm>>
      %dma_wait3A_115 = arith.constant 0 : i32
      %dma_wait3A_116 = arith.constant 0 : i32
      %dma_wait3A_117 = tpu.memref_slice %arg4[%add3A, %dma_wait3A_115, %dma_wait3A_116] : memref<32x100x100xi32, #tpu.memory_space<hbm>> -> memref<1x100x100xi32, #tpu.memory_space<hbm>>
      %dma_wait3A_118 = tpu.memref_squeeze %dma_wait3A_117 : memref<1x100x100xi32, #tpu.memory_space<hbm>> -> memref<100x100xi32, #tpu.memory_space<hbm>>
      tpu.wait_dma2 semaphore(%run_scoped3A : memref<!tpu.dma_semaphore, #tpu.memory_space<semaphore_mem>>) src(%dma_wait3A_118 : memref<100x100xi32, #tpu.memory_space<hbm>>) dst(%arg9 : memref<100x100xi32, #tpu.memory_space<vmem>>)
      tpu.yield
    }) : () -> ()
    "tpu.region"() ({
      %run_scoped3A = tpu.sem_alloc : memref<!tpu.dma_semaphore, #tpu.memory_space<semaphore_mem>>
      %dma_start3A_103 = arith.constant 0 : i32
      %dma_start3A_104 = arith.constant 0 : i32
      %dma_start3A_105 = tpu.memref_slice %arg5[%add3A, %dma_start3A_103, %dma_start3A_104] : memref<32x100x100xi32, #tpu.memory_space<hbm>> -> memref<1x100x100xi32, #tpu.memory_space<hbm>>
      %dma_start3A_106 = tpu.memref_squeeze %dma_start3A_105 : memref<1x100x100xi32, #tpu.memory_space<hbm>> -> memref<100x100xi32, #tpu.memory_space<hbm>>
      %dma_start3A_107 = arith.constant 0 : i32
      %dma_start3A_108 = arith.constant 0 : i32
      %dma_start3A_109 = tpu.memref_slice %arg5[%add3A, %dma_start3A_107, %dma_start3A_108] : memref<32x100x100xi32, #tpu.memory_space<hbm>> -> memref<1x100x100xi32, #tpu.memory_space<hbm>>
      %dma_start3A_110 = tpu.memref_squeeze %dma_start3A_109 : memref<1x100x100xi32, #tpu.memory_space<hbm>> -> memref<100x100xi32, #tpu.memory_space<hbm>>
      tpu.enqueue_dma source(%dma_start3A_110 : memref<100x100xi32, #tpu.memory_space<hbm>>) target(%arg10 : memref<100x100xi32, #tpu.memory_space<vmem>>) target_semaphore(%run_scoped3A : memref<!tpu.dma_semaphore, #tpu.memory_space<semaphore_mem>>)
      %dma_wait3A_111 = arith.constant 0 : i32
      %dma_wait3A_112 = arith.constant 0 : i32
      %dma_wait3A_113 = tpu.memref_slice %arg5[%add3A, %dma_wait3A_111, %dma_wait3A_112] : memref<32x100x100xi32, #tpu.memory_space<hbm>> -> memref<1x100x100xi32, #tpu.memory_space<hbm>>
      %dma_wait3A_114 = tpu.memref_squeeze %dma_wait3A_113 : memref<1x100x100xi32, #tpu.memory_space<hbm>> -> memref<100x100xi32, #tpu.memory_space<hbm>>
      %dma_wait3A_115 = arith.constant 0 : i32
      %dma_wait3A_116 = arith.constant 0 : i32
      %dma_wait3A_117 = tpu.memref_slice %arg5[%add3A, %dma_wait3A_115, %dma_wait3A_116] : memref<32x100x100xi32, #tpu.memory_space<hbm>> -> memref<1x100x100xi32, #tpu.memory_space<hbm>>
      %dma_wait3A_118 = tpu.memref_squeeze %dma_wait3A_117 : memref<1x100x100xi32, #tpu.memory_space<hbm>> -> memref<100x100xi32, #tpu.memory_space<hbm>>
      tpu.wait_dma2 semaphore(%run_scoped3A : memref<!tpu.dma_semaphore, #tpu.memory_space<semaphore_mem>>) src(%dma_wait3A_118 : memref<100x100xi32, #tpu.memory_space<hbm>>) dst(%arg10 : memref<100x100xi32, #tpu.memory_space<vmem>>)
      tpu.yield
    }) : () -> ()
    %mul3A_1 = arith.constant 632 : i32
    %mul3A_2 = arith.muli %arg1, %mul3A_1 : i32
    %multiple_of3A = tpu.assume_multiple %mul3A_2, 8 : i32
    %lt3A = arith.constant 15 : i32
    %lt3A_3 = arith.cmpi slt, %arg1, %lt3A : i32
    %convert_element_type3A = arith.extui %lt3A_3 : i1 to i32
    %cond3A = arith.constant 0 : i32
    %cond3A_4 = arith.cmpi ne, %convert_element_type3A, %cond3A : i32
    scf.if %cond3A_4 {
      "tpu.region"() ({
        %run_scoped3A = tpu.sem_alloc : memref<!tpu.dma_semaphore, #tpu.memory_space<semaphore_mem>>
        %dma_start3A_103 = arith.constant 0 : i32
        %dma_start3A_104 = tpu.memref_slice %arg8[%multiple_of3A, %dma_start3A_103] : memref<10000x48xf32, #tpu.memory_space<vmem_shared>> -> memref<632x48xf32, #tpu.memory_space<vmem_shared>>
        tpu.enqueue_dma source(%arg6 : memref<632x48xf32, #tpu.memory_space<hbm>>) target(%dma_start3A_104 : memref<632x48xf32, #tpu.memory_space<vmem_shared>>) target_semaphore(%run_scoped3A : memref<!tpu.dma_semaphore, #tpu.memory_space<semaphore_mem>>)
        %dma_wait3A_105 = arith.constant 0 : i32
        %dma_wait3A_106 = tpu.memref_slice %arg8[%multiple_of3A, %dma_wait3A_105] : memref<10000x48xf32, #tpu.memory_space<vmem_shared>> -> memref<632x48xf32, #tpu.memory_space<vmem_shared>>
        tpu.wait_dma2 semaphore(%run_scoped3A : memref<!tpu.dma_semaphore, #tpu.memory_space<semaphore_mem>>) src(%arg6 : memref<632x48xf32, #tpu.memory_space<hbm>>) dst(%dma_wait3A_106 : memref<632x48xf32, #tpu.memory_space<vmem_shared>>)
        tpu.yield
      }) : () -> ()
    } else {
    }
    %eq3A = arith.constant 15 : i32
    %eq3A_5 = arith.cmpi eq, %arg1, %eq3A : i32
    %convert_element_type3A_6 = arith.extui %eq3A_5 : i1 to i32
    %cond3A_7 = arith.constant 0 : i32
    %cond3A_8 = arith.cmpi ne, %convert_element_type3A_6, %cond3A_7 : i32
    scf.if %cond3A_8 {
      "tpu.region"() ({
        %run_scoped3A = tpu.sem_alloc : memref<!tpu.dma_semaphore, #tpu.memory_space<semaphore_mem>>
        %dma_start3A_103 = arith.constant 0 : i32
        %dma_start3A_104 = tpu.memref_slice %arg8[%multiple_of3A, %dma_start3A_103] : memref<10000x48xf32, #tpu.memory_space<vmem_shared>> -> memref<520x48xf32, #tpu.memory_space<vmem_shared>>
        %dma_start3A_105 = arith.constant 0 : i32
        %dma_start3A_106 = arith.constant 0 : i32
        %dma_start3A_107 = tpu.memref_slice %arg6[%dma_start3A_105, %dma_start3A_106] : memref<632x48xf32, #tpu.memory_space<hbm>> -> memref<520x48xf32, #tpu.memory_space<hbm>>
        tpu.enqueue_dma source(%dma_start3A_107 : memref<520x48xf32, #tpu.memory_space<hbm>>) target(%dma_start3A_104 : memref<520x48xf32, #tpu.memory_space<vmem_shared>>) target_semaphore(%run_scoped3A : memref<!tpu.dma_semaphore, #tpu.memory_space<semaphore_mem>>)
        %dma_wait3A_108 = arith.constant 0 : i32
        %dma_wait3A_109 = tpu.memref_slice %arg8[%multiple_of3A, %dma_wait3A_108] : memref<10000x48xf32, #tpu.memory_space<vmem_shared>> -> memref<520x48xf32, #tpu.memory_space<vmem_shared>>
        %dma_wait3A_110 = arith.constant 0 : i32
        %dma_wait3A_111 = arith.constant 0 : i32
        %dma_wait3A_112 = tpu.memref_slice %arg6[%dma_wait3A_110, %dma_wait3A_111] : memref<632x48xf32, #tpu.memory_space<hbm>> -> memref<520x48xf32, #tpu.memory_space<hbm>>
        tpu.wait_dma2 semaphore(%run_scoped3A : memref<!tpu.dma_semaphore, #tpu.memory_space<semaphore_mem>>) src(%dma_wait3A_112 : memref<520x48xf32, #tpu.memory_space<hbm>>) dst(%dma_wait3A_109 : memref<520x48xf32, #tpu.memory_space<vmem_shared>>)
        tpu.yield
      }) : () -> ()
    } else {
    }
    %barrier3A = arith.constant 0 : index
    tpu.barrier barrier_id(%barrier3A)
    %dma_start3A = arith.constant 0 : i32
    %dma_start3A_9 = arith.constant 0 : i32
    %dma_start3A_10 = tpu.memref_slice %arg9[%dma_start3A, %dma_start3A_9] : memref<100x100xi32, #tpu.memory_space<vmem>> -> memref<1x100xi32, #tpu.memory_space<vmem>>
    %dma_start3A_11 = tpu.memref_squeeze %dma_start3A_10 : memref<1x100xi32, #tpu.memory_space<vmem>> -> memref<100xi32, #tpu.memory_space<vmem>>
    %dma_start3A_12 = arith.constant 0 : i32
    %dma_start3A_13 = arith.constant 0 : i32
    %dma_start3A_14 = tpu.memref_slice %arg2[%dma_start3A_12, %dma_start3A_13] : memref<10000x48xf32, #tpu.memory_space<hbm>> -> memref<10000x48xf32, #tpu.memory_space<hbm>>
    tpu.enqueue_indirect_dma source(%dma_start3A_14 : memref<10000x48xf32, #tpu.memory_space<hbm>>) target(%arg11 : memref<100x48xf32, #tpu.memory_space<vmem>>) offsets(%dma_start3A_11 : memref<100xi32, #tpu.memory_space<vmem>>) semaphore(%arg24 : memref<!tpu.dma_semaphore, #tpu.memory_space<semaphore_mem>>)
    %dma_start3A_15 = arith.constant 0 : i32
    %dma_start3A_16 = arith.constant 0 : i32
    %dma_start3A_17 = tpu.memref_slice %arg10[%dma_start3A_15, %dma_start3A_16] : memref<100x100xi32, #tpu.memory_space<vmem>> -> memref<1x100xi32, #tpu.memory_space<vmem>>
    %dma_start3A_18 = tpu.memref_squeeze %dma_start3A_17 : memref<1x100xi32, #tpu.memory_space<vmem>> -> memref<100xi32, #tpu.memory_space<vmem>>
    %dma_start3A_19 = arith.constant 0 : i32
    %dma_start3A_20 = arith.constant 0 : i32
    %dma_start3A_21 = tpu.memref_slice %arg3[%dma_start3A_19, %dma_start3A_20] : memref<10000x8xf32, #tpu.memory_space<hbm>> -> memref<10000x8xf32, #tpu.memory_space<hbm>>
    tpu.enqueue_indirect_dma source(%dma_start3A_21 : memref<10000x8xf32, #tpu.memory_space<hbm>>) target(%arg15 : memref<100x8xf32, #tpu.memory_space<vmem>>) offsets(%dma_start3A_18 : memref<100xi32, #tpu.memory_space<vmem>>) semaphore(%arg24 : memref<!tpu.dma_semaphore, #tpu.memory_space<semaphore_mem>>)
    %dma_start3A_22 = arith.constant 1 : i32
    %dma_start3A_23 = arith.constant 0 : i32
    %dma_start3A_24 = tpu.memref_slice %arg9[%dma_start3A_22, %dma_start3A_23] : memref<100x100xi32, #tpu.memory_space<vmem>> -> memref<1x100xi32, #tpu.memory_space<vmem>>
    %dma_start3A_25 = tpu.memref_squeeze %dma_start3A_24 : memref<1x100xi32, #tpu.memory_space<vmem>> -> memref<100xi32, #tpu.memory_space<vmem>>
    %dma_start3A_26 = arith.constant 0 : i32
    %dma_start3A_27 = arith.constant 0 : i32
    %dma_start3A_28 = tpu.memref_slice %arg2[%dma_start3A_26, %dma_start3A_27] : memref<10000x48xf32, #tpu.memory_space<hbm>> -> memref<10000x48xf32, #tpu.memory_space<hbm>>
    tpu.enqueue_indirect_dma source(%dma_start3A_28 : memref<10000x48xf32, #tpu.memory_space<hbm>>) target(%arg12 : memref<100x48xf32, #tpu.memory_space<vmem>>) offsets(%dma_start3A_25 : memref<100xi32, #tpu.memory_space<vmem>>) semaphore(%arg25 : memref<!tpu.dma_semaphore, #tpu.memory_space<semaphore_mem>>)
    %dma_start3A_29 = arith.constant 1 : i32
    %dma_start3A_30 = arith.constant 0 : i32
    %dma_start3A_31 = tpu.memref_slice %arg10[%dma_start3A_29, %dma_start3A_30] : memref<100x100xi32, #tpu.memory_space<vmem>> -> memref<1x100xi32, #tpu.memory_space<vmem>>
    %dma_start3A_32 = tpu.memref_squeeze %dma_start3A_31 : memref<1x100xi32, #tpu.memory_space<vmem>> -> memref<100xi32, #tpu.memory_space<vmem>>
    %dma_start3A_33 = arith.constant 0 : i32
    %dma_start3A_34 = arith.constant 0 : i32
    %dma_start3A_35 = tpu.memref_slice %arg3[%dma_start3A_33, %dma_start3A_34] : memref<10000x8xf32, #tpu.memory_space<hbm>> -> memref<10000x8xf32, #tpu.memory_space<hbm>>
    tpu.enqueue_indirect_dma source(%dma_start3A_35 : memref<10000x8xf32, #tpu.memory_space<hbm>>) target(%arg16 : memref<100x8xf32, #tpu.memory_space<vmem>>) offsets(%dma_start3A_32 : memref<100xi32, #tpu.memory_space<vmem>>) semaphore(%arg25 : memref<!tpu.dma_semaphore, #tpu.memory_space<semaphore_mem>>)
    %dma_start3A_36 = arith.constant 2 : i32
    %dma_start3A_37 = arith.constant 0 : i32
    %dma_start3A_38 = tpu.memref_slice %arg9[%dma_start3A_36, %dma_start3A_37] : memref<100x100xi32, #tpu.memory_space<vmem>> -> memref<1x100xi32, #tpu.memory_space<vmem>>
    %dma_start3A_39 = tpu.memref_squeeze %dma_start3A_38 : memref<1x100xi32, #tpu.memory_space<vmem>> -> memref<100xi32, #tpu.memory_space<vmem>>
    %dma_start3A_40 = arith.constant 0 : i32
    %dma_start3A_41 = arith.constant 0 : i32
    %dma_start3A_42 = tpu.memref_slice %arg2[%dma_start3A_40, %dma_start3A_41] : memref<10000x48xf32, #tpu.memory_space<hbm>> -> memref<10000x48xf32, #tpu.memory_space<hbm>>
    tpu.enqueue_indirect_dma source(%dma_start3A_42 : memref<10000x48xf32, #tpu.memory_space<hbm>>) target(%arg13 : memref<100x48xf32, #tpu.memory_space<vmem>>) offsets(%dma_start3A_39 : memref<100xi32, #tpu.memory_space<vmem>>) semaphore(%arg26 : memref<!tpu.dma_semaphore, #tpu.memory_space<semaphore_mem>>)
    %dma_start3A_43 = arith.constant 2 : i32
    %dma_start3A_44 = arith.constant 0 : i32
    %dma_start3A_45 = tpu.memref_slice %arg10[%dma_start3A_43, %dma_start3A_44] : memref<100x100xi32, #tpu.memory_space<vmem>> -> memref<1x100xi32, #tpu.memory_space<vmem>>
    %dma_start3A_46 = tpu.memref_squeeze %dma_start3A_45 : memref<1x100xi32, #tpu.memory_space<vmem>> -> memref<100xi32, #tpu.memory_space<vmem>>
    %dma_start3A_47 = arith.constant 0 : i32
    %dma_start3A_48 = arith.constant 0 : i32
    %dma_start3A_49 = tpu.memref_slice %arg3[%dma_start3A_47, %dma_start3A_48] : memref<10000x8xf32, #tpu.memory_space<hbm>> -> memref<10000x8xf32, #tpu.memory_space<hbm>>
    tpu.enqueue_indirect_dma source(%dma_start3A_49 : memref<10000x8xf32, #tpu.memory_space<hbm>>) target(%arg17 : memref<100x8xf32, #tpu.memory_space<vmem>>) offsets(%dma_start3A_46 : memref<100xi32, #tpu.memory_space<vmem>>) semaphore(%arg26 : memref<!tpu.dma_semaphore, #tpu.memory_space<semaphore_mem>>)
    %dma_start3A_50 = arith.constant 3 : i32
    %dma_start3A_51 = arith.constant 0 : i32
    %dma_start3A_52 = tpu.memref_slice %arg9[%dma_start3A_50, %dma_start3A_51] : memref<100x100xi32, #tpu.memory_space<vmem>> -> memref<1x100xi32, #tpu.memory_space<vmem>>
    %dma_start3A_53 = tpu.memref_squeeze %dma_start3A_52 : memref<1x100xi32, #tpu.memory_space<vmem>> -> memref<100xi32, #tpu.memory_space<vmem>>
    %dma_start3A_54 = arith.constant 0 : i32
    %dma_start3A_55 = arith.constant 0 : i32
    %dma_start3A_56 = tpu.memref_slice %arg2[%dma_start3A_54, %dma_start3A_55] : memref<10000x48xf32, #tpu.memory_space<hbm>> -> memref<10000x48xf32, #tpu.memory_space<hbm>>
    tpu.enqueue_indirect_dma source(%dma_start3A_56 : memref<10000x48xf32, #tpu.memory_space<hbm>>) target(%arg14 : memref<100x48xf32, #tpu.memory_space<vmem>>) offsets(%dma_start3A_53 : memref<100xi32, #tpu.memory_space<vmem>>) semaphore(%arg27 : memref<!tpu.dma_semaphore, #tpu.memory_space<semaphore_mem>>)
    %dma_start3A_57 = arith.constant 3 : i32
    %dma_start3A_58 = arith.constant 0 : i32
    %dma_start3A_59 = tpu.memref_slice %arg10[%dma_start3A_57, %dma_start3A_58] : memref<100x100xi32, #tpu.memory_space<vmem>> -> memref<1x100xi32, #tpu.memory_space<vmem>>
    %dma_start3A_60 = tpu.memref_squeeze %dma_start3A_59 : memref<1x100xi32, #tpu.memory_space<vmem>> -> memref<100xi32, #tpu.memory_space<vmem>>
    %dma_start3A_61 = arith.constant 0 : i32
    %dma_start3A_62 = arith.constant 0 : i32
    %dma_start3A_63 = tpu.memref_slice %arg3[%dma_start3A_61, %dma_start3A_62] : memref<10000x8xf32, #tpu.memory_space<hbm>> -> memref<10000x8xf32, #tpu.memory_space<hbm>>
    tpu.enqueue_indirect_dma source(%dma_start3A_63 : memref<10000x8xf32, #tpu.memory_space<hbm>>) target(%arg18 : memref<100x8xf32, #tpu.memory_space<vmem>>) offsets(%dma_start3A_60 : memref<100xi32, #tpu.memory_space<vmem>>) semaphore(%arg27 : memref<!tpu.dma_semaphore, #tpu.memory_space<semaphore_mem>>)
    %scan3A = arith.constant 0 : i32
    %scan3A_64 = arith.constant 0 : i32
    %scan3A_65 = arith.constant 25 : i32
    %scan3A_66 = arith.addi %scan3A_64, %scan3A_65 : i32
    %scan3A_67 = arith.constant 1 : i32
    scf.for %scan3A_103 = %scan3A_64 to %scan3A_66 step %scan3A_67  : i32 {
      %mul3A_104 = arith.constant 4 : i32
      %mul3A_105 = arith.muli %mul3A_104, %scan3A_103 : i32
      %add3A_106 = arith.constant 0 : i32
      %add3A_107 = arith.addi %mul3A_105, %add3A_106 : i32
      %dma_wait3A_108 = arith.constant 0 : i32
      %dma_wait3A_109 = arith.constant 0 : i32
      %dma_wait3A_110 = tpu.memref_slice %arg6[%dma_wait3A_108, %dma_wait3A_109] : memref<632x48xf32, #tpu.memory_space<hbm>> -> memref<100x48xf32, #tpu.memory_space<hbm>>
      %dma_wait3A_111 = arith.constant 0 : i32
      %dma_wait3A_112 = arith.constant 0 : i32
      %dma_wait3A_113 = tpu.memref_slice %arg6[%dma_wait3A_111, %dma_wait3A_112] : memref<632x48xf32, #tpu.memory_space<hbm>> -> memref<100x48xf32, #tpu.memory_space<hbm>>
      tpu.wait_dma2 semaphore(%arg24 : memref<!tpu.dma_semaphore, #tpu.memory_space<semaphore_mem>>) src(%dma_wait3A_113 : memref<100x48xf32, #tpu.memory_space<hbm>>) dst(%arg11 : memref<100x48xf32, #tpu.memory_space<vmem>>)
      %dma_wait3A_114 = arith.constant 0 : i32
      %dma_wait3A_115 = arith.constant 0 : i32
      %dma_wait3A_116 = tpu.memref_slice %arg3[%dma_wait3A_114, %dma_wait3A_115] : memref<10000x8xf32, #tpu.memory_space<hbm>> -> memref<100x8xf32, #tpu.memory_space<hbm>>
      %dma_wait3A_117 = arith.constant 0 : i32
      %dma_wait3A_118 = arith.constant 0 : i32
      %dma_wait3A_119 = tpu.memref_slice %arg3[%dma_wait3A_117, %dma_wait3A_118] : memref<10000x8xf32, #tpu.memory_space<hbm>> -> memref<100x8xf32, #tpu.memory_space<hbm>>
      tpu.wait_dma2 semaphore(%arg24 : memref<!tpu.dma_semaphore, #tpu.memory_space<semaphore_mem>>) src(%dma_wait3A_119 : memref<100x8xf32, #tpu.memory_space<hbm>>) dst(%arg15 : memref<100x8xf32, #tpu.memory_space<vmem>>)
      %gt3A = arith.constant 0 : i32
      %gt3A_120 = arith.cmpi sgt, %scan3A_103, %gt3A : i32
      %convert_element_type3A_121 = arith.extui %gt3A_120 : i1 to i32
      %cond3A_122 = arith.constant 0 : i32
      %cond3A_123 = arith.cmpi ne, %convert_element_type3A_121, %cond3A_122 : i32
      scf.if %cond3A_123 {
        %dma_wait3A_280 = arith.constant 0 : i32
        %dma_wait3A_281 = arith.constant 0 : i32
        %dma_wait3A_282 = tpu.memref_slice %arg6[%dma_wait3A_280, %dma_wait3A_281] : memref<632x48xf32, #tpu.memory_space<hbm>> -> memref<100x48xf32, #tpu.memory_space<hbm>>
        %dma_wait3A_283 = arith.constant 0 : i32
        %dma_wait3A_284 = arith.constant 0 : i32
        %dma_wait3A_285 = tpu.memref_slice %arg6[%dma_wait3A_283, %dma_wait3A_284] : memref<632x48xf32, #tpu.memory_space<hbm>> -> memref<100x48xf32, #tpu.memory_space<hbm>>
        tpu.wait_dma2 semaphore(%arg28 : memref<!tpu.dma_semaphore, #tpu.memory_space<semaphore_mem>>) src(%dma_wait3A_285 : memref<100x48xf32, #tpu.memory_space<hbm>>) dst(%arg19 : memref<100x48xf32, #tpu.memory_space<vmem>>)
      } else {
      }
      %iota3A = tpu.iota {dimensions = array<i32: 0>} : vector<16xi32>
      %broadcast_in_dim3A = arith.constant 41 : i32
      %broadcast_in_dim3A_124 = vector.broadcast %broadcast_in_dim3A : i32 to vector<16xi32>
      %broadcast_in_dim3A_125 = arith.constant 0 : i32
      %broadcast_in_dim3A_126 = vector.broadcast %broadcast_in_dim3A_125 : i32 to vector<16xi32>
      %parallel_loop3A = arith.constant 0 : i32
      %parallel_loop3A_127 = arith.constant 7 : i32
      %parallel_loop3A_128 = arith.constant 1 : i32
      scf.for %parallel_loop3A_280 = %parallel_loop3A to %parallel_loop3A_127 step %parallel_loop3A_128  : i32 {
        %parallel_loop3A_281 = arith.constant 16 : i32
        %parallel_loop3A_282 = arith.muli %parallel_loop3A_281, %parallel_loop3A_280 : i32
        %parallel_loop3A_283 = vector.broadcast %parallel_loop3A_282 : i32 to vector<16xi32>
        %parallel_loop3A_284 = arith.addi %parallel_loop3A_283, %iota3A : vector<16xi32>
        %parallel_loop3A_285 = arith.constant 99 : i32
        %parallel_loop3A_286 = vector.broadcast %parallel_loop3A_285 : i32 to vector<16xi32>
        %parallel_loop3A_287 = arith.minsi %parallel_loop3A_284, %parallel_loop3A_286 : vector<16xi32>
        %parallel_loop3A_288 = tpu.vector_load_idx %arg11[%parallel_loop3A_287, %broadcast_in_dim3A_124] : memref<100x48xf32, #tpu.memory_space<vmem>>[vector<16xi32>, vector<16xi32>], vector<16xf32>,
        %parallel_loop3A_289 = tpu.vector_load_idx %arg15[%parallel_loop3A_287, %broadcast_in_dim3A_126] : memref<100x8xf32, #tpu.memory_space<vmem>>[vector<16xi32>, vector<16xi32>], vector<16xf32>,
        %parallel_loop3A_290 = arith.addf %parallel_loop3A_288, %parallel_loop3A_289 : vector<16xf32>
        %parallel_loop3A_291 = arith.constant 0.000000e+00 : f32
        %parallel_loop3A_292 = vector.broadcast %parallel_loop3A_291 : f32 to vector<16xf32>
        %parallel_loop3A_293 = arith.cmpf oge, %parallel_loop3A_290, %parallel_loop3A_292 : vector<16xf32>
        %parallel_loop3A_294 = arith.constant 2.000000e-01 : f32
        %parallel_loop3A_295 = vector.broadcast %parallel_loop3A_294 : f32 to vector<16xf32>
        %parallel_loop3A_296 = arith.mulf %parallel_loop3A_295, %parallel_loop3A_290 : vector<16xf32>
        %parallel_loop3A_297 = arith.select %parallel_loop3A_293, %parallel_loop3A_290, %parallel_loop3A_296 : vector<16xi1>, vector<16xf32>
        %parallel_loop3A_298 = math.exp %parallel_loop3A_297 : vector<16xf32>
        %parallel_loop3A_299 = arith.constant 16 : i32
        %parallel_loop3A_300 = arith.muli %parallel_loop3A_299, %parallel_loop3A_280 : i32
        %parallel_loop3A_301 = arith.index_cast %parallel_loop3A_300 : i32 to index
        %parallel_loop3A_302 = tpu.vector_load %arg23[%parallel_loop3A_301] {strides = array<i32>} : memref<112xf32, #tpu.memory_space<vmem>>, vector<16xf32>,
        tpu.vector_store %arg23[%parallel_loop3A_301], %parallel_loop3A_298 {strides = array<i32>} : memref<112xf32, #tpu.memory_space<vmem>>, vector<16xf32>,
      } {sc.loop_unroll_factor = 1 : i64, sc.parallel_access}
      %parallel_loop3A_129 = arith.constant 0 : i32
      %parallel_loop3A_130 = arith.constant 100 : i32
      %parallel_loop3A_131 = arith.constant 1 : i32
      scf.for %parallel_loop3A_280 = %parallel_loop3A_129 to %parallel_loop3A_130 step %parallel_loop3A_131  : i32 {
        %parallel_loop3A_281 = vector.broadcast %parallel_loop3A_280 : i32 to vector<16xi32>
        %parallel_loop3A_282 = tpu.vector_load_idx %arg23[%parallel_loop3A_281] : memref<112xf32, #tpu.memory_space<vmem>>[vector<16xi32>], vector<16xf32>,
        %parallel_loop3A_283 = arith.index_cast %parallel_loop3A_280 : i32 to index
        %parallel_loop3A_284 = arith.constant 0 : index
        %parallel_loop3A_285 = tpu.vector_load %arg11[%parallel_loop3A_283, %parallel_loop3A_284] {strides = array<i32>} : memref<100x48xf32, #tpu.memory_space<vmem>>, vector<16xf32>,
        %parallel_loop3A_286 = arith.mulf %parallel_loop3A_285, %parallel_loop3A_282 : vector<16xf32>
        %parallel_loop3A_287 = arith.index_cast %parallel_loop3A_280 : i32 to index
        %parallel_loop3A_288 = arith.constant 0 : index
        %parallel_loop3A_289 = tpu.vector_load %arg19[%parallel_loop3A_287, %parallel_loop3A_288] {strides = array<i32>} : memref<100x48xf32, #tpu.memory_space<vmem>>, vector<16xf32>,
        tpu.vector_store %arg19[%parallel_loop3A_287, %parallel_loop3A_288], %parallel_loop3A_286 {strides = array<i32>} : memref<100x48xf32, #tpu.memory_space<vmem>>, vector<16xf32>,
        %parallel_loop3A_290 = arith.index_cast %parallel_loop3A_280 : i32 to index
        %parallel_loop3A_291 = arith.constant 16 : index
        %parallel_loop3A_292 = tpu.vector_load %arg11[%parallel_loop3A_290, %parallel_loop3A_291] {strides = array<i32>} : memref<100x48xf32, #tpu.memory_space<vmem>>, vector<16xf32>,
        %parallel_loop3A_293 = arith.mulf %parallel_loop3A_292, %parallel_loop3A_282 : vector<16xf32>
        %parallel_loop3A_294 = arith.index_cast %parallel_loop3A_280 : i32 to index
        %parallel_loop3A_295 = arith.constant 16 : index
        %parallel_loop3A_296 = tpu.vector_load %arg19[%parallel_loop3A_294, %parallel_loop3A_295] {strides = array<i32>} : memref<100x48xf32, #tpu.memory_space<vmem>>, vector<16xf32>,
        tpu.vector_store %arg19[%parallel_loop3A_294, %parallel_loop3A_295], %parallel_loop3A_293 {strides = array<i32>} : memref<100x48xf32, #tpu.memory_space<vmem>>, vector<16xf32>,
        %parallel_loop3A_297 = arith.index_cast %parallel_loop3A_280 : i32 to index
        %parallel_loop3A_298 = arith.constant 32 : index
        %parallel_loop3A_299 = tpu.vector_load %arg11[%parallel_loop3A_297, %parallel_loop3A_298] {strides = array<i32>} : memref<100x48xf32, #tpu.memory_space<vmem>>, vector<16xf32>,
        %parallel_loop3A_300 = arith.mulf %parallel_loop3A_299, %parallel_loop3A_282 : vector<16xf32>
        %parallel_loop3A_301 = arith.index_cast %parallel_loop3A_280 : i32 to index
        %parallel_loop3A_302 = arith.constant 32 : index
        %parallel_loop3A_303 = tpu.vector_load %arg19[%parallel_loop3A_301, %parallel_loop3A_302] {strides = array<i32>} : memref<100x48xf32, #tpu.memory_space<vmem>>, vector<16xf32>,
        tpu.vector_store %arg19[%parallel_loop3A_301, %parallel_loop3A_302], %parallel_loop3A_300 {strides = array<i32>} : memref<100x48xf32, #tpu.memory_space<vmem>>, vector<16xf32>,
      } {sc.loop_unroll_factor = 4 : i64, sc.parallel_access}
      %dma_start3A_132 = arith.constant 0 : i32
      %dma_start3A_133 = tpu.memref_slice %arg10[%add3A_107, %dma_start3A_132] : memref<100x100xi32, #tpu.memory_space<vmem>> -> memref<1x100xi32, #tpu.memory_space<vmem>>
      %dma_start3A_134 = tpu.memref_squeeze %dma_start3A_133 : memref<1x100xi32, #tpu.memory_space<vmem>> -> memref<100xi32, #tpu.memory_space<vmem>>
      %dma_start3A_135 = arith.constant 0 : i32
      %dma_start3A_136 = arith.constant 0 : i32
      %dma_start3A_137 = tpu.memref_slice %arg8[%dma_start3A_135, %dma_start3A_136] : memref<10000x48xf32, #tpu.memory_space<vmem_shared>> -> memref<10000x48xf32, #tpu.memory_space<vmem_shared>>
      tpu.enqueue_indirect_dma source(%arg19 : memref<100x48xf32, #tpu.memory_space<vmem>>) target(%dma_start3A_137 : memref<10000x48xf32, #tpu.memory_space<vmem_shared>>) offsets(%dma_start3A_134 : memref<100xi32, #tpu.memory_space<vmem>>) semaphore(%arg28 : memref<!tpu.dma_semaphore, #tpu.memory_space<semaphore_mem>>) {add = true}
      %add3A_138 = arith.constant 4 : i32
      %add3A_139 = arith.addi %add3A_107, %add3A_138 : i32
      %lt3A_140 = arith.constant 100 : i32
      %lt3A_141 = arith.cmpi slt, %add3A_139, %lt3A_140 : i32
      %convert_element_type3A_142 = arith.extui %lt3A_141 : i1 to i32
      %cond3A_143 = arith.constant 0 : i32
      %cond3A_144 = arith.cmpi ne, %convert_element_type3A_142, %cond3A_143 : i32
      scf.if %cond3A_144 {
        %add3A_280 = arith.constant 4 : i32
        %add3A_281 = arith.addi %add3A_107, %add3A_280 : i32
        %dma_start3A_282 = arith.constant 0 : i32
        %dma_start3A_283 = tpu.memref_slice %arg9[%add3A_281, %dma_start3A_282] : memref<100x100xi32, #tpu.memory_space<vmem>> -> memref<1x100xi32, #tpu.memory_space<vmem>>
        %dma_start3A_284 = tpu.memref_squeeze %dma_start3A_283 : memref<1x100xi32, #tpu.memory_space<vmem>> -> memref<100xi32, #tpu.memory_space<vmem>>
        %dma_start3A_285 = arith.constant 0 : i32
        %dma_start3A_286 = arith.constant 0 : i32
        %dma_start3A_287 = tpu.memref_slice %arg2[%dma_start3A_285, %dma_start3A_286] : memref<10000x48xf32, #tpu.memory_space<hbm>> -> memref<10000x48xf32, #tpu.memory_space<hbm>>
        tpu.enqueue_indirect_dma source(%dma_start3A_287 : memref<10000x48xf32, #tpu.memory_space<hbm>>) target(%arg11 : memref<100x48xf32, #tpu.memory_space<vmem>>) offsets(%dma_start3A_284 : memref<100xi32, #tpu.memory_space<vmem>>) semaphore(%arg24 : memref<!tpu.dma_semaphore, #tpu.memory_space<semaphore_mem>>)
        %dma_start3A_288 = arith.constant 0 : i32
        %dma_start3A_289 = tpu.memref_slice %arg10[%add3A_281, %dma_start3A_288] : memref<100x100xi32, #tpu.memory_space<vmem>> -> memref<1x100xi32, #tpu.memory_space<vmem>>
        %dma_start3A_290 = tpu.memref_squeeze %dma_start3A_289 : memref<1x100xi32, #tpu.memory_space<vmem>> -> memref<100xi32, #tpu.memory_space<vmem>>
        %dma_start3A_291 = arith.constant 0 : i32
        %dma_start3A_292 = arith.constant 0 : i32
        %dma_start3A_293 = tpu.memref_slice %arg3[%dma_start3A_291, %dma_start3A_292] : memref<10000x8xf32, #tpu.memory_space<hbm>> -> memref<10000x8xf32, #tpu.memory_space<hbm>>
        tpu.enqueue_indirect_dma source(%dma_start3A_293 : memref<10000x8xf32, #tpu.memory_space<hbm>>) target(%arg15 : memref<100x8xf32, #tpu.memory_space<vmem>>) offsets(%dma_start3A_290 : memref<100xi32, #tpu.memory_space<vmem>>) semaphore(%arg24 : memref<!tpu.dma_semaphore, #tpu.memory_space<semaphore_mem>>)
      } else {
      }
      %mul3A_145 = arith.constant 4 : i32
      %mul3A_146 = arith.muli %mul3A_145, %scan3A_103 : i32
      %add3A_147 = arith.constant 1 : i32
      %add3A_148 = arith.addi %mul3A_146, %add3A_147 : i32
      %dma_wait3A_149 = arith.constant 0 : i32
      %dma_wait3A_150 = arith.constant 0 : i32
      %dma_wait3A_151 = tpu.memref_slice %arg6[%dma_wait3A_149, %dma_wait3A_150] : memref<632x48xf32, #tpu.memory_space<hbm>> -> memref<100x48xf32, #tpu.memory_space<hbm>>
      %dma_wait3A_152 = arith.constant 0 : i32
      %dma_wait3A_153 = arith.constant 0 : i32
      %dma_wait3A_154 = tpu.memref_slice %arg6[%dma_wait3A_152, %dma_wait3A_153] : memref<632x48xf32, #tpu.memory_space<hbm>> -> memref<100x48xf32, #tpu.memory_space<hbm>>
      tpu.wait_dma2 semaphore(%arg25 : memref<!tpu.dma_semaphore, #tpu.memory_space<semaphore_mem>>) src(%dma_wait3A_154 : memref<100x48xf32, #tpu.memory_space<hbm>>) dst(%arg12 : memref<100x48xf32, #tpu.memory_space<vmem>>)
      %dma_wait3A_155 = arith.constant 0 : i32
      %dma_wait3A_156 = arith.constant 0 : i32
      %dma_wait3A_157 = tpu.memref_slice %arg3[%dma_wait3A_155, %dma_wait3A_156] : memref<10000x8xf32, #tpu.memory_space<hbm>> -> memref<100x8xf32, #tpu.memory_space<hbm>>
      %dma_wait3A_158 = arith.constant 0 : i32
      %dma_wait3A_159 = arith.constant 0 : i32
      %dma_wait3A_160 = tpu.memref_slice %arg3[%dma_wait3A_158, %dma_wait3A_159] : memref<10000x8xf32, #tpu.memory_space<hbm>> -> memref<100x8xf32, #tpu.memory_space<hbm>>
      tpu.wait_dma2 semaphore(%arg25 : memref<!tpu.dma_semaphore, #tpu.memory_space<semaphore_mem>>) src(%dma_wait3A_160 : memref<100x8xf32, #tpu.memory_space<hbm>>) dst(%arg16 : memref<100x8xf32, #tpu.memory_space<vmem>>)
      %gt3A_161 = arith.constant 0 : i32
      %gt3A_162 = arith.cmpi sgt, %scan3A_103, %gt3A_161 : i32
      %convert_element_type3A_163 = arith.extui %gt3A_162 : i1 to i32
      %cond3A_164 = arith.constant 0 : i32
      %cond3A_165 = arith.cmpi ne, %convert_element_type3A_163, %cond3A_164 : i32
      scf.if %cond3A_165 {
        %dma_wait3A_280 = arith.constant 0 : i32
        %dma_wait3A_281 = arith.constant 0 : i32
        %dma_wait3A_282 = tpu.memref_slice %arg6[%dma_wait3A_280, %dma_wait3A_281] : memref<632x48xf32, #tpu.memory_space<hbm>> -> memref<100x48xf32, #tpu.memory_space<hbm>>
        %dma_wait3A_283 = arith.constant 0 : i32
        %dma_wait3A_284 = arith.constant 0 : i32
        %dma_wait3A_285 = tpu.memref_slice %arg6[%dma_wait3A_283, %dma_wait3A_284] : memref<632x48xf32, #tpu.memory_space<hbm>> -> memref<100x48xf32, #tpu.memory_space<hbm>>
        tpu.wait_dma2 semaphore(%arg29 : memref<!tpu.dma_semaphore, #tpu.memory_space<semaphore_mem>>) src(%dma_wait3A_285 : memref<100x48xf32, #tpu.memory_space<hbm>>) dst(%arg20 : memref<100x48xf32, #tpu.memory_space<vmem>>)
      } else {
      }
      %iota3A_166 = tpu.iota {dimensions = array<i32: 0>} : vector<16xi32>
      %broadcast_in_dim3A_167 = arith.constant 41 : i32
      %broadcast_in_dim3A_168 = vector.broadcast %broadcast_in_dim3A_167 : i32 to vector<16xi32>
      %broadcast_in_dim3A_169 = arith.constant 0 : i32
      %broadcast_in_dim3A_170 = vector.broadcast %broadcast_in_dim3A_169 : i32 to vector<16xi32>
      %parallel_loop3A_171 = arith.constant 0 : i32
      %parallel_loop3A_172 = arith.constant 7 : i32
      %parallel_loop3A_173 = arith.constant 1 : i32
      scf.for %parallel_loop3A_280 = %parallel_loop3A_171 to %parallel_loop3A_172 step %parallel_loop3A_173  : i32 {
        %parallel_loop3A_281 = arith.constant 16 : i32
        %parallel_loop3A_282 = arith.muli %parallel_loop3A_281, %parallel_loop3A_280 : i32
        %parallel_loop3A_283 = vector.broadcast %parallel_loop3A_282 : i32 to vector<16xi32>
        %parallel_loop3A_284 = arith.addi %parallel_loop3A_283, %iota3A_166 : vector<16xi32>
        %parallel_loop3A_285 = arith.constant 99 : i32
        %parallel_loop3A_286 = vector.broadcast %parallel_loop3A_285 : i32 to vector<16xi32>
        %parallel_loop3A_287 = arith.minsi %parallel_loop3A_284, %parallel_loop3A_286 : vector<16xi32>
        %parallel_loop3A_288 = tpu.vector_load_idx %arg12[%parallel_loop3A_287, %broadcast_in_dim3A_168] : memref<100x48xf32, #tpu.memory_space<vmem>>[vector<16xi32>, vector<16xi32>], vector<16xf32>,
        %parallel_loop3A_289 = tpu.vector_load_idx %arg16[%parallel_loop3A_287, %broadcast_in_dim3A_170] : memref<100x8xf32, #tpu.memory_space<vmem>>[vector<16xi32>, vector<16xi32>], vector<16xf32>,
        %parallel_loop3A_290 = arith.addf %parallel_loop3A_288, %parallel_loop3A_289 : vector<16xf32>
        %parallel_loop3A_291 = arith.constant 0.000000e+00 : f32
        %parallel_loop3A_292 = vector.broadcast %parallel_loop3A_291 : f32 to vector<16xf32>
        %parallel_loop3A_293 = arith.cmpf oge, %parallel_loop3A_290, %parallel_loop3A_292 : vector<16xf32>
        %parallel_loop3A_294 = arith.constant 2.000000e-01 : f32
        %parallel_loop3A_295 = vector.broadcast %parallel_loop3A_294 : f32 to vector<16xf32>
        %parallel_loop3A_296 = arith.mulf %parallel_loop3A_295, %parallel_loop3A_290 : vector<16xf32>
        %parallel_loop3A_297 = arith.select %parallel_loop3A_293, %parallel_loop3A_290, %parallel_loop3A_296 : vector<16xi1>, vector<16xf32>
        %parallel_loop3A_298 = math.exp %parallel_loop3A_297 : vector<16xf32>
        %parallel_loop3A_299 = arith.constant 16 : i32
        %parallel_loop3A_300 = arith.muli %parallel_loop3A_299, %parallel_loop3A_280 : i32
        %parallel_loop3A_301 = arith.index_cast %parallel_loop3A_300 : i32 to index
        %parallel_loop3A_302 = tpu.vector_load %arg23[%parallel_loop3A_301] {strides = array<i32>} : memref<112xf32, #tpu.memory_space<vmem>>, vector<16xf32>,
        tpu.vector_store %arg23[%parallel_loop3A_301], %parallel_loop3A_298 {strides = array<i32>} : memref<112xf32, #tpu.memory_space<vmem>>, vector<16xf32>,
      } {sc.loop_unroll_factor = 1 : i64, sc.parallel_access}
      %parallel_loop3A_174 = arith.constant 0 : i32
      %parallel_loop3A_175 = arith.constant 100 : i32
      %parallel_loop3A_176 = arith.constant 1 : i32
      scf.for %parallel_loop3A_280 = %parallel_loop3A_174 to %parallel_loop3A_175 step %parallel_loop3A_176  : i32 {
        %parallel_loop3A_281 = vector.broadcast %parallel_loop3A_280 : i32 to vector<16xi32>
        %parallel_loop3A_282 = tpu.vector_load_idx %arg23[%parallel_loop3A_281] : memref<112xf32, #tpu.memory_space<vmem>>[vector<16xi32>], vector<16xf32>,
        %parallel_loop3A_283 = arith.index_cast %parallel_loop3A_280 : i32 to index
        %parallel_loop3A_284 = arith.constant 0 : index
        %parallel_loop3A_285 = tpu.vector_load %arg12[%parallel_loop3A_283, %parallel_loop3A_284] {strides = array<i32>} : memref<100x48xf32, #tpu.memory_space<vmem>>, vector<16xf32>,
        %parallel_loop3A_286 = arith.mulf %parallel_loop3A_285, %parallel_loop3A_282 : vector<16xf32>
        %parallel_loop3A_287 = arith.index_cast %parallel_loop3A_280 : i32 to index
        %parallel_loop3A_288 = arith.constant 0 : index
        %parallel_loop3A_289 = tpu.vector_load %arg20[%parallel_loop3A_287, %parallel_loop3A_288] {strides = array<i32>} : memref<100x48xf32, #tpu.memory_space<vmem>>, vector<16xf32>,
        tpu.vector_store %arg20[%parallel_loop3A_287, %parallel_loop3A_288], %parallel_loop3A_286 {strides = array<i32>} : memref<100x48xf32, #tpu.memory_space<vmem>>, vector<16xf32>,
        %parallel_loop3A_290 = arith.index_cast %parallel_loop3A_280 : i32 to index
        %parallel_loop3A_291 = arith.constant 16 : index
        %parallel_loop3A_292 = tpu.vector_load %arg12[%parallel_loop3A_290, %parallel_loop3A_291] {strides = array<i32>} : memref<100x48xf32, #tpu.memory_space<vmem>>, vector<16xf32>,
        %parallel_loop3A_293 = arith.mulf %parallel_loop3A_292, %parallel_loop3A_282 : vector<16xf32>
        %parallel_loop3A_294 = arith.index_cast %parallel_loop3A_280 : i32 to index
        %parallel_loop3A_295 = arith.constant 16 : index
        %parallel_loop3A_296 = tpu.vector_load %arg20[%parallel_loop3A_294, %parallel_loop3A_295] {strides = array<i32>} : memref<100x48xf32, #tpu.memory_space<vmem>>, vector<16xf32>,
        tpu.vector_store %arg20[%parallel_loop3A_294, %parallel_loop3A_295], %parallel_loop3A_293 {strides = array<i32>} : memref<100x48xf32, #tpu.memory_space<vmem>>, vector<16xf32>,
        %parallel_loop3A_297 = arith.index_cast %parallel_loop3A_280 : i32 to index
        %parallel_loop3A_298 = arith.constant 32 : index
        %parallel_loop3A_299 = tpu.vector_load %arg12[%parallel_loop3A_297, %parallel_loop3A_298] {strides = array<i32>} : memref<100x48xf32, #tpu.memory_space<vmem>>, vector<16xf32>,
        %parallel_loop3A_300 = arith.mulf %parallel_loop3A_299, %parallel_loop3A_282 : vector<16xf32>
        %parallel_loop3A_301 = arith.index_cast %parallel_loop3A_280 : i32 to index
        %parallel_loop3A_302 = arith.constant 32 : index
        %parallel_loop3A_303 = tpu.vector_load %arg20[%parallel_loop3A_301, %parallel_loop3A_302] {strides = array<i32>} : memref<100x48xf32, #tpu.memory_space<vmem>>, vector<16xf32>,
        tpu.vector_store %arg20[%parallel_loop3A_301, %parallel_loop3A_302], %parallel_loop3A_300 {strides = array<i32>} : memref<100x48xf32, #tpu.memory_space<vmem>>, vector<16xf32>,
      } {sc.loop_unroll_factor = 4 : i64, sc.parallel_access}
      %dma_start3A_177 = arith.constant 0 : i32
      %dma_start3A_178 = tpu.memref_slice %arg10[%add3A_148, %dma_start3A_177] : memref<100x100xi32, #tpu.memory_space<vmem>> -> memref<1x100xi32, #tpu.memory_space<vmem>>
      %dma_start3A_179 = tpu.memref_squeeze %dma_start3A_178 : memref<1x100xi32, #tpu.memory_space<vmem>> -> memref<100xi32, #tpu.memory_space<vmem>>
      %dma_start3A_180 = arith.constant 0 : i32
      %dma_start3A_181 = arith.constant 0 : i32
      %dma_start3A_182 = tpu.memref_slice %arg8[%dma_start3A_180, %dma_start3A_181] : memref<10000x48xf32, #tpu.memory_space<vmem_shared>> -> memref<10000x48xf32, #tpu.memory_space<vmem_shared>>
      tpu.enqueue_indirect_dma source(%arg20 : memref<100x48xf32, #tpu.memory_space<vmem>>) target(%dma_start3A_182 : memref<10000x48xf32, #tpu.memory_space<vmem_shared>>) offsets(%dma_start3A_179 : memref<100xi32, #tpu.memory_space<vmem>>) semaphore(%arg29 : memref<!tpu.dma_semaphore, #tpu.memory_space<semaphore_mem>>) {add = true}
      %add3A_183 = arith.constant 4 : i32
      %add3A_184 = arith.addi %add3A_148, %add3A_183 : i32
      %lt3A_185 = arith.constant 100 : i32
      %lt3A_186 = arith.cmpi slt, %add3A_184, %lt3A_185 : i32
      %convert_element_type3A_187 = arith.extui %lt3A_186 : i1 to i32
      %cond3A_188 = arith.constant 0 : i32
      %cond3A_189 = arith.cmpi ne, %convert_element_type3A_187, %cond3A_188 : i32
      scf.if %cond3A_189 {
        %add3A_280 = arith.constant 4 : i32
        %add3A_281 = arith.addi %add3A_148, %add3A_280 : i32
        %dma_start3A_282 = arith.constant 0 : i32
        %dma_start3A_283 = tpu.memref_slice %arg9[%add3A_281, %dma_start3A_282] : memref<100x100xi32, #tpu.memory_space<vmem>> -> memref<1x100xi32, #tpu.memory_space<vmem>>
        %dma_start3A_284 = tpu.memref_squeeze %dma_start3A_283 : memref<1x100xi32, #tpu.memory_space<vmem>> -> memref<100xi32, #tpu.memory_space<vmem>>
        %dma_start3A_285 = arith.constant 0 : i32
        %dma_start3A_286 = arith.constant 0 : i32
        %dma_start3A_287 = tpu.memref_slice %arg2[%dma_start3A_285, %dma_start3A_286] : memref<10000x48xf32, #tpu.memory_space<hbm>> -> memref<10000x48xf32, #tpu.memory_space<hbm>>
        tpu.enqueue_indirect_dma source(%dma_start3A_287 : memref<10000x48xf32, #tpu.memory_space<hbm>>) target(%arg12 : memref<100x48xf32, #tpu.memory_space<vmem>>) offsets(%dma_start3A_284 : memref<100xi32, #tpu.memory_space<vmem>>) semaphore(%arg25 : memref<!tpu.dma_semaphore, #tpu.memory_space<semaphore_mem>>)
        %dma_start3A_288 = arith.constant 0 : i32
        %dma_start3A_289 = tpu.memref_slice %arg10[%add3A_281, %dma_start3A_288] : memref<100x100xi32, #tpu.memory_space<vmem>> -> memref<1x100xi32, #tpu.memory_space<vmem>>
        %dma_start3A_290 = tpu.memref_squeeze %dma_start3A_289 : memref<1x100xi32, #tpu.memory_space<vmem>> -> memref<100xi32, #tpu.memory_space<vmem>>
        %dma_start3A_291 = arith.constant 0 : i32
        %dma_start3A_292 = arith.constant 0 : i32
        %dma_start3A_293 = tpu.memref_slice %arg3[%dma_start3A_291, %dma_start3A_292] : memref<10000x8xf32, #tpu.memory_space<hbm>> -> memref<10000x8xf32, #tpu.memory_space<hbm>>
        tpu.enqueue_indirect_dma source(%dma_start3A_293 : memref<10000x8xf32, #tpu.memory_space<hbm>>) target(%arg16 : memref<100x8xf32, #tpu.memory_space<vmem>>) offsets(%dma_start3A_290 : memref<100xi32, #tpu.memory_space<vmem>>) semaphore(%arg25 : memref<!tpu.dma_semaphore, #tpu.memory_space<semaphore_mem>>)
      } else {
      }
      %mul3A_190 = arith.constant 4 : i32
      %mul3A_191 = arith.muli %mul3A_190, %scan3A_103 : i32
      %add3A_192 = arith.constant 2 : i32
      %add3A_193 = arith.addi %mul3A_191, %add3A_192 : i32
      %dma_wait3A_194 = arith.constant 0 : i32
      %dma_wait3A_195 = arith.constant 0 : i32
      %dma_wait3A_196 = tpu.memref_slice %arg6[%dma_wait3A_194, %dma_wait3A_195] : memref<632x48xf32, #tpu.memory_space<hbm>> -> memref<100x48xf32, #tpu.memory_space<hbm>>
      %dma_wait3A_197 = arith.constant 0 : i32
      %dma_wait3A_198 = arith.constant 0 : i32
      %dma_wait3A_199 = tpu.memref_slice %arg6[%dma_wait3A_197, %dma_wait3A_198] : memref<632x48xf32, #tpu.memory_space<hbm>> -> memref<100x48xf32, #tpu.memory_space<hbm>>
      tpu.wait_dma2 semaphore(%arg26 : memref<!tpu.dma_semaphore, #tpu.memory_space<semaphore_mem>>) src(%dma_wait3A_199 : memref<100x48xf32, #tpu.memory_space<hbm>>) dst(%arg13 : memref<100x48xf32, #tpu.memory_space<vmem>>)
      %dma_wait3A_200 = arith.constant 0 : i32
      %dma_wait3A_201 = arith.constant 0 : i32
      %dma_wait3A_202 = tpu.memref_slice %arg3[%dma_wait3A_200, %dma_wait3A_201] : memref<10000x8xf32, #tpu.memory_space<hbm>> -> memref<100x8xf32, #tpu.memory_space<hbm>>
      %dma_wait3A_203 = arith.constant 0 : i32
      %dma_wait3A_204 = arith.constant 0 : i32
      %dma_wait3A_205 = tpu.memref_slice %arg3[%dma_wait3A_203, %dma_wait3A_204] : memref<10000x8xf32, #tpu.memory_space<hbm>> -> memref<100x8xf32, #tpu.memory_space<hbm>>
      tpu.wait_dma2 semaphore(%arg26 : memref<!tpu.dma_semaphore, #tpu.memory_space<semaphore_mem>>) src(%dma_wait3A_205 : memref<100x8xf32, #tpu.memory_space<hbm>>) dst(%arg17 : memref<100x8xf32, #tpu.memory_space<vmem>>)
      %gt3A_206 = arith.constant 0 : i32
      %gt3A_207 = arith.cmpi sgt, %scan3A_103, %gt3A_206 : i32
      %convert_element_type3A_208 = arith.extui %gt3A_207 : i1 to i32
      %cond3A_209 = arith.constant 0 : i32
      %cond3A_210 = arith.cmpi ne, %convert_element_type3A_208, %cond3A_209 : i32
      scf.if %cond3A_210 {
        %dma_wait3A_280 = arith.constant 0 : i32
        %dma_wait3A_281 = arith.constant 0 : i32
        %dma_wait3A_282 = tpu.memref_slice %arg6[%dma_wait3A_280, %dma_wait3A_281] : memref<632x48xf32, #tpu.memory_space<hbm>> -> memref<100x48xf32, #tpu.memory_space<hbm>>
        %dma_wait3A_283 = arith.constant 0 : i32
        %dma_wait3A_284 = arith.constant 0 : i32
        %dma_wait3A_285 = tpu.memref_slice %arg6[%dma_wait3A_283, %dma_wait3A_284] : memref<632x48xf32, #tpu.memory_space<hbm>> -> memref<100x48xf32, #tpu.memory_space<hbm>>
        tpu.wait_dma2 semaphore(%arg30 : memref<!tpu.dma_semaphore, #tpu.memory_space<semaphore_mem>>) src(%dma_wait3A_285 : memref<100x48xf32, #tpu.memory_space<hbm>>) dst(%arg21 : memref<100x48xf32, #tpu.memory_space<vmem>>)
      } else {
      }
      %iota3A_211 = tpu.iota {dimensions = array<i32: 0>} : vector<16xi32>
      %broadcast_in_dim3A_212 = arith.constant 41 : i32
      %broadcast_in_dim3A_213 = vector.broadcast %broadcast_in_dim3A_212 : i32 to vector<16xi32>
      %broadcast_in_dim3A_214 = arith.constant 0 : i32
      %broadcast_in_dim3A_215 = vector.broadcast %broadcast_in_dim3A_214 : i32 to vector<16xi32>
      %parallel_loop3A_216 = arith.constant 0 : i32
      %parallel_loop3A_217 = arith.constant 7 : i32
      %parallel_loop3A_218 = arith.constant 1 : i32
      scf.for %parallel_loop3A_280 = %parallel_loop3A_216 to %parallel_loop3A_217 step %parallel_loop3A_218  : i32 {
        %parallel_loop3A_281 = arith.constant 16 : i32
        %parallel_loop3A_282 = arith.muli %parallel_loop3A_281, %parallel_loop3A_280 : i32
        %parallel_loop3A_283 = vector.broadcast %parallel_loop3A_282 : i32 to vector<16xi32>
        %parallel_loop3A_284 = arith.addi %parallel_loop3A_283, %iota3A_211 : vector<16xi32>
        %parallel_loop3A_285 = arith.constant 99 : i32
        %parallel_loop3A_286 = vector.broadcast %parallel_loop3A_285 : i32 to vector<16xi32>
        %parallel_loop3A_287 = arith.minsi %parallel_loop3A_284, %parallel_loop3A_286 : vector<16xi32>
        %parallel_loop3A_288 = tpu.vector_load_idx %arg13[%parallel_loop3A_287, %broadcast_in_dim3A_213] : memref<100x48xf32, #tpu.memory_space<vmem>>[vector<16xi32>, vector<16xi32>], vector<16xf32>,
        %parallel_loop3A_289 = tpu.vector_load_idx %arg17[%parallel_loop3A_287, %broadcast_in_dim3A_215] : memref<100x8xf32, #tpu.memory_space<vmem>>[vector<16xi32>, vector<16xi32>], vector<16xf32>,
        %parallel_loop3A_290 = arith.addf %parallel_loop3A_288, %parallel_loop3A_289 : vector<16xf32>
        %parallel_loop3A_291 = arith.constant 0.000000e+00 : f32
        %parallel_loop3A_292 = vector.broadcast %parallel_loop3A_291 : f32 to vector<16xf32>
        %parallel_loop3A_293 = arith.cmpf oge, %parallel_loop3A_290, %parallel_loop3A_292 : vector<16xf32>
        %parallel_loop3A_294 = arith.constant 2.000000e-01 : f32
        %parallel_loop3A_295 = vector.broadcast %parallel_loop3A_294 : f32 to vector<16xf32>
        %parallel_loop3A_296 = arith.mulf %parallel_loop3A_295, %parallel_loop3A_290 : vector<16xf32>
        %parallel_loop3A_297 = arith.select %parallel_loop3A_293, %parallel_loop3A_290, %parallel_loop3A_296 : vector<16xi1>, vector<16xf32>
        %parallel_loop3A_298 = math.exp %parallel_loop3A_297 : vector<16xf32>
        %parallel_loop3A_299 = arith.constant 16 : i32
        %parallel_loop3A_300 = arith.muli %parallel_loop3A_299, %parallel_loop3A_280 : i32
        %parallel_loop3A_301 = arith.index_cast %parallel_loop3A_300 : i32 to index
        %parallel_loop3A_302 = tpu.vector_load %arg23[%parallel_loop3A_301] {strides = array<i32>} : memref<112xf32, #tpu.memory_space<vmem>>, vector<16xf32>,
        tpu.vector_store %arg23[%parallel_loop3A_301], %parallel_loop3A_298 {strides = array<i32>} : memref<112xf32, #tpu.memory_space<vmem>>, vector<16xf32>,
      } {sc.loop_unroll_factor = 1 : i64, sc.parallel_access}
      %parallel_loop3A_219 = arith.constant 0 : i32
      %parallel_loop3A_220 = arith.constant 100 : i32
      %parallel_loop3A_221 = arith.constant 1 : i32
      scf.for %parallel_loop3A_280 = %parallel_loop3A_219 to %parallel_loop3A_220 step %parallel_loop3A_221  : i32 {
        %parallel_loop3A_281 = vector.broadcast %parallel_loop3A_280 : i32 to vector<16xi32>
        %parallel_loop3A_282 = tpu.vector_load_idx %arg23[%parallel_loop3A_281] : memref<112xf32, #tpu.memory_space<vmem>>[vector<16xi32>], vector<16xf32>,
        %parallel_loop3A_283 = arith.index_cast %parallel_loop3A_280 : i32 to index
        %parallel_loop3A_284 = arith.constant 0 : index
        %parallel_loop3A_285 = tpu.vector_load %arg13[%parallel_loop3A_283, %parallel_loop3A_284] {strides = array<i32>} : memref<100x48xf32, #tpu.memory_space<vmem>>, vector<16xf32>,
        %parallel_loop3A_286 = arith.mulf %parallel_loop3A_285, %parallel_loop3A_282 : vector<16xf32>
        %parallel_loop3A_287 = arith.index_cast %parallel_loop3A_280 : i32 to index
        %parallel_loop3A_288 = arith.constant 0 : index
        %parallel_loop3A_289 = tpu.vector_load %arg21[%parallel_loop3A_287, %parallel_loop3A_288] {strides = array<i32>} : memref<100x48xf32, #tpu.memory_space<vmem>>, vector<16xf32>,
        tpu.vector_store %arg21[%parallel_loop3A_287, %parallel_loop3A_288], %parallel_loop3A_286 {strides = array<i32>} : memref<100x48xf32, #tpu.memory_space<vmem>>, vector<16xf32>,
        %parallel_loop3A_290 = arith.index_cast %parallel_loop3A_280 : i32 to index
        %parallel_loop3A_291 = arith.constant 16 : index
        %parallel_loop3A_292 = tpu.vector_load %arg13[%parallel_loop3A_290, %parallel_loop3A_291] {strides = array<i32>} : memref<100x48xf32, #tpu.memory_space<vmem>>, vector<16xf32>,
        %parallel_loop3A_293 = arith.mulf %parallel_loop3A_292, %parallel_loop3A_282 : vector<16xf32>
        %parallel_loop3A_294 = arith.index_cast %parallel_loop3A_280 : i32 to index
        %parallel_loop3A_295 = arith.constant 16 : index
        %parallel_loop3A_296 = tpu.vector_load %arg21[%parallel_loop3A_294, %parallel_loop3A_295] {strides = array<i32>} : memref<100x48xf32, #tpu.memory_space<vmem>>, vector<16xf32>,
        tpu.vector_store %arg21[%parallel_loop3A_294, %parallel_loop3A_295], %parallel_loop3A_293 {strides = array<i32>} : memref<100x48xf32, #tpu.memory_space<vmem>>, vector<16xf32>,
        %parallel_loop3A_297 = arith.index_cast %parallel_loop3A_280 : i32 to index
        %parallel_loop3A_298 = arith.constant 32 : index
        %parallel_loop3A_299 = tpu.vector_load %arg13[%parallel_loop3A_297, %parallel_loop3A_298] {strides = array<i32>} : memref<100x48xf32, #tpu.memory_space<vmem>>, vector<16xf32>,
        %parallel_loop3A_300 = arith.mulf %parallel_loop3A_299, %parallel_loop3A_282 : vector<16xf32>
        %parallel_loop3A_301 = arith.index_cast %parallel_loop3A_280 : i32 to index
        %parallel_loop3A_302 = arith.constant 32 : index
        %parallel_loop3A_303 = tpu.vector_load %arg21[%parallel_loop3A_301, %parallel_loop3A_302] {strides = array<i32>} : memref<100x48xf32, #tpu.memory_space<vmem>>, vector<16xf32>,
        tpu.vector_store %arg21[%parallel_loop3A_301, %parallel_loop3A_302], %parallel_loop3A_300 {strides = array<i32>} : memref<100x48xf32, #tpu.memory_space<vmem>>, vector<16xf32>,
      } {sc.loop_unroll_factor = 4 : i64, sc.parallel_access}
      %dma_start3A_222 = arith.constant 0 : i32
      %dma_start3A_223 = tpu.memref_slice %arg10[%add3A_193, %dma_start3A_222] : memref<100x100xi32, #tpu.memory_space<vmem>> -> memref<1x100xi32, #tpu.memory_space<vmem>>
      %dma_start3A_224 = tpu.memref_squeeze %dma_start3A_223 : memref<1x100xi32, #tpu.memory_space<vmem>> -> memref<100xi32, #tpu.memory_space<vmem>>
      %dma_start3A_225 = arith.constant 0 : i32
      %dma_start3A_226 = arith.constant 0 : i32
      %dma_start3A_227 = tpu.memref_slice %arg8[%dma_start3A_225, %dma_start3A_226] : memref<10000x48xf32, #tpu.memory_space<vmem_shared>> -> memref<10000x48xf32, #tpu.memory_space<vmem_shared>>
      tpu.enqueue_indirect_dma source(%arg21 : memref<100x48xf32, #tpu.memory_space<vmem>>) target(%dma_start3A_227 : memref<10000x48xf32, #tpu.memory_space<vmem_shared>>) offsets(%dma_start3A_224 : memref<100xi32, #tpu.memory_space<vmem>>) semaphore(%arg30 : memref<!tpu.dma_semaphore, #tpu.memory_space<semaphore_mem>>) {add = true}
      %add3A_228 = arith.constant 4 : i32
      %add3A_229 = arith.addi %add3A_193, %add3A_228 : i32
      %lt3A_230 = arith.constant 100 : i32
      %lt3A_231 = arith.cmpi slt, %add3A_229, %lt3A_230 : i32
      %convert_element_type3A_232 = arith.extui %lt3A_231 : i1 to i32
      %cond3A_233 = arith.constant 0 : i32
      %cond3A_234 = arith.cmpi ne, %convert_element_type3A_232, %cond3A_233 : i32
      scf.if %cond3A_234 {
        %add3A_280 = arith.constant 4 : i32
        %add3A_281 = arith.addi %add3A_193, %add3A_280 : i32
        %dma_start3A_282 = arith.constant 0 : i32
        %dma_start3A_283 = tpu.memref_slice %arg9[%add3A_281, %dma_start3A_282] : memref<100x100xi32, #tpu.memory_space<vmem>> -> memref<1x100xi32, #tpu.memory_space<vmem>>
        %dma_start3A_284 = tpu.memref_squeeze %dma_start3A_283 : memref<1x100xi32, #tpu.memory_space<vmem>> -> memref<100xi32, #tpu.memory_space<vmem>>
        %dma_start3A_285 = arith.constant 0 : i32
        %dma_start3A_286 = arith.constant 0 : i32
        %dma_start3A_287 = tpu.memref_slice %arg2[%dma_start3A_285, %dma_start3A_286] : memref<10000x48xf32, #tpu.memory_space<hbm>> -> memref<10000x48xf32, #tpu.memory_space<hbm>>
        tpu.enqueue_indirect_dma source(%dma_start3A_287 : memref<10000x48xf32, #tpu.memory_space<hbm>>) target(%arg13 : memref<100x48xf32, #tpu.memory_space<vmem>>) offsets(%dma_start3A_284 : memref<100xi32, #tpu.memory_space<vmem>>) semaphore(%arg26 : memref<!tpu.dma_semaphore, #tpu.memory_space<semaphore_mem>>)
        %dma_start3A_288 = arith.constant 0 : i32
        %dma_start3A_289 = tpu.memref_slice %arg10[%add3A_281, %dma_start3A_288] : memref<100x100xi32, #tpu.memory_space<vmem>> -> memref<1x100xi32, #tpu.memory_space<vmem>>
        %dma_start3A_290 = tpu.memref_squeeze %dma_start3A_289 : memref<1x100xi32, #tpu.memory_space<vmem>> -> memref<100xi32, #tpu.memory_space<vmem>>
        %dma_start3A_291 = arith.constant 0 : i32
        %dma_start3A_292 = arith.constant 0 : i32
        %dma_start3A_293 = tpu.memref_slice %arg3[%dma_start3A_291, %dma_start3A_292] : memref<10000x8xf32, #tpu.memory_space<hbm>> -> memref<10000x8xf32, #tpu.memory_space<hbm>>
        tpu.enqueue_indirect_dma source(%dma_start3A_293 : memref<10000x8xf32, #tpu.memory_space<hbm>>) target(%arg17 : memref<100x8xf32, #tpu.memory_space<vmem>>) offsets(%dma_start3A_290 : memref<100xi32, #tpu.memory_space<vmem>>) semaphore(%arg26 : memref<!tpu.dma_semaphore, #tpu.memory_space<semaphore_mem>>)
      } else {
      }
      %mul3A_235 = arith.constant 4 : i32
      %mul3A_236 = arith.muli %mul3A_235, %scan3A_103 : i32
      %add3A_237 = arith.constant 3 : i32
      %add3A_238 = arith.addi %mul3A_236, %add3A_237 : i32
      %dma_wait3A_239 = arith.constant 0 : i32
      %dma_wait3A_240 = arith.constant 0 : i32
      %dma_wait3A_241 = tpu.memref_slice %arg6[%dma_wait3A_239, %dma_wait3A_240] : memref<632x48xf32, #tpu.memory_space<hbm>> -> memref<100x48xf32, #tpu.memory_space<hbm>>
      %dma_wait3A_242 = arith.constant 0 : i32
      %dma_wait3A_243 = arith.constant 0 : i32
      %dma_wait3A_244 = tpu.memref_slice %arg6[%dma_wait3A_242, %dma_wait3A_243] : memref<632x48xf32, #tpu.memory_space<hbm>> -> memref<100x48xf32, #tpu.memory_space<hbm>>
      tpu.wait_dma2 semaphore(%arg27 : memref<!tpu.dma_semaphore, #tpu.memory_space<semaphore_mem>>) src(%dma_wait3A_244 : memref<100x48xf32, #tpu.memory_space<hbm>>) dst(%arg14 : memref<100x48xf32, #tpu.memory_space<vmem>>)
      %dma_wait3A_245 = arith.constant 0 : i32
      %dma_wait3A_246 = arith.constant 0 : i32
      %dma_wait3A_247 = tpu.memref_slice %arg3[%dma_wait3A_245, %dma_wait3A_246] : memref<10000x8xf32, #tpu.memory_space<hbm>> -> memref<100x8xf32, #tpu.memory_space<hbm>>
      %dma_wait3A_248 = arith.constant 0 : i32
      %dma_wait3A_249 = arith.constant 0 : i32
      %dma_wait3A_250 = tpu.memref_slice %arg3[%dma_wait3A_248, %dma_wait3A_249] : memref<10000x8xf32, #tpu.memory_space<hbm>> -> memref<100x8xf32, #tpu.memory_space<hbm>>
      tpu.wait_dma2 semaphore(%arg27 : memref<!tpu.dma_semaphore, #tpu.memory_space<semaphore_mem>>) src(%dma_wait3A_250 : memref<100x8xf32, #tpu.memory_space<hbm>>) dst(%arg18 : memref<100x8xf32, #tpu.memory_space<vmem>>)
      %gt3A_251 = arith.constant 0 : i32
      %gt3A_252 = arith.cmpi sgt, %scan3A_103, %gt3A_251 : i32
      %convert_element_type3A_253 = arith.extui %gt3A_252 : i1 to i32
      %cond3A_254 = arith.constant 0 : i32
      %cond3A_255 = arith.cmpi ne, %convert_element_type3A_253, %cond3A_254 : i32
      scf.if %cond3A_255 {
        %dma_wait3A_280 = arith.constant 0 : i32
        %dma_wait3A_281 = arith.constant 0 : i32
        %dma_wait3A_282 = tpu.memref_slice %arg6[%dma_wait3A_280, %dma_wait3A_281] : memref<632x48xf32, #tpu.memory_space<hbm>> -> memref<100x48xf32, #tpu.memory_space<hbm>>
        %dma_wait3A_283 = arith.constant 0 : i32
        %dma_wait3A_284 = arith.constant 0 : i32
        %dma_wait3A_285 = tpu.memref_slice %arg6[%dma_wait3A_283, %dma_wait3A_284] : memref<632x48xf32, #tpu.memory_space<hbm>> -> memref<100x48xf32, #tpu.memory_space<hbm>>
        tpu.wait_dma2 semaphore(%arg31 : memref<!tpu.dma_semaphore, #tpu.memory_space<semaphore_mem>>) src(%dma_wait3A_285 : memref<100x48xf32, #tpu.memory_space<hbm>>) dst(%arg22 : memref<100x48xf32, #tpu.memory_space<vmem>>)
      } else {
      }
      %iota3A_256 = tpu.iota {dimensions = array<i32: 0>} : vector<16xi32>
      %broadcast_in_dim3A_257 = arith.constant 41 : i32
      %broadcast_in_dim3A_258 = vector.broadcast %broadcast_in_dim3A_257 : i32 to vector<16xi32>
      %broadcast_in_dim3A_259 = arith.constant 0 : i32
      %broadcast_in_dim3A_260 = vector.broadcast %broadcast_in_dim3A_259 : i32 to vector<16xi32>
      %parallel_loop3A_261 = arith.constant 0 : i32
      %parallel_loop3A_262 = arith.constant 7 : i32
      %parallel_loop3A_263 = arith.constant 1 : i32
      scf.for %parallel_loop3A_280 = %parallel_loop3A_261 to %parallel_loop3A_262 step %parallel_loop3A_263  : i32 {
        %parallel_loop3A_281 = arith.constant 16 : i32
        %parallel_loop3A_282 = arith.muli %parallel_loop3A_281, %parallel_loop3A_280 : i32
        %parallel_loop3A_283 = vector.broadcast %parallel_loop3A_282 : i32 to vector<16xi32>
        %parallel_loop3A_284 = arith.addi %parallel_loop3A_283, %iota3A_256 : vector<16xi32>
        %parallel_loop3A_285 = arith.constant 99 : i32
        %parallel_loop3A_286 = vector.broadcast %parallel_loop3A_285 : i32 to vector<16xi32>
        %parallel_loop3A_287 = arith.minsi %parallel_loop3A_284, %parallel_loop3A_286 : vector<16xi32>
        %parallel_loop3A_288 = tpu.vector_load_idx %arg14[%parallel_loop3A_287, %broadcast_in_dim3A_258] : memref<100x48xf32, #tpu.memory_space<vmem>>[vector<16xi32>, vector<16xi32>], vector<16xf32>,
        %parallel_loop3A_289 = tpu.vector_load_idx %arg18[%parallel_loop3A_287, %broadcast_in_dim3A_260] : memref<100x8xf32, #tpu.memory_space<vmem>>[vector<16xi32>, vector<16xi32>], vector<16xf32>,
        %parallel_loop3A_290 = arith.addf %parallel_loop3A_288, %parallel_loop3A_289 : vector<16xf32>
        %parallel_loop3A_291 = arith.constant 0.000000e+00 : f32
        %parallel_loop3A_292 = vector.broadcast %parallel_loop3A_291 : f32 to vector<16xf32>
        %parallel_loop3A_293 = arith.cmpf oge, %parallel_loop3A_290, %parallel_loop3A_292 : vector<16xf32>
        %parallel_loop3A_294 = arith.constant 2.000000e-01 : f32
        %parallel_loop3A_295 = vector.broadcast %parallel_loop3A_294 : f32 to vector<16xf32>
        %parallel_loop3A_296 = arith.mulf %parallel_loop3A_295, %parallel_loop3A_290 : vector<16xf32>
        %parallel_loop3A_297 = arith.select %parallel_loop3A_293, %parallel_loop3A_290, %parallel_loop3A_296 : vector<16xi1>, vector<16xf32>
        %parallel_loop3A_298 = math.exp %parallel_loop3A_297 : vector<16xf32>
        %parallel_loop3A_299 = arith.constant 16 : i32
        %parallel_loop3A_300 = arith.muli %parallel_loop3A_299, %parallel_loop3A_280 : i32
        %parallel_loop3A_301 = arith.index_cast %parallel_loop3A_300 : i32 to index
        %parallel_loop3A_302 = tpu.vector_load %arg23[%parallel_loop3A_301] {strides = array<i32>} : memref<112xf32, #tpu.memory_space<vmem>>, vector<16xf32>,
        tpu.vector_store %arg23[%parallel_loop3A_301], %parallel_loop3A_298 {strides = array<i32>} : memref<112xf32, #tpu.memory_space<vmem>>, vector<16xf32>,
      } {sc.loop_unroll_factor = 1 : i64, sc.parallel_access}
      %parallel_loop3A_264 = arith.constant 0 : i32
      %parallel_loop3A_265 = arith.constant 100 : i32
      %parallel_loop3A_266 = arith.constant 1 : i32
      scf.for %parallel_loop3A_280 = %parallel_loop3A_264 to %parallel_loop3A_265 step %parallel_loop3A_266  : i32 {
        %parallel_loop3A_281 = vector.broadcast %parallel_loop3A_280 : i32 to vector<16xi32>
        %parallel_loop3A_282 = tpu.vector_load_idx %arg23[%parallel_loop3A_281] : memref<112xf32, #tpu.memory_space<vmem>>[vector<16xi32>], vector<16xf32>,
        %parallel_loop3A_283 = arith.index_cast %parallel_loop3A_280 : i32 to index
        %parallel_loop3A_284 = arith.constant 0 : index
        %parallel_loop3A_285 = tpu.vector_load %arg14[%parallel_loop3A_283, %parallel_loop3A_284] {strides = array<i32>} : memref<100x48xf32, #tpu.memory_space<vmem>>, vector<16xf32>,
        %parallel_loop3A_286 = arith.mulf %parallel_loop3A_285, %parallel_loop3A_282 : vector<16xf32>
        %parallel_loop3A_287 = arith.index_cast %parallel_loop3A_280 : i32 to index
        %parallel_loop3A_288 = arith.constant 0 : index
        %parallel_loop3A_289 = tpu.vector_load %arg22[%parallel_loop3A_287, %parallel_loop3A_288] {strides = array<i32>} : memref<100x48xf32, #tpu.memory_space<vmem>>, vector<16xf32>,
        tpu.vector_store %arg22[%parallel_loop3A_287, %parallel_loop3A_288], %parallel_loop3A_286 {strides = array<i32>} : memref<100x48xf32, #tpu.memory_space<vmem>>, vector<16xf32>,
        %parallel_loop3A_290 = arith.index_cast %parallel_loop3A_280 : i32 to index
        %parallel_loop3A_291 = arith.constant 16 : index
        %parallel_loop3A_292 = tpu.vector_load %arg14[%parallel_loop3A_290, %parallel_loop3A_291] {strides = array<i32>} : memref<100x48xf32, #tpu.memory_space<vmem>>, vector<16xf32>,
        %parallel_loop3A_293 = arith.mulf %parallel_loop3A_292, %parallel_loop3A_282 : vector<16xf32>
        %parallel_loop3A_294 = arith.index_cast %parallel_loop3A_280 : i32 to index
        %parallel_loop3A_295 = arith.constant 16 : index
        %parallel_loop3A_296 = tpu.vector_load %arg22[%parallel_loop3A_294, %parallel_loop3A_295] {strides = array<i32>} : memref<100x48xf32, #tpu.memory_space<vmem>>, vector<16xf32>,
        tpu.vector_store %arg22[%parallel_loop3A_294, %parallel_loop3A_295], %parallel_loop3A_293 {strides = array<i32>} : memref<100x48xf32, #tpu.memory_space<vmem>>, vector<16xf32>,
        %parallel_loop3A_297 = arith.index_cast %parallel_loop3A_280 : i32 to index
        %parallel_loop3A_298 = arith.constant 32 : index
        %parallel_loop3A_299 = tpu.vector_load %arg14[%parallel_loop3A_297, %parallel_loop3A_298] {strides = array<i32>} : memref<100x48xf32, #tpu.memory_space<vmem>>, vector<16xf32>,
        %parallel_loop3A_300 = arith.mulf %parallel_loop3A_299, %parallel_loop3A_282 : vector<16xf32>
        %parallel_loop3A_301 = arith.index_cast %parallel_loop3A_280 : i32 to index
        %parallel_loop3A_302 = arith.constant 32 : index
        %parallel_loop3A_303 = tpu.vector_load %arg22[%parallel_loop3A_301, %parallel_loop3A_302] {strides = array<i32>} : memref<100x48xf32, #tpu.memory_space<vmem>>, vector<16xf32>,
        tpu.vector_store %arg22[%parallel_loop3A_301, %parallel_loop3A_302], %parallel_loop3A_300 {strides = array<i32>} : memref<100x48xf32, #tpu.memory_space<vmem>>, vector<16xf32>,
      } {sc.loop_unroll_factor = 4 : i64, sc.parallel_access}
      %dma_start3A_267 = arith.constant 0 : i32
      %dma_start3A_268 = tpu.memref_slice %arg10[%add3A_238, %dma_start3A_267] : memref<100x100xi32, #tpu.memory_space<vmem>> -> memref<1x100xi32, #tpu.memory_space<vmem>>
      %dma_start3A_269 = tpu.memref_squeeze %dma_start3A_268 : memref<1x100xi32, #tpu.memory_space<vmem>> -> memref<100xi32, #tpu.memory_space<vmem>>
      %dma_start3A_270 = arith.constant 0 : i32
      %dma_start3A_271 = arith.constant 0 : i32
      %dma_start3A_272 = tpu.memref_slice %arg8[%dma_start3A_270, %dma_start3A_271] : memref<10000x48xf32, #tpu.memory_space<vmem_shared>> -> memref<10000x48xf32, #tpu.memory_space<vmem_shared>>
      tpu.enqueue_indirect_dma source(%arg22 : memref<100x48xf32, #tpu.memory_space<vmem>>) target(%dma_start3A_272 : memref<10000x48xf32, #tpu.memory_space<vmem_shared>>) offsets(%dma_start3A_269 : memref<100xi32, #tpu.memory_space<vmem>>) semaphore(%arg31 : memref<!tpu.dma_semaphore, #tpu.memory_space<semaphore_mem>>) {add = true}
      %add3A_273 = arith.constant 4 : i32
      %add3A_274 = arith.addi %add3A_238, %add3A_273 : i32
      %lt3A_275 = arith.constant 100 : i32
      %lt3A_276 = arith.cmpi slt, %add3A_274, %lt3A_275 : i32
      %convert_element_type3A_277 = arith.extui %lt3A_276 : i1 to i32
      %cond3A_278 = arith.constant 0 : i32
      %cond3A_279 = arith.cmpi ne, %convert_element_type3A_277, %cond3A_278 : i32
      scf.if %cond3A_279 {
        %add3A_280 = arith.constant 4 : i32
        %add3A_281 = arith.addi %add3A_238, %add3A_280 : i32
        %dma_start3A_282 = arith.constant 0 : i32
        %dma_start3A_283 = tpu.memref_slice %arg9[%add3A_281, %dma_start3A_282] : memref<100x100xi32, #tpu.memory_space<vmem>> -> memref<1x100xi32, #tpu.memory_space<vmem>>
        %dma_start3A_284 = tpu.memref_squeeze %dma_start3A_283 : memref<1x100xi32, #tpu.memory_space<vmem>> -> memref<100xi32, #tpu.memory_space<vmem>>
        %dma_start3A_285 = arith.constant 0 : i32
        %dma_start3A_286 = arith.constant 0 : i32
        %dma_start3A_287 = tpu.memref_slice %arg2[%dma_start3A_285, %dma_start3A_286] : memref<10000x48xf32, #tpu.memory_space<hbm>> -> memref<10000x48xf32, #tpu.memory_space<hbm>>
        tpu.enqueue_indirect_dma source(%dma_start3A_287 : memref<10000x48xf32, #tpu.memory_space<hbm>>) target(%arg14 : memref<100x48xf32, #tpu.memory_space<vmem>>) offsets(%dma_start3A_284 : memref<100xi32, #tpu.memory_space<vmem>>) semaphore(%arg27 : memref<!tpu.dma_semaphore, #tpu.memory_space<semaphore_mem>>)
        %dma_start3A_288 = arith.constant 0 : i32
        %dma_start3A_289 = tpu.memref_slice %arg10[%add3A_281, %dma_start3A_288] : memref<100x100xi32, #tpu.memory_space<vmem>> -> memref<1x100xi32, #tpu.memory_space<vmem>>
        %dma_start3A_290 = tpu.memref_squeeze %dma_start3A_289 : memref<1x100xi32, #tpu.memory_space<vmem>> -> memref<100xi32, #tpu.memory_space<vmem>>
        %dma_start3A_291 = arith.constant 0 : i32
        %dma_start3A_292 = arith.constant 0 : i32
        %dma_start3A_293 = tpu.memref_slice %arg3[%dma_start3A_291, %dma_start3A_292] : memref<10000x8xf32, #tpu.memory_space<hbm>> -> memref<10000x8xf32, #tpu.memory_space<hbm>>
        tpu.enqueue_indirect_dma source(%dma_start3A_293 : memref<10000x8xf32, #tpu.memory_space<hbm>>) target(%arg18 : memref<100x8xf32, #tpu.memory_space<vmem>>) offsets(%dma_start3A_290 : memref<100xi32, #tpu.memory_space<vmem>>) semaphore(%arg27 : memref<!tpu.dma_semaphore, #tpu.memory_space<semaphore_mem>>)
      } else {
      }
    }
    %scan3A_68 = arith.constant 25 : i32
    %dma_wait3A = arith.constant 0 : i32
    %dma_wait3A_69 = arith.constant 0 : i32
    %dma_wait3A_70 = tpu.memref_slice %arg6[%dma_wait3A, %dma_wait3A_69] : memref<632x48xf32, #tpu.memory_space<hbm>> -> memref<100x48xf32, #tpu.memory_space<hbm>>
    %dma_wait3A_71 = arith.constant 0 : i32
    %dma_wait3A_72 = arith.constant 0 : i32
    %dma_wait3A_73 = tpu.memref_slice %arg6[%dma_wait3A_71, %dma_wait3A_72] : memref<632x48xf32, #tpu.memory_space<hbm>> -> memref<100x48xf32, #tpu.memory_space<hbm>>
    tpu.wait_dma2 semaphore(%arg28 : memref<!tpu.dma_semaphore, #tpu.memory_space<semaphore_mem>>) src(%dma_wait3A_73 : memref<100x48xf32, #tpu.memory_space<hbm>>) dst(%arg19 : memref<100x48xf32, #tpu.memory_space<vmem>>)
    %dma_wait3A_74 = arith.constant 0 : i32
    %dma_wait3A_75 = arith.constant 0 : i32
    %dma_wait3A_76 = tpu.memref_slice %arg6[%dma_wait3A_74, %dma_wait3A_75] : memref<632x48xf32, #tpu.memory_space<hbm>> -> memref<100x48xf32, #tpu.memory_space<hbm>>
    %dma_wait3A_77 = arith.constant 0 : i32
    %dma_wait3A_78 = arith.constant 0 : i32
    %dma_wait3A_79 = tpu.memref_slice %arg6[%dma_wait3A_77, %dma_wait3A_78] : memref<632x48xf32, #tpu.memory_space<hbm>> -> memref<100x48xf32, #tpu.memory_space<hbm>>
    tpu.wait_dma2 semaphore(%arg29 : memref<!tpu.dma_semaphore, #tpu.memory_space<semaphore_mem>>) src(%dma_wait3A_79 : memref<100x48xf32, #tpu.memory_space<hbm>>) dst(%arg20 : memref<100x48xf32, #tpu.memory_space<vmem>>)
    %dma_wait3A_80 = arith.constant 0 : i32
    %dma_wait3A_81 = arith.constant 0 : i32
    %dma_wait3A_82 = tpu.memref_slice %arg6[%dma_wait3A_80, %dma_wait3A_81] : memref<632x48xf32, #tpu.memory_space<hbm>> -> memref<100x48xf32, #tpu.memory_space<hbm>>
    %dma_wait3A_83 = arith.constant 0 : i32
    %dma_wait3A_84 = arith.constant 0 : i32
    %dma_wait3A_85 = tpu.memref_slice %arg6[%dma_wait3A_83, %dma_wait3A_84] : memref<632x48xf32, #tpu.memory_space<hbm>> -> memref<100x48xf32, #tpu.memory_space<hbm>>
    tpu.wait_dma2 semaphore(%arg30 : memref<!tpu.dma_semaphore, #tpu.memory_space<semaphore_mem>>) src(%dma_wait3A_85 : memref<100x48xf32, #tpu.memory_space<hbm>>) dst(%arg21 : memref<100x48xf32, #tpu.memory_space<vmem>>)
    %dma_wait3A_86 = arith.constant 0 : i32
    %dma_wait3A_87 = arith.constant 0 : i32
    %dma_wait3A_88 = tpu.memref_slice %arg6[%dma_wait3A_86, %dma_wait3A_87] : memref<632x48xf32, #tpu.memory_space<hbm>> -> memref<100x48xf32, #tpu.memory_space<hbm>>
    %dma_wait3A_89 = arith.constant 0 : i32
    %dma_wait3A_90 = arith.constant 0 : i32
    %dma_wait3A_91 = tpu.memref_slice %arg6[%dma_wait3A_89, %dma_wait3A_90] : memref<632x48xf32, #tpu.memory_space<hbm>> -> memref<100x48xf32, #tpu.memory_space<hbm>>
    tpu.wait_dma2 semaphore(%arg31 : memref<!tpu.dma_semaphore, #tpu.memory_space<semaphore_mem>>) src(%dma_wait3A_91 : memref<100x48xf32, #tpu.memory_space<hbm>>) dst(%arg22 : memref<100x48xf32, #tpu.memory_space<vmem>>)
    %barrier3A_92 = arith.constant 0 : index
    tpu.barrier barrier_id(%barrier3A_92)
    %lt3A_93 = arith.constant 15 : i32
    %lt3A_94 = arith.cmpi slt, %arg1, %lt3A_93 : i32
    %convert_element_type3A_95 = arith.extui %lt3A_94 : i1 to i32
    %cond3A_96 = arith.constant 0 : i32
    %cond3A_97 = arith.cmpi ne, %convert_element_type3A_95, %cond3A_96 : i32
    scf.if %cond3A_97 {
      "tpu.region"() ({
        %run_scoped3A = tpu.sem_alloc : memref<!tpu.dma_semaphore, #tpu.memory_space<semaphore_mem>>
        %dma_start3A_103 = arith.constant 0 : i32
        %dma_start3A_104 = tpu.memref_slice %arg7[%arg0, %multiple_of3A, %dma_start3A_103] : memref<2x10000x48xf32, #tpu.memory_space<hbm>> -> memref<1x632x48xf32, #tpu.memory_space<hbm>>
        %dma_start3A_105 = tpu.memref_squeeze %dma_start3A_104 : memref<1x632x48xf32, #tpu.memory_space<hbm>> -> memref<632x48xf32, #tpu.memory_space<hbm>>
        %dma_start3A_106 = arith.constant 0 : i32
        %dma_start3A_107 = tpu.memref_slice %arg8[%multiple_of3A, %dma_start3A_106] : memref<10000x48xf32, #tpu.memory_space<vmem_shared>> -> memref<632x48xf32, #tpu.memory_space<vmem_shared>>
        tpu.enqueue_dma source(%dma_start3A_107 : memref<632x48xf32, #tpu.memory_space<vmem_shared>>) target(%dma_start3A_105 : memref<632x48xf32, #tpu.memory_space<hbm>>) target_semaphore(%run_scoped3A : memref<!tpu.dma_semaphore, #tpu.memory_space<semaphore_mem>>)
        %dma_wait3A_108 = arith.constant 0 : i32
        %dma_wait3A_109 = tpu.memref_slice %arg7[%arg0, %multiple_of3A, %dma_wait3A_108] : memref<2x10000x48xf32, #tpu.memory_space<hbm>> -> memref<1x632x48xf32, #tpu.memory_space<hbm>>
        %dma_wait3A_110 = tpu.memref_squeeze %dma_wait3A_109 : memref<1x632x48xf32, #tpu.memory_space<hbm>> -> memref<632x48xf32, #tpu.memory_space<hbm>>
        %dma_wait3A_111 = arith.constant 0 : i32
        %dma_wait3A_112 = tpu.memref_slice %arg8[%multiple_of3A, %dma_wait3A_111] : memref<10000x48xf32, #tpu.memory_space<vmem_shared>> -> memref<632x48xf32, #tpu.memory_space<vmem_shared>>
        tpu.wait_dma2 semaphore(%run_scoped3A : memref<!tpu.dma_semaphore, #tpu.memory_space<semaphore_mem>>) src(%dma_wait3A_112 : memref<632x48xf32, #tpu.memory_space<vmem_shared>>) dst(%dma_wait3A_110 : memref<632x48xf32, #tpu.memory_space<hbm>>)
        tpu.yield
      }) : () -> ()
    } else {
    }
    %eq3A_98 = arith.constant 15 : i32
    %eq3A_99 = arith.cmpi eq, %arg1, %eq3A_98 : i32
    %convert_element_type3A_100 = arith.extui %eq3A_99 : i1 to i32
    %cond3A_101 = arith.constant 0 : i32
    %cond3A_102 = arith.cmpi ne, %convert_element_type3A_100, %cond3A_101 : i32
    scf.if %cond3A_102 {
      "tpu.region"() ({
        %run_scoped3A = tpu.sem_alloc : memref<!tpu.dma_semaphore, #tpu.memory_space<semaphore_mem>>
        %dma_start3A_103 = arith.constant 0 : i32
        %dma_start3A_104 = tpu.memref_slice %arg7[%arg0, %multiple_of3A, %dma_start3A_103] : memref<2x10000x48xf32, #tpu.memory_space<hbm>> -> memref<1x520x48xf32, #tpu.memory_space<hbm>>
        %dma_start3A_105 = tpu.memref_squeeze %dma_start3A_104 : memref<1x520x48xf32, #tpu.memory_space<hbm>> -> memref<520x48xf32, #tpu.memory_space<hbm>>
        %dma_start3A_106 = arith.constant 0 : i32
        %dma_start3A_107 = tpu.memref_slice %arg8[%multiple_of3A, %dma_start3A_106] : memref<10000x48xf32, #tpu.memory_space<vmem_shared>> -> memref<520x48xf32, #tpu.memory_space<vmem_shared>>
        tpu.enqueue_dma source(%dma_start3A_107 : memref<520x48xf32, #tpu.memory_space<vmem_shared>>) target(%dma_start3A_105 : memref<520x48xf32, #tpu.memory_space<hbm>>) target_semaphore(%run_scoped3A : memref<!tpu.dma_semaphore, #tpu.memory_space<semaphore_mem>>)
        %dma_wait3A_108 = arith.constant 0 : i32
        %dma_wait3A_109 = tpu.memref_slice %arg7[%arg0, %multiple_of3A, %dma_wait3A_108] : memref<2x10000x48xf32, #tpu.memory_space<hbm>> -> memref<1x520x48xf32, #tpu.memory_space<hbm>>
        %dma_wait3A_110 = tpu.memref_squeeze %dma_wait3A_109 : memref<1x520x48xf32, #tpu.memory_space<hbm>> -> memref<520x48xf32, #tpu.memory_space<hbm>>
        %dma_wait3A_111 = arith.constant 0 : i32
        %dma_wait3A_112 = tpu.memref_slice %arg8[%multiple_of3A, %dma_wait3A_111] : memref<10000x48xf32, #tpu.memory_space<vmem_shared>> -> memref<520x48xf32, #tpu.memory_space<vmem_shared>>
        tpu.wait_dma2 semaphore(%run_scoped3A : memref<!tpu.dma_semaphore, #tpu.memory_space<semaphore_mem>>) src(%dma_wait3A_112 : memref<520x48xf32, #tpu.memory_space<vmem_shared>>) dst(%dma_wait3A_110 : memref<520x48xf32, #tpu.memory_space<hbm>>)
        tpu.yield
      }) : () -> ()
    } else {
    }
    return
  }
}

module attributes {stable_mosaic.version = 14 : i64} {
  func.func @_l1_dense_body(%arg0: i32, %arg1: memref<1000x128xf32, #tpu.memory_space<vmem>>, %arg2: memref<128x64xf32, #tpu.memory_space<vmem>>, %arg3: memref<64x8xf32, #tpu.memory_space<vmem>>, %arg4: memref<64x8xf32, #tpu.memory_space<vmem>>, %arg5: memref<1000x72xf32, #tpu.memory_space<vmem>>, %arg6: memref<1000x8xf32, #tpu.memory_space<vmem>>) attributes {dimension_semantics = [#tpu.dimension_semantics<arbitrary>], iteration_bounds = array<i64: 10>, scalar_prefetch = 0 : i64, scratch_operands = 0 : i64, tpu.core_type = #tpu.core_type<tc>, window_params = [{transform_indices = @transform_0, window_bounds = array<i64: 1000, 128>}, {pipeline_mode = #tpu.pipeline_mode<synchronous>, transform_indices = @transform_1, window_bounds = array<i64: 128, 64>}, {pipeline_mode = #tpu.pipeline_mode<synchronous>, transform_indices = @transform_2, window_bounds = array<i64: 64, 8>}, {pipeline_mode = #tpu.pipeline_mode<synchronous>, transform_indices = @transform_3, window_bounds = array<i64: 64, 8>}, {transform_indices = @transform_4, window_bounds = array<i64: 1000, 72>}, {transform_indices = @transform_5, window_bounds = array<i64: 1000, 8>}]} {
    %get3A = arith.constant 0 : index
    %get3A_0 = arith.constant 0 : index
    %get3A_1 = vector.load %arg1[%get3A, %get3A_0] : memref<1000x128xf32, #tpu.memory_space<vmem>>, vector<1000x128xf32>
    %get3A_2 = arith.constant 0 : index
    %get3A_3 = arith.constant 0 : index
    %get3A_4 = vector.load %arg2[%get3A_2, %get3A_3] : memref<128x64xf32, #tpu.memory_space<vmem>>, vector<128x64xf32>
    %dot_general3A = arith.constant dense<0.000000e+00> : vector<1000x64xf32>
    %dot_general3A_5 = tpu.matmul %get3A_1, %get3A_4, %dot_general3A {dimension_numbers = #tpu.dot_dimension_numbers<[1], [0], [0], [1], [0, 0, 1, 1], [], []>, transpose_lhs_hint = false} : vector<1000x128xf32>, vector<128x64xf32>, vector<1000x64xf32> -> vector<1000x64xf32>
    %get3A_6 = arith.constant 0 : index
    %get3A_7 = arith.constant 0 : index
    %get3A_8 = vector.load %arg3[%get3A_6, %get3A_7] : memref<64x8xf32, #tpu.memory_space<vmem>>, vector<64x8xf32>
    %dot_general3A_9 = arith.constant dense<0.000000e+00> : vector<1000x8xf32>
    %dot_general3A_10 = tpu.matmul %dot_general3A_5, %get3A_8, %dot_general3A_9 {dimension_numbers = #tpu.dot_dimension_numbers<[1], [0], [0], [1], [0, 0, 1, 1], [], []>, transpose_lhs_hint = false} : vector<1000x64xf32>, vector<64x8xf32>, vector<1000x8xf32> -> vector<1000x8xf32>
    %concatenate3A = tpu.concatenate %dot_general3A_5, %dot_general3A_10 in 1 : vector<1000x64xf32>, vector<1000x8xf32> -> vector<1000x72xf32>
    %swap3A = arith.constant 0 : index
    %swap3A_11 = arith.constant 0 : index
    %swap3A_12 = vector.load %arg5[%swap3A, %swap3A_11] : memref<1000x72xf32, #tpu.memory_space<vmem>>, vector<1000x72xf32>
    tpu.vector_store %arg5[%swap3A, %swap3A_11], %concatenate3A {strides = array<i32>} : memref<1000x72xf32, #tpu.memory_space<vmem>>, vector<1000x72xf32>,
    %get3A_13 = arith.constant 0 : index
    %get3A_14 = arith.constant 0 : index
    %get3A_15 = vector.load %arg4[%get3A_13, %get3A_14] : memref<64x8xf32, #tpu.memory_space<vmem>>, vector<64x8xf32>
    %dot_general3A_16 = arith.constant dense<0.000000e+00> : vector<1000x8xf32>
    %dot_general3A_17 = tpu.matmul %dot_general3A_5, %get3A_15, %dot_general3A_16 {dimension_numbers = #tpu.dot_dimension_numbers<[1], [0], [0], [1], [0, 0, 1, 1], [], []>, transpose_lhs_hint = false} : vector<1000x64xf32>, vector<64x8xf32>, vector<1000x8xf32> -> vector<1000x8xf32>
    %swap3A_18 = arith.constant 0 : index
    %swap3A_19 = arith.constant 0 : index
    %swap3A_20 = vector.load %arg6[%swap3A_18, %swap3A_19] : memref<1000x8xf32, #tpu.memory_space<vmem>>, vector<1000x8xf32>
    tpu.vector_store %arg6[%swap3A_18, %swap3A_19], %dot_general3A_17 {strides = array<i32>} : memref<1000x8xf32, #tpu.memory_space<vmem>>, vector<1000x8xf32>,
    return
  }
  func.func @transform_0(%arg0: i32) -> (i32, i32) {
    %c0_i32 = arith.constant 0 : i32
    %c0_i32_0 = arith.constant 0 : i32
    return %arg0, %c0_i32 : i32, i32
  }
  func.func @transform_1(%arg0: i32) -> (i32, i32) {
    %c0_i32 = arith.constant 0 : i32
    %c0_i32_0 = arith.constant 0 : i32
    %c0_i32_1 = arith.constant 0 : i32
    return %c0_i32, %c0_i32_0 : i32, i32
  }
  func.func @transform_2(%arg0: i32) -> (i32, i32) {
    %c0_i32 = arith.constant 0 : i32
    %c0_i32_0 = arith.constant 0 : i32
    %c0_i32_1 = arith.constant 0 : i32
    return %c0_i32, %c0_i32_0 : i32, i32
  }
  func.func @transform_3(%arg0: i32) -> (i32, i32) {
    %c0_i32 = arith.constant 0 : i32
    %c0_i32_0 = arith.constant 0 : i32
    %c0_i32_1 = arith.constant 0 : i32
    return %c0_i32, %c0_i32_0 : i32, i32
  }
  func.func @transform_4(%arg0: i32) -> (i32, i32) {
    %c0_i32 = arith.constant 0 : i32
    %c0_i32_0 = arith.constant 0 : i32
    return %arg0, %c0_i32 : i32, i32
  }
  func.func @transform_5(%arg0: i32) -> (i32, i32) {
    %c0_i32 = arith.constant 0 : i32
    %c0_i32_0 = arith.constant 0 : i32
    return %arg0, %c0_i32 : i32, i32
  }
}

module attributes {stable_mosaic.version = 14 : i64} {
  func.func @_mid_dense_body(%arg0: i32, %arg1: memref<2x1000x72xf32, #tpu.memory_space<vmem>>, %arg2: memref<1x64xf32, #tpu.memory_space<vmem>>, %arg3: memref<64x40xf32, #tpu.memory_space<vmem>>, %arg4: memref<1x40xf32, #tpu.memory_space<vmem>>, %arg5: memref<1x40xf32, #tpu.memory_space<vmem>>, %arg6: memref<1000x48xf32, #tpu.memory_space<vmem>>, %arg7: memref<1000x8xf32, #tpu.memory_space<vmem>>) attributes {dimension_semantics = [#tpu.dimension_semantics<arbitrary>], iteration_bounds = array<i64: 10>, scalar_prefetch = 0 : i64, scratch_operands = 0 : i64, tpu.core_type = #tpu.core_type<tc>, window_params = [{transform_indices = @transform_0, window_bounds = array<i64: 2, 1000, 72>}, {pipeline_mode = #tpu.pipeline_mode<synchronous>, transform_indices = @transform_1, window_bounds = array<i64: 1, 64>}, {pipeline_mode = #tpu.pipeline_mode<synchronous>, transform_indices = @transform_2, window_bounds = array<i64: 64, 40>}, {pipeline_mode = #tpu.pipeline_mode<synchronous>, transform_indices = @transform_3, window_bounds = array<i64: 1, 40>}, {pipeline_mode = #tpu.pipeline_mode<synchronous>, transform_indices = @transform_4, window_bounds = array<i64: 1, 40>}, {transform_indices = @transform_5, window_bounds = array<i64: 1000, 48>}, {transform_indices = @transform_6, window_bounds = array<i64: 1000, 8>}]} {
    %get3A = arith.constant 0 : index
    %get3A_0 = arith.constant 0 : index
    %get3A_1 = arith.constant 0 : index
    %get3A_2 = vector.load %arg1[%get3A, %get3A_0, %get3A_1] : memref<2x1000x72xf32, #tpu.memory_space<vmem>>, vector<1x1000x72xf32>
    %get3A_3 = vector.shape_cast %get3A_2 : vector<1x1000x72xf32> to vector<1000x72xf32>
    %get3A_4 = arith.constant 1 : index
    %get3A_5 = arith.constant 0 : index
    %get3A_6 = arith.constant 0 : index
    %get3A_7 = vector.load %arg1[%get3A_4, %get3A_5, %get3A_6] : memref<2x1000x72xf32, #tpu.memory_space<vmem>>, vector<1x1000x72xf32>
    %get3A_8 = vector.shape_cast %get3A_7 : vector<1x1000x72xf32> to vector<1000x72xf32>
    %add3A = arith.addf %get3A_3, %get3A_8 : vector<1000x72xf32>
    %slice3A = vector.extract_strided_slice %add3A {offsets = [0, 64], sizes = [1000, 8], strides = [1, 1]} : vector<1000x72xf32> to vector<1000x8xf32>
    %add3A_9 = arith.constant 1.000000e-16 : f32
    %add3A_10 = vector.broadcast %add3A_9 : f32 to vector<1000x8xf32>
    %add3A_11 = arith.addf %slice3A, %add3A_10 : vector<1000x8xf32>
    %slice3A_12 = vector.extract_strided_slice %add3A {offsets = [0, 0], sizes = [1000, 8], strides = [1, 1]} : vector<1000x72xf32> to vector<1000x8xf32>
    %slice3A_13 = vector.extract_strided_slice %add3A_11 {offsets = [0, 0], sizes = [1000, 1], strides = [1, 1]} : vector<1000x8xf32> to vector<1000x1xf32>
    %div3A = vector.broadcast %slice3A_13 : vector<1000x1xf32> to vector<1000x8xf32>
    %div3A_14 = arith.divf %slice3A_12, %div3A : vector<1000x8xf32>
    %slice3A_15 = vector.extract_strided_slice %add3A {offsets = [0, 8], sizes = [1000, 8], strides = [1, 1]} : vector<1000x72xf32> to vector<1000x8xf32>
    %slice3A_16 = vector.extract_strided_slice %add3A_11 {offsets = [0, 1], sizes = [1000, 1], strides = [1, 1]} : vector<1000x8xf32> to vector<1000x1xf32>
    %div3A_17 = vector.broadcast %slice3A_16 : vector<1000x1xf32> to vector<1000x8xf32>
    %div3A_18 = arith.divf %slice3A_15, %div3A_17 : vector<1000x8xf32>
    %slice3A_19 = vector.extract_strided_slice %add3A {offsets = [0, 16], sizes = [1000, 8], strides = [1, 1]} : vector<1000x72xf32> to vector<1000x8xf32>
    %slice3A_20 = vector.extract_strided_slice %add3A_11 {offsets = [0, 2], sizes = [1000, 1], strides = [1, 1]} : vector<1000x8xf32> to vector<1000x1xf32>
    %div3A_21 = vector.broadcast %slice3A_20 : vector<1000x1xf32> to vector<1000x8xf32>
    %div3A_22 = arith.divf %slice3A_19, %div3A_21 : vector<1000x8xf32>
    %slice3A_23 = vector.extract_strided_slice %add3A {offsets = [0, 24], sizes = [1000, 8], strides = [1, 1]} : vector<1000x72xf32> to vector<1000x8xf32>
    %slice3A_24 = vector.extract_strided_slice %add3A_11 {offsets = [0, 3], sizes = [1000, 1], strides = [1, 1]} : vector<1000x8xf32> to vector<1000x1xf32>
    %div3A_25 = vector.broadcast %slice3A_24 : vector<1000x1xf32> to vector<1000x8xf32>
    %div3A_26 = arith.divf %slice3A_23, %div3A_25 : vector<1000x8xf32>
    %slice3A_27 = vector.extract_strided_slice %add3A {offsets = [0, 32], sizes = [1000, 8], strides = [1, 1]} : vector<1000x72xf32> to vector<1000x8xf32>
    %slice3A_28 = vector.extract_strided_slice %add3A_11 {offsets = [0, 4], sizes = [1000, 1], strides = [1, 1]} : vector<1000x8xf32> to vector<1000x1xf32>
    %div3A_29 = vector.broadcast %slice3A_28 : vector<1000x1xf32> to vector<1000x8xf32>
    %div3A_30 = arith.divf %slice3A_27, %div3A_29 : vector<1000x8xf32>
    %slice3A_31 = vector.extract_strided_slice %add3A {offsets = [0, 40], sizes = [1000, 8], strides = [1, 1]} : vector<1000x72xf32> to vector<1000x8xf32>
    %slice3A_32 = vector.extract_strided_slice %add3A_11 {offsets = [0, 5], sizes = [1000, 1], strides = [1, 1]} : vector<1000x8xf32> to vector<1000x1xf32>
    %div3A_33 = vector.broadcast %slice3A_32 : vector<1000x1xf32> to vector<1000x8xf32>
    %div3A_34 = arith.divf %slice3A_31, %div3A_33 : vector<1000x8xf32>
    %slice3A_35 = vector.extract_strided_slice %add3A {offsets = [0, 48], sizes = [1000, 8], strides = [1, 1]} : vector<1000x72xf32> to vector<1000x8xf32>
    %slice3A_36 = vector.extract_strided_slice %add3A_11 {offsets = [0, 6], sizes = [1000, 1], strides = [1, 1]} : vector<1000x8xf32> to vector<1000x1xf32>
    %div3A_37 = vector.broadcast %slice3A_36 : vector<1000x1xf32> to vector<1000x8xf32>
    %div3A_38 = arith.divf %slice3A_35, %div3A_37 : vector<1000x8xf32>
    %slice3A_39 = vector.extract_strided_slice %add3A {offsets = [0, 56], sizes = [1000, 8], strides = [1, 1]} : vector<1000x72xf32> to vector<1000x8xf32>
    %slice3A_40 = vector.extract_strided_slice %add3A_11 {offsets = [0, 7], sizes = [1000, 1], strides = [1, 1]} : vector<1000x8xf32> to vector<1000x1xf32>
    %div3A_41 = vector.broadcast %slice3A_40 : vector<1000x1xf32> to vector<1000x8xf32>
    %div3A_42 = arith.divf %slice3A_39, %div3A_41 : vector<1000x8xf32>
    %concatenate3A = tpu.concatenate %div3A_14, %div3A_18, %div3A_22, %div3A_26, %div3A_30, %div3A_34, %div3A_38, %div3A_42 in 1 : vector<1000x8xf32>, vector<1000x8xf32>, vector<1000x8xf32>, vector<1000x8xf32>, vector<1000x8xf32>, vector<1000x8xf32>, vector<1000x8xf32>, vector<1000x8xf32> -> vector<1000x64xf32>
    %get3A_43 = arith.constant 0 : index
    %get3A_44 = arith.constant 0 : index
    %get3A_45 = vector.load %arg2[%get3A_43, %get3A_44] : memref<1x64xf32, #tpu.memory_space<vmem>>, vector<1x64xf32>
    %add3A_46 = vector.broadcast %get3A_45 : vector<1x64xf32> to vector<1000x64xf32>
    %add3A_47 = arith.addf %concatenate3A, %add3A_46 : vector<1000x64xf32>
    %gt3A = arith.constant 0.000000e+00 : f32
    %gt3A_48 = vector.broadcast %gt3A : f32 to vector<1000x64xf32>
    %gt3A_49 = arith.cmpf ogt, %add3A_47, %gt3A_48 : vector<1000x64xf32>
    %exp3A = math.exp %add3A_47 : vector<1000x64xf32>
    %sub3A = arith.constant 1.000000e+00 : f32
    %sub3A_50 = vector.broadcast %sub3A : f32 to vector<1000x64xf32>
    %sub3A_51 = arith.subf %exp3A, %sub3A_50 : vector<1000x64xf32>
    %select_n3A = arith.select %gt3A_49, %add3A_47, %sub3A_51 : vector<1000x64xi1>, vector<1000x64xf32>
    %get3A_52 = arith.constant 0 : index
    %get3A_53 = arith.constant 0 : index
    %get3A_54 = vector.load %arg3[%get3A_52, %get3A_53] : memref<64x40xf32, #tpu.memory_space<vmem>>, vector<64x40xf32>
    %dot_general3A = arith.constant dense<0.000000e+00> : vector<1000x40xf32>
    %dot_general3A_55 = tpu.matmul %select_n3A, %get3A_54, %dot_general3A {dimension_numbers = #tpu.dot_dimension_numbers<[1], [0], [0], [1], [0, 0, 1, 1], [], []>, transpose_lhs_hint = false} : vector<1000x64xf32>, vector<64x40xf32>, vector<1000x40xf32> -> vector<1000x40xf32>
    %get3A_56 = arith.constant 0 : index
    %get3A_57 = arith.constant 0 : index
    %get3A_58 = vector.load %arg4[%get3A_56, %get3A_57] : memref<1x40xf32, #tpu.memory_space<vmem>>, vector<1x40xf32>
    %mul3A = vector.broadcast %get3A_58 : vector<1x40xf32> to vector<1000x40xf32>
    %mul3A_59 = arith.mulf %dot_general3A_55, %mul3A : vector<1000x40xf32>
    %reduce_sum3A = arith.constant dense<0.000000e+00> : vector<1000xf32>
    %reduce_sum3A_60 = vector.multi_reduction <add>, %mul3A_59, %reduce_sum3A [1] : vector<1000x40xf32> to vector<1000xf32>
    %broadcast_in_dim3A = vector.shape_cast %reduce_sum3A_60 : vector<1000xf32> to vector<1000x1xf32>
    %get3A_61 = arith.constant 0 : index
    %get3A_62 = arith.constant 0 : index
    %get3A_63 = vector.load %arg5[%get3A_61, %get3A_62] : memref<1x40xf32, #tpu.memory_space<vmem>>, vector<1x40xf32>
    %mul3A_64 = vector.broadcast %get3A_63 : vector<1x40xf32> to vector<1000x40xf32>
    %mul3A_65 = arith.mulf %dot_general3A_55, %mul3A_64 : vector<1000x40xf32>
    %reduce_sum3A_66 = arith.constant dense<0.000000e+00> : vector<1000xf32>
    %reduce_sum3A_67 = vector.multi_reduction <add>, %mul3A_65, %reduce_sum3A_66 [1] : vector<1000x40xf32> to vector<1000xf32>
    %broadcast_in_dim3A_68 = vector.shape_cast %reduce_sum3A_67 : vector<1000xf32> to vector<1000x1xf32>
    %broadcast_in_dim3A_69 = arith.constant 1.000000e+00 : f32
    %broadcast_in_dim3A_70 = vector.broadcast %broadcast_in_dim3A_69 : f32 to vector<1000x1xf32>
    %broadcast_in_dim3A_71 = arith.constant 0.000000e+00 : f32
    %broadcast_in_dim3A_72 = vector.broadcast %broadcast_in_dim3A_71 : f32 to vector<1000x6xf32>
    %concatenate3A_73 = tpu.concatenate %dot_general3A_55, %broadcast_in_dim3A_70, %broadcast_in_dim3A, %broadcast_in_dim3A_72 in 1 : vector<1000x40xf32>, vector<1000x1xf32>, vector<1000x1xf32>, vector<1000x6xf32> -> vector<1000x48xf32>
    %swap3A = arith.constant 0 : index
    %swap3A_74 = arith.constant 0 : index
    %swap3A_75 = vector.load %arg6[%swap3A, %swap3A_74] : memref<1000x48xf32, #tpu.memory_space<vmem>>, vector<1000x48xf32>
    tpu.vector_store %arg6[%swap3A, %swap3A_74], %concatenate3A_73 {strides = array<i32>} : memref<1000x48xf32, #tpu.memory_space<vmem>>, vector<1000x48xf32>,
    %broadcast_in_dim3A_76 = vector.shape_cast %broadcast_in_dim3A_68 : vector<1000x1xf32> to vector<1000x1xf32>
    %broadcast_in_dim3A_77 = vector.broadcast %broadcast_in_dim3A_76 : vector<1000x1xf32> to vector<1000x8xf32>
    %swap3A_78 = arith.constant 0 : index
    %swap3A_79 = arith.constant 0 : index
    %swap3A_80 = vector.load %arg7[%swap3A_78, %swap3A_79] : memref<1000x8xf32, #tpu.memory_space<vmem>>, vector<1000x8xf32>
    tpu.vector_store %arg7[%swap3A_78, %swap3A_79], %broadcast_in_dim3A_77 {strides = array<i32>} : memref<1000x8xf32, #tpu.memory_space<vmem>>, vector<1000x8xf32>,
    return
  }
  func.func @transform_0(%arg0: i32) -> (i32, i32, i32) {
    %c0_i32 = arith.constant 0 : i32
    %c0_i32_0 = arith.constant 0 : i32
    %c0_i32_1 = arith.constant 0 : i32
    return %c0_i32, %arg0, %c0_i32_0 : i32, i32, i32
  }
  func.func @transform_1(%arg0: i32) -> (i32, i32) {
    %c0_i32 = arith.constant 0 : i32
    %c0_i32_0 = arith.constant 0 : i32
    %c0_i32_1 = arith.constant 0 : i32
    return %c0_i32, %c0_i32_0 : i32, i32
  }
  func.func @transform_2(%arg0: i32) -> (i32, i32) {
    %c0_i32 = arith.constant 0 : i32
    %c0_i32_0 = arith.constant 0 : i32
    %c0_i32_1 = arith.constant 0 : i32
    return %c0_i32, %c0_i32_0 : i32, i32
  }
  func.func @transform_3(%arg0: i32) -> (i32, i32) {
    %c0_i32 = arith.constant 0 : i32
    %c0_i32_0 = arith.constant 0 : i32
    %c0_i32_1 = arith.constant 0 : i32
    return %c0_i32, %c0_i32_0 : i32, i32
  }
  func.func @transform_4(%arg0: i32) -> (i32, i32) {
    %c0_i32 = arith.constant 0 : i32
    %c0_i32_0 = arith.constant 0 : i32
    %c0_i32_1 = arith.constant 0 : i32
    return %c0_i32, %c0_i32_0 : i32, i32
  }
  func.func @transform_5(%arg0: i32) -> (i32, i32) {
    %c0_i32 = arith.constant 0 : i32
    %c0_i32_0 = arith.constant 0 : i32
    return %arg0, %c0_i32 : i32, i32
  }
  func.func @transform_6(%arg0: i32) -> (i32, i32) {
    %c0_i32 = arith.constant 0 : i32
    %c0_i32_0 = arith.constant 0 : i32
    return %arg0, %c0_i32 : i32, i32
  }
}

module attributes {stable_mosaic.version = 14 : i64} {
  func.func @_final_body(%arg0: i32, %arg1: memref<2x1000x48xf32, #tpu.memory_space<vmem>>, %arg2: memref<1x40xf32, #tpu.memory_space<vmem>>, %arg3: memref<1000x40xf32, #tpu.memory_space<vmem>>) attributes {dimension_semantics = [#tpu.dimension_semantics<arbitrary>], iteration_bounds = array<i64: 10>, scalar_prefetch = 0 : i64, scratch_operands = 0 : i64, tpu.core_type = #tpu.core_type<tc>, window_params = [{transform_indices = @transform_0, window_bounds = array<i64: 2, 1000, 48>}, {pipeline_mode = #tpu.pipeline_mode<synchronous>, transform_indices = @transform_1, window_bounds = array<i64: 1, 40>}, {transform_indices = @transform_2, window_bounds = array<i64: 1000, 40>}]} {
    %get3A = arith.constant 0 : index
    %get3A_0 = arith.constant 0 : index
    %get3A_1 = arith.constant 0 : index
    %get3A_2 = vector.load %arg1[%get3A, %get3A_0, %get3A_1] : memref<2x1000x48xf32, #tpu.memory_space<vmem>>, vector<1x1000x48xf32>
    %get3A_3 = vector.shape_cast %get3A_2 : vector<1x1000x48xf32> to vector<1000x48xf32>
    %get3A_4 = arith.constant 1 : index
    %get3A_5 = arith.constant 0 : index
    %get3A_6 = arith.constant 0 : index
    %get3A_7 = vector.load %arg1[%get3A_4, %get3A_5, %get3A_6] : memref<2x1000x48xf32, #tpu.memory_space<vmem>>, vector<1x1000x48xf32>
    %get3A_8 = vector.shape_cast %get3A_7 : vector<1x1000x48xf32> to vector<1000x48xf32>
    %add3A = arith.addf %get3A_3, %get3A_8 : vector<1000x48xf32>
    %slice3A = vector.extract_strided_slice %add3A {offsets = [0, 0], sizes = [1000, 40], strides = [1, 1]} : vector<1000x48xf32> to vector<1000x40xf32>
    %slice3A_9 = vector.extract_strided_slice %add3A {offsets = [0, 40], sizes = [1000, 1], strides = [1, 1]} : vector<1000x48xf32> to vector<1000x1xf32>
    %add3A_10 = arith.constant 1.000000e-16 : f32
    %add3A_11 = vector.broadcast %add3A_10 : f32 to vector<1000x1xf32>
    %add3A_12 = arith.addf %slice3A_9, %add3A_11 : vector<1000x1xf32>
    %div3A = vector.broadcast %add3A_12 : vector<1000x1xf32> to vector<1000x40xf32>
    %div3A_13 = arith.divf %slice3A, %div3A : vector<1000x40xf32>
    %get3A_14 = arith.constant 0 : index
    %get3A_15 = arith.constant 0 : index
    %get3A_16 = vector.load %arg2[%get3A_14, %get3A_15] : memref<1x40xf32, #tpu.memory_space<vmem>>, vector<1x40xf32>
    %add3A_17 = vector.broadcast %get3A_16 : vector<1x40xf32> to vector<1000x40xf32>
    %add3A_18 = arith.addf %div3A_13, %add3A_17 : vector<1000x40xf32>
    %reduce_max3A = arith.constant dense<0xFF800000> : vector<1000xf32>
    %reduce_max3A_19 = vector.multi_reduction <maximumf>, %add3A_18, %reduce_max3A [1] : vector<1000x40xf32> to vector<1000xf32>
    %broadcast_in_dim3A = vector.shape_cast %reduce_max3A_19 : vector<1000xf32> to vector<1000x1xf32>
    %sub3A = vector.broadcast %broadcast_in_dim3A : vector<1000x1xf32> to vector<1000x40xf32>
    %sub3A_20 = arith.subf %add3A_18, %sub3A : vector<1000x40xf32>
    %exp3A = math.exp %sub3A_20 : vector<1000x40xf32>
    %reduce_sum3A = arith.constant dense<0.000000e+00> : vector<1000xf32>
    %reduce_sum3A_21 = vector.multi_reduction <add>, %exp3A, %reduce_sum3A [1] : vector<1000x40xf32> to vector<1000xf32>
    %broadcast_in_dim3A_22 = vector.shape_cast %reduce_sum3A_21 : vector<1000xf32> to vector<1000x1xf32>
    %log3A = math.log %broadcast_in_dim3A_22 : vector<1000x1xf32>
    %sub3A_23 = vector.broadcast %log3A : vector<1000x1xf32> to vector<1000x40xf32>
    %sub3A_24 = arith.subf %sub3A_20, %sub3A_23 : vector<1000x40xf32>
    %swap3A = arith.constant 0 : index
    %swap3A_25 = arith.constant 0 : index
    %swap3A_26 = vector.load %arg3[%swap3A, %swap3A_25] : memref<1000x40xf32, #tpu.memory_space<vmem>>, vector<1000x40xf32>
    tpu.vector_store %arg3[%swap3A, %swap3A_25], %sub3A_24 {strides = array<i32>} : memref<1000x40xf32, #tpu.memory_space<vmem>>, vector<1000x40xf32>,
    return
  }
  func.func @transform_0(%arg0: i32) -> (i32, i32, i32) {
    %c0_i32 = arith.constant 0 : i32
    %c0_i32_0 = arith.constant 0 : i32
    %c0_i32_1 = arith.constant 0 : i32
    return %c0_i32, %arg0, %c0_i32_0 : i32, i32, i32
  }
  func.func @transform_1(%arg0: i32) -> (i32, i32) {
    %c0_i32 = arith.constant 0 : i32
    %c0_i32_0 = arith.constant 0 : i32
    %c0_i32_1 = arith.constant 0 : i32
    return %c0_i32, %c0_i32_0 : i32, i32
  }
  func.func @transform_2(%arg0: i32) -> (i32, i32) {
    %c0_i32 = arith.constant 0 : i32
    %c0_i32_0 = arith.constant 0 : i32
    return %arg0, %c0_i32 : i32, i32
  }
}

</mosaic_0001>

<sc_bundles>
// kernel: kernel.10.cloned.1.call-start
scs
__scs_entry_jumppad:
0x0: {  	(pc) =	sbr.rel $0x88, $3  }
0x1: {  	(tag) =	ssettag $0x0;
	lr =	simm.s32 $0x1  }
0x2: {  	[smem:$0x3F97] =	sst lr;
	_ =	strace $0xD0000000  }
0x3: {  	_ = 	snop  }
0x4: {  	_ = 	snop  }
0x5: {  	_ = 	snop  }
0x6: {  	_ = 	snop  }
0x7: {  	_ = 	snop  }
__scs_overlays_trampoline_lowered:
0x8: {  	[smem:$0x3FA6] =	sst s0  }
0x9: {  	[smem:$0x3FA7] =	sst s1  }
0xa: {  	[smem:$0x3FA8] =	sst s2  }
0xb: {  	[smem:$0x3FA9] =	sst s3  }
0xc: {  	[smem:$0x3FAA] =	sst s4  }
0xd: {  	[smem:$0x3FAB] =	sst s5  }
0xe: {  	[smem:$0x3FAC] =	sst s6  }
0xf: {  	[smem:$0x3FAD] =	sst s7  }
0x10: {  	[smem:$0x3FAE] =	sst s8  }
0x11: {  	[smem:$0x3FAF] =	sst s9;
	s0 =	simm.s32 @!p0 $0x0  }
0x12: {  	s1 =	sld [smem:$0x3F95];
	s0 =	simm.s32 @p0 $0x1  }
0x13: {  	[smem:$0x3FB0] =	sst s0;
	s0 =	simm.s32 @!p1 $0x0  }
0x14: {  	s2 =	sld [smem:$0x3F94];
	s0 =	simm.s32 @p1 $0x1  }
0x15: {  	[smem:$0x3FB1] =	sst s0;
	s0 =	simm.s32 @!p2 $0x0  }
0x16: {  	s3 =	sld [smem:$0x3FDB];
	s0 =	simm.s32 @p2 $0x1  }
0x17: {  	s4 =	simm.s32 $0x1BF5;
	[smem:$0x3FB3] =	sst s0  }
0x18: {  	s0 =	sld [smem:$0x3F96];
	_ =	swait.ge [sflag:s4], $0x0  }
0x19: {  	s7 =	sld [smem:$0x3F97]  }
0x1a: {  	s8 =	sadd.s32 $0xFFFFE003, lr  }
0x1b: {  	s9 =	sadd.s32 $0xFFFFFEF7, lr;
	s5 =	simm.s32 $0xFFFFFFFF;
	p2 =	slt.u32 s8, $0xFFFFF086  }
0x1c: {  	p1 =	slt.u32 s9, $0xF7A;
	s5 =	simm.s32 @!p2 $0x0  }
0x1d: {  	s5 =	simm.s32 @p1 $0x1;
	p0 =	seq.s32 s7, s2  }
0x1e: {  	s7 =	smul.u32 @!p0 $0xF7A, s2;
	p2 =	seq.s32 @!p0 s5, $0x0  }
0x1f: {  	s9 =	smul.u32 $0xF7A, s1;
	s8 =	simm.s32 @!p0 $0x1BF5;
	p2 =	por !p2, p0  }
0x20: {  	[sflag:s8] =	ssyncset.s32 @!p0 $0xFFFFF086;
	s6 =	sadd.s32 @!p0 s3, s7;
	s7 =	simm.s32 @!p0 $0x108  }
0x21: {  	s3 =	sadd.s32 s3, s9;
	s6 =	sadd.s32 @!p0 $0x88, s6;
	s7 =	simm.s32 @p2 $0x1082  }
0x22: {  	[simem:s7], [sflag:s8] =	dma.local @!p0 [hbm:s6], $0xF7A  }
0x23: {  	s9 =	sor.u32 $0xD0000000, s2;
	s6 =	simm.s32 $0x108;
	_ =	swait.ge @!p0 [sflag:s8], $0x0  }
0x24: {  	s3 =	sadd.s32 $0x88, s3;
	s6 =	simm.s32 @!p1 $0x1082;
	[sflag:s4] =	ssyncset.s32 $0xFFFFF086  }
0x25: {  	[simem:s6], [sflag:s4] =	dma.local [hbm:s3], $0xF7A  }
0x26: {  	[smem:$0x3F97] =	sst s1;
	(tag) =	ssettag s2;
	_ =	strace s9  }
0x27: {  	s1 =	sld [smem:$0x3FA7]  }
0x28: {  	s2 =	sld [smem:$0x3FA8]  }
0x29: {  	s4 =	sld [smem:$0x3FAA]  }
0x2a: {  	p0 =	seq.s32 s5, $0x0;
	s5 =	sld [smem:$0x3FAB]  }
0x2b: {  	s6 =	sld [smem:$0x3FAC]  }
0x2c: {  	s7 =	sld [smem:$0x3FAD]  }
0x2d: {  	s3 =	simm.s32 $0x108;
	s8 =	sld [smem:$0x3FAE]  }
0x2e: {  	s3 =	simm.s32 @!p0 $0x1082;
	s9 =	sld [smem:$0x3FAF]  }
0x2f: {  	lr =	sadd.s32 s0, s3;
	s0 =	sld [smem:$0x3FA6]  }
0x30: {  	s3 =	sld [smem:$0x3FA9]  }
0x31: {  	[smem:$0x3FB2] =	sst s10  }
0x32: {  	s10 =	sld [smem:$0x3FB0];
	_ =	sdelay $0x3  }
0x33: {  	p0 =	seq.s32 s10, $0x1;
	s10 =	sld [smem:$0x3FB2];
	_ =	sdelay $0x3  }
0x34: {  	[smem:$0x3FB2] =	sst s10  }
0x35: {  	s10 =	sld [smem:$0x3FB1];
	_ =	sdelay $0x3  }
0x36: {  	p1 =	seq.s32 s10, $0x1;
	s10 =	sld [smem:$0x3FB2];
	_ =	sdelay $0x3  }
0x37: {  	[smem:$0x3FB2] =	sst s10  }
0x38: {  	s10 =	sld [smem:$0x3FB3]  }
0x39: {  	_ = 	snop;
	(pc) =	sbr.ind lr, $3  }
0x3a: {  	_ = 	snop  }
0x3b: {  	_ = 	snop  }
0x3c: {  	p2 =	seq.s32 s10, $0x1;
	s10 =	sld [smem:$0x3FB2]  }
0x3d: {  	_ =	shalt  }
0x3e: {  	_ =	shalt  }
0x3f: {  	_ =	shalt  }
0x40: {  	_ =	shalt  }
0x41: {  	_ =	shalt  }
0x42: {  	_ =	shalt  }
0x43: {  	_ =	shalt  }
0x44: {  	_ =	shalt  }
0x45: {  	_ =	shalt  }
0x46: {  	_ =	shalt  }
0x47: {  	_ =	shalt  }
0x48: {  	_ =	shalt  }
0x49: {  	_ =	shalt  }
0x4a: {  	_ =	shalt  }
0x4b: {  	_ =	shalt  }
0x4c: {  	_ =	shalt  }
0x4d: {  	_ =	shalt  }
0x4e: {  	_ =	shalt  }
0x4f: {  	_ =	shalt  }
0x50: {  	_ =	shalt  }
0x51: {  	_ =	shalt  }
0x52: {  	_ =	shalt  }
0x53: {  	_ =	shalt  }
0x54: {  	_ =	shalt  }
0x55: {  	_ =	shalt  }
0x56: {  	_ =	shalt  }
0x57: {  	_ =	shalt  }
0x58: {  	_ =	shalt  }
0x59: {  	_ =	shalt  }
0x5a: {  	_ =	shalt  }
0x5b: {  	_ =	shalt  }
0x5c: {  	_ =	shalt  }
0x5d: {  	_ =	shalt  }
0x5e: {  	_ =	shalt  }
0x5f: {  	_ =	shalt  }
0x60: {  	_ =	shalt  }
0x61: {  	_ =	shalt  }
0x62: {  	_ =	shalt  }
0x63: {  	_ =	shalt  }
0x64: {  	_ =	shalt  }
0x65: {  	_ =	shalt  }
0x66: {  	_ =	shalt  }
0x67: {  	_ =	shalt  }
0x68: {  	_ =	shalt  }
0x69: {  	_ =	shalt  }
0x6a: {  	_ =	shalt  }
0x6b: {  	_ =	shalt  }
0x6c: {  	_ =	shalt  }
0x6d: {  	_ =	shalt  }
0x6e: {  	_ =	shalt  }
0x6f: {  	_ =	shalt  }
0x70: {  	_ =	shalt  }
0x71: {  	_ =	shalt  }
0x72: {  	_ =	shalt  }
0x73: {  	_ =	shalt  }
0x74: {  	_ =	shalt  }
0x75: {  	_ =	shalt  }
0x76: {  	_ =	shalt  }
0x77: {  	_ =	shalt  }
0x78: {  	_ =	shalt  }
0x79: {  	_ =	shalt  }
0x7a: {  	_ =	shalt  }
0x7b: {  	_ =	shalt  }
0x7c: {  	_ =	shalt  }
0x7d: {  	_ =	shalt  }
0x7e: {  	_ =	shalt  }
0x7f: {  	_ =	shalt  }
0x80: {  	_ =	shalt  }
0x81: {  	_ =	shalt  }
0x82: {  	_ =	shalt  }
0x83: {  	_ =	shalt  }
0x84: {  	_ =	shalt  }
0x85: {  	_ =	shalt  }
0x86: {  	_ =	shalt  }
0x87: {  	_ =	shalt  }
.Lfunc_end0:
.L_simem_size_0:
called_computation.1_lowered:
.L_overlay_start_0:
0x88: {  	s2 =	sld [smem:$0x3FD9]  }
0x89: {  	s3 =	sld [smem:$0x3FFE];
	_ =	sdelay $0x1  }
0x8a: {  	s1 =	srdreg.scid  }
0x8b: {  	s0 =	sand.u32 $0x1, s1  }
0x8c: {  	s17 =	sshll.u32 s0, $0xA;
	s2 =	sadd.s32 s3, s2  }
0x8d: {  	s2 =	sadd.s32 s2, s17  }
0x8e: {  	[smem:$0x3FBE] =	sst s2  }
0x8f: {  	_ = 	snop  }
0x90: {  	s2 =	sld [smem:$0x3FD0];
	(tm) =	ssettm $0x1  }
0x91: {  	s18 =	sld [smem:$0x3FFB];
	_ =	sdelay $0x3  }
0x92: {  	_ =	strace s18  }
0x93: {  	s3 =	sld [smem:$0x3FFC];
	_ =	sdelay $0x3  }
0x94: {  	_ =	strace s3  }
0x95: {  	s3 =	sld [smem:$0x3FFD];
	_ =	sdelay $0x3  }
0x96: {  	_ =	strace s3  }
0x97: {  	_ =	strace $0x8FFFFFFF  }
0x98: {  	s19 =	sld [smem:$0x3FDB];
	_ =	sdelay $0x1  }
0x99: {  	s4 =	simm.s32 $_scs_section_size  }
0x9a: {  	s5 =	simm.s32 $_size__tile_overlayer_lowered;
	s6 =	simm.s32 $_tile_overlayer_lowered  }
0x9b: {  	s22 =	simm.s32 $0x1BFF;
	s21 =	sshll.u32 s6, $0x1;
	s3 =	sadd.s32 s4, s19  }
0x9c: {  	s7 =	simm.s32 $0x0;
	s20 =	sshll.u32 s5, $0x1;
	s5 =	sadd.s32 s21, s3  }
0x9d: {  	[timem:s7], [sflag:s22] =	dma.local [hbm:s5], s20  }
0x9e: {  	_ =	swait.ge [sflag:s22], s20  }
0x9f: {  	s4 =	ssub.s32 $0x0, s20;
	[sflag:s22] =	ssyncset.done $0x0  }
0xa0: {  	[sflag:s22] =	ssyncadd.s32 s4;
	_ =	sdelay $0x1  }
0xa1: {  	s23 =	simm.s32 $0x1B8B  }
0xa2: {  	_ =	swait.ge [sflag:s23], $0x1  }
0xa3: {  	[sflag:s23] =	ssyncset.done $0x0  }
0xa4: {  	s25 =	simm.s32 $0x1B8E;
	s24 =	sld [smem:$0x3FFE];
	[sflag:s23] =	ssyncadd.s32 $0xFFFFFFFF  }
0xa5: {  	s26 =	simm.s32 $execute0_lowered;
	[smem:$0x3FD2] =	sst s25  }
0xa6: {  	s5 =	sshll.u32 s26, $0x1;
	_ =	strace $0x80000049;
	[dreg:$0x1] =	wrdreg $0xFFFFFFFF  }
0xa7: {  	s28 =	simm.s32 $_size_execute0_lowered;
	s3 =	sadd.s32 s3, s5;
	[dreg:$0x0] =	wrdreg $0x0  }
0xa8: {  	s5 =	sshll.u32 s28, $0x1;
	[dreg:$0x2] =	wrdreg s3  }
0xa9: {  	[dreg:$0x3] =	wrdreg s5  }
0xaa: {  	[dreg:$0x4] =	wrdreg $0xC0  }
0xab: {  	_ =	task [dreg:s7], $0x5FFFF  }
0xac: {  	[dreg:$0x1] =	wrdreg $0xFFFFFFFF  }
0xad: {  	[dreg:$0x0] =	wrdreg $0x60  }
0xae: {  	[dreg:$0x2] =	wrdreg s24  }
0xaf: {  	[dreg:$0x3] =	wrdreg s2  }
0xb0: {  	[dreg:$0x4] =	wrdreg $0x0  }
0xb1: {  	[dreg:$0x5] =	wrdreg $0x9  }
0xb2: {  	_ =	task.clear_ibuf [dreg:s7], $0x6FFFF;
	_ =	strace $0x90000049  }
0xb3: {  	s29 =	simm.s32 $0x9;
	_ =	strace $0x8000004B  }
0xb4: {  	_ =	swait.ge [sflag:s29], $0x1  }
0xb5: {  	[sflag:s29] =	ssyncadd.s32 $0xFFFFFFFF  }
0xb6: {  	_ =	strace $0x9000004B  }
0xb7: {  	_ =	sfence  }
0xb8: {  	s30 =	sld [smem:$0x0];
	_ =	sdelay $0x2  }
0xb9: {  	s31 =	sshll.u32 s1, $0xD;
	s1 =	sshrl.u32 s1, $0x2  }
0xba: {  	s3 =	sand.u32 $0x4000, s31;
	s1 =	sadd.s32 s1, s30  }
0xbb: {  	s0 =	sor.u32 s3, s0;
	s1 =	sshll.u32 s1, $0x11  }
0xbc: {  	s0 =	sor.u32 s1, s0  }
0xbd: {  	s0 =	sadd.s32 $0x8F2B, s0  }
0xbe: {  	[sflag:s0] =	ssyncadd.remote.s32 $0x1  }
0xbf: {  	_ =	sfence.sel $0xFFFF  }
0xc0: {  	[dreg:$0x0] =	wrdreg $0xFFFFFFFF;
	(pc) =	sbr.abs _section_cstart, $3  }
0xc1: {  	[dreg:$0x1] =	wrdreg $0xFFFFFFFF  }
0xc2: {  	_ =	task.clear_ibuf [dreg:s7], $0x2FFFF;
	_ =	strace $0x9FFFFFFF  }
0xc3: {  	(tm) =	ssettm $0x7FFFFFFF  }
tec
execute0_lowered:
.L_overlay_start_1:
0x0: {  	(tag) =	ssettag $0x1  }
0x1: {  	s0 =	rddreg [dreg:$0x0]  }
0x2: {  	s1 =	srdreg.scid;
	s3 =	rddreg [dreg:$0x1]  }
0x3: {  	s2 =	rddreg [dreg:$0x2];
	s11 =	stileid.u32;
	s5 =	simm.s32 $0x0  }
0x4: {  	s18 =	simm.s32 $0x64;
	s19 =	simm.s32 $0xC670;
	s20 =	simm.s32 $0x11170  }
0x5: {  	s28 =	simm.s32 $0xEBF0;
	s30 =	simm.s32 $0x117B0;
	s29 =	simm.s32 $0x11DF0  }
0x6: {  	s31 =	simm.s32 $0x2;
	s12 =	simm.s32 $0x14370;
	s14 =	simm.s32 $0x4  }
0x7: {  	s17 =	simm.s32 $0x0;
	s1 =	sand.u32 $0x1, s1;
	[smem:$0x7FF] =	sst s5  }
0x8: {  	s5 =	sadd.s32 $0x10000, s0;
	s9 =	smul.u32 $0x1DA00, s11;
	s10 =	sadd.s32 $0x12800, s0  }
0x9: {  	s22 =	smul.u32 $0x7680, s11;
	p0 =	seq.s32 s11, $0xF;
	s4 =	sshll.u32 s1, $0x4  }
0xa: {  	_ =	strace $0x8000004A;
	s8 =	ssub.s32 $0x2, s1;
	[dreg:$0x4] =	wrdreg s10  }
0xb: {  	s1 =	smul.u32 $0x75300, s1;
	s4 =	sor.u32 s11, s4;
	s21 =	sshrl.u32 s8, $0x1  }
0xc: {  	s24 =	sshrl.u32 s9, $0x2;
	s6 =	smul.u32 $0x514, s4;
	s4 =	sadd.s32 $0x1400, s0  }
0xd: {  	s8 =	ssub.s32 s8, s21;
	s25 =	sadd.s32 s22, s1;
	s1 =	sshrl.u32 s1, $0x3  }
0xe: {  	s21 =	simm.s32 $0x11AD0;
	s26 =	smax.u32 s8, $0x1;
	s7 =	sadd.s32 s6, s0  }
0xf: {  	s0 =	sadd.s32 $0x24000, s0;
	s3 =	sadd.s32 s3, s6;
	[dreg:$0x9] =	wrdreg s26  }
0x10: {  	s6 =	sshrl.u32 s25, $0x3;
	s26 =	simm.s32 $0x168F0;
	[dreg:$0x5] =	wrdreg s3  }
0x11: {  	s23 =	sadd.s32 $0x19C00, s7;
	s3 =	sadd.s32 s24, s2;
	s7 =	sadd.s32 $0x6F180, s2  }
0x12: {  	s1 =	sadd.s32 s0, s1;
	s0 =	sadd.s32 s0, s6;
	[dreg:$0x6] =	wrdreg s23  }
0x13: {  	s24 =	simm.s32 $0x11490;
	[dreg:$0x7] =	wrdreg s0;
	s0 =	sadd.s32 s22, s2  }
0x14: {  	s1 =	sadd.s32 $0xDE30, s1;
	s13 =	sshrl.u32 @p0 s7, $0x3;
	s22 =	simm.s32 $0xD930  }
.Ltmp0:
0x15: {  	s23 =	simm.s32 $0x1;
	[dreg:$0x8] =	wrdreg s1;
	(pc) =	sbr.rel .LBB2_1-.Ltmp0, $4  }
0x16: {  	s1 =	sshll.u32 @!p0 s11, $0x6;
	s0 =	sshrl.u32 @!p0 s0, $0x3;
	[dreg:$0xa] =	wrdreg s13  }
0x17: {  	s15 =	sor.u32 @!p0 $0x1C09, s1;
	s1 =	sshrl.u32 @!p0 s3, $0x3;
	[dreg:$0xd] =	wrdreg s0  }
0x18: {  	s7 =	simm.s32 $0x15630;
	s0 =	simm.s32 $0xFEB0;
	[dreg:$0xc] =	wrdreg s1  }
0x19: {  	v0 =	vlaneseq.u32;
	s3 =	simm.s32 $0x3;
	s1 =	simm.s32 $0x130B0;
	[dreg:$0xb] =	wrdreg s15  }
.LBB2_20:
0x1a: {  	s6 =	simm.s32 $0x5  }
0x1b: {  	_ =	swait.ge [sflag:s6], $0x12C0  }
0x1c: {  	[sflag:s6] =	ssyncset.done $0x0  }
0x1d: {  	s13 =	simm.s32 $0x6;
	[sflag:s6] =	ssyncadd.s32 $0xFFFFED40  }
0x1e: {  	_ =	swait.ge [sflag:s13], $0x12C0  }
0x1f: {  	[sflag:s13] =	ssyncset.done $0x0  }
0x20: {  	s15 =	simm.s32 $0x7;
	[sflag:s13] =	ssyncadd.s32 $0xFFFFED40  }
0x21: {  	_ =	swait.ge [sflag:s15], $0x12C0  }
0x22: {  	[sflag:s15] =	ssyncset.done $0x0  }
0x23: {  	s16 =	simm.s32 $0x8;
	[sflag:s15] =	ssyncadd.s32 $0xFFFFED40  }
0x24: {  	_ =	swait.ge [sflag:s16], $0x12C0  }
0x25: {  	[sflag:s16] =	ssyncset.done $0x0  }
0x26: {  	[sflag:s16] =	ssyncadd.s32 $0xFFFFED40  }
0x27: {  	[bflag:$0x0] =	sbarrier.arrive $0xFFFF  }
0x28: {  	s8 =	rddreg [dreg:$0x8]  }
0x29: {  	s6 =	simm.s32 @p0 $0x1FC9;
	s13 =	rddreg [dreg:$0xa]  }
0x2a: {  	[hbm:s8], [sflag:s6] =	dma.local @p0 [spmem:s13], $0xC30  }
0x2b: {  	s6 =	simm.s32 @p0 $0x9  }
0x2c: {  	_ =	swait.ge @p0 [sflag:s6], $0xC30  }
0x2d: {  	s15 =	rddreg [dreg:$0xb]  }
0x2e: {  	[sflag:s6] =	ssyncset.done @p0 $0x0;
	s8 =	rddreg [dreg:$0xd]  }
0x2f: {  	[sflag:s6] =	ssyncadd.s32 @p0 $0xFFFFF3D0;
	s6 =	rddreg [dreg:$0x7]  }
0x30: {  	[hbm:s6], [sflag:s15] =	dma.local @!p0 [spmem:s8], $0xED0  }
0x31: {  	s6 =	simm.s32 @!p0 $0x9  }
0x32: {  	_ =	swait.ge @!p0 [sflag:s6], $0xED0  }
0x33: {  	s17 =	sadd.s32 $0x1, s17;
	s25 =	rddreg [dreg:$0x9]  }
0x34: {  	p1 =	sne.s32 s17, s25  }
.Ltmp1:
0x35: {  	_ = 	snop;
	(pc) =	sbr.rel @!p1 .LBB2_21-.Ltmp1, $3  }
0x36: {  	_ =	sdelay $0x1  }
0x37: {  	[sflag:s6] =	ssyncset.done @!p0 $0x0  }
0x38: {  	[sflag:s6] =	ssyncadd.s32 @!p0 $0xFFFFF130  }
.LBB2_1:
0x39: {  	s6 =	simm.s32 $0x0  }
0x3a: {  	s8 =	rddreg [dreg:$0x5];
	s9 =	simm.s32 $0x7530;
	s10 =	simm.s32 $0x9  }
0x3b: {  	[tilespmem:s9], [sflag:$0x9] =	stream.linear.gather [hbm4b:s8+s6], $0x28A0, $0x38;
	[tilespmem:$0x16960] =	vst v63  }
0x3c: {  	_ =	swait.ge [sflag:s10], $0x28A0  }
0x3d: {  	[sflag:s10] =	ssyncset.done $0x0  }
0x3e: {  	s11 =	simm.s32 $0x9DD0;
	s25 =	rddreg [dreg:$0x6];
	[sflag:s10] =	ssyncadd.s32 $0xFFFFD760  }
0x3f: {  	[tilespmem:s11], [sflag:$0x9] =	stream.linear.gather [hbm4b:s25+s6], $0x28A0, $0x38;
	[tilespmem:$0x16960] =	vst v63  }
0x40: {  	_ =	swait.ge [sflag:s10], $0x28A0  }
0x41: {  	[sflag:s10] =	ssyncset.done $0x0  }
0x42: {  	s6 =	simm.s32 @p0 $0x1FC9;
	s8 =	rddreg [dreg:$0x4];
	[sflag:s10] =	ssyncadd.s32 $0xFFFFD760  }
0x43: {  	[spmem:s13], [sflag:s6] =	dma.local @p0 [hbm:s8], $0xC30  }
0x44: {  	s6 =	simm.s32 @p0 $0x9  }
0x45: {  	_ =	swait.ge @p0 [sflag:s6], $0xC30  }
0x46: {  	[sflag:s6] =	ssyncset.done @p0 $0x0  }
0x47: {  	[sflag:s6] =	ssyncadd.s32 @p0 $0xFFFFF3D0;
	s6 =	rddreg [dreg:$0xc]  }
0x48: {  	[spmem:s6], [sflag:s15] =	dma.local @!p0 [hbm:s8], $0xED0  }
0x49: {  	s6 =	simm.s32 @!p0 $0x9  }
0x4a: {  	_ =	swait.ge @!p0 [sflag:s6], $0xED0  }
0x4b: {  	[sflag:s6] =	ssyncset.done @!p0 $0x0  }
0x4c: {  	[sflag:s6] =	ssyncadd.s32 @!p0 $0xFFFFF130  }
0x4d: {  	[bflag:$0x0] =	sbarrier.arrive $0xFFFF  }
0x4e: {  	[tilespmem:s19], [sflag:$0x1] =	stream.indirect.gather [hbm4b:s4+s18], $0x30, s9, s18, $0xb8;
	[tilespmem:$0x16960] =	vst v63  }
0x4f: {  	_ = 	snop  }
0x50: {  	[tilespmem:s20], [sflag:$0x1] =	stream.indirect.gather [hbm4b:s5+s18], $0x8, s11, s18, $0xb8;
	[tilespmem:$0x16960] =	vst v63  }
0x51: {  	s10 =	simm.s32 $0x7598  }
0x52: {  	[tilespmem:s22], [sflag:$0x2] =	stream.indirect.gather [hbm4b:s4+s18], $0x30, s10, s18, $0xb8;
	[tilespmem:$0x16960] =	vst v63  }
0x53: {  	s11 =	simm.s32 $0x9E38  }
0x54: {  	[tilespmem:s24], [sflag:$0x2] =	stream.indirect.gather [hbm4b:s5+s18], $0x8, s11, s18, $0xb8;
	[tilespmem:$0x16960] =	vst v63  }
0x55: {  	s13 =	simm.s32 $0x7600  }
0x56: {  	[tilespmem:s28], [sflag:$0x3] =	stream.indirect.gather [hbm4b:s4+s18], $0x30, s13, s18, $0xb8;
	[tilespmem:$0x16960] =	vst v63  }
0x57: {  	s15 =	simm.s32 $0x9EA0  }
0x58: {  	[tilespmem:s30], [sflag:$0x3] =	stream.indirect.gather [hbm4b:s5+s18], $0x8, s15, s18, $0xb8;
	[tilespmem:$0x16960] =	vst v63  }
0x59: {  	s16 =	simm.s32 $0x7668  }
0x5a: {  	[tilespmem:s0], [sflag:$0x4] =	stream.indirect.gather [hbm4b:s4+s18], $0x30, s16, s18, $0xb8;
	[tilespmem:$0x16960] =	vst v63  }
0x5b: {  	s25 =	simm.s32 $0x9F08  }
0x5c: {  	[tilespmem:s21], [sflag:$0x4] =	stream.indirect.gather [hbm4b:s5+s18], $0x8, s25, s18, $0xb8;
	[tilespmem:$0x16960] =	vst v63  }
0x5d: {  	s25 =	simm.s32 $0x0  }
.LBB2_2:
0x5e: {  	s6 =	simm.s32 $0x0  }
0x5f: {  	_ =	swait.ge [sflag:s23], $0x12C0;
	v1 =	vor.u32 s6, v0  }
0x60: {  	[sflag:s23] =	ssyncset.done $0x0;
	vm0 =	vlt.s32 v1, $0x63  }
0x61: {  	[sflag:s23] =	ssyncadd.s32 $0xFFFFED40;
	v1 =	vnsel vm0, $0x63, v1  }
0x62: {  	_ =	swait.ge [sflag:s23], $0x320;
	v2 =	vmul.u32 $0x30, v1  }
0x63: {  	p1 =	seq.s32 s25, $0x0;
	[sflag:s23] =	ssyncset.done $0x0;
	v1 =	vshll.u32 v1, $0x3  }
0x64: {  	s8 =	simm.s32 @!p1 $0x5;
	[sflag:s23] =	ssyncadd.s32 $0xFFFFFCE0;
	v2 =	vadd.s32 $0x29, v2  }
0x65: {  	s9 =	simm.s32 $0x10;
	_ =	swait.ge @!p1 [sflag:s8], $0x12C0  }
0x66: {  	v3 =	vor.u32 s9, v0;
	[sflag:s8] =	ssyncset.done @!p1 $0x0  }
0x67: {  	vm0 =	vlt.s32 v3, $0x63;
	[sflag:s8] =	ssyncadd.s32 @!p1 $0xFFFFED40  }
0x68: {  	v3 =	vnsel vm0, $0x63, v3;
	v1 =	vld.idx.msk [tilespmem:v1+s20+$0x0], $0xffff  }
0x69: {  	v4 =	vmul.u32 $0x30, v3;
	v2 =	vld.idx.msk [tilespmem:v2+s19+$0x0], $0xffff  }
0x6a: {  	v3 =	vshll.u32 v3, $0x3  }
0x6b: {  	v4 =	vadd.s32 $0x29, v4  }
0x6c: {  	s13 =	simm.s32 $0x20  }
0x6d: {  	v5 =	vor.u32 s13, v0  }
0x6e: {  	vm0 =	vlt.s32 v5, $0x63;
	v1 =	vadd.f32 v1, v2  }
0x6f: {  	v3 =	vld.idx.msk [tilespmem:v3+s20+$0x0], $0xffff;
	v2 =	vnsel vm0, $0x63, v5  }
0x70: {  	v4 =	vld.idx.msk [tilespmem:v4+s19+$0x0], $0xffff;
	v5 =	vmul.u32 $0x30, v2;
	v6 =	vmul.f32 $2.000000030e-01, v1  }
0x71: {  	v2 =	vshll.u32 v2, $0x3;
	vm0 =	vge.f32 v1, $0.0e+00  }
0x72: {  	v5 =	vadd.s32 $0x29, v5;
	v1 =	vsel vm0, v1, v6  }
0x73: {  	s15 =	simm.s32 $0x30;
	v1 =	vmul.f32 $1.442695020e+00, v1  }
0x74: {  	v6 =	vor.u32 s15, v0  }
0x75: {  	v3 =	vadd.f32 v3, v4;
	vm0 =	vlt.s32 v6, $0x63;
	(erf) = vpow2.f32 v1  }
0x76: {  	v2 =	vld.idx.msk [tilespmem:v2+s20+$0x0], $0xffff;
	v1 =	vnsel vm0, $0x63, v6  }
0x77: {  	v6 =	vmul.f32 $2.000000030e-01, v3;
	v4 =	vmul.u32 $0x30, v1;
	v5 =	vld.idx.msk [tilespmem:v5+s19+$0x0], $0xffff  }
0x78: {  	vm0 =	vge.f32 v3, $0.0e+00;
	v1 =	vshll.u32 v1, $0x3  }
0x79: {  	s16 =	simm.s32 $0x40;
	v3 =	vsel vm0, v3, v6;
	v8 =	vadd.s32 $0x29, v4  }
0x7a: {  	v4 =	vor.u32 s16, v0;
	v3 =	vmul.f32 $1.442695020e+00, v3  }
0x7b: {  	vm0 =	vlt.s32 v4, $0x63  }
0x7c: {  	v4 =	vnsel vm0, $0x63, v4;
	v2 =	vadd.f32 v2, v5  }
0x7d: {  	(erf) = vpow2.f32 v3;
	v1 =	vld.idx.msk [tilespmem:v1+s20+$0x0], $0xffff;
	v7 =	vmul.u32 $0x30, v4  }
0x7e: {  	s9 =	simm.s32 $0x50;
	s8 =	simm.s32 $0x168F0;
	v4 =	vshll.u32 v4, $0x3;
	v5 =	vld.idx.msk [tilespmem:v8+s19+$0x0], $0xffff;
	vm0 =	vge.f32 v2, $0.0e+00;
	v6 =	vmul.f32 $2.000000030e-01, v2;
	v3 =	vpop (erf)  }
.LBB2_3:
0x7f: {  	p2 =	sne.s32 s9, $0x60  }
0x80: {  	v8 =	vadd.s32 $0x29, v7;
	[tilespmem:s8+$0x0] =	vst v3;
	s8 =	sadd.s32 $0x10, s8;
	s10 =	smov.u32 s9;
	s9 =	sadd.s32 $0x10, s9  }
0x81: {  	v2 =	vsel vm0, v2, v6  }
.Ltmp2:
0x82: {  	v3 =	vor.u32 s10, v0;
	v6 =	vmul.f32 $1.442695020e+00, v2;
	(pc) =	sbr.rel @p2 .LBB2_3-.Ltmp2, $4  }
0x83: {  	vm0 =	vlt.s32 v3, $0x63  }
0x84: {  	v9 =	vnsel vm0, $0x63, v3;
	v2 =	vadd.f32 v1, v5;
	v1 =	vld.idx.msk [tilespmem:v4+s20+$0x0], $0xffff;
	(erf) = vpow2.f32 v6  }
0x85: {  	v7 =	vmul.u32 $0x30, v9;
	v4 =	vshll.u32 v9, $0x3;
	v5 =	vld.idx.msk [tilespmem:v8+s19+$0x0], $0xffff  }
0x86: {  	vm0 =	vge.f32 v2, $0.0e+00;
	v6 =	vmul.f32 $2.000000030e-01, v2;
	v3 =	vpop (erf)  }
0x87: {  	v7 =	vadd.s32 $0x29, v7;
	_ =	sdelay $0x3  }
0x88: {  	v4 =	vld.idx.msk [tilespmem:v4+s20+$0x0], $0xffff  }
0x89: {  	v7 =	vld.idx.msk [tilespmem:v7+s19+$0x0], $0xffff;
	_ =	sdelay $0x3  }
0x8a: {  	v1 =	vadd.f32 v1, v5  }
0x8b: {  	v4 =	vadd.f32 v4, v7  }
0x8c: {  	v5 =	vmul.f32 $2.000000030e-01, v1  }
0x8d: {  	v2 =	vsel vm0, v2, v6;
	vm14 =	vge.f32 v1, $0.0e+00;
	v6 =	vmul.f32 $2.000000030e-01, v4  }
0x8e: {  	v2 =	vmul.f32 $1.442695020e+00, v2;
	v1 =	vsel vm14, v1, v5;
	vm15 =	vge.f32 v4, $0.0e+00  }
0x8f: {  	v1 =	vmul.f32 $1.442695020e+00, v1;
	v4 =	vsel vm15, v4, v6  }
0x90: {  	(erf) = vpow2.f32 v2;
	v2 =	vmul.f32 $1.442695020e+00, v4  }
0x91: {  	(erf) = vpow2.f32 v1  }
0x92: {  	(erf) = vpow2.f32 v2;
	_ =	sdelay $0x1  }
0x93: {  	s16 =	simm.s32 $0x1  }
0x94: {  	s10 =	simm.s32 $0x2;
	v1 =	vmov s6;
	v4 =	vmov s16  }
0x95: {  	[tilespmem:s8+$0x0] =	vst v3;
	v1 =	vand.u32 $0xFFFFFFFC, v1;
	v3 =	vand.u32 $0xFFFFFFFD, v4;
	v4 =	vmov s10  }
0x96: {  	v1 =	vbroadcast v1, $0x0;
	v7 =	vbroadcast v3, $0x0;
	v3 =	vand.u32 $0xFFFFFFFE, v4  }
0x97: {  	s11 =	sadd.s32 $0x10, s8;
	v5 =	vpop (erf);
	v8 =	vbroadcast v3, $0x0  }
0x98: {  	s13 =	sadd.s32 $0x10, s11;
	[tilespmem:s11+$0x0] =	vst v5;
	v6 =	vpop (erf)  }
0x99: {  	s9 =	simm.s32 $0x3;
	s6 =	sadd.s32 $0x10, s13;
	[tilespmem:s13+$0x0] =	vst v6;
	v4 =	vpop (erf)  }
0x9a: {  	v2 =	vmov s9;
	[tilespmem:s6+$0x0] =	vst v4;
	s6 =	sadd.s32 $0x10, s6;
	v3 =	vpop (erf)  }
0x9b: {  	[tilespmem:s6+$0x0] =	vst v3  }
0x9c: {  	v5 =	vld.idx.msk [tilespmem:v1+s26+$0x0], $0xffff  }
0x9d: {  	s6 =	simm.s32 $0xC6D0;
	v14 =	vld.idx.msk [tilespmem:v8+s26+$0x0], $0xffff  }
0x9e: {  	s10 =	simm.s32 $0x5;
	v1 =	vld [tilespmem:s6+$0x0]  }
0x9f: {  	s15 =	simm.s32 $0x7;
	v10 =	vmov s10;
	v3 =	vld.idx.msk [tilespmem:v2+s26+$0x0], $0xffff  }
0xa0: {  	v10 =	vand.u32 $0xFFFFFFFD, v10;
	v4 =	vmov s15;
	v6 =	vld.idx.msk [tilespmem:v7+s26+$0x0], $0xffff  }
0xa1: {  	v10 =	vbroadcast v10, $0x0;
	v2 =	vld [tilespmem:s6+$0xFFFFFFA0]  }
0xa2: {  	s16 =	simm.s32 $0x4;
	v7 =	vld [tilespmem:s6+$0xFFFFFFD0]  }
0xa3: {  	v8 =	vmov s16;
	v1 =	vmul.f32 v1, v14  }
0xa4: {  	s8 =	simm.s32 $0x11E50;
	s11 =	simm.s32 $0x6;
	v9 =	vld [tilespmem:s6+$0x30];
	v8 =	vand.u32 $0xFFFFFFFC, v8  }
0xa5: {  	v11 =	vmov s11;
	v8 =	vbroadcast v8, $0x0;
	[tilespmem:s8+$0x0] =	vst v1;
	v1 =	vld.idx.msk [tilespmem:v4+s26+$0x0], $0xffff  }
0xa6: {  	v11 =	vand.u32 $0xFFFFFFFE, v11;
	v2 =	vmul.f32 v2, v5;
	v12 =	vld [tilespmem:s6+$0x10]  }
0xa7: {  	v11 =	vbroadcast v11, $0x0;
	s10 =	simm.s32 $0xC790;
	v4 =	vmul.f32 v7, v6;
	v7 =	vld.idx.msk [tilespmem:v10+s26+$0x0], $0xffff  }
0xa8: {  	[tilespmem:s8+$0xFFFFFFA0] =	vst v2;
	v10 =	vld [tilespmem:s10+$0x0]  }
0xa9: {  	v2 =	vmul.f32 v9, v3;
	v9 =	vld [tilespmem:s6+$0xFFFFFFB0];
	[tilespmem:s8+$0xFFFFFFD0] =	vst v4  }
0xaa: {  	v13 =	vld [tilespmem:s6+$0xFFFFFFE0]  }
0xab: {  	[tilespmem:s8+$0x30] =	vst v2;
	v2 =	vld.idx.msk [tilespmem:v8+s26+$0x0], $0xffff;
	v8 =	vmul.f32 v12, v14  }
0xac: {  	v15 =	vld [tilespmem:s6+$0x40]  }
0xad: {  	v4 =	vld.idx.msk [tilespmem:v11+s26+$0x0], $0xffff;
	[tilespmem:s8+$0x10] =	vst v8  }
0xae: {  	v16 =	vld [tilespmem:s6+$0x20]  }
0xaf: {  	s11 =	simm.s32 $0xB;
	v19 =	vld [tilespmem:s10+$0xFFFFFFA0];
	v8 =	vmul.f32 v13, v6  }
0xb0: {  	s13 =	simm.s32 $0x8;
	v11 =	vmul.f32 v9, v5;
	v9 =	vld [tilespmem:s10+$0xFFFFFFD0];
	v13 =	vmov s11  }
0xb1: {  	v12 =	vmul.f32 v15, v3;
	v15 =	vmov s13;
	[tilespmem:s8+$0xFFFFFFE0] =	vst v8;
	v8 =	vld [tilespmem:s10+$0x30]  }
0xb2: {  	s15 =	simm.s32 $0x9;
	v20 =	vmul.f32 v10, v4;
	[tilespmem:s8+$0xFFFFFFB0] =	vst v11;
	v11 =	vand.u32 $0xFFFFFFFC, v15;
	v10 =	vld [tilespmem:s6+$0xFFFFFFF0]  }
0xb3: {  	s9 =	simm.s32 $0x11F10;
	v17 =	vmov s15;
	s16 =	simm.s32 $0xA;
	[tilespmem:s8+$0x40] =	vst v12;
	v12 =	vbroadcast v11, $0x0;
	v11 =	vld [tilespmem:s6+$0xFFFFFFC0];
	v15 =	vmul.f32 v16, v14  }
0xb4: {  	v17 =	vand.u32 $0xFFFFFFFD, v17;
	v18 =	vmov s16;
	s11 =	simm.s32 $0xC;
	[tilespmem:s9+$0x0] =	vst v20;
	v16 =	vmul.f32 v19, v2;
	v14 =	vld [tilespmem:s6+$0x50];
	s6 =	simm.s32 $0xC790  }
.LBB2_5:
0xb5: {  	p2 =	slt.u32 s11, $0x60;
	v17 =	vbroadcast v17, $0x0;
	v18 =	vand.u32 $0xFFFFFFFE, v18;
	v13 =	vld.idx.msk [tilespmem:v13+s26+$0x0], $0xffff;
	v9 =	vmul.f32 v9, v7;
	[tilespmem:s8+$0x20] =	vst v15  }
0xb6: {  	v15 =	vbroadcast v18, $0x0;
	[tilespmem:s9+$0xFFFFFFA0] =	vst v16;
	v16 =	vld [tilespmem:s10+$0x10];
	v8 =	vmul.f32 v8, v1  }
0xb7: {  	v18 =	vld [tilespmem:s10+$0xFFFFFFB0];
	[tilespmem:s9+$0xFFFFFFD0] =	vst v9;
	v9 =	vmul.f32 v10, v6;
	v6 =	vmov v7  }
0xb8: {  	v10 =	vld [tilespmem:s10+$0xFFFFFFE0];
	[tilespmem:s9+$0x30] =	vst v8;
	v7 =	vmul.f32 v11, v5;
	v5 =	vmov v2  }
0xb9: {  	v8 =	vld [tilespmem:s10+$0x40];
	[tilespmem:s8+$0xFFFFFFF0] =	vst v9;
	v9 =	vmul.f32 v14, v3;
	v3 =	vmov v1  }
0xba: {  	v2 =	vld.idx.msk [tilespmem:v12+s26+$0x0], $0xffff;
	[tilespmem:s8+$0xFFFFFFC0] =	vst v7  }
0xbb: {  	v1 =	vmov v13;
	v7 =	vld.idx.msk [tilespmem:v17+s26+$0x0], $0xffff;
	v11 =	vmul.f32 v16, v4;
	[tilespmem:s8+$0x50] =	vst v9;
	s8 =	smov.u32 s9  }
0xbc: {  	s10 =	sadd.s32 $0xC0, s10;
	v14 =	vld.idx.msk [tilespmem:v15+s26+$0x0], $0xffff;
	v9 =	vmul.f32 v18, v5  }
0xbd: {  	v12 =	vld [tilespmem:s10+$0x0];
	v10 =	vmul.f32 v10, v6;
	[tilespmem:s9+$0x10] =	vst v11  }
0xbe: {  	[tilespmem:s9+$0xFFFFFFB0] =	vst v9;
	v15 =	vld [tilespmem:s6+$0x20];
	v8 =	vmul.f32 v8, v3  }
0xbf: {  	s15 =	sadd.s32 $0x3, s11;
	v16 =	vld [tilespmem:s10+$0xFFFFFFA0];
	[tilespmem:s9+$0xFFFFFFE0] =	vst v10  }
.Ltmp3:
0xc0: {  	v13 =	vmov s15;
	v9 =	vld [tilespmem:s10+$0xFFFFFFD0];
	[tilespmem:s9+$0x40] =	vst v8;
	(pc) =	sbr.rel @p2 .LBB2_5-.Ltmp3, $4  }
0xc1: {  	v10 =	vmov s11;
	v8 =	vld [tilespmem:s10+$0x30]  }
0xc2: {  	s15 =	sadd.s32 $0x1, s11;
	v11 =	vand.u32 $0xFFFFFFFC, v10;
	v19 =	vmul.f32 v12, v14;
	v10 =	vld [tilespmem:s6+$0xFFFFFFF0]  }
0xc3: {  	v17 =	vmov s15;
	s15 =	sadd.s32 $0x2, s11;
	s9 =	sadd.s32 $0xC0, s9;
	v12 =	vbroadcast v11, $0x0;
	v11 =	vld [tilespmem:s6+$0xFFFFFFC0];
	v15 =	vmul.f32 v15, v4;
	v4 =	vmovc v14  }
0xc4: {  	v17 =	vand.u32 $0xFFFFFFFD, v17;
	v18 =	vmov s15;
	s11 =	sadd.s32 $0x4, s11;
	v16 =	vmul.f32 v16, v2;
	[tilespmem:s9+$0x0] =	vst v19;
	v14 =	vld [tilespmem:s6+$0x50];
	s6 =	smov.u32 s10  }
0xc5: {  	_ =	sdelay $0x2  }
0xc6: {  	v17 =	vbroadcast v17, $0x0;
	v18 =	vand.u32 $0xFFFFFFFE, v18  }
0xc7: {  	v13 =	vld.idx.msk [tilespmem:v13+s26+$0x0], $0xffff;
	v18 =	vbroadcast v18, $0x0  }
0xc8: {  	v12 =	vld.idx.msk [tilespmem:v12+s26+$0x0], $0xffff;
	s11 =	sadd.s32 $0xC0, s10  }
0xc9: {  	v55 =	vld [tilespmem:s11+$0x0]  }
0xca: {  	v56 =	vld [tilespmem:s11+$0xFFFFFFD0]  }
0xcb: {  	v9 =	vmul.f32 v9, v7;
	v57 =	vld [tilespmem:s11+$0xFFFFFFA0]  }
0xcc: {  	[tilespmem:s9+$0xFFFFFFA0] =	vst v16;
	v8 =	vmul.f32 v8, v1;
	v17 =	vld.idx.msk [tilespmem:v17+s26+$0x0], $0xffff  }
0xcd: {  	[tilespmem:s9+$0xFFFFFFD0] =	vst v9;
	v6 =	vmul.f32 v10, v6;
	v18 =	vld.idx.msk [tilespmem:v18+s26+$0x0], $0xffff  }
0xce: {  	[tilespmem:s9+$0x30] =	vst v8;
	v5 =	vmul.f32 v11, v5;
	v8 =	vld [tilespmem:s11+$0x30]  }
0xcf: {  	v58 =	vld [tilespmem:s10+$0x10];
	[tilespmem:s8+$0xFFFFFFF0] =	vst v6;
	v3 =	vmul.f32 v14, v3  }
0xd0: {  	v6 =	vld [tilespmem:s10+$0xFFFFFFE0];
	[tilespmem:s8+$0xFFFFFFC0] =	vst v5;
	v9 =	vmul.f32 v57, v12  }
0xd1: {  	s15 =	sadd.s32 $0xC0, s9;
	v60 =	vld [tilespmem:s10+$0x40];
	[tilespmem:s8+$0x50] =	vst v3;
	v3 =	vmul.f32 v56, v17  }
0xd2: {  	v59 =	vld [tilespmem:s10+$0xFFFFFFB0];
	[tilespmem:s15+$0xFFFFFFA0] =	vst v9;
	v5 =	vmul.f32 v55, v18  }
0xd3: {  	v8 =	vmul.f32 v8, v13;
	v62 =	vld [tilespmem:s11+$0xFFFFFFB0];
	[tilespmem:s15+$0xFFFFFFD0] =	vst v3  }
0xd4: {  	v3 =	vmul.f32 v58, v4;
	[tilespmem:s15+$0x0] =	vst v5;
	v61 =	vld [tilespmem:s11+$0xFFFFFFE0]  }
0xd5: {  	v6 =	vmul.f32 v6, v7;
	[tilespmem:s15+$0x30] =	vst v8;
	v5 =	vld [tilespmem:s11+$0x10]  }
0xd6: {  	v14 =	vmul.f32 v60, v1;
	[tilespmem:s9+$0x10] =	vst v3;
	v3 =	vld [tilespmem:s11+$0x40]  }
0xd7: {  	v8 =	vmul.f32 v59, v2;
	[tilespmem:s9+$0xFFFFFFE0] =	vst v6;
	v63 =	vld [tilespmem:s6+$0x20]  }
0xd8: {  	[tilespmem:s9+$0x40] =	vst v14;
	v10 =	vmul.f32 v62, v12  }
0xd9: {  	[tilespmem:s9+$0xFFFFFFB0] =	vst v8;
	v6 =	vld [tilespmem:s6+$0xFFFFFFF0];
	v9 =	vmul.f32 v61, v17  }
0xda: {  	v14 =	vld [tilespmem:s6+$0x50];
	[tilespmem:s15+$0xFFFFFFB0] =	vst v10;
	v5 =	vmul.f32 v5, v18  }
0xdb: {  	v8 =	vld [tilespmem:s6+$0xFFFFFFC0];
	v3 =	vmul.f32 v3, v13;
	[tilespmem:s15+$0xFFFFFFE0] =	vst v9  }
0xdc: {  	v4 =	vmul.f32 v63, v4;
	[tilespmem:s15+$0x10] =	vst v5;
	v9 =	vld [tilespmem:s11+$0xFFFFFFF0]  }
0xdd: {  	[tilespmem:s15+$0x40] =	vst v3;
	v5 =	vld [tilespmem:s11+$0x20]  }
0xde: {  	v6 =	vmul.f32 v6, v7;
	[tilespmem:s9+$0x20] =	vst v4;
	v4 =	vld [tilespmem:s11+$0x50]  }
0xdf: {  	[tilespmem:s8+$0x20] =	vst v15;
	v1 =	vmul.f32 v14, v1;
	v3 =	vld [tilespmem:s11+$0xFFFFFFC0]  }
0xe0: {  	v2 =	vmul.f32 v8, v2;
	[tilespmem:s9+$0xFFFFFFF0] =	vst v6  }
0xe1: {  	[tilespmem:s9+$0x50] =	vst v1;
	v1 =	vmul.f32 v9, v17  }
0xe2: {  	[tilespmem:s9+$0xFFFFFFC0] =	vst v2;
	v2 =	vmul.f32 v5, v18  }
0xe3: {  	s13 =	smul.u32 $0x680, s25;
	[tilespmem:s15+$0xFFFFFFF0] =	vst v1;
	v1 =	vmul.f32 v4, v13  }
0xe4: {  	[tilespmem:s15+$0x20] =	vst v2;
	v2 =	vmul.f32 v3, v12  }
0xe5: {  	p2 =	seq.s32 s25, $0x18;
	s8 =	sshra.s32 s13, $0x2;
	[tilespmem:s15+$0x50] =	vst v1  }
0xe6: {  	s6 =	sadd.s32 $0x9DD0, s8;
	s9 =	smul.u32 @!p2 $0x1A0, s25;
	[tilespmem:s15+$0xFFFFFFC0] =	vst v2  }
0xe7: {  	[spmem:s2] =	stream.indirect.scatter.add.f32 [tilespmem:s29], [sflag:$0x5], $0x30, s6, s18, $0xb8;
	[tilespmem:$0x16960] =	vst v63  }
0xe8: {  	s10 =	simm.s32 @!p2 $0x64;
	s11 =	simm.s32 @!p2 $0xC670;
	s6 =	sadd.s32 @!p2 $0x76D0, s9  }
0xe9: {  	[tilespmem:s11], [sflag:$0x1] =	stream.indirect.gather @!p2 [hbm4b:s4+s10], $0x30, s6, s10, $0xb8;
	[tilespmem:$0x16960] =	vst v63  }
0xea: {  	s6 =	sadd.s32 @!p2 $0x9F70, s9;
	s11 =	simm.s32 @!p2 $0x11170  }
0xeb: {  	[tilespmem:s11], [sflag:$0x1] =	stream.indirect.gather @!p2 [hbm4b:s5+s10], $0x8, s6, s10, $0xb8;
	[tilespmem:$0x16960] =	vst v63  }
0xec: {  	s6 =	simm.s32 $0x0  }
0xed: {  	_ =	swait.ge [sflag:s31], $0x12C0;
	v1 =	vor.u32 s6, v0  }
0xee: {  	[sflag:s31] =	ssyncset.done $0x0;
	vm0 =	vlt.s32 v1, $0x63  }
0xef: {  	[sflag:s31] =	ssyncadd.s32 $0xFFFFED40;
	v1 =	vnsel vm0, $0x63, v1  }
0xf0: {  	_ =	swait.ge [sflag:s31], $0x320;
	v2 =	vmul.u32 $0x30, v1  }
0xf1: {  	v1 =	vshll.u32 v1, $0x3;
	[sflag:s31] =	ssyncset.done $0x0  }
0xf2: {  	s10 =	simm.s32 @!p1 $0x6;
	[sflag:s31] =	ssyncadd.s32 $0xFFFFFCE0;
	v2 =	vadd.s32 $0x29, v2  }
0xf3: {  	s16 =	simm.s32 $0x10;
	_ =	swait.ge @!p1 [sflag:s10], $0x12C0  }
0xf4: {  	v3 =	vor.u32 s16, v0;
	[sflag:s10] =	ssyncset.done @!p1 $0x0  }
0xf5: {  	vm0 =	vlt.s32 v3, $0x63;
	[sflag:s10] =	ssyncadd.s32 @!p1 $0xFFFFED40  }
0xf6: {  	v3 =	vnsel vm0, $0x63, v3;
	v1 =	vld.idx.msk [tilespmem:v1+s24+$0x0], $0xffff  }
0xf7: {  	v4 =	vmul.u32 $0x30, v3;
	v2 =	vld.idx.msk [tilespmem:v2+s22+$0x0], $0xffff  }
0xf8: {  	v3 =	vshll.u32 v3, $0x3  }
0xf9: {  	v4 =	vadd.s32 $0x29, v4  }
0xfa: {  	s13 =	simm.s32 $0x20  }
0xfb: {  	v5 =	vor.u32 s13, v0  }
0xfc: {  	vm0 =	vlt.s32 v5, $0x63;
	v1 =	vadd.f32 v1, v2  }
0xfd: {  	v3 =	vld.idx.msk [tilespmem:v3+s24+$0x0], $0xffff;
	v2 =	vnsel vm0, $0x63, v5  }
0xfe: {  	v4 =	vld.idx.msk [tilespmem:v4+s22+$0x0], $0xffff;
	v5 =	vmul.u32 $0x30, v2;
	v6 =	vmul.f32 $2.000000030e-01, v1  }
0xff: {  	v2 =	vshll.u32 v2, $0x3;
	vm0 =	vge.f32 v1, $0.0e+00  }
0x100: {  	v5 =	vadd.s32 $0x29, v5;
	v1 =	vsel vm0, v1, v6  }
0x101: {  	s15 =	simm.s32 $0x30;
	v1 =	vmul.f32 $1.442695020e+00, v1  }
0x102: {  	v6 =	vor.u32 s15, v0  }
0x103: {  	v3 =	vadd.f32 v3, v4;
	vm0 =	vlt.s32 v6, $0x63;
	(erf) = vpow2.f32 v1  }
0x104: {  	v2 =	vld.idx.msk [tilespmem:v2+s24+$0x0], $0xffff;
	v1 =	vnsel vm0, $0x63, v6  }
0x105: {  	v6 =	vmul.f32 $2.000000030e-01, v3;
	v4 =	vmul.u32 $0x30, v1;
	v5 =	vld.idx.msk [tilespmem:v5+s22+$0x0], $0xffff  }
0x106: {  	vm0 =	vge.f32 v3, $0.0e+00;
	v1 =	vshll.u32 v1, $0x3  }
0x107: {  	s16 =	simm.s32 $0x40;
	v3 =	vsel vm0, v3, v6;
	v8 =	vadd.s32 $0x29, v4  }
0x108: {  	v4 =	vor.u32 s16, v0;
	v3 =	vmul.f32 $1.442695020e+00, v3  }
0x109: {  	vm0 =	vlt.s32 v4, $0x63  }
0x10a: {  	v4 =	vnsel vm0, $0x63, v4;
	v2 =	vadd.f32 v2, v5  }
0x10b: {  	(erf) = vpow2.f32 v3;
	v1 =	vld.idx.msk [tilespmem:v1+s24+$0x0], $0xffff;
	v7 =	vmul.u32 $0x30, v4  }
0x10c: {  	s11 =	simm.s32 $0x50;
	s10 =	simm.s32 $0x168F0;
	v4 =	vshll.u32 v4, $0x3;
	v5 =	vld.idx.msk [tilespmem:v8+s22+$0x0], $0xffff;
	vm0 =	vge.f32 v2, $0.0e+00;
	v6 =	vmul.f32 $2.000000030e-01, v2;
	v3 =	vpop (erf)  }
.LBB2_7:
0x10d: {  	p3 =	sne.s32 s11, $0x60  }
0x10e: {  	v8 =	vadd.s32 $0x29, v7;
	[tilespmem:s10+$0x0] =	vst v3;
	s10 =	sadd.s32 $0x10, s10;
	s15 =	smov.u32 s11;
	s11 =	sadd.s32 $0x10, s11  }
0x10f: {  	v2 =	vsel vm0, v2, v6  }
.Ltmp4:
0x110: {  	v3 =	vor.u32 s15, v0;
	v6 =	vmul.f32 $1.442695020e+00, v2;
	(pc) =	sbr.rel @p3 .LBB2_7-.Ltmp4, $4  }
0x111: {  	vm0 =	vlt.s32 v3, $0x63  }
0x112: {  	v9 =	vnsel vm0, $0x63, v3;
	v2 =	vadd.f32 v1, v5;
	v1 =	vld.idx.msk [tilespmem:v4+s24+$0x0], $0xffff;
	(erf) = vpow2.f32 v6  }
0x113: {  	v7 =	vmul.u32 $0x30, v9;
	v4 =	vshll.u32 v9, $0x3;
	v5 =	vld.idx.msk [tilespmem:v8+s22+$0x0], $0xffff  }
0x114: {  	vm0 =	vge.f32 v2, $0.0e+00;
	v6 =	vmul.f32 $2.000000030e-01, v2;
	v3 =	vpop (erf)  }
0x115: {  	v7 =	vadd.s32 $0x29, v7;
	_ =	sdelay $0x3  }
0x116: {  	v4 =	vld.idx.msk [tilespmem:v4+s24+$0x0], $0xffff  }
0x117: {  	v7 =	vld.idx.msk [tilespmem:v7+s22+$0x0], $0xffff;
	_ =	sdelay $0x3  }
0x118: {  	v1 =	vadd.f32 v1, v5  }
0x119: {  	v4 =	vadd.f32 v4, v7  }
0x11a: {  	v5 =	vmul.f32 $2.000000030e-01, v1  }
0x11b: {  	v2 =	vsel vm0, v2, v6;
	vm14 =	vge.f32 v1, $0.0e+00;
	v6 =	vmul.f32 $2.000000030e-01, v4  }
0x11c: {  	v2 =	vmul.f32 $1.442695020e+00, v2;
	v1 =	vsel vm14, v1, v5;
	vm15 =	vge.f32 v4, $0.0e+00  }
0x11d: {  	v1 =	vmul.f32 $1.442695020e+00, v1;
	v4 =	vsel vm15, v4, v6  }
0x11e: {  	(erf) = vpow2.f32 v2;
	v2 =	vmul.f32 $1.442695020e+00, v4  }
0x11f: {  	(erf) = vpow2.f32 v1  }
0x120: {  	(erf) = vpow2.f32 v2;
	_ =	sdelay $0x1  }
0x121: {  	s13 =	simm.s32 $0x1  }
0x122: {  	s15 =	simm.s32 $0x2;
	v1 =	vmov s6;
	v4 =	vmov s13  }
0x123: {  	[tilespmem:s10+$0x0] =	vst v3;
	v1 =	vand.u32 $0xFFFFFFFC, v1;
	v3 =	vand.u32 $0xFFFFFFFD, v4;
	v4 =	vmov s15  }
0x124: {  	v1 =	vbroadcast v1, $0x0;
	v7 =	vbroadcast v3, $0x0;
	v3 =	vand.u32 $0xFFFFFFFE, v4  }
0x125: {  	s11 =	simm.s32 $0x3;
	s16 =	sadd.s32 $0x10, s10;
	v5 =	vpop (erf);
	v8 =	vbroadcast v3, $0x0  }
0x126: {  	[tilespmem:s16+$0x0] =	vst v5;
	v6 =	vpop (erf);
	v2 =	vmov s11;
	s11 =	sadd.s32 $0x10, s16  }
0x127: {  	[tilespmem:s11+$0x0] =	vst v6;
	s6 =	sadd.s32 $0x10, s11;
	v4 =	vpop (erf)  }
0x128: {  	[tilespmem:s6+$0x0] =	vst v4;
	s6 =	sadd.s32 $0x10, s6;
	v3 =	vpop (erf)  }
0x129: {  	[tilespmem:s6+$0x0] =	vst v3  }
0x12a: {  	v5 =	vld.idx.msk [tilespmem:v1+s26+$0x0], $0xffff  }
0x12b: {  	s15 =	simm.s32 $0xD990;
	v14 =	vld.idx.msk [tilespmem:v8+s26+$0x0], $0xffff  }
0x12c: {  	s10 =	simm.s32 $0x5;
	v1 =	vld [tilespmem:s15+$0x0]  }
0x12d: {  	v10 =	vmov s10;
	s13 =	simm.s32 $0x7;
	v3 =	vld.idx.msk [tilespmem:v2+s26+$0x0], $0xffff  }
0x12e: {  	v10 =	vand.u32 $0xFFFFFFFD, v10;
	v4 =	vmov s13;
	v6 =	vld.idx.msk [tilespmem:v7+s26+$0x0], $0xffff  }
0x12f: {  	v10 =	vbroadcast v10, $0x0;
	v2 =	vld [tilespmem:s15+$0xFFFFFFA0]  }
0x130: {  	s16 =	simm.s32 $0x4;
	v7 =	vld [tilespmem:s15+$0xFFFFFFD0]  }
0x131: {  	v8 =	vmov s16;
	v1 =	vmul.f32 v1, v14  }
0x132: {  	s10 =	simm.s32 $0x13110;
	s11 =	simm.s32 $0x6;
	v9 =	vld [tilespmem:s15+$0x30];
	v8 =	vand.u32 $0xFFFFFFFC, v8  }
0x133: {  	v11 =	vmov s11;
	v8 =	vbroadcast v8, $0x0;
	[tilespmem:s10+$0x0] =	vst v1;
	v1 =	vld.idx.msk [tilespmem:v4+s26+$0x0], $0xffff  }
0x134: {  	v11 =	vand.u32 $0xFFFFFFFE, v11;
	v2 =	vmul.f32 v2, v5;
	v12 =	vld [tilespmem:s15+$0x10]  }
0x135: {  	v11 =	vbroadcast v11, $0x0;
	s6 =	simm.s32 $0xDA50;
	v4 =	vmul.f32 v7, v6;
	v7 =	vld.idx.msk [tilespmem:v10+s26+$0x0], $0xffff  }
0x136: {  	[tilespmem:s10+$0xFFFFFFA0] =	vst v2;
	v10 =	vld [tilespmem:s6+$0x0]  }
0x137: {  	v2 =	vmul.f32 v9, v3;
	v9 =	vld [tilespmem:s15+$0xFFFFFFB0];
	[tilespmem:s10+$0xFFFFFFD0] =	vst v4  }
0x138: {  	v13 =	vld [tilespmem:s15+$0xFFFFFFE0]  }
0x139: {  	[tilespmem:s10+$0x30] =	vst v2;
	v2 =	vld.idx.msk [tilespmem:v8+s26+$0x0], $0xffff;
	v8 =	vmul.f32 v12, v14  }
0x13a: {  	v15 =	vld [tilespmem:s15+$0x40]  }
0x13b: {  	v4 =	vld.idx.msk [tilespmem:v11+s26+$0x0], $0xffff;
	[tilespmem:s10+$0x10] =	vst v8  }
0x13c: {  	v16 =	vld [tilespmem:s15+$0x20]  }
0x13d: {  	v19 =	vld [tilespmem:s6+$0xFFFFFFA0];
	s16 =	simm.s32 $0xB;
	v8 =	vmul.f32 v13, v6  }
0x13e: {  	s13 =	simm.s32 $0x8;
	v11 =	vmul.f32 v9, v5;
	v9 =	vld [tilespmem:s6+$0xFFFFFFD0];
	v13 =	vmov s16  }
0x13f: {  	v12 =	vmul.f32 v15, v3;
	v15 =	vmov s13;
	[tilespmem:s10+$0xFFFFFFE0] =	vst v8;
	v8 =	vld [tilespmem:s6+$0x30]  }
0x140: {  	v20 =	vmul.f32 v10, v4;
	[tilespmem:s10+$0xFFFFFFB0] =	vst v11;
	s16 =	simm.s32 $0x9;
	v11 =	vand.u32 $0xFFFFFFFC, v15;
	v10 =	vld [tilespmem:s15+$0xFFFFFFF0]  }
0x141: {  	s11 =	simm.s32 $0x131D0;
	s13 =	simm.s32 $0xA;
	v17 =	vmov s16;
	[tilespmem:s10+$0x40] =	vst v12;
	v12 =	vbroadcast v11, $0x0;
	v11 =	vld [tilespmem:s15+$0xFFFFFFC0];
	v15 =	vmul.f32 v16, v14  }
0x142: {  	v18 =	vmov s13;
	s16 =	simm.s32 $0xC;
	[tilespmem:s11+$0x0] =	vst v20;
	v17 =	vand.u32 $0xFFFFFFFD, v17;
	v16 =	vmul.f32 v19, v2;
	v14 =	vld [tilespmem:s15+$0x50];
	s15 =	simm.s32 $0xDA50  }
.LBB2_9:
0x143: {  	p3 =	slt.u32 s16, $0x60;
	v17 =	vbroadcast v17, $0x0;
	v18 =	vand.u32 $0xFFFFFFFE, v18;
	v13 =	vld.idx.msk [tilespmem:v13+s26+$0x0], $0xffff;
	v9 =	vmul.f32 v9, v7;
	[tilespmem:s10+$0x20] =	vst v15  }
0x144: {  	v15 =	vbroadcast v18, $0x0;
	[tilespmem:s11+$0xFFFFFFA0] =	vst v16;
	v16 =	vld [tilespmem:s6+$0x10];
	v8 =	vmul.f32 v8, v1  }
0x145: {  	v18 =	vld [tilespmem:s6+$0xFFFFFFB0];
	[tilespmem:s11+$0xFFFFFFD0] =	vst v9;
	v9 =	vmul.f32 v10, v6;
	v6 =	vmov v7  }
0x146: {  	v10 =	vld [tilespmem:s6+$0xFFFFFFE0];
	[tilespmem:s11+$0x30] =	vst v8;
	v7 =	vmul.f32 v11, v5;
	v5 =	vmov v2  }
0x147: {  	v8 =	vld [tilespmem:s6+$0x40];
	[tilespmem:s10+$0xFFFFFFF0] =	vst v9;
	v9 =	vmul.f32 v14, v3;
	v3 =	vmov v1  }
0x148: {  	v2 =	vld.idx.msk [tilespmem:v12+s26+$0x0], $0xffff;
	[tilespmem:s10+$0xFFFFFFC0] =	vst v7  }
0x149: {  	v1 =	vmov v13;
	v7 =	vld.idx.msk [tilespmem:v17+s26+$0x0], $0xffff;
	v11 =	vmul.f32 v16, v4;
	[tilespmem:s10+$0x50] =	vst v9;
	s10 =	smov.u32 s11  }
0x14a: {  	s6 =	sadd.s32 $0xC0, s6;
	v14 =	vld.idx.msk [tilespmem:v15+s26+$0x0], $0xffff;
	v9 =	vmul.f32 v18, v5  }
0x14b: {  	v12 =	vld [tilespmem:s6+$0x0];
	v10 =	vmul.f32 v10, v6;
	[tilespmem:s11+$0x10] =	vst v11  }
0x14c: {  	[tilespmem:s11+$0xFFFFFFB0] =	vst v9;
	v15 =	vld [tilespmem:s15+$0x20];
	v8 =	vmul.f32 v8, v3  }
0x14d: {  	s13 =	sadd.s32 $0x3, s16;
	v16 =	vld [tilespmem:s6+$0xFFFFFFA0];
	[tilespmem:s11+$0xFFFFFFE0] =	vst v10  }
.Ltmp5:
0x14e: {  	v13 =	vmov s13;
	v9 =	vld [tilespmem:s6+$0xFFFFFFD0];
	[tilespmem:s11+$0x40] =	vst v8;
	(pc) =	sbr.rel @p3 .LBB2_9-.Ltmp5, $4  }
0x14f: {  	v10 =	vmov s16;
	v8 =	vld [tilespmem:s6+$0x30]  }
0x150: {  	s13 =	sadd.s32 $0x1, s16;
	v11 =	vand.u32 $0xFFFFFFFC, v10;
	v19 =	vmul.f32 v12, v14;
	v10 =	vld [tilespmem:s15+$0xFFFFFFF0]  }
0x151: {  	v17 =	vmov s13;
	s13 =	sadd.s32 $0x2, s16;
	s11 =	sadd.s32 $0xC0, s11;
	v12 =	vbroadcast v11, $0x0;
	v11 =	vld [tilespmem:s15+$0xFFFFFFC0];
	v15 =	vmul.f32 v15, v4;
	v4 =	vmovc v14  }
0x152: {  	v17 =	vand.u32 $0xFFFFFFFD, v17;
	v18 =	vmov s13;
	s16 =	sadd.s32 $0x4, s16;
	v16 =	vmul.f32 v16, v2;
	[tilespmem:s11+$0x0] =	vst v19;
	v14 =	vld [tilespmem:s15+$0x50];
	s15 =	smov.u32 s6  }
0x153: {  	_ =	sdelay $0x2  }
0x154: {  	v17 =	vbroadcast v17, $0x0;
	v18 =	vand.u32 $0xFFFFFFFE, v18  }
0x155: {  	v13 =	vld.idx.msk [tilespmem:v13+s26+$0x0], $0xffff;
	v18 =	vbroadcast v18, $0x0  }
0x156: {  	v12 =	vld.idx.msk [tilespmem:v12+s26+$0x0], $0xffff;
	s13 =	sadd.s32 $0xC0, s6  }
0x157: {  	v55 =	vld [tilespmem:s13+$0x0]  }
0x158: {  	v56 =	vld [tilespmem:s13+$0xFFFFFFD0]  }
0x159: {  	v9 =	vmul.f32 v9, v7;
	v57 =	vld [tilespmem:s13+$0xFFFFFFA0]  }
0x15a: {  	[tilespmem:s11+$0xFFFFFFA0] =	vst v16;
	v8 =	vmul.f32 v8, v1;
	v17 =	vld.idx.msk [tilespmem:v17+s26+$0x0], $0xffff  }
0x15b: {  	[tilespmem:s11+$0xFFFFFFD0] =	vst v9;
	v6 =	vmul.f32 v10, v6;
	v18 =	vld.idx.msk [tilespmem:v18+s26+$0x0], $0xffff  }
0x15c: {  	[tilespmem:s11+$0x30] =	vst v8;
	v5 =	vmul.f32 v11, v5;
	v8 =	vld [tilespmem:s13+$0x30]  }
0x15d: {  	v58 =	vld [tilespmem:s6+$0x10];
	[tilespmem:s10+$0xFFFFFFF0] =	vst v6;
	v3 =	vmul.f32 v14, v3  }
0x15e: {  	v6 =	vld [tilespmem:s6+$0xFFFFFFE0];
	[tilespmem:s10+$0xFFFFFFC0] =	vst v5;
	v9 =	vmul.f32 v57, v12  }
0x15f: {  	s16 =	sadd.s32 $0xC0, s11;
	v60 =	vld [tilespmem:s6+$0x40];
	[tilespmem:s10+$0x50] =	vst v3;
	v3 =	vmul.f32 v56, v17  }
0x160: {  	v59 =	vld [tilespmem:s6+$0xFFFFFFB0];
	[tilespmem:s16+$0xFFFFFFA0] =	vst v9;
	v5 =	vmul.f32 v55, v18  }
0x161: {  	v8 =	vmul.f32 v8, v13;
	v62 =	vld [tilespmem:s13+$0xFFFFFFB0];
	[tilespmem:s16+$0xFFFFFFD0] =	vst v3  }
0x162: {  	v3 =	vmul.f32 v58, v4;
	[tilespmem:s16+$0x0] =	vst v5;
	v61 =	vld [tilespmem:s13+$0xFFFFFFE0]  }
0x163: {  	v6 =	vmul.f32 v6, v7;
	[tilespmem:s16+$0x30] =	vst v8;
	v5 =	vld [tilespmem:s13+$0x10]  }
0x164: {  	v14 =	vmul.f32 v60, v1;
	[tilespmem:s11+$0x10] =	vst v3;
	v3 =	vld [tilespmem:s13+$0x40]  }
0x165: {  	v8 =	vmul.f32 v59, v2;
	[tilespmem:s11+$0xFFFFFFE0] =	vst v6;
	v63 =	vld [tilespmem:s15+$0x20]  }
0x166: {  	[tilespmem:s11+$0x40] =	vst v14;
	v10 =	vmul.f32 v62, v12  }
0x167: {  	[tilespmem:s11+$0xFFFFFFB0] =	vst v8;
	v6 =	vld [tilespmem:s15+$0xFFFFFFF0];
	v9 =	vmul.f32 v61, v17  }
0x168: {  	v14 =	vld [tilespmem:s15+$0x50];
	[tilespmem:s16+$0xFFFFFFB0] =	vst v10;
	v5 =	vmul.f32 v5, v18  }
0x169: {  	v8 =	vld [tilespmem:s15+$0xFFFFFFC0];
	v3 =	vmul.f32 v3, v13;
	[tilespmem:s16+$0xFFFFFFE0] =	vst v9  }
0x16a: {  	v4 =	vmul.f32 v63, v4;
	[tilespmem:s16+$0x10] =	vst v5;
	v9 =	vld [tilespmem:s13+$0xFFFFFFF0]  }
0x16b: {  	[tilespmem:s16+$0x40] =	vst v3;
	v5 =	vld [tilespmem:s13+$0x20]  }
0x16c: {  	v6 =	vmul.f32 v6, v7;
	[tilespmem:s11+$0x20] =	vst v4;
	v4 =	vld [tilespmem:s13+$0x50]  }
0x16d: {  	[tilespmem:s10+$0x20] =	vst v15;
	v1 =	vmul.f32 v14, v1;
	v3 =	vld [tilespmem:s13+$0xFFFFFFC0]  }
0x16e: {  	v2 =	vmul.f32 v8, v2;
	[tilespmem:s11+$0xFFFFFFF0] =	vst v6  }
0x16f: {  	[tilespmem:s11+$0x50] =	vst v1;
	v1 =	vmul.f32 v9, v17  }
0x170: {  	[tilespmem:s11+$0xFFFFFFC0] =	vst v2;
	v2 =	vmul.f32 v5, v18  }
0x171: {  	[tilespmem:s16+$0xFFFFFFF0] =	vst v1;
	v1 =	vmul.f32 v4, v13  }
0x172: {  	[tilespmem:s16+$0x20] =	vst v2;
	v2 =	vmul.f32 v3, v12  }
0x173: {  	[tilespmem:s16+$0x50] =	vst v1  }
0x174: {  	s15 =	sadd.s32 $0x9E38, s8;
	[tilespmem:s16+$0xFFFFFFC0] =	vst v2  }
0x175: {  	[spmem:s2] =	stream.indirect.scatter.add.f32 [tilespmem:s1], [sflag:$0x6], $0x30, s15, s18, $0xb8;
	[tilespmem:$0x16960] =	vst v63  }
0x176: {  	s6 =	sadd.s32 @!p2 $0x7738, s9;
	s10 =	simm.s32 @!p2 $0x64;
	s11 =	simm.s32 @!p2 $0xD930  }
0x177: {  	[tilespmem:s11], [sflag:$0x2] =	stream.indirect.gather @!p2 [hbm4b:s4+s10], $0x30, s6, s10, $0xb8;
	[tilespmem:$0x16960] =	vst v63  }
0x178: {  	s6 =	sadd.s32 @!p2 $0x9FD8, s9;
	s11 =	simm.s32 @!p2 $0x11490  }
0x179: {  	[tilespmem:s11], [sflag:$0x2] =	stream.indirect.gather @!p2 [hbm4b:s5+s10], $0x8, s6, s10, $0xb8;
	[tilespmem:$0x16960] =	vst v63  }
0x17a: {  	s6 =	simm.s32 $0x0  }
0x17b: {  	_ =	swait.ge [sflag:s3], $0x12C0;
	v1 =	vor.u32 s6, v0  }
0x17c: {  	[sflag:s3] =	ssyncset.done $0x0;
	vm0 =	vlt.s32 v1, $0x63  }
0x17d: {  	[sflag:s3] =	ssyncadd.s32 $0xFFFFED40;
	v1 =	vnsel vm0, $0x63, v1  }
0x17e: {  	_ =	swait.ge [sflag:s3], $0x320;
	v2 =	vmul.u32 $0x30, v1  }
0x17f: {  	v1 =	vshll.u32 v1, $0x3;
	[sflag:s3] =	ssyncset.done $0x0  }
0x180: {  	s10 =	simm.s32 @!p1 $0x7;
	[sflag:s3] =	ssyncadd.s32 $0xFFFFFCE0;
	v2 =	vadd.s32 $0x29, v2  }
0x181: {  	s16 =	simm.s32 $0x10;
	_ =	swait.ge @!p1 [sflag:s10], $0x12C0  }
0x182: {  	v3 =	vor.u32 s16, v0;
	[sflag:s10] =	ssyncset.done @!p1 $0x0  }
0x183: {  	vm0 =	vlt.s32 v3, $0x63;
	[sflag:s10] =	ssyncadd.s32 @!p1 $0xFFFFED40  }
0x184: {  	v3 =	vnsel vm0, $0x63, v3;
	v1 =	vld.idx.msk [tilespmem:v1+s30+$0x0], $0xffff  }
0x185: {  	v4 =	vmul.u32 $0x30, v3;
	v2 =	vld.idx.msk [tilespmem:v2+s28+$0x0], $0xffff  }
0x186: {  	v3 =	vshll.u32 v3, $0x3  }
0x187: {  	v4 =	vadd.s32 $0x29, v4  }
0x188: {  	s13 =	simm.s32 $0x20  }
0x189: {  	v5 =	vor.u32 s13, v0  }
0x18a: {  	vm0 =	vlt.s32 v5, $0x63;
	v1 =	vadd.f32 v1, v2  }
0x18b: {  	v3 =	vld.idx.msk [tilespmem:v3+s30+$0x0], $0xffff;
	v2 =	vnsel vm0, $0x63, v5  }
0x18c: {  	v4 =	vld.idx.msk [tilespmem:v4+s28+$0x0], $0xffff;
	v5 =	vmul.u32 $0x30, v2;
	v6 =	vmul.f32 $2.000000030e-01, v1  }
0x18d: {  	v2 =	vshll.u32 v2, $0x3;
	vm0 =	vge.f32 v1, $0.0e+00  }
0x18e: {  	v5 =	vadd.s32 $0x29, v5;
	v1 =	vsel vm0, v1, v6  }
0x18f: {  	s15 =	simm.s32 $0x30;
	v1 =	vmul.f32 $1.442695020e+00, v1  }
0x190: {  	v6 =	vor.u32 s15, v0  }
0x191: {  	v3 =	vadd.f32 v3, v4;
	vm0 =	vlt.s32 v6, $0x63;
	(erf) = vpow2.f32 v1  }
0x192: {  	v2 =	vld.idx.msk [tilespmem:v2+s30+$0x0], $0xffff;
	v1 =	vnsel vm0, $0x63, v6  }
0x193: {  	v6 =	vmul.f32 $2.000000030e-01, v3;
	v4 =	vmul.u32 $0x30, v1;
	v5 =	vld.idx.msk [tilespmem:v5+s28+$0x0], $0xffff  }
0x194: {  	vm0 =	vge.f32 v3, $0.0e+00;
	v1 =	vshll.u32 v1, $0x3  }
0x195: {  	s16 =	simm.s32 $0x40;
	v3 =	vsel vm0, v3, v6;
	v8 =	vadd.s32 $0x29, v4  }
0x196: {  	v4 =	vor.u32 s16, v0;
	v3 =	vmul.f32 $1.442695020e+00, v3  }
0x197: {  	vm0 =	vlt.s32 v4, $0x63  }
0x198: {  	v4 =	vnsel vm0, $0x63, v4;
	v2 =	vadd.f32 v2, v5  }
0x199: {  	(erf) = vpow2.f32 v3;
	v1 =	vld.idx.msk [tilespmem:v1+s30+$0x0], $0xffff;
	v7 =	vmul.u32 $0x30, v4  }
0x19a: {  	s11 =	simm.s32 $0x50;
	s10 =	simm.s32 $0x168F0;
	v4 =	vshll.u32 v4, $0x3;
	v5 =	vld.idx.msk [tilespmem:v8+s28+$0x0], $0xffff;
	vm0 =	vge.f32 v2, $0.0e+00;
	v6 =	vmul.f32 $2.000000030e-01, v2;
	v3 =	vpop (erf)  }
.LBB2_11:
0x19b: {  	p3 =	sne.s32 s11, $0x60  }
0x19c: {  	v8 =	vadd.s32 $0x29, v7;
	[tilespmem:s10+$0x0] =	vst v3;
	s10 =	sadd.s32 $0x10, s10;
	s13 =	smov.u32 s11;
	s11 =	sadd.s32 $0x10, s11  }
0x19d: {  	v2 =	vsel vm0, v2, v6  }
.Ltmp6:
0x19e: {  	v3 =	vor.u32 s13, v0;
	v6 =	vmul.f32 $1.442695020e+00, v2;
	(pc) =	sbr.rel @p3 .LBB2_11-.Ltmp6, $4  }
0x19f: {  	vm0 =	vlt.s32 v3, $0x63  }
0x1a0: {  	v9 =	vnsel vm0, $0x63, v3;
	v2 =	vadd.f32 v1, v5;
	v1 =	vld.idx.msk [tilespmem:v4+s30+$0x0], $0xffff;
	(erf) = vpow2.f32 v6  }
0x1a1: {  	v7 =	vmul.u32 $0x30, v9;
	v4 =	vshll.u32 v9, $0x3;
	v5 =	vld.idx.msk [tilespmem:v8+s28+$0x0], $0xffff  }
0x1a2: {  	vm0 =	vge.f32 v2, $0.0e+00;
	v6 =	vmul.f32 $2.000000030e-01, v2;
	v3 =	vpop (erf)  }
0x1a3: {  	v7 =	vadd.s32 $0x29, v7;
	_ =	sdelay $0x3  }
0x1a4: {  	v4 =	vld.idx.msk [tilespmem:v4+s30+$0x0], $0xffff  }
0x1a5: {  	v7 =	vld.idx.msk [tilespmem:v7+s28+$0x0], $0xffff;
	_ =	sdelay $0x3  }
0x1a6: {  	v1 =	vadd.f32 v1, v5  }
0x1a7: {  	v4 =	vadd.f32 v4, v7  }
0x1a8: {  	v5 =	vmul.f32 $2.000000030e-01, v1  }
0x1a9: {  	v2 =	vsel vm0, v2, v6;
	vm14 =	vge.f32 v1, $0.0e+00;
	v6 =	vmul.f32 $2.000000030e-01, v4  }
0x1aa: {  	v2 =	vmul.f32 $1.442695020e+00, v2;
	v1 =	vsel vm14, v1, v5;
	vm15 =	vge.f32 v4, $0.0e+00  }
0x1ab: {  	v1 =	vmul.f32 $1.442695020e+00, v1;
	v4 =	vsel vm15, v4, v6  }
0x1ac: {  	(erf) = vpow2.f32 v2;
	v2 =	vmul.f32 $1.442695020e+00, v4  }
0x1ad: {  	(erf) = vpow2.f32 v1  }
0x1ae: {  	(erf) = vpow2.f32 v2;
	_ =	sdelay $0x1  }
0x1af: {  	s13 =	simm.s32 $0x1  }
0x1b0: {  	s15 =	simm.s32 $0x2;
	v1 =	vmov s6;
	v4 =	vmov s13  }
0x1b1: {  	[tilespmem:s10+$0x0] =	vst v3;
	v1 =	vand.u32 $0xFFFFFFFC, v1;
	v3 =	vand.u32 $0xFFFFFFFD, v4;
	v4 =	vmov s15  }
0x1b2: {  	v1 =	vbroadcast v1, $0x0;
	v7 =	vbroadcast v3, $0x0;
	v3 =	vand.u32 $0xFFFFFFFE, v4  }
0x1b3: {  	s11 =	simm.s32 $0x3;
	s16 =	sadd.s32 $0x10, s10;
	v5 =	vpop (erf);
	v8 =	vbroadcast v3, $0x0  }
0x1b4: {  	[tilespmem:s16+$0x0] =	vst v5;
	v6 =	vpop (erf);
	v2 =	vmov s11;
	s11 =	sadd.s32 $0x10, s16  }
0x1b5: {  	[tilespmem:s11+$0x0] =	vst v6;
	s6 =	sadd.s32 $0x10, s11;
	v4 =	vpop (erf)  }
0x1b6: {  	[tilespmem:s6+$0x0] =	vst v4;
	s6 =	sadd.s32 $0x10, s6;
	v3 =	vpop (erf)  }
0x1b7: {  	[tilespmem:s6+$0x0] =	vst v3  }
0x1b8: {  	v5 =	vld.idx.msk [tilespmem:v1+s26+$0x0], $0xffff  }
0x1b9: {  	s15 =	simm.s32 $0xEC50;
	v14 =	vld.idx.msk [tilespmem:v8+s26+$0x0], $0xffff  }
0x1ba: {  	s11 =	simm.s32 $0x5;
	v1 =	vld [tilespmem:s15+$0x0]  }
0x1bb: {  	s13 =	simm.s32 $0x7;
	v10 =	vmov s11;
	v3 =	vld.idx.msk [tilespmem:v2+s26+$0x0], $0xffff  }
0x1bc: {  	v4 =	vmov s13;
	v10 =	vand.u32 $0xFFFFFFFD, v10;
	v6 =	vld.idx.msk [tilespmem:v7+s26+$0x0], $0xffff  }
0x1bd: {  	v10 =	vbroadcast v10, $0x0;
	v2 =	vld [tilespmem:s15+$0xFFFFFFA0]  }
0x1be: {  	s16 =	simm.s32 $0x4;
	v7 =	vld [tilespmem:s15+$0xFFFFFFD0]  }
0x1bf: {  	v8 =	vmov s16;
	v1 =	vmul.f32 v1, v14  }
0x1c0: {  	s10 =	simm.s32 $0x143D0;
	s13 =	simm.s32 $0x6;
	v9 =	vld [tilespmem:s15+$0x30];
	v8 =	vand.u32 $0xFFFFFFFC, v8  }
0x1c1: {  	v11 =	vmov s13;
	v8 =	vbroadcast v8, $0x0;
	[tilespmem:s10+$0x0] =	vst v1;
	v1 =	vld.idx.msk [tilespmem:v4+s26+$0x0], $0xffff  }
0x1c2: {  	v11 =	vand.u32 $0xFFFFFFFE, v11;
	v2 =	vmul.f32 v2, v5;
	v12 =	vld [tilespmem:s15+$0x10]  }
0x1c3: {  	v11 =	vbroadcast v11, $0x0;
	s6 =	simm.s32 $0xED10;
	v4 =	vmul.f32 v7, v6;
	v7 =	vld.idx.msk [tilespmem:v10+s26+$0x0], $0xffff  }
0x1c4: {  	[tilespmem:s10+$0xFFFFFFA0] =	vst v2;
	v10 =	vld [tilespmem:s6+$0x0]  }
0x1c5: {  	v2 =	vmul.f32 v9, v3;
	v9 =	vld [tilespmem:s15+$0xFFFFFFB0];
	[tilespmem:s10+$0xFFFFFFD0] =	vst v4  }
0x1c6: {  	v13 =	vld [tilespmem:s15+$0xFFFFFFE0]  }
0x1c7: {  	[tilespmem:s10+$0x30] =	vst v2;
	v2 =	vld.idx.msk [tilespmem:v8+s26+$0x0], $0xffff;
	v8 =	vmul.f32 v12, v14  }
0x1c8: {  	v15 =	vld [tilespmem:s15+$0x40]  }
0x1c9: {  	v4 =	vld.idx.msk [tilespmem:v11+s26+$0x0], $0xffff;
	[tilespmem:s10+$0x10] =	vst v8  }
0x1ca: {  	v16 =	vld [tilespmem:s15+$0x20]  }
0x1cb: {  	s13 =	simm.s32 $0xB;
	v19 =	vld [tilespmem:s6+$0xFFFFFFA0];
	v8 =	vmul.f32 v13, v6  }
0x1cc: {  	s16 =	simm.s32 $0x8;
	v11 =	vmul.f32 v9, v5;
	v9 =	vld [tilespmem:s6+$0xFFFFFFD0];
	v13 =	vmov s13  }
0x1cd: {  	v12 =	vmul.f32 v15, v3;
	v15 =	vmov s16;
	[tilespmem:s10+$0xFFFFFFE0] =	vst v8;
	v8 =	vld [tilespmem:s6+$0x30]  }
0x1ce: {  	v20 =	vmul.f32 v10, v4;
	[tilespmem:s10+$0xFFFFFFB0] =	vst v11;
	s13 =	simm.s32 $0x9;
	v11 =	vand.u32 $0xFFFFFFFC, v15;
	v10 =	vld [tilespmem:s15+$0xFFFFFFF0]  }
0x1cf: {  	s11 =	simm.s32 $0x14490;
	s16 =	simm.s32 $0xA;
	v17 =	vmov s13;
	[tilespmem:s10+$0x40] =	vst v12;
	v12 =	vbroadcast v11, $0x0;
	v11 =	vld [tilespmem:s15+$0xFFFFFFC0];
	v15 =	vmul.f32 v16, v14  }
0x1d0: {  	v18 =	vmov s16;
	s16 =	simm.s32 $0xC;
	[tilespmem:s11+$0x0] =	vst v20;
	v17 =	vand.u32 $0xFFFFFFFD, v17;
	v16 =	vmul.f32 v19, v2;
	v14 =	vld [tilespmem:s15+$0x50];
	s15 =	simm.s32 $0xED10  }
.LBB2_13:
0x1d1: {  	p3 =	slt.u32 s16, $0x60;
	v17 =	vbroadcast v17, $0x0;
	v18 =	vand.u32 $0xFFFFFFFE, v18;
	v13 =	vld.idx.msk [tilespmem:v13+s26+$0x0], $0xffff;
	v9 =	vmul.f32 v9, v7;
	[tilespmem:s10+$0x20] =	vst v15  }
0x1d2: {  	v15 =	vbroadcast v18, $0x0;
	[tilespmem:s11+$0xFFFFFFA0] =	vst v16;
	v16 =	vld [tilespmem:s6+$0x10];
	v8 =	vmul.f32 v8, v1  }
0x1d3: {  	v18 =	vld [tilespmem:s6+$0xFFFFFFB0];
	[tilespmem:s11+$0xFFFFFFD0] =	vst v9;
	v9 =	vmul.f32 v10, v6;
	v6 =	vmov v7  }
0x1d4: {  	v10 =	vld [tilespmem:s6+$0xFFFFFFE0];
	[tilespmem:s11+$0x30] =	vst v8;
	v7 =	vmul.f32 v11, v5;
	v5 =	vmov v2  }
0x1d5: {  	v8 =	vld [tilespmem:s6+$0x40];
	[tilespmem:s10+$0xFFFFFFF0] =	vst v9;
	v9 =	vmul.f32 v14, v3;
	v3 =	vmov v1  }
0x1d6: {  	v2 =	vld.idx.msk [tilespmem:v12+s26+$0x0], $0xffff;
	[tilespmem:s10+$0xFFFFFFC0] =	vst v7  }
0x1d7: {  	v1 =	vmov v13;
	v7 =	vld.idx.msk [tilespmem:v17+s26+$0x0], $0xffff;
	v11 =	vmul.f32 v16, v4;
	[tilespmem:s10+$0x50] =	vst v9;
	s10 =	smov.u32 s11  }
0x1d8: {  	s6 =	sadd.s32 $0xC0, s6;
	v14 =	vld.idx.msk [tilespmem:v15+s26+$0x0], $0xffff;
	v9 =	vmul.f32 v18, v5  }
0x1d9: {  	v12 =	vld [tilespmem:s6+$0x0];
	v10 =	vmul.f32 v10, v6;
	[tilespmem:s11+$0x10] =	vst v11  }
0x1da: {  	[tilespmem:s11+$0xFFFFFFB0] =	vst v9;
	v15 =	vld [tilespmem:s15+$0x20];
	v8 =	vmul.f32 v8, v3  }
0x1db: {  	s13 =	sadd.s32 $0x3, s16;
	v16 =	vld [tilespmem:s6+$0xFFFFFFA0];
	[tilespmem:s11+$0xFFFFFFE0] =	vst v10  }
.Ltmp7:
0x1dc: {  	v13 =	vmov s13;
	v9 =	vld [tilespmem:s6+$0xFFFFFFD0];
	[tilespmem:s11+$0x40] =	vst v8;
	(pc) =	sbr.rel @p3 .LBB2_13-.Ltmp7, $4  }
0x1dd: {  	v10 =	vmov s16;
	v8 =	vld [tilespmem:s6+$0x30]  }
0x1de: {  	s13 =	sadd.s32 $0x1, s16;
	v11 =	vand.u32 $0xFFFFFFFC, v10;
	v19 =	vmul.f32 v12, v14;
	v10 =	vld [tilespmem:s15+$0xFFFFFFF0]  }
0x1df: {  	v17 =	vmov s13;
	s13 =	sadd.s32 $0x2, s16;
	s11 =	sadd.s32 $0xC0, s11;
	v12 =	vbroadcast v11, $0x0;
	v11 =	vld [tilespmem:s15+$0xFFFFFFC0];
	v15 =	vmul.f32 v15, v4;
	v4 =	vmovc v14  }
0x1e0: {  	v17 =	vand.u32 $0xFFFFFFFD, v17;
	v18 =	vmov s13;
	s16 =	sadd.s32 $0x4, s16;
	v16 =	vmul.f32 v16, v2;
	[tilespmem:s11+$0x0] =	vst v19;
	v14 =	vld [tilespmem:s15+$0x50];
	s15 =	smov.u32 s6  }
0x1e1: {  	_ =	sdelay $0x2  }
0x1e2: {  	v17 =	vbroadcast v17, $0x0;
	v18 =	vand.u32 $0xFFFFFFFE, v18  }
0x1e3: {  	v13 =	vld.idx.msk [tilespmem:v13+s26+$0x0], $0xffff;
	v18 =	vbroadcast v18, $0x0  }
0x1e4: {  	v12 =	vld.idx.msk [tilespmem:v12+s26+$0x0], $0xffff;
	s13 =	sadd.s32 $0xC0, s6  }
0x1e5: {  	v55 =	vld [tilespmem:s13+$0x0]  }
0x1e6: {  	v56 =	vld [tilespmem:s13+$0xFFFFFFD0]  }
0x1e7: {  	v9 =	vmul.f32 v9, v7;
	v57 =	vld [tilespmem:s13+$0xFFFFFFA0]  }
0x1e8: {  	[tilespmem:s11+$0xFFFFFFA0] =	vst v16;
	v8 =	vmul.f32 v8, v1;
	v17 =	vld.idx.msk [tilespmem:v17+s26+$0x0], $0xffff  }
0x1e9: {  	[tilespmem:s11+$0xFFFFFFD0] =	vst v9;
	v6 =	vmul.f32 v10, v6;
	v18 =	vld.idx.msk [tilespmem:v18+s26+$0x0], $0xffff  }
0x1ea: {  	[tilespmem:s11+$0x30] =	vst v8;
	v5 =	vmul.f32 v11, v5;
	v8 =	vld [tilespmem:s13+$0x30]  }
0x1eb: {  	v58 =	vld [tilespmem:s6+$0x10];
	[tilespmem:s10+$0xFFFFFFF0] =	vst v6;
	v3 =	vmul.f32 v14, v3  }
0x1ec: {  	v6 =	vld [tilespmem:s6+$0xFFFFFFE0];
	[tilespmem:s10+$0xFFFFFFC0] =	vst v5;
	v9 =	vmul.f32 v57, v12  }
0x1ed: {  	s16 =	sadd.s32 $0xC0, s11;
	v60 =	vld [tilespmem:s6+$0x40];
	[tilespmem:s10+$0x50] =	vst v3;
	v3 =	vmul.f32 v56, v17  }
0x1ee: {  	v59 =	vld [tilespmem:s6+$0xFFFFFFB0];
	[tilespmem:s16+$0xFFFFFFA0] =	vst v9;
	v5 =	vmul.f32 v55, v18  }
0x1ef: {  	v8 =	vmul.f32 v8, v13;
	v62 =	vld [tilespmem:s13+$0xFFFFFFB0];
	[tilespmem:s16+$0xFFFFFFD0] =	vst v3  }
0x1f0: {  	v3 =	vmul.f32 v58, v4;
	[tilespmem:s16+$0x0] =	vst v5;
	v61 =	vld [tilespmem:s13+$0xFFFFFFE0]  }
0x1f1: {  	v6 =	vmul.f32 v6, v7;
	[tilespmem:s16+$0x30] =	vst v8;
	v5 =	vld [tilespmem:s13+$0x10]  }
0x1f2: {  	v14 =	vmul.f32 v60, v1;
	[tilespmem:s11+$0x10] =	vst v3;
	v3 =	vld [tilespmem:s13+$0x40]  }
0x1f3: {  	v8 =	vmul.f32 v59, v2;
	[tilespmem:s11+$0xFFFFFFE0] =	vst v6;
	v63 =	vld [tilespmem:s15+$0x20]  }
0x1f4: {  	[tilespmem:s11+$0x40] =	vst v14;
	v10 =	vmul.f32 v62, v12  }
0x1f5: {  	[tilespmem:s11+$0xFFFFFFB0] =	vst v8;
	v6 =	vld [tilespmem:s15+$0xFFFFFFF0];
	v9 =	vmul.f32 v61, v17  }
0x1f6: {  	v14 =	vld [tilespmem:s15+$0x50];
	[tilespmem:s16+$0xFFFFFFB0] =	vst v10;
	v5 =	vmul.f32 v5, v18  }
0x1f7: {  	v8 =	vld [tilespmem:s15+$0xFFFFFFC0];
	v3 =	vmul.f32 v3, v13;
	[tilespmem:s16+$0xFFFFFFE0] =	vst v9  }
0x1f8: {  	v4 =	vmul.f32 v63, v4;
	[tilespmem:s16+$0x10] =	vst v5;
	v9 =	vld [tilespmem:s13+$0xFFFFFFF0]  }
0x1f9: {  	[tilespmem:s16+$0x40] =	vst v3;
	v5 =	vld [tilespmem:s13+$0x20]  }
0x1fa: {  	v6 =	vmul.f32 v6, v7;
	[tilespmem:s11+$0x20] =	vst v4;
	v4 =	vld [tilespmem:s13+$0x50]  }
0x1fb: {  	[tilespmem:s10+$0x20] =	vst v15;
	v1 =	vmul.f32 v14, v1;
	v3 =	vld [tilespmem:s13+$0xFFFFFFC0]  }
0x1fc: {  	v2 =	vmul.f32 v8, v2;
	[tilespmem:s11+$0xFFFFFFF0] =	vst v6  }
0x1fd: {  	[tilespmem:s11+$0x50] =	vst v1;
	v1 =	vmul.f32 v9, v17  }
0x1fe: {  	[tilespmem:s11+$0xFFFFFFC0] =	vst v2;
	v2 =	vmul.f32 v5, v18  }
0x1ff: {  	[tilespmem:s16+$0xFFFFFFF0] =	vst v1;
	v1 =	vmul.f32 v4, v13  }
0x200: {  	[tilespmem:s16+$0x20] =	vst v2;
	v2 =	vmul.f32 v3, v12  }
0x201: {  	[tilespmem:s16+$0x50] =	vst v1  }
0x202: {  	s10 =	sadd.s32 $0x9EA0, s8;
	[tilespmem:s16+$0xFFFFFFC0] =	vst v2  }
0x203: {  	[spmem:s2] =	stream.indirect.scatter.add.f32 [tilespmem:s12], [sflag:$0x7], $0x30, s10, s18, $0xb8;
	[tilespmem:$0x16960] =	vst v63  }
0x204: {  	s6 =	sadd.s32 @!p2 $0x77A0, s9;
	s11 =	simm.s32 @!p2 $0xEBF0;
	s10 =	simm.s32 @!p2 $0x64  }
0x205: {  	[tilespmem:s11], [sflag:$0x3] =	stream.indirect.gather @!p2 [hbm4b:s4+s10], $0x30, s6, s10, $0xb8;
	[tilespmem:$0x16960] =	vst v63  }
0x206: {  	s6 =	sadd.s32 @!p2 $0xA040, s9;
	s9 =	simm.s32 @!p2 $0x117B0  }
0x207: {  	[tilespmem:s9], [sflag:$0x3] =	stream.indirect.gather @!p2 [hbm4b:s5+s10], $0x8, s6, s10, $0xb8;
	[tilespmem:$0x16960] =	vst v63  }
0x208: {  	s6 =	simm.s32 $0x0  }
0x209: {  	_ =	swait.ge [sflag:s14], $0x12C0;
	v1 =	vor.u32 s6, v0  }
0x20a: {  	[sflag:s14] =	ssyncset.done $0x0;
	vm0 =	vlt.s32 v1, $0x63  }
0x20b: {  	[sflag:s14] =	ssyncadd.s32 $0xFFFFED40;
	v1 =	vnsel vm0, $0x63, v1  }
0x20c: {  	_ =	swait.ge [sflag:s14], $0x320;
	v2 =	vmul.u32 $0x30, v1  }
0x20d: {  	v1 =	vshll.u32 v1, $0x3;
	[sflag:s14] =	ssyncset.done $0x0  }
0x20e: {  	s9 =	simm.s32 @!p1 $0x8;
	[sflag:s14] =	ssyncadd.s32 $0xFFFFFCE0;
	v2 =	vadd.s32 $0x29, v2  }
0x20f: {  	s11 =	simm.s32 $0x10;
	_ =	swait.ge @!p1 [sflag:s9], $0x12C0  }
0x210: {  	v3 =	vor.u32 s11, v0;
	[sflag:s9] =	ssyncset.done @!p1 $0x0  }
0x211: {  	vm0 =	vlt.s32 v3, $0x63;
	[sflag:s9] =	ssyncadd.s32 @!p1 $0xFFFFED40  }
0x212: {  	v3 =	vnsel vm0, $0x63, v3;
	v1 =	vld.idx.msk [tilespmem:v1+s21+$0x0], $0xffff  }
0x213: {  	v4 =	vmul.u32 $0x30, v3;
	v2 =	vld.idx.msk [tilespmem:v2+s0+$0x0], $0xffff  }
0x214: {  	v3 =	vshll.u32 v3, $0x3  }
0x215: {  	v4 =	vadd.s32 $0x29, v4  }
0x216: {  	s13 =	simm.s32 $0x20  }
0x217: {  	v5 =	vor.u32 s13, v0  }
0x218: {  	vm0 =	vlt.s32 v5, $0x63;
	v1 =	vadd.f32 v1, v2  }
0x219: {  	v3 =	vld.idx.msk [tilespmem:v3+s21+$0x0], $0xffff;
	v2 =	vnsel vm0, $0x63, v5  }
0x21a: {  	v4 =	vld.idx.msk [tilespmem:v4+s0+$0x0], $0xffff;
	v5 =	vmul.u32 $0x30, v2;
	v6 =	vmul.f32 $2.000000030e-01, v1  }
0x21b: {  	v2 =	vshll.u32 v2, $0x3;
	vm0 =	vge.f32 v1, $0.0e+00  }
0x21c: {  	v5 =	vadd.s32 $0x29, v5;
	v1 =	vsel vm0, v1, v6  }
0x21d: {  	s15 =	simm.s32 $0x30;
	v1 =	vmul.f32 $1.442695020e+00, v1  }
0x21e: {  	v6 =	vor.u32 s15, v0  }
0x21f: {  	v3 =	vadd.f32 v3, v4;
	vm0 =	vlt.s32 v6, $0x63;
	(erf) = vpow2.f32 v1  }
0x220: {  	v2 =	vld.idx.msk [tilespmem:v2+s21+$0x0], $0xffff;
	v1 =	vnsel vm0, $0x63, v6  }
0x221: {  	v6 =	vmul.f32 $2.000000030e-01, v3;
	v4 =	vmul.u32 $0x30, v1;
	v5 =	vld.idx.msk [tilespmem:v5+s0+$0x0], $0xffff  }
0x222: {  	vm0 =	vge.f32 v3, $0.0e+00;
	v1 =	vshll.u32 v1, $0x3  }
0x223: {  	s16 =	simm.s32 $0x40;
	v3 =	vsel vm0, v3, v6;
	v8 =	vadd.s32 $0x29, v4  }
0x224: {  	v4 =	vor.u32 s16, v0;
	v3 =	vmul.f32 $1.442695020e+00, v3  }
0x225: {  	vm0 =	vlt.s32 v4, $0x63  }
0x226: {  	v4 =	vnsel vm0, $0x63, v4;
	v2 =	vadd.f32 v2, v5  }
0x227: {  	(erf) = vpow2.f32 v3;
	v1 =	vld.idx.msk [tilespmem:v1+s21+$0x0], $0xffff;
	v7 =	vmul.u32 $0x30, v4  }
0x228: {  	s10 =	simm.s32 $0x50;
	s9 =	simm.s32 $0x168F0;
	v4 =	vshll.u32 v4, $0x3;
	v5 =	vld.idx.msk [tilespmem:v8+s0+$0x0], $0xffff;
	vm0 =	vge.f32 v2, $0.0e+00;
	v6 =	vmul.f32 $2.000000030e-01, v2;
	v3 =	vpop (erf)  }
.LBB2_15:
0x229: {  	p1 =	sne.s32 s10, $0x60  }
0x22a: {  	v8 =	vadd.s32 $0x29, v7;
	[tilespmem:s9+$0x0] =	vst v3;
	s9 =	sadd.s32 $0x10, s9;
	s11 =	smov.u32 s10;
	s10 =	sadd.s32 $0x10, s10  }
0x22b: {  	v2 =	vsel vm0, v2, v6  }
.Ltmp8:
0x22c: {  	v3 =	vor.u32 s11, v0;
	v6 =	vmul.f32 $1.442695020e+00, v2;
	(pc) =	sbr.rel @p1 .LBB2_15-.Ltmp8, $4  }
0x22d: {  	vm0 =	vlt.s32 v3, $0x63  }
0x22e: {  	v9 =	vnsel vm0, $0x63, v3;
	v2 =	vadd.f32 v1, v5;
	v1 =	vld.idx.msk [tilespmem:v4+s21+$0x0], $0xffff;
	(erf) = vpow2.f32 v6  }
0x22f: {  	v7 =	vmul.u32 $0x30, v9;
	v4 =	vshll.u32 v9, $0x3;
	v5 =	vld.idx.msk [tilespmem:v8+s0+$0x0], $0xffff  }
0x230: {  	vm0 =	vge.f32 v2, $0.0e+00;
	v6 =	vmul.f32 $2.000000030e-01, v2;
	v3 =	vpop (erf)  }
0x231: {  	v7 =	vadd.s32 $0x29, v7;
	_ =	sdelay $0x3  }
0x232: {  	v4 =	vld.idx.msk [tilespmem:v4+s21+$0x0], $0xffff  }
0x233: {  	v7 =	vld.idx.msk [tilespmem:v7+s0+$0x0], $0xffff;
	_ =	sdelay $0x3  }
0x234: {  	v1 =	vadd.f32 v1, v5  }
0x235: {  	v4 =	vadd.f32 v4, v7  }
0x236: {  	v5 =	vmul.f32 $2.000000030e-01, v1  }
0x237: {  	v2 =	vsel vm0, v2, v6;
	vm14 =	vge.f32 v1, $0.0e+00;
	v6 =	vmul.f32 $2.000000030e-01, v4  }
0x238: {  	v2 =	vmul.f32 $1.442695020e+00, v2;
	v1 =	vsel vm14, v1, v5;
	vm15 =	vge.f32 v4, $0.0e+00  }
0x239: {  	v1 =	vmul.f32 $1.442695020e+00, v1;
	v4 =	vsel vm15, v4, v6  }
0x23a: {  	(erf) = vpow2.f32 v2;
	v2 =	vmul.f32 $1.442695020e+00, v4  }
0x23b: {  	(erf) = vpow2.f32 v1  }
0x23c: {  	(erf) = vpow2.f32 v2;
	_ =	sdelay $0x1  }
0x23d: {  	s11 =	simm.s32 $0x1  }
0x23e: {  	s13 =	simm.s32 $0x2;
	v1 =	vmov s6;
	v4 =	vmov s11  }
0x23f: {  	[tilespmem:s9+$0x0] =	vst v3;
	v1 =	vand.u32 $0xFFFFFFFC, v1;
	v3 =	vand.u32 $0xFFFFFFFD, v4;
	v4 =	vmov s13  }
0x240: {  	v1 =	vbroadcast v1, $0x0;
	v7 =	vbroadcast v3, $0x0;
	v3 =	vand.u32 $0xFFFFFFFE, v4  }
0x241: {  	s15 =	sadd.s32 $0x10, s9;
	v5 =	vpop (erf);
	v8 =	vbroadcast v3, $0x0  }
0x242: {  	s16 =	sadd.s32 $0x10, s15;
	[tilespmem:s15+$0x0] =	vst v5;
	v6 =	vpop (erf)  }
0x243: {  	s10 =	simm.s32 $0x3;
	s6 =	sadd.s32 $0x10, s16;
	[tilespmem:s16+$0x0] =	vst v6;
	v4 =	vpop (erf)  }
0x244: {  	v2 =	vmov s10;
	[tilespmem:s6+$0x0] =	vst v4;
	s6 =	sadd.s32 $0x10, s6;
	v3 =	vpop (erf)  }
0x245: {  	[tilespmem:s6+$0x0] =	vst v3  }
0x246: {  	v5 =	vld.idx.msk [tilespmem:v1+s26+$0x0], $0xffff  }
0x247: {  	s11 =	simm.s32 $0xFF10;
	v14 =	vld.idx.msk [tilespmem:v8+s26+$0x0], $0xffff  }
0x248: {  	s13 =	simm.s32 $0x5;
	v1 =	vld [tilespmem:s11+$0x0]  }
0x249: {  	s9 =	simm.s32 $0x7;
	v10 =	vmov s13;
	v3 =	vld.idx.msk [tilespmem:v2+s26+$0x0], $0xffff  }
0x24a: {  	v10 =	vand.u32 $0xFFFFFFFD, v10;
	v4 =	vmov s9;
	v6 =	vld.idx.msk [tilespmem:v7+s26+$0x0], $0xffff  }
0x24b: {  	v10 =	vbroadcast v10, $0x0;
	v2 =	vld [tilespmem:s11+$0xFFFFFFA0]  }
0x24c: {  	s10 =	simm.s32 $0x4;
	v7 =	vld [tilespmem:s11+$0xFFFFFFD0]  }
0x24d: {  	v8 =	vmov s10;
	v1 =	vmul.f32 v1, v14  }
0x24e: {  	s15 =	simm.s32 $0x6;
	s9 =	simm.s32 $0x15690;
	v9 =	vld [tilespmem:s11+$0x30];
	v8 =	vand.u32 $0xFFFFFFFC, v8  }
0x24f: {  	v11 =	vmov s15;
	v8 =	vbroadcast v8, $0x0;
	[tilespmem:s9+$0x0] =	vst v1;
	v1 =	vld.idx.msk [tilespmem:v4+s26+$0x0], $0xffff  }
0x250: {  	v11 =	vand.u32 $0xFFFFFFFE, v11;
	v2 =	vmul.f32 v2, v5;
	v12 =	vld [tilespmem:s11+$0x10]  }
0x251: {  	v11 =	vbroadcast v11, $0x0;
	s6 =	simm.s32 $0xFFD0;
	v4 =	vmul.f32 v7, v6;
	v7 =	vld.idx.msk [tilespmem:v10+s26+$0x0], $0xffff  }
0x252: {  	[tilespmem:s9+$0xFFFFFFA0] =	vst v2;
	v10 =	vld [tilespmem:s6+$0x0]  }
0x253: {  	v2 =	vmul.f32 v9, v3;
	v9 =	vld [tilespmem:s11+$0xFFFFFFB0];
	[tilespmem:s9+$0xFFFFFFD0] =	vst v4  }
0x254: {  	v13 =	vld [tilespmem:s11+$0xFFFFFFE0]  }
0x255: {  	[tilespmem:s9+$0x30] =	vst v2;
	v2 =	vld.idx.msk [tilespmem:v8+s26+$0x0], $0xffff;
	v8 =	vmul.f32 v12, v14  }
0x256: {  	v15 =	vld [tilespmem:s11+$0x40]  }
0x257: {  	v4 =	vld.idx.msk [tilespmem:v11+s26+$0x0], $0xffff;
	[tilespmem:s9+$0x10] =	vst v8  }
0x258: {  	v16 =	vld [tilespmem:s11+$0x20]  }
0x259: {  	s13 =	simm.s32 $0xB;
	v19 =	vld [tilespmem:s6+$0xFFFFFFA0];
	v8 =	vmul.f32 v13, v6  }
0x25a: {  	s16 =	simm.s32 $0x8;
	v11 =	vmul.f32 v9, v5;
	v9 =	vld [tilespmem:s6+$0xFFFFFFD0];
	v13 =	vmov s13  }
0x25b: {  	v12 =	vmul.f32 v15, v3;
	v15 =	vmov s16;
	[tilespmem:s9+$0xFFFFFFE0] =	vst v8;
	v8 =	vld [tilespmem:s6+$0x30]  }
0x25c: {  	s15 =	simm.s32 $0x9;
	v20 =	vmul.f32 v10, v4;
	[tilespmem:s9+$0xFFFFFFB0] =	vst v11;
	v11 =	vand.u32 $0xFFFFFFFC, v15;
	v10 =	vld [tilespmem:s11+$0xFFFFFFF0]  }
0x25d: {  	v17 =	vmov s15;
	s10 =	simm.s32 $0x15750;
	s16 =	simm.s32 $0xA;
	[tilespmem:s9+$0x40] =	vst v12;
	v12 =	vbroadcast v11, $0x0;
	v11 =	vld [tilespmem:s11+$0xFFFFFFC0];
	v15 =	vmul.f32 v16, v14  }
0x25e: {  	s15 =	simm.s32 $0xC;
	v17 =	vand.u32 $0xFFFFFFFD, v17;
	v18 =	vmov s16;
	[tilespmem:s10+$0x0] =	vst v20;
	v16 =	vmul.f32 v19, v2;
	v14 =	vld [tilespmem:s11+$0x50];
	s11 =	simm.s32 $0xFFD0  }
.LBB2_17:
0x25f: {  	p1 =	slt.u32 s15, $0x60;
	v17 =	vbroadcast v17, $0x0;
	v18 =	vand.u32 $0xFFFFFFFE, v18;
	v13 =	vld.idx.msk [tilespmem:v13+s26+$0x0], $0xffff;
	v9 =	vmul.f32 v9, v7;
	[tilespmem:s9+$0x20] =	vst v15  }
0x260: {  	v15 =	vbroadcast v18, $0x0;
	[tilespmem:s10+$0xFFFFFFA0] =	vst v16;
	v16 =	vld [tilespmem:s6+$0x10];
	v8 =	vmul.f32 v8, v1  }
0x261: {  	v18 =	vld [tilespmem:s6+$0xFFFFFFB0];
	[tilespmem:s10+$0xFFFFFFD0] =	vst v9;
	v9 =	vmul.f32 v10, v6;
	v6 =	vmov v7  }
0x262: {  	v10 =	vld [tilespmem:s6+$0xFFFFFFE0];
	[tilespmem:s10+$0x30] =	vst v8;
	v7 =	vmul.f32 v11, v5;
	v5 =	vmov v2  }
0x263: {  	v8 =	vld [tilespmem:s6+$0x40];
	[tilespmem:s9+$0xFFFFFFF0] =	vst v9;
	v9 =	vmul.f32 v14, v3;
	v3 =	vmov v1  }
0x264: {  	v2 =	vld.idx.msk [tilespmem:v12+s26+$0x0], $0xffff;
	[tilespmem:s9+$0xFFFFFFC0] =	vst v7  }
0x265: {  	v1 =	vmov v13;
	v7 =	vld.idx.msk [tilespmem:v17+s26+$0x0], $0xffff;
	v11 =	vmul.f32 v16, v4;
	[tilespmem:s9+$0x50] =	vst v9;
	s9 =	smov.u32 s10  }
0x266: {  	s6 =	sadd.s32 $0xC0, s6;
	v14 =	vld.idx.msk [tilespmem:v15+s26+$0x0], $0xffff;
	v9 =	vmul.f32 v18, v5  }
0x267: {  	v12 =	vld [tilespmem:s6+$0x0];
	v10 =	vmul.f32 v10, v6;
	[tilespmem:s10+$0x10] =	vst v11  }
0x268: {  	[tilespmem:s10+$0xFFFFFFB0] =	vst v9;
	v15 =	vld [tilespmem:s11+$0x20];
	v8 =	vmul.f32 v8, v3  }
0x269: {  	s13 =	sadd.s32 $0x3, s15;
	v16 =	vld [tilespmem:s6+$0xFFFFFFA0];
	[tilespmem:s10+$0xFFFFFFE0] =	vst v10  }
.Ltmp9:
0x26a: {  	v13 =	vmov s13;
	v9 =	vld [tilespmem:s6+$0xFFFFFFD0];
	[tilespmem:s10+$0x40] =	vst v8;
	(pc) =	sbr.rel @p1 .LBB2_17-.Ltmp9, $4  }
0x26b: {  	v10 =	vmov s15;
	v8 =	vld [tilespmem:s6+$0x30]  }
0x26c: {  	s13 =	sadd.s32 $0x1, s15;
	v11 =	vand.u32 $0xFFFFFFFC, v10;
	v19 =	vmul.f32 v12, v14;
	v10 =	vld [tilespmem:s11+$0xFFFFFFF0]  }
0x26d: {  	v17 =	vmov s13;
	s13 =	sadd.s32 $0x2, s15;
	s10 =	sadd.s32 $0xC0, s10;
	v12 =	vbroadcast v11, $0x0;
	v11 =	vld [tilespmem:s11+$0xFFFFFFC0];
	v15 =	vmul.f32 v15, v4;
	v4 =	vmovc v14  }
0x26e: {  	v17 =	vand.u32 $0xFFFFFFFD, v17;
	v18 =	vmov s13;
	s15 =	sadd.s32 $0x4, s15;
	v16 =	vmul.f32 v16, v2;
	[tilespmem:s10+$0x0] =	vst v19;
	v14 =	vld [tilespmem:s11+$0x50];
	s11 =	smov.u32 s6  }
0x26f: {  	_ =	sdelay $0x2  }
0x270: {  	v17 =	vbroadcast v17, $0x0;
	v18 =	vand.u32 $0xFFFFFFFE, v18  }
0x271: {  	v13 =	vld.idx.msk [tilespmem:v13+s26+$0x0], $0xffff;
	v18 =	vbroadcast v18, $0x0  }
0x272: {  	v12 =	vld.idx.msk [tilespmem:v12+s26+$0x0], $0xffff;
	s13 =	sadd.s32 $0xC0, s6  }
0x273: {  	v49 =	vld [tilespmem:s13+$0x0]  }
0x274: {  	v50 =	vld [tilespmem:s13+$0xFFFFFFD0]  }
0x275: {  	v9 =	vmul.f32 v9, v7;
	v51 =	vld [tilespmem:s13+$0xFFFFFFA0]  }
0x276: {  	[tilespmem:s10+$0xFFFFFFA0] =	vst v16;
	v8 =	vmul.f32 v8, v1;
	v17 =	vld.idx.msk [tilespmem:v17+s26+$0x0], $0xffff  }
0x277: {  	[tilespmem:s10+$0xFFFFFFD0] =	vst v9;
	v6 =	vmul.f32 v10, v6;
	v18 =	vld.idx.msk [tilespmem:v18+s26+$0x0], $0xffff  }
0x278: {  	v52 =	vld [tilespmem:s13+$0x30];
	[tilespmem:s10+$0x30] =	vst v8;
	v5 =	vmul.f32 v11, v5  }
0x279: {  	v53 =	vld [tilespmem:s6+$0x10];
	[tilespmem:s9+$0xFFFFFFF0] =	vst v6;
	v3 =	vmul.f32 v14, v3  }
0x27a: {  	v56 =	vld [tilespmem:s6+$0xFFFFFFB0];
	[tilespmem:s9+$0xFFFFFFC0] =	vst v5;
	v9 =	vmul.f32 v51, v12  }
0x27b: {  	s15 =	sadd.s32 $0xC0, s10;
	v54 =	vld [tilespmem:s6+$0xFFFFFFE0];
	[tilespmem:s9+$0x50] =	vst v3;
	v3 =	vmul.f32 v50, v17  }
0x27c: {  	v57 =	vld [tilespmem:s6+$0x40];
	[tilespmem:s15+$0xFFFFFFA0] =	vst v9;
	v55 =	vmul.f32 v49, v18  }
0x27d: {  	v8 =	vmul.f32 v52, v13;
	[tilespmem:s15+$0xFFFFFFD0] =	vst v3  }
0x27e: {  	v3 =	vmul.f32 v53, v4;
	[tilespmem:s15+$0x0] =	vst v55;
	v58 =	vld [tilespmem:s13+$0xFFFFFFE0]  }
0x27f: {  	v60 =	vmul.f32 v56, v2;
	[tilespmem:s15+$0x30] =	vst v8;
	v5 =	vld [tilespmem:s13+$0x10]  }
0x280: {  	v6 =	vmul.f32 v54, v7;
	[tilespmem:s10+$0x10] =	vst v3;
	v3 =	vld [tilespmem:s13+$0x40]  }
0x281: {  	v59 =	vld [tilespmem:s13+$0xFFFFFFB0];
	v14 =	vmul.f32 v57, v1;
	[tilespmem:s10+$0xFFFFFFB0] =	vst v60  }
0x282: {  	[tilespmem:s10+$0xFFFFFFE0] =	vst v6;
	v8 =	vld [tilespmem:s11+$0xFFFFFFC0]  }
0x283: {  	v6 =	vld [tilespmem:s11+$0xFFFFFFF0];
	[tilespmem:s10+$0x40] =	vst v14;
	v9 =	vmul.f32 v58, v17  }
0x284: {  	[tilespmem:s9+$0x20] =	vst v15;
	v14 =	vld [tilespmem:s11+$0x50];
	v5 =	vmul.f32 v5, v18  }
0x285: {  	v61 =	vld [tilespmem:s11+$0x20];
	v3 =	vmul.f32 v3, v13;
	[tilespmem:s15+$0xFFFFFFE0] =	vst v9  }
0x286: {  	v10 =	vmul.f32 v59, v12;
	[tilespmem:s15+$0x10] =	vst v5;
	v9 =	vld [tilespmem:s13+$0xFFFFFFF0]  }
0x287: {  	v2 =	vmul.f32 v8, v2;
	[tilespmem:s15+$0x40] =	vst v3;
	v5 =	vld [tilespmem:s13+$0x20]  }
0x288: {  	[tilespmem:s15+$0xFFFFFFB0] =	vst v10;
	v6 =	vmul.f32 v6, v7;
	v63 =	vld [tilespmem:s13+$0x50]  }
0x289: {  	v1 =	vmul.f32 v14, v1;
	[tilespmem:s10+$0xFFFFFFC0] =	vst v2;
	v3 =	vld [tilespmem:s13+$0xFFFFFFC0]  }
0x28a: {  	[tilespmem:s10+$0xFFFFFFF0] =	vst v6;
	v62 =	vmul.f32 v61, v4  }
0x28b: {  	[tilespmem:s10+$0x50] =	vst v1;
	v1 =	vmul.f32 v9, v17  }
0x28c: {  	[tilespmem:s10+$0x20] =	vst v62;
	v2 =	vmul.f32 v5, v18  }
.Ltmp10:
0x28d: {  	[tilespmem:s15+$0xFFFFFFF0] =	vst v1;
	v1 =	vmul.f32 v63, v13;
	(pc) =	sbr.rel @p2 .LBB2_20-.Ltmp10, $4  }
0x28e: {  	[tilespmem:s15+$0x20] =	vst v2;
	v2 =	vmul.f32 v3, v12  }
0x28f: {  	[tilespmem:s15+$0x50] =	vst v1  }
0x290: {  	s16 =	sadd.s32 $0x9F08, s8;
	[tilespmem:s15+$0xFFFFFFC0] =	vst v2  }
0x291: {  	[spmem:s2] =	stream.indirect.scatter.add.f32 [tilespmem:s7], [sflag:$0x8], $0x30, s16, s18, $0xb8;
	[tilespmem:$0x16960] =	vst v63  }
0x292: {  	s6 =	smul.u32 $0x1A0, s25  }
.Ltmp11:
0x293: {  	_ = 	snop;
	(pc) =	sbr.rel .LBB2_2-.Ltmp11, $4  }
0x294: {  	s8 =	sadd.s32 $0x7808, s6  }
0x295: {  	[tilespmem:s0], [sflag:$0x4] =	stream.indirect.gather [hbm4b:s4+s18], $0x30, s8, s18, $0xb8;
	[tilespmem:$0x16960] =	vst v63  }
0x296: {  	s25 =	sadd.s32 $0x1, s25;
	s6 =	sadd.s32 $0xA0A8, s6  }
0x297: {  	[tilespmem:s21], [sflag:$0x4] =	stream.indirect.gather [hbm4b:s5+s18], $0x8, s6, s18, $0xb8;
	[tilespmem:$0x16960] =	vst v63  }
.LBB2_21:
0x298: {  	_ =	sfence.sel $0x180000  }
0x299: {  	[bflag:$0x0] =	sbarrier.arrive $0xFFFF  }
0x29a: {  	_ =	strace $0x9000004A  }
0x29b: {  	s0 =	stileid.u32;
	[bflag:$0x2] =	sbarrier.arrive $0xFFFF  }
0x29c: {  	p0 =	sne.s32 s0, $0x0;
	s0 =	rddreg [dreg:$0x3]  }
0x29d: {  	s0 =	sadd.s32 @!p0 $0x100000, s0  }
0x29e: {  	[sflag:s0] =	ssyncadd.tile.s32 @!p0 $0x1;
	_ =	shalt  }
.Lfunc_end2:
_tile_overlayer_lowered:
.L_overlay_start_2:
0x29f: {  	(tag) =	ssettag $0x2  }
0x2a0: {  	s0 =	rddreg [dreg:$0x0];
	s2 =	stileid.u32  }
0x2a1: {  	s1 =	rddreg [dreg:$0x1];
	p0 =	sne.s32 s2, $0x0  }
0x2a2: {  	s3 =	rddreg [dreg:$0x2];
	[bflag:$0x3] =	sbarrier.arrive $0xFFFF;
	s2 =	simm.s32 @!p0 $0x1C09  }
0x2a3: {  	[timem:s3], [sflag:s2] =	dma.local @!p0 [hbm:s0], s1  }
0x2a4: {  	s0 =	simm.s32 @!p0 $0x9  }
0x2a5: {  	_ =	swait.ge @!p0 [sflag:s0], s1  }
0x2a6: {  	s1 =	ssub.s32 @!p0 $0x0, s1;
	[sflag:s0] =	ssyncset.done @!p0 $0x0  }
0x2a7: {  	[sflag:s0] =	ssyncadd.s32 @!p0 s1  }
0x2a8: {  	[bflag:$0x3] =	sbarrier.arrive $0xFFFF  }
0x2a9: {  	_ =	shalt  }

// kernel: kernel.7.cloned.1.call-start
scs
__scs_entry_jumppad:
0x0: {  	(pc) =	sbr.rel $0x88, $3  }
0x1: {  	(tag) =	ssettag $0x0;
	lr =	simm.s32 $0x1  }
0x2: {  	[smem:$0x3F97] =	sst lr;
	_ =	strace $0xD0000000  }
0x3: {  	_ = 	snop  }
0x4: {  	_ = 	snop  }
0x5: {  	_ = 	snop  }
0x6: {  	_ = 	snop  }
0x7: {  	_ = 	snop  }
__scs_overlays_trampoline_lowered:
0x8: {  	[smem:$0x3FA6] =	sst s0  }
0x9: {  	[smem:$0x3FA7] =	sst s1  }
0xa: {  	[smem:$0x3FA8] =	sst s2  }
0xb: {  	[smem:$0x3FA9] =	sst s3  }
0xc: {  	[smem:$0x3FAA] =	sst s4  }
0xd: {  	[smem:$0x3FAB] =	sst s5  }
0xe: {  	[smem:$0x3FAC] =	sst s6  }
0xf: {  	[smem:$0x3FAD] =	sst s7  }
0x10: {  	[smem:$0x3FAE] =	sst s8  }
0x11: {  	[smem:$0x3FAF] =	sst s9;
	s0 =	simm.s32 @!p0 $0x0  }
0x12: {  	s1 =	sld [smem:$0x3F95];
	s0 =	simm.s32 @p0 $0x1  }
0x13: {  	[smem:$0x3FB0] =	sst s0;
	s0 =	simm.s32 @!p1 $0x0  }
0x14: {  	s2 =	sld [smem:$0x3F94];
	s0 =	simm.s32 @p1 $0x1  }
0x15: {  	[smem:$0x3FB1] =	sst s0;
	s0 =	simm.s32 @!p2 $0x0  }
0x16: {  	s3 =	sld [smem:$0x3FDB];
	s0 =	simm.s32 @p2 $0x1  }
0x17: {  	s4 =	simm.s32 $0x1BF5;
	[smem:$0x3FB3] =	sst s0  }
0x18: {  	s0 =	sld [smem:$0x3F96];
	_ =	swait.ge [sflag:s4], $0x0  }
0x19: {  	s7 =	sld [smem:$0x3F97]  }
0x1a: {  	s8 =	sadd.s32 $0xFFFFE003, lr  }
0x1b: {  	s9 =	sadd.s32 $0xFFFFFEF7, lr;
	s5 =	simm.s32 $0xFFFFFFFF;
	p2 =	slt.u32 s8, $0xFFFFF086  }
0x1c: {  	p1 =	slt.u32 s9, $0xF7A;
	s5 =	simm.s32 @!p2 $0x0  }
0x1d: {  	s5 =	simm.s32 @p1 $0x1;
	p0 =	seq.s32 s7, s2  }
0x1e: {  	s7 =	smul.u32 @!p0 $0xF7A, s2;
	p2 =	seq.s32 @!p0 s5, $0x0  }
0x1f: {  	s9 =	smul.u32 $0xF7A, s1;
	s8 =	simm.s32 @!p0 $0x1BF5;
	p2 =	por !p2, p0  }
0x20: {  	[sflag:s8] =	ssyncset.s32 @!p0 $0xFFFFF086;
	s6 =	sadd.s32 @!p0 s3, s7;
	s7 =	simm.s32 @!p0 $0x108  }
0x21: {  	s3 =	sadd.s32 s3, s9;
	s6 =	sadd.s32 @!p0 $0x88, s6;
	s7 =	simm.s32 @p2 $0x1082  }
0x22: {  	[simem:s7], [sflag:s8] =	dma.local @!p0 [hbm:s6], $0xF7A  }
0x23: {  	s9 =	sor.u32 $0xD0000000, s2;
	s6 =	simm.s32 $0x108;
	_ =	swait.ge @!p0 [sflag:s8], $0x0  }
0x24: {  	s3 =	sadd.s32 $0x88, s3;
	s6 =	simm.s32 @!p1 $0x1082;
	[sflag:s4] =	ssyncset.s32 $0xFFFFF086  }
0x25: {  	[simem:s6], [sflag:s4] =	dma.local [hbm:s3], $0xF7A  }
0x26: {  	[smem:$0x3F97] =	sst s1;
	(tag) =	ssettag s2;
	_ =	strace s9  }
0x27: {  	s1 =	sld [smem:$0x3FA7]  }
0x28: {  	s2 =	sld [smem:$0x3FA8]  }
0x29: {  	s4 =	sld [smem:$0x3FAA]  }
0x2a: {  	p0 =	seq.s32 s5, $0x0;
	s5 =	sld [smem:$0x3FAB]  }
0x2b: {  	s6 =	sld [smem:$0x3FAC]  }
0x2c: {  	s7 =	sld [smem:$0x3FAD]  }
0x2d: {  	s3 =	simm.s32 $0x108;
	s8 =	sld [smem:$0x3FAE]  }
0x2e: {  	s3 =	simm.s32 @!p0 $0x1082;
	s9 =	sld [smem:$0x3FAF]  }
0x2f: {  	lr =	sadd.s32 s0, s3;
	s0 =	sld [smem:$0x3FA6]  }
0x30: {  	s3 =	sld [smem:$0x3FA9]  }
0x31: {  	[smem:$0x3FB2] =	sst s10  }
0x32: {  	s10 =	sld [smem:$0x3FB0];
	_ =	sdelay $0x3  }
0x33: {  	p0 =	seq.s32 s10, $0x1;
	s10 =	sld [smem:$0x3FB2];
	_ =	sdelay $0x3  }
0x34: {  	[smem:$0x3FB2] =	sst s10  }
0x35: {  	s10 =	sld [smem:$0x3FB1];
	_ =	sdelay $0x3  }
0x36: {  	p1 =	seq.s32 s10, $0x1;
	s10 =	sld [smem:$0x3FB2];
	_ =	sdelay $0x3  }
0x37: {  	[smem:$0x3FB2] =	sst s10  }
0x38: {  	s10 =	sld [smem:$0x3FB3]  }
0x39: {  	_ = 	snop;
	(pc) =	sbr.ind lr, $3  }
0x3a: {  	_ = 	snop  }
0x3b: {  	_ = 	snop  }
0x3c: {  	p2 =	seq.s32 s10, $0x1;
	s10 =	sld [smem:$0x3FB2]  }
0x3d: {  	_ =	shalt  }
0x3e: {  	_ =	shalt  }
0x3f: {  	_ =	shalt  }
0x40: {  	_ =	shalt  }
0x41: {  	_ =	shalt  }
0x42: {  	_ =	shalt  }
0x43: {  	_ =	shalt  }
0x44: {  	_ =	shalt  }
0x45: {  	_ =	shalt  }
0x46: {  	_ =	shalt  }
0x47: {  	_ =	shalt  }
0x48: {  	_ =	shalt  }
0x49: {  	_ =	shalt  }
0x4a: {  	_ =	shalt  }
0x4b: {  	_ =	shalt  }
0x4c: {  	_ =	shalt  }
0x4d: {  	_ =	shalt  }
0x4e: {  	_ =	shalt  }
0x4f: {  	_ =	shalt  }
0x50: {  	_ =	shalt  }
0x51: {  	_ =	shalt  }
0x52: {  	_ =	shalt  }
0x53: {  	_ =	shalt  }
0x54: {  	_ =	shalt  }
0x55: {  	_ =	shalt  }
0x56: {  	_ =	shalt  }
0x57: {  	_ =	shalt  }
0x58: {  	_ =	shalt  }
0x59: {  	_ =	shalt  }
0x5a: {  	_ =	shalt  }
0x5b: {  	_ =	shalt  }
0x5c: {  	_ =	shalt  }
0x5d: {  	_ =	shalt  }
0x5e: {  	_ =	shalt  }
0x5f: {  	_ =	shalt  }
0x60: {  	_ =	shalt  }
0x61: {  	_ =	shalt  }
0x62: {  	_ =	shalt  }
0x63: {  	_ =	shalt  }
0x64: {  	_ =	shalt  }
0x65: {  	_ =	shalt  }
0x66: {  	_ =	shalt  }
0x67: {  	_ =	shalt  }
0x68: {  	_ =	shalt  }
0x69: {  	_ =	shalt  }
0x6a: {  	_ =	shalt  }
0x6b: {  	_ =	shalt  }
0x6c: {  	_ =	shalt  }
0x6d: {  	_ =	shalt  }
0x6e: {  	_ =	shalt  }
0x6f: {  	_ =	shalt  }
0x70: {  	_ =	shalt  }
0x71: {  	_ =	shalt  }
0x72: {  	_ =	shalt  }
0x73: {  	_ =	shalt  }
0x74: {  	_ =	shalt  }
0x75: {  	_ =	shalt  }
0x76: {  	_ =	shalt  }
0x77: {  	_ =	shalt  }
0x78: {  	_ =	shalt  }
0x79: {  	_ =	shalt  }
0x7a: {  	_ =	shalt  }
0x7b: {  	_ =	shalt  }
0x7c: {  	_ =	shalt  }
0x7d: {  	_ =	shalt  }
0x7e: {  	_ =	shalt  }
0x7f: {  	_ =	shalt  }
0x80: {  	_ =	shalt  }
0x81: {  	_ =	shalt  }
0x82: {  	_ =	shalt  }
0x83: {  	_ =	shalt  }
0x84: {  	_ =	shalt  }
0x85: {  	_ =	shalt  }
0x86: {  	_ =	shalt  }
0x87: {  	_ =	shalt  }
.Lfunc_end0:
.L_simem_size_0:
called_computation_lowered:
.L_overlay_start_0:
0x88: {  	s2 =	sld [smem:$0x3FD9]  }
0x89: {  	s3 =	sld [smem:$0x3FFE];
	_ =	sdelay $0x1  }
0x8a: {  	s1 =	srdreg.scid  }
0x8b: {  	s0 =	sand.u32 $0x1, s1  }
0x8c: {  	s17 =	sshll.u32 s0, $0xA;
	s2 =	sadd.s32 s3, s2  }
0x8d: {  	s2 =	sadd.s32 s2, s17  }
0x8e: {  	[smem:$0x3FBE] =	sst s2  }
0x8f: {  	_ = 	snop  }
0x90: {  	s2 =	sld [smem:$0x3FD0];
	(tm) =	ssettm $0x1  }
0x91: {  	s18 =	sld [smem:$0x3FFB];
	_ =	sdelay $0x3  }
0x92: {  	_ =	strace s18  }
0x93: {  	s3 =	sld [smem:$0x3FFC];
	_ =	sdelay $0x3  }
0x94: {  	_ =	strace s3  }
0x95: {  	s3 =	sld [smem:$0x3FFD];
	_ =	sdelay $0x3  }
0x96: {  	_ =	strace s3  }
0x97: {  	_ =	strace $0x8FFFFFFF  }
0x98: {  	s19 =	sld [smem:$0x3FDB];
	_ =	sdelay $0x1  }
0x99: {  	s4 =	simm.s32 $_scs_section_size  }
0x9a: {  	s5 =	simm.s32 $_size__tile_overlayer_lowered;
	s6 =	simm.s32 $_tile_overlayer_lowered  }
0x9b: {  	s22 =	simm.s32 $0x1BFF;
	s21 =	sshll.u32 s6, $0x1;
	s3 =	sadd.s32 s4, s19  }
0x9c: {  	s7 =	simm.s32 $0x0;
	s20 =	sshll.u32 s5, $0x1;
	s5 =	sadd.s32 s21, s3  }
0x9d: {  	[timem:s7], [sflag:s22] =	dma.local [hbm:s5], s20  }
0x9e: {  	_ =	swait.ge [sflag:s22], s20  }
0x9f: {  	s4 =	ssub.s32 $0x0, s20;
	[sflag:s22] =	ssyncset.done $0x0  }
0xa0: {  	[sflag:s22] =	ssyncadd.s32 s4;
	_ =	sdelay $0x1  }
0xa1: {  	s23 =	simm.s32 $0x1B8B  }
0xa2: {  	_ =	swait.ge [sflag:s23], $0x1  }
0xa3: {  	[sflag:s23] =	ssyncset.done $0x0  }
0xa4: {  	s25 =	simm.s32 $0x1B8E;
	s24 =	sld [smem:$0x3FFE];
	[sflag:s23] =	ssyncadd.s32 $0xFFFFFFFF  }
0xa5: {  	s26 =	simm.s32 $execute0_lowered;
	[smem:$0x3FD2] =	sst s25  }
0xa6: {  	s5 =	sshll.u32 s26, $0x1;
	_ =	strace $0x80000046;
	[dreg:$0x1] =	wrdreg $0xFFFFFFFF  }
0xa7: {  	s28 =	simm.s32 $_size_execute0_lowered;
	s3 =	sadd.s32 s3, s5;
	[dreg:$0x0] =	wrdreg $0x0  }
0xa8: {  	s5 =	sshll.u32 s28, $0x1;
	[dreg:$0x2] =	wrdreg s3  }
0xa9: {  	[dreg:$0x3] =	wrdreg s5  }
0xaa: {  	[dreg:$0x4] =	wrdreg $0xC0  }
0xab: {  	_ =	task [dreg:s7], $0x5FFFF  }
0xac: {  	[dreg:$0x1] =	wrdreg $0xFFFFFFFF  }
0xad: {  	[dreg:$0x0] =	wrdreg $0x60  }
0xae: {  	[dreg:$0x2] =	wrdreg s24  }
0xaf: {  	[dreg:$0x3] =	wrdreg s2  }
0xb0: {  	[dreg:$0x4] =	wrdreg $0x0  }
0xb1: {  	[dreg:$0x5] =	wrdreg $0x9  }
0xb2: {  	_ =	task.clear_ibuf [dreg:s7], $0x6FFFF;
	_ =	strace $0x90000046  }
0xb3: {  	s29 =	simm.s32 $0x9;
	_ =	strace $0x80000048  }
0xb4: {  	_ =	swait.ge [sflag:s29], $0x1  }
0xb5: {  	[sflag:s29] =	ssyncadd.s32 $0xFFFFFFFF  }
0xb6: {  	_ =	strace $0x90000048  }
0xb7: {  	_ =	sfence  }
0xb8: {  	s30 =	sld [smem:$0x0];
	_ =	sdelay $0x2  }
0xb9: {  	s31 =	sshll.u32 s1, $0xD;
	s1 =	sshrl.u32 s1, $0x2  }
0xba: {  	s3 =	sand.u32 $0x4000, s31;
	s1 =	sadd.s32 s1, s30  }
0xbb: {  	s0 =	sor.u32 s3, s0;
	s1 =	sshll.u32 s1, $0x11  }
0xbc: {  	s0 =	sor.u32 s1, s0  }
0xbd: {  	s0 =	sadd.s32 $0x8F2B, s0  }
0xbe: {  	[sflag:s0] =	ssyncadd.remote.s32 $0x1  }
0xbf: {  	_ =	sfence.sel $0xFFFF  }
0xc0: {  	[dreg:$0x0] =	wrdreg $0xFFFFFFFF;
	(pc) =	sbr.abs _section_cstart, $3  }
0xc1: {  	[dreg:$0x1] =	wrdreg $0xFFFFFFFF  }
0xc2: {  	_ =	task.clear_ibuf [dreg:s7], $0x2FFFF;
	_ =	strace $0x9FFFFFFF  }
0xc3: {  	(tm) =	ssettm $0x7FFFFFFF  }
tec
execute0_lowered:
.L_overlay_start_1:
0x0: {  	(tag) =	ssettag $0x1  }
0x1: {  	s0 =	rddreg [dreg:$0x0]  }
0x2: {  	s1 =	srdreg.scid;
	s2 =	rddreg [dreg:$0x1]  }
0x3: {  	s31 =	rddreg [dreg:$0x2];
	s10 =	stileid.u32  }
0x4: {  	s4 =	simm.s32 $0x0;
	s18 =	simm.s32 $0x64;
	s19 =	simm.s32 $0x10108  }
0x5: {  	s20 =	simm.s32 $0x17188;
	s28 =	simm.s32 $0x13948;
	s30 =	simm.s32 $0x177C8  }
0x6: {  	s29 =	simm.s32 $0x17E08;
	s14 =	simm.s32 $0x1B648;
	s1 =	sand.u32 $0x1, s1  }
0x7: {  	[smem:$0x7FF] =	sst s4;
	s4 =	sadd.s32 $0x1400, s0;
	s8 =	smul.u32 $0x2C700, s10  }
0x8: {  	s5 =	sadd.s32 $0x17400, s0;
	s9 =	sadd.s32 $0x24000, s0;
	s22 =	smul.u32 $0xB1C0, s10  }
0x9: {  	p0 =	seq.s32 s10, $0xF;
	s3 =	sshll.u32 s1, $0x4;
	_ =	strace $0x80000047  }
0xa: {  	s7 =	ssub.s32 $0x2, s1;
	[dreg:$0x4] =	wrdreg s9;
	s1 =	smul.u32 $0xAFC80, s1  }
0xb: {  	s3 =	sor.u32 s10, s3;
	s21 =	sshrl.u32 s7, $0x1;
	s24 =	sshrl.u32 s8, $0x2  }
0xc: {  	s3 =	smul.u32 $0x514, s3;
	s7 =	ssub.s32 s7, s21;
	s25 =	sadd.s32 s22, s1  }
0xd: {  	s1 =	sshrl.u32 s1, $0x3;
	s21 =	simm.s32 $0x17AE8;
	s26 =	smax.u32 s7, $0x1  }
0xe: {  	s7 =	simm.s32 $0x1D268;
	s6 =	sadd.s32 s3, s0;
	s0 =	sadd.s32 $0x25800, s0  }
0xf: {  	s2 =	sadd.s32 s2, s3;
	s3 =	sshrl.u32 s25, $0x3;
	[dreg:$0x9] =	wrdreg s26  }
0x10: {  	s26 =	simm.s32 $0x1EE88;
	[dreg:$0x5] =	wrdreg s2;
	s23 =	sadd.s32 $0x19C00, s6  }
0x11: {  	s2 =	sadd.s32 s24, s31;
	s6 =	sadd.s32 $0xA6A40, s31;
	s1 =	sadd.s32 s0, s1  }
0x12: {  	s0 =	sadd.s32 s0, s3;
	s24 =	simm.s32 $0x174A8;
	[dreg:$0x6] =	wrdreg s23  }
0x13: {  	[dreg:$0x7] =	wrdreg s0;
	s0 =	sadd.s32 s22, s31;
	s1 =	sadd.s32 $0x14D48, s1  }
.Ltmp0:
0x14: {  	[dreg:$0x8] =	wrdreg s1;
	s0 =	sshrl.u32 @!p0 s0, $0x3;
	(pc) =	sbr.rel .LBB2_1-.Ltmp0, $4  }
0x15: {  	v1 =	vlaneseq.u32;
	s1 =	sshll.u32 @!p0 s10, $0x6;
	s10 =	sshrl.u32 @p0 s6, $0x3;
	[dreg:$0xd] =	wrdreg s0  }
0x16: {  	v0 =	vand.u32 $0x7, v1;
	s11 =	sor.u32 @!p0 $0x1C09, s1;
	s1 =	sshrl.u32 @!p0 s2, $0x3;
	[dreg:$0xa] =	wrdreg s10  }
0x17: {  	v1 =	vshrl.u32 v1, $0x3;
	v2 =	vor.u32 $0x40, v0;
	s22 =	simm.s32 $0x11D28;
	s6 =	simm.s32 $0x0;
	[dreg:$0xc] =	wrdreg s1  }
0x18: {  	v3 =	vor.u32 $0x2, v1;
	v4 =	vor.u32 $0x4, v1;
	v5 =	vor.u32 $0x6, v1;
	s0 =	simm.s32 $0x15568;
	s1 =	simm.s32 $0x19A28;
	[dreg:$0xb] =	wrdreg s11  }
.LBB2_28:
0x19: {  	s2 =	simm.s32 $0x5  }
0x1a: {  	_ =	swait.ge [sflag:s2], $0x1C20  }
0x1b: {  	[sflag:s2] =	ssyncset.done $0x0  }
0x1c: {  	s16 =	simm.s32 $0x6;
	[sflag:s2] =	ssyncadd.s32 $0xFFFFE3E0  }
0x1d: {  	_ =	swait.ge [sflag:s16], $0x1C20  }
0x1e: {  	[sflag:s16] =	ssyncset.done $0x0  }
0x1f: {  	s17 =	simm.s32 $0x7;
	[sflag:s16] =	ssyncadd.s32 $0xFFFFE3E0  }
0x20: {  	_ =	swait.ge [sflag:s17], $0x1C20  }
0x21: {  	[sflag:s17] =	ssyncset.done $0x0  }
0x22: {  	s23 =	simm.s32 $0x8;
	[sflag:s17] =	ssyncadd.s32 $0xFFFFE3E0  }
0x23: {  	_ =	swait.ge [sflag:s23], $0x1C20  }
0x24: {  	[sflag:s23] =	ssyncset.done $0x0  }
0x25: {  	[sflag:s23] =	ssyncadd.s32 $0xFFFFE3E0  }
0x26: {  	[bflag:$0x0] =	sbarrier.arrive $0xFFFF  }
0x27: {  	s3 =	rddreg [dreg:$0x8]  }
0x28: {  	s2 =	simm.s32 @p0 $0x1FC9;
	s10 =	rddreg [dreg:$0xa]  }
0x29: {  	[hbm:s3], [sflag:s2] =	dma.local @p0 [spmem:s10], $0x1248  }
0x2a: {  	s2 =	simm.s32 @p0 $0x9  }
0x2b: {  	_ =	swait.ge @p0 [sflag:s2], $0x1248  }
0x2c: {  	s11 =	rddreg [dreg:$0xb]  }
0x2d: {  	[sflag:s2] =	ssyncset.done @p0 $0x0;
	s3 =	rddreg [dreg:$0xd]  }
0x2e: {  	[sflag:s2] =	ssyncadd.s32 @p0 $0xFFFFEDB8;
	s2 =	rddreg [dreg:$0x7]  }
0x2f: {  	[hbm:s2], [sflag:s11] =	dma.local @!p0 [spmem:s3], $0x1638  }
0x30: {  	s2 =	simm.s32 @!p0 $0x9  }
0x31: {  	_ =	swait.ge @!p0 [sflag:s2], $0x1638  }
0x32: {  	s6 =	rddreg [dreg:$0xe]  }
0x33: {  	s25 =	rddreg [dreg:$0x9];
	s6 =	sadd.s32 $0x1, s6  }
0x34: {  	p1 =	sne.s32 s6, s25  }
.Ltmp1:
0x35: {  	_ = 	snop;
	(pc) =	sbr.rel @!p1 .LBB2_29-.Ltmp1, $3  }
0x36: {  	_ =	sdelay $0x1  }
0x37: {  	[sflag:s2] =	ssyncset.done @!p0 $0x0  }
0x38: {  	[sflag:s2] =	ssyncadd.s32 @!p0 $0xFFFFE9C8  }
.LBB2_1:
0x39: {  	[dreg:$0xe] =	wrdreg s6;
	s2 =	simm.s32 $0x0  }
0x3a: {  	s3 =	rddreg [dreg:$0x5];
	s25 =	simm.s32 $0xAFC8;
	s8 =	simm.s32 $0x9  }
0x3b: {  	[tilespmem:s25], [sflag:$0x9] =	stream.linear.gather [hbm4b:s3+s2], $0x28A0, $0x38;
	[tilespmem:$0x1F1A8] =	vst v63  }
0x3c: {  	_ =	swait.ge [sflag:s8], $0x28A0  }
0x3d: {  	[sflag:s8] =	ssyncset.done $0x0  }
0x3e: {  	s9 =	simm.s32 $0xD868;
	s12 =	rddreg [dreg:$0x6];
	[sflag:s8] =	ssyncadd.s32 $0xFFFFD760  }
0x3f: {  	[tilespmem:s9], [sflag:$0x9] =	stream.linear.gather [hbm4b:s12+s2], $0x28A0, $0x38;
	[tilespmem:$0x1F1A8] =	vst v63  }
0x40: {  	_ =	swait.ge [sflag:s8], $0x28A0  }
0x41: {  	[sflag:s8] =	ssyncset.done $0x0  }
0x42: {  	s2 =	simm.s32 @p0 $0x1FC9;
	s3 =	rddreg [dreg:$0x4];
	[sflag:s8] =	ssyncadd.s32 $0xFFFFD760  }
0x43: {  	[spmem:s10], [sflag:s2] =	dma.local @p0 [hbm:s3], $0x1248  }
0x44: {  	s2 =	simm.s32 @p0 $0x9  }
0x45: {  	_ =	swait.ge @p0 [sflag:s2], $0x1248  }
0x46: {  	[sflag:s2] =	ssyncset.done @p0 $0x0  }
0x47: {  	[sflag:s2] =	ssyncadd.s32 @p0 $0xFFFFEDB8;
	s2 =	rddreg [dreg:$0xc]  }
0x48: {  	[spmem:s2], [sflag:s11] =	dma.local @!p0 [hbm:s3], $0x1638  }
0x49: {  	s2 =	simm.s32 @!p0 $0x9  }
0x4a: {  	_ =	swait.ge @!p0 [sflag:s2], $0x1638  }
0x4b: {  	[sflag:s2] =	ssyncset.done @!p0 $0x0  }
0x4c: {  	[sflag:s2] =	ssyncadd.s32 @!p0 $0xFFFFE9C8  }
0x4d: {  	[bflag:$0x0] =	sbarrier.arrive $0xFFFF  }
0x4e: {  	[tilespmem:s19], [sflag:$0x1] =	stream.indirect.gather [hbm4b:s4+s18], $0x48, s25, s18, $0xb8;
	[tilespmem:$0x1F1A8] =	vst v63  }
0x4f: {  	_ = 	snop  }
0x50: {  	[tilespmem:s20], [sflag:$0x1] =	stream.indirect.gather [hbm4b:s5+s18], $0x8, s9, s18, $0xb8;
	[tilespmem:$0x1F1A8] =	vst v63  }
0x51: {  	s13 =	simm.s32 $0xB030  }
0x52: {  	[tilespmem:s22], [sflag:$0x2] =	stream.indirect.gather [hbm4b:s4+s18], $0x48, s13, s18, $0xb8;
	[tilespmem:$0x1F1A8] =	vst v63  }
0x53: {  	s15 =	simm.s32 $0xD8D0  }
0x54: {  	[tilespmem:s24], [sflag:$0x2] =	stream.indirect.gather [hbm4b:s5+s18], $0x8, s15, s18, $0xb8;
	[tilespmem:$0x1F1A8] =	vst v63  }
0x55: {  	s16 =	simm.s32 $0xB098  }
0x56: {  	[tilespmem:s28], [sflag:$0x3] =	stream.indirect.gather [hbm4b:s4+s18], $0x48, s16, s18, $0xb8;
	[tilespmem:$0x1F1A8] =	vst v63  }
0x57: {  	s17 =	simm.s32 $0xD938  }
0x58: {  	[tilespmem:s30], [sflag:$0x3] =	stream.indirect.gather [hbm4b:s5+s18], $0x8, s17, s18, $0xb8;
	[tilespmem:$0x1F1A8] =	vst v63  }
0x59: {  	s23 =	simm.s32 $0xB100  }
0x5a: {  	[tilespmem:s0], [sflag:$0x4] =	stream.indirect.gather [hbm4b:s4+s18], $0x48, s23, s18, $0xb8;
	[tilespmem:$0x1F1A8] =	vst v63  }
0x5b: {  	s25 =	simm.s32 $0xD9A0  }
0x5c: {  	[tilespmem:s21], [sflag:$0x4] =	stream.indirect.gather [hbm4b:s5+s18], $0x8, s25, s18, $0xb8;
	[tilespmem:$0x1F1A8] =	vst v63  }
0x5d: {  	s25 =	simm.s32 $0x0  }
.LBB2_2:
0x5e: {  	s3 =	simm.s32 $0x1  }
0x5f: {  	_ =	swait.ge [sflag:s3], $0x1C20  }
0x60: {  	s2 =	simm.s32 $0x4;
	[sflag:s3] =	ssyncset.done $0x0  }
0x61: {  	s9 =	simm.s32 $0x6;
	v6 =	vor.u32 s2, v1;
	[sflag:s3] =	ssyncadd.s32 $0xFFFFE3E0  }
0x62: {  	s6 =	simm.s32 $0x0;
	v11 =	vor.u32 s9, v1;
	v7 =	vmul.u32 $0x48, v6;
	v6 =	vshll.u32 v6, $0x3;
	_ =	swait.ge [sflag:s3], $0x320  }
0x63: {  	p1 =	seq.s32 s25, $0x0;
	v12 =	vmul.u32 $0x48, v11;
	v29 =	vor.u32 v0, v6;
	v6 =	vor.u32 s6, v1;
	[sflag:s3] =	ssyncset.done $0x0  }
0x64: {  	s2 =	simm.s32 @!p1 $0x5;
	v28 =	vadd.s32 v2, v7;
	v8 =	vmul.u32 $0x48, v6;
	v6 =	vshll.u32 v6, $0x3;
	[sflag:s3] =	ssyncadd.s32 $0xFFFFFCE0  }
0x65: {  	s8 =	simm.s32 $0x2;
	v17 =	vor.u32 v0, v6;
	_ =	swait.ge @!p1 [sflag:s2], $0x1C20  }
0x66: {  	v7 =	vor.u32 s8, v1;
	v6 =	vadd.s32 v2, v12;
	[sflag:s2] =	ssyncset.done @!p1 $0x0  }
0x67: {  	v9 =	vmul.u32 $0x48, v7;
	v7 =	vshll.u32 v7, $0x3;
	v8 =	vadd.s32 v2, v8;
	[sflag:s2] =	ssyncadd.s32 @!p1 $0xFFFFE3E0  }
0x68: {  	v19 =	vor.u32 v0, v7;
	v10 =	vld.idx.msk [tilespmem:v29+s20+$0x0], $0xffff  }
0x69: {  	v7 =	vshll.u32 v11, $0x3;
	v13 =	vadd.s32 v2, v9;
	v9 =	vld.idx.msk [tilespmem:v28+s19+$0x0], $0xffff  }
0x6a: {  	v7 =	vor.u32 v0, v7;
	v20 =	vld.idx.msk [tilespmem:v17+s20+$0x0], $0xffff  }
0x6b: {  	v24 =	vld.idx.msk [tilespmem:v6+s19+$0x0], $0xffff  }
0x6c: {  	s13 =	simm.s32 $0xA;
	v11 =	vld.idx.msk [tilespmem:v8+s19+$0x0], $0xffff  }
0x6d: {  	s12 =	simm.s32 $0x8;
	v22 =	vor.u32 s13, v1;
	v21 =	vld.idx.msk [tilespmem:v19+s20+$0x0], $0xffff  }
0x6e: {  	s10 =	simm.s32 $0xE;
	s11 =	simm.s32 $0xC;
	v14 =	vor.u32 s12, v1;
	v26 =	vmul.u32 $0x48, v22;
	v22 =	vshll.u32 v22, $0x3;
	v15 =	vld.idx.msk [tilespmem:v13+s19+$0x0], $0xffff  }
0x6f: {  	v12 =	vor.u32 s10, v1;
	v25 =	vld.idx.msk [tilespmem:v7+s20+$0x0], $0xffff;
	v9 =	vadd.f32 v10, v9;
	v10 =	vor.u32 s11, v1  }
0x70: {  	v27 =	vmul.u32 $0x48, v12;
	v18 =	vmul.u32 $0x48, v10;
	v10 =	vshll.u32 v10, $0x3  }
0x71: {  	v30 =	vshll.u32 v12, $0x3;
	v20 =	vadd.f32 v20, v11;
	v16 =	vor.u32 v0, v10  }
0x72: {  	v11 =	vor.u32 v0, v22;
	v23 =	vmul.f32 $2.000000030e-01, v9;
	v18 =	vadd.s32 v2, v18  }
0x73: {  	v10 =	vmul.u32 $0x48, v14;
	vm0 =	vge.f32 v9, $0.0e+00;
	v21 =	vadd.f32 v21, v15  }
0x74: {  	v24 =	vadd.f32 v25, v24;
	v15 =	vor.u32 v0, v30;
	v25 =	vmul.f32 $2.000000030e-01, v20  }
0x75: {  	v9 =	vsel vm0, v9, v23;
	v23 =	vshll.u32 v14, $0x3;
	v14 =	vadd.s32 v2, v10  }
0x76: {  	v10 =	vadd.s32 v2, v26;
	v26 =	vmul.f32 $2.000000030e-01, v21;
	v12 =	vor.u32 v0, v23;
	v23 =	vld.idx.msk [tilespmem:v16+s20+$0x0], $0xffff  }
0x77: {  	vm10 =	vge.f32 v20, $0.0e+00;
	vm1 =	vge.f32 v21, $0.0e+00;
	v9 =	vmul.f32 $1.442695020e+00, v9;
	v22 =	vld.idx.msk [tilespmem:v18+s19+$0x0], $0xffff  }
0x78: {  	vm11 =	vge.f32 v24, $0.0e+00;
	v20 =	vsel vm10, v20, v25;
	v21 =	vsel vm1, v21, v26  }
0x79: {  	s17 =	simm.s32 $0x14;
	(erf) = vpow2.f32 v9;
	v9 =	vadd.s32 v2, v27;
	v27 =	vmul.f32 $2.000000030e-01, v24  }
0x7a: {  	v30 =	vmul.f32 $1.442695020e+00, v20;
	v31 =	vmul.f32 $1.442695020e+00, v21;
	v21 =	vor.u32 s17, v1  }
0x7b: {  	s15 =	simm.s32 $0x16;
	s23 =	simm.s32 $0x12;
	v35 =	vld.idx.msk [tilespmem:v11+s20+$0x0], $0xffff;
	v34 =	vmul.u32 $0x48, v21;
	v21 =	vshll.u32 v21, $0x3;
	v20 =	vsel vm11, v24, v27  }
0x7c: {  	s16 =	simm.s32 $0x10;
	v25 =	vld.idx.msk [tilespmem:v14+s19+$0x0], $0xffff;
	v24 =	vor.u32 s15, v1;
	v27 =	vor.u32 s23, v1;
	v22 =	vadd.f32 v23, v22  }
0x7d: {  	v32 =	vld.idx.msk [tilespmem:v10+s19+$0x0], $0xffff;
	v33 =	vmul.f32 $1.442695020e+00, v20;
	v20 =	vor.u32 s16, v1;
	v39 =	vmul.u32 $0x48, v27  }
0x7e: {  	v26 =	vld.idx.msk [tilespmem:v12+s20+$0x0], $0xffff;
	v56 =	vmul.u32 $0x48, v24;
	v27 =	vshll.u32 v27, $0x3;
	v36 =	vmul.f32 $2.000000030e-01, v22  }
0x7f: {  	v40 =	vld.idx.msk [tilespmem:v15+s20+$0x0], $0xffff;
	v37 =	vmul.u32 $0x48, v20;
	v23 =	vor.u32 v0, v21;
	vm12 =	vge.f32 v22, $0.0e+00  }
0x80: {  	v55 =	vshll.u32 v20, $0x3;
	v38 =	vld.idx.msk [tilespmem:v9+s19+$0x0], $0xffff;
	v21 =	vadd.s32 v2, v34;
	v22 =	vsel vm12, v22, v36  }
0x81: {  	v57 =	vshll.u32 v24, $0x3;
	v24 =	vor.u32 v0, v55;
	v41 =	vmul.f32 $1.442695020e+00, v22  }
0x82: {  	v27 =	vor.u32 v0, v27;
	v20 =	vadd.s32 v2, v37  }
0x83: {  	v32 =	vadd.f32 v35, v32;
	v58 =	vadd.f32 v26, v25;
	(erf) = vpow2.f32 v41  }
0x84: {  	v26 =	vadd.s32 v2, v56;
	v25 =	vor.u32 v0, v57;
	v22 =	vadd.s32 v2, v39;
	v34 =	vld.idx.msk [tilespmem:v23+s20+$0x0], $0xffff  }
0x85: {  	v61 =	vmul.f32 $2.000000030e-01, v32;
	v62 =	vpop (erf);
	v59 =	vadd.f32 v40, v38;
	v35 =	vld.idx.msk [tilespmem:v21+s19+$0x0], $0xffff;
	(erf) = vpow2.f32 v30  }
0x86: {  	vm14 =	vge.f32 v32, $0.0e+00;
	v60 =	vmul.f32 $2.000000030e-01, v58;
	[tilespmem:v29+s26+$0x0] =	vst.idx.msk $0xffff, v62;
	v29 =	vld.idx.msk [tilespmem:v24+s20+$0x0], $0xffff;
	(erf) = vpow2.f32 v31  }
0x87: {  	vm13 =	vge.f32 v58, $0.0e+00;
	v38 =	vsel vm14, v32, v61;
	v32 =	vld.idx.msk [tilespmem:v27+s20+$0x0], $0xffff;
	v63 =	vmul.f32 $2.000000030e-01, v59  }
0x88: {  	[tilespmem:v28+s29+$0x0] =	vst.idx.msk $0xffff, v62;
	v37 =	vsel vm13, v58, v60;
	vm15 =	vge.f32 v59, $0.0e+00;
	v28 =	vmul.f32 $1.442695020e+00, v38;
	v30 =	vld.idx.msk [tilespmem:v20+s19+$0x0], $0xffff  }
0x89: {  	s6 =	simm.s32 $0x8;
	s8 =	simm.s32 $0x1E;
	v36 =	vsel vm15, v59, v63;
	v31 =	vld.idx.msk [tilespmem:v22+s19+$0x0], $0xffff;
	(erf) = vpow2.f32 v33;
	v33 =	vmul.f32 $1.442695020e+00, v37  }
.LBB2_3:
0x8a: {  	v37 =	vor.u32 s8, v1;
	v34 =	vadd.f32 v34, v35;
	v36 =	vmul.f32 $1.442695020e+00, v36;
	v39 =	vmovc v11;
	v11 =	vmovc v27  }
0x8b: {  	s2 =	sadd.s32 $0xFFFFFFFA, s8;
	s9 =	sadd.s32 $0xFFFFFFFC, s8;
	s10 =	sadd.s32 $0xFFFFFFFE, s8;
	v38 =	vld.idx.msk [tilespmem:v26+s19+$0x0], $0xffff;
	v40 =	vmovc v6;
	v6 =	vmovc v9;
	v9 =	vmov v26;
	v41 =	vmov v7;
	v7 =	vmov v15  }
0x8c: {  	s6 =	sadd.s32 $0x4, s6;
	v26 =	vor.u32 s2, v1;
	v27 =	vor.u32 s9, v1;
	v46 =	vor.u32 s10, v1;
	v42 =	vld.idx.msk [tilespmem:v25+s20+$0x0], $0xffff;
	v35 =	vpop (erf)  }
0x8d: {  	v15 =	vmovc v25;
	p2 =	slt.u32 s6, $0x2C;
	v43 =	vmul.u32 $0x48, v46;
	v44 =	vshll.u32 v46, $0x3;
	v45 =	vmul.f32 $2.000000030e-01, v34;
	[tilespmem:v16+s26+$0x0] =	vst.idx.msk $0xffff, v35;
	v16 =	vmovc v23  }
0x8e: {  	v25 =	vmul.u32 $0x48, v26;
	vm0 =	vge.f32 v34, $0.0e+00;
	v23 =	vor.u32 v0, v44;
	[tilespmem:v18+s29+$0x0] =	vst.idx.msk $0xffff, v35;
	v18 =	vpop (erf)  }
0x8f: {  	v35 =	vmul.u32 $0x48, v27;
	v43 =	vadd.s32 v2, v43;
	v34 =	vsel vm0, v34, v45;
	[tilespmem:v17+s26+$0x0] =	vst.idx.msk $0xffff, v18;
	v17 =	vpop (erf)  }
0x90: {  	v26 =	vshll.u32 v26, $0x3;
	v44 =	vmul.u32 $0x48, v37;
	v34 =	vmul.f32 $1.442695020e+00, v34;
	[tilespmem:v8+s29+$0x0] =	vst.idx.msk $0xffff, v18;
	v18 =	vmovc v21;
	v21 =	vmovc v43  }
0x91: {  	v37 =	vshll.u32 v37, $0x3;
	v45 =	vadd.s32 v2, v25;
	v25 =	vshll.u32 v27, $0x3;
	v8 =	vmovc v14;
	[tilespmem:v19+s26+$0x0] =	vst.idx.msk $0xffff, v17  }
0x92: {  	v46 =	vadd.s32 v2, v35;
	v19 =	vor.u32 v0, v26;
	(erf) = vpow2.f32 v34;
	[tilespmem:v13+s29+$0x0] =	vst.idx.msk $0xffff, v17;
	v13 =	vpop (erf)  }
0x93: {  	v27 =	vor.u32 v0, v25;
	v25 =	vor.u32 v0, v37;
	v26 =	vadd.s32 v2, v44;
	v34 =	vld.idx.msk [tilespmem:v23+s20+$0x0], $0xffff  }
0x94: {  	v32 =	vadd.f32 v32, v31;
	v37 =	vadd.f32 v29, v30;
	v14 =	vmovc v20;
	v35 =	vld.idx.msk [tilespmem:v43+s19+$0x0], $0xffff;
	(erf) = vpow2.f32 v33  }
.Ltmp2:
0x95: {  	v20 =	vmovc v45;
	v38 =	vadd.f32 v42, v38;
	v17 =	vmov v12;
	(erf) = vpow2.f32 v28;
	[tilespmem:v41+s26+$0x0] =	vst.idx.msk $0xffff, v13;
	(pc) =	sbr.rel @p2 .LBB2_3-.Ltmp2, $4  }
0x96: {  	vm0 =	vge.f32 v37, $0.0e+00;
	v12 =	vmovc v24;
	v33 =	vmul.f32 $2.000000030e-01, v32;
	v28 =	vmul.f32 $2.000000030e-01, v37;
	v30 =	vld.idx.msk [tilespmem:v45+s19+$0x0], $0xffff;
	[tilespmem:v40+s29+$0x0] =	vst.idx.msk $0xffff, v13  }
0x97: {  	vm1 =	vge.f32 v32, $0.0e+00;
	v24 =	vmovc v19;
	vm2 =	vge.f32 v38, $0.0e+00;
	v40 =	vmul.f32 $2.000000030e-01, v38;
	v13 =	vmovc v10;
	v31 =	vld.idx.msk [tilespmem:v46+s19+$0x0], $0xffff  }
0x98: {  	v10 =	vmovc v22;
	v37 =	vsel vm0, v37, v28;
	v28 =	vsel vm1, v32, v33;
	v29 =	vld.idx.msk [tilespmem:v19+s20+$0x0], $0xffff;
	(erf) = vpow2.f32 v36  }
0x99: {  	s8 =	sadd.s32 $0x8, s8;
	v22 =	vmovc v46;
	v33 =	vmul.f32 $1.442695020e+00, v37;
	v28 =	vmul.f32 $1.442695020e+00, v28;
	v36 =	vsel vm2, v38, v40;
	v19 =	vmovc v39;
	v32 =	vld.idx.msk [tilespmem:v27+s20+$0x0], $0xffff  }
0x9a: {  	v34 =	vadd.f32 v34, v35;
	_ =	sdelay $0x1  }
0x9b: {  	v35 =	vmul.f32 $2.000000030e-01, v34  }
0x9c: {  	vm0 =	vge.f32 v34, $0.0e+00  }
0x9d: {  	v51 =	vld.idx.msk [tilespmem:v26+s19+$0x0], $0xffff;
	v34 =	vsel vm0, v34, v35  }
0x9e: {  	v37 =	vld.idx.msk [tilespmem:v25+s20+$0x0], $0xffff;
	v34 =	vmul.f32 $1.442695020e+00, v34;
	_ =	sdelay $0x1  }
0x9f: {  	(erf) = vpow2.f32 v34  }
0xa0: {  	v52 =	vpop (erf);
	v29 =	vadd.f32 v29, v30  }
0xa1: {  	[tilespmem:v16+s26+$0x0] =	vst.idx.msk $0xffff, v52;
	v54 =	vadd.f32 v32, v31;
	(erf) = vpow2.f32 v33  }
0xa2: {  	v55 =	vmul.f32 $1.442695020e+00, v36;
	[tilespmem:v18+s29+$0x0] =	vst.idx.msk $0xffff, v52;
	v53 =	vpop (erf);
	v30 =	vmul.f32 $2.000000030e-01, v29;
	v57 =	vadd.f32 v37, v51  }
0xa3: {  	[tilespmem:v17+s26+$0x0] =	vst.idx.msk $0xffff, v53;
	vm13 =	vge.f32 v29, $0.0e+00;
	v58 =	vmul.f32 $2.000000030e-01, v54;
	(erf) = vpow2.f32 v28  }
0xa4: {  	v56 =	vpop (erf);
	[tilespmem:v8+s29+$0x0] =	vst.idx.msk $0xffff, v53;
	vm14 =	vge.f32 v54, $0.0e+00;
	v59 =	vsel vm13, v29, v30;
	v62 =	vmul.f32 $2.000000030e-01, v57  }
0xa5: {  	[tilespmem:v19+s26+$0x0] =	vst.idx.msk $0xffff, v56;
	v61 =	vpop (erf);
	v60 =	vmul.f32 $1.442695020e+00, v59;
	v16 =	vsel vm14, v54, v58;
	(erf) = vpow2.f32 v55  }
0xa6: {  	vm15 =	vge.f32 v57, $0.0e+00;
	[tilespmem:v7+s26+$0x0] =	vst.idx.msk $0xffff, v61;
	v7 =	vmul.f32 $1.442695020e+00, v16  }
0xa7: {  	[tilespmem:v6+s29+$0x0] =	vst.idx.msk $0xffff, v61;
	v6 =	vsel vm15, v57, v62;
	(erf) = vpow2.f32 v60  }
0xa8: {  	[tilespmem:v13+s29+$0x0] =	vst.idx.msk $0xffff, v56;
	v6 =	vmul.f32 $1.442695020e+00, v6;
	v63 =	vpop (erf)  }
0xa9: {  	(erf) = vpow2.f32 v7;
	[tilespmem:v23+s26+$0x0] =	vst.idx.msk $0xffff, v63  }
0xaa: {  	v7 =	vpop (erf);
	[tilespmem:v21+s29+$0x0] =	vst.idx.msk $0xffff, v63  }
0xab: {  	(erf) = vpow2.f32 v6;
	[tilespmem:v12+s26+$0x0] =	vst.idx.msk $0xffff, v7  }
0xac: {  	v6 =	vpop (erf);
	[tilespmem:v14+s29+$0x0] =	vst.idx.msk $0xffff, v7  }
0xad: {  	[tilespmem:v11+s26+$0x0] =	vst.idx.msk $0xffff, v6  }
0xae: {  	[tilespmem:v10+s29+$0x0] =	vst.idx.msk $0xffff, v6;
	v6 =	vpop (erf)  }
0xaf: {  	[tilespmem:v15+s26+$0x0] =	vst.idx.msk $0xffff, v6  }
0xb0: {  	[tilespmem:v9+s29+$0x0] =	vst.idx.msk $0xffff, v6;
	v6 =	vpop (erf)  }
0xb1: {  	[tilespmem:v24+s26+$0x0] =	vst.idx.msk $0xffff, v6  }
0xb2: {  	[tilespmem:v20+s29+$0x0] =	vst.idx.msk $0xffff, v6;
	v7 =	vpop (erf)  }
0xb3: {  	[tilespmem:v27+s26+$0x0] =	vst.idx.msk $0xffff, v7  }
0xb4: {  	v6 =	vpop (erf);
	[tilespmem:v22+s29+$0x0] =	vst.idx.msk $0xffff, v7  }
0xb5: {  	[tilespmem:v25+s26+$0x0] =	vst.idx.msk $0xffff, v6  }
0xb6: {  	s2 =	simm.s32 $0x60;
	[tilespmem:v26+s29+$0x0] =	vst.idx.msk $0xffff, v6  }
.LBB2_5:
0xb7: {  	v6 =	vor.u32 s2, v1  }
0xb8: {  	v7 =	vmul.u32 $0x48, v6;
	v6 =	vshll.u32 v6, $0x3  }
0xb9: {  	v6 =	vor.u32 v0, v6  }
0xba: {  	v7 =	vadd.s32 v2, v7;
	_ =	sdelay $0x3  }
0xbb: {  	v9 =	vld.idx.msk [tilespmem:v6+s20+$0x0], $0xffff  }
0xbc: {  	v8 =	vld.idx.msk [tilespmem:v7+s19+$0x0], $0xffff;
	_ =	sdelay $0x4  }
0xbd: {  	v8 =	vadd.f32 v9, v8;
	_ =	sdelay $0x1  }
0xbe: {  	v9 =	vmul.f32 $2.000000030e-01, v8  }
0xbf: {  	vm0 =	vge.f32 v8, $0.0e+00  }
0xc0: {  	v8 =	vsel vm0, v8, v9  }
0xc1: {  	v8 =	vmul.f32 $1.442695020e+00, v8;
	_ =	sdelay $0x1  }
0xc2: {  	(erf) = vpow2.f32 v8;
	_ =	sdelay $0x5  }
0xc3: {  	p2 =	sne.s32 s2, $0x62  }
.Ltmp3:
0xc4: {  	_ = 	snop;
	(pc) =	sbr.rel @p2 .LBB2_5-.Ltmp3, $4  }
0xc5: {  	_ = 	snop  }
0xc6: {  	v8 =	vpop (erf)  }
0xc7: {  	[tilespmem:v6+s26+$0x0] =	vst.idx.msk $0xffff, v8  }
0xc8: {  	s2 =	sadd.s32 $0x2, s2;
	[tilespmem:v7+s29+$0x0] =	vst.idx.msk $0xffff, v8  }
0xc9: {  	s2 =	simm.s32 $0x18  }
0xca: {  	v7 =	vor.u32 s2, v1  }
0xcb: {  	s13 =	simm.s32 $0x8;
	s9 =	simm.s32 $0x10198  }
0xcc: {  	s11 =	simm.s32 $0x10;
	v8 =	vor.u32 s13, v1;
	v10 =	vld [tilespmem:s9+$0x48]  }
0xcd: {  	s6 =	simm.s32 $0x0;
	v9 =	vor.u32 s11, v1;
	v11 =	vld [tilespmem:s9+$0xFFFFFFB8]  }
0xce: {  	v6 =	vor.u32 s6, v1;
	v13 =	vld [tilespmem:s9+$0x0]  }
0xcf: {  	v7 =	vld.idx.msk [tilespmem:v7+s26+$0x0], $0xffff  }
0xd0: {  	v14 =	vld [tilespmem:s9+$0xFFFFFF70]  }
0xd1: {  	v8 =	vld.idx.msk [tilespmem:v8+s26+$0x0], $0xffff  }
0xd2: {  	v12 =	vor.u32 s2, v3;
	v9 =	vld.idx.msk [tilespmem:v9+s26+$0x0], $0xffff  }
0xd3: {  	v6 =	vld.idx.msk [tilespmem:v6+s26+$0x0], $0xffff  }
0xd4: {  	v7 =	vmul.f32 v7, v10  }
0xd5: {  	s8 =	simm.s32 $0x17E98;
	v15 =	vor.u32 s11, v3  }
0xd6: {  	v10 =	vor.u32 s13, v3;
	v8 =	vmul.f32 v8, v11;
	[tilespmem:s8+$0x48] =	vst v7  }
0xd7: {  	v9 =	vmul.f32 v9, v13;
	v11 =	vld.idx.msk [tilespmem:v12+s26+$0x0], $0xffff  }
0xd8: {  	v6 =	vmul.f32 v6, v14;
	[tilespmem:s8+$0xFFFFFFB8] =	vst v8;
	v12 =	vld [tilespmem:s9+$0x58]  }
0xd9: {  	v7 =	vor.u32 s6, v3;
	[tilespmem:s8+$0x0] =	vst v9  }
0xda: {  	[tilespmem:s8+$0xFFFFFF70] =	vst v6;
	v6 =	vld.idx.msk [tilespmem:v15+s26+$0x0], $0xffff  }
0xdb: {  	v9 =	vor.u32 s2, v4;
	v8 =	vld.idx.msk [tilespmem:v10+s26+$0x0], $0xffff  }
0xdc: {  	v10 =	vld [tilespmem:s9+$0xFFFFFFC8]  }
0xdd: {  	v13 =	vld [tilespmem:s9+$0xFFFFFF80];
	v11 =	vmul.f32 v11, v12  }
0xde: {  	v7 =	vld.idx.msk [tilespmem:v7+s26+$0x0], $0xffff  }
0xdf: {  	v12 =	vld [tilespmem:s9+$0x10];
	[tilespmem:s8+$0x58] =	vst v11;
	v11 =	vor.u32 s13, v4  }
0xe0: {  	s16 =	simm.s32 $0x20;
	v9 =	vld.idx.msk [tilespmem:v9+s26+$0x0], $0xffff  }
0xe1: {  	s10 =	simm.s32 $0x102B8;
	v8 =	vmul.f32 v8, v10;
	v10 =	vor.u32 s16, v1;
	v15 =	vld [tilespmem:s9+$0x68]  }
0xe2: {  	v17 =	vld [tilespmem:s10+$0x48];
	v14 =	vor.u32 s11, v4  }
0xe3: {  	v16 =	vor.u32 s6, v4;
	v18 =	vld [tilespmem:s10+$0xFFFFFFB8];
	v7 =	vmul.f32 v7, v13;
	[tilespmem:s8+$0xFFFFFFC8] =	vst v8  }
0xe4: {  	v6 =	vmul.f32 v6, v12;
	v8 =	vld.idx.msk [tilespmem:v11+s26+$0x0], $0xffff  }
0xe5: {  	s23 =	simm.s32 $0x28;
	[tilespmem:s8+$0xFFFFFF80] =	vst v7;
	v11 =	vld [tilespmem:s9+$0xFFFFFFD8]  }
0xe6: {  	v12 =	vor.u32 s23, v1;
	[tilespmem:s8+$0x10] =	vst v6;
	v10 =	vld.idx.msk [tilespmem:v10+s26+$0x0], $0xffff;
	v7 =	vmul.f32 v9, v15  }
0xe7: {  	s15 =	simm.s32 $0x38;
	v6 =	vld.idx.msk [tilespmem:v14+s26+$0x0], $0xffff  }
0xe8: {  	s17 =	simm.s32 $0x30;
	v9 =	vld.idx.msk [tilespmem:v16+s26+$0x0], $0xffff;
	[tilespmem:s8+$0x68] =	vst v7;
	v7 =	vor.u32 s15, v1  }
0xe9: {  	v14 =	vld [tilespmem:s9+$0x20];
	v15 =	vor.u32 s17, v1  }
0xea: {  	v16 =	vld [tilespmem:s9+$0xFFFFFF90]  }
0xeb: {  	v12 =	vld.idx.msk [tilespmem:v12+s26+$0x0], $0xffff  }
0xec: {  	v13 =	vld [tilespmem:s9+$0x78]  }
0xed: {  	v8 =	vmul.f32 v8, v11;
	v7 =	vld.idx.msk [tilespmem:v7+s26+$0x0], $0xffff  }
0xee: {  	v15 =	vld.idx.msk [tilespmem:v15+s26+$0x0], $0xffff  }
0xef: {  	v6 =	vmul.f32 v6, v14;
	v14 =	vld [tilespmem:s10+$0x0];
	[tilespmem:s8+$0xFFFFFFD8] =	vst v8;
	v8 =	vmul.f32 v9, v16  }
0xf0: {  	v9 =	vor.u32 s15, v3;
	v16 =	vld [tilespmem:s10+$0xFFFFFF70]  }
0xf1: {  	v20 =	vld [tilespmem:s9+$0xFFFFFFE8];
	[tilespmem:s8+$0xFFFFFF90] =	vst v8  }
0xf2: {  	v19 =	vor.u32 s2, v5;
	[tilespmem:s8+$0x20] =	vst v6;
	v11 =	vld [tilespmem:s9+$0xFFFFFFA0];
	v8 =	vmul.f32 v7, v17  }
0xf3: {  	v21 =	vor.u32 s16, v3;
	v7 =	vld [tilespmem:s9+$0x30];
	s9 =	simm.s32 $0x17FB8  }
0xf4: {  	v6 =	vor.u32 s23, v3;
	[tilespmem:s9+$0x48] =	vst v8  }
0xf5: {  	v10 =	vmul.f32 v10, v16;
	v17 =	vor.u32 s17, v3;
	v9 =	vld.idx.msk [tilespmem:v9+s26+$0x0], $0xffff  }
0xf6: {  	v8 =	vmul.f32 v12, v18;
	v12 =	vmul.f32 v15, v14;
	v14 =	vld [tilespmem:s10+$0x58]  }
0xf7: {  	v19 =	vld.idx.msk [tilespmem:v19+s26+$0x0], $0xffff;
	[tilespmem:s9+$0xFFFFFF70] =	vst v10  }
0xf8: {  	v15 =	vld.idx.msk [tilespmem:v21+s26+$0x0], $0xffff;
	[tilespmem:s9+$0xFFFFFFB8] =	vst v8  }
0xf9: {  	[tilespmem:s9+$0x0] =	vst v12;
	v12 =	vor.u32 s15, v4;
	v6 =	vld.idx.msk [tilespmem:v6+s26+$0x0], $0xffff  }
0xfa: {  	v10 =	vld.idx.msk [tilespmem:v17+s26+$0x0], $0xffff  }
0xfb: {  	v8 =	vor.u32 s13, v5;
	v16 =	vld [tilespmem:s10+$0xFFFFFFC8];
	v9 =	vmul.f32 v9, v14  }
0xfc: {  	v17 =	vor.u32 s11, v5;
	v14 =	vld [tilespmem:s10+$0x10]  }
0xfd: {  	v18 =	vor.u32 s6, v5;
	v63 =	vld [tilespmem:s10+$0xFFFFFF80];
	[tilespmem:s9+$0x58] =	vst v9  }
0xfe: {  	v22 =	vor.u32 s23, v4;
	v25 =	vld.idx.msk [tilespmem:v12+s26+$0x0], $0xffff  }
0xff: {  	v24 =	vor.u32 s17, v4;
	v27 =	vld [tilespmem:s10+$0x68]  }
0x100: {  	v26 =	vor.u32 s16, v4;
	v23 =	vld.idx.msk [tilespmem:v8+s26+$0x0], $0xffff;
	v8 =	vmul.f32 v6, v16  }
0x101: {  	v6 =	vld.idx.msk [tilespmem:v17+s26+$0x0], $0xffff;
	v9 =	vmul.f32 v10, v14  }
0x102: {  	v17 =	vor.u32 s15, v5;
	v12 =	vld.idx.msk [tilespmem:v18+s26+$0x0], $0xffff;
	[tilespmem:s9+$0xFFFFFFC8] =	vst v8;
	v14 =	vmul.f32 v15, v63  }
0x103: {  	v13 =	vmul.f32 v19, v13;
	v16 =	vld.idx.msk [tilespmem:v22+s26+$0x0], $0xffff;
	[tilespmem:s9+$0x10] =	vst v9  }
0x104: {  	v8 =	vor.u32 s16, v5;
	[tilespmem:s9+$0xFFFFFF80] =	vst v14;
	v14 =	vld.idx.msk [tilespmem:v24+s26+$0x0], $0xffff;
	v18 =	vmul.f32 v25, v27  }
0x105: {  	[tilespmem:s8+$0x78] =	vst v13;
	s6 =	simm.s32 $0x102B8;
	s11 =	simm.s32 $0xC;
	s15 =	simm.s32 $0x40;
	v10 =	vor.u32 s23, v5;
	v13 =	vmul.f32 v23, v20;
	v9 =	vor.u32 s17, v5;
	v15 =	vld.idx.msk [tilespmem:v26+s26+$0x0], $0xffff  }
.LBB2_7:
0x106: {  	p2 =	slt.u32 s11, $0x60;
	v19 =	vor.u32 s15, v1;
	v20 =	vor.u32 s15, v3;
	v21 =	vor.u32 s15, v4;
	s2 =	sadd.s32 $0x8, s15;
	s13 =	sadd.s32 $0x18, s15;
	v22 =	vld [tilespmem:s10+$0xFFFFFFD8];
	[tilespmem:s9+$0x68] =	vst v18  }
0x107: {  	s12 =	sadd.s32 $0x10, s15;
	v18 =	vor.u32 s2, v1;
	v23 =	vor.u32 s2, v3;
	v24 =	vor.u32 s13, v1;
	v17 =	vld.idx.msk [tilespmem:v17+s26+$0x0], $0xffff;
	[tilespmem:s8+$0xFFFFFFE8] =	vst v13  }
0x108: {  	v13 =	vor.u32 s2, v4;
	v25 =	vor.u32 s12, v1;
	v26 =	vor.u32 s12, v3;
	v27 =	vld [tilespmem:s10+$0x78]  }
0x109: {  	v28 =	vor.u32 s2, v5;
	v29 =	vor.u32 s12, v4;
	v30 =	vor.u32 s12, v5;
	v31 =	vld [tilespmem:s10+$0x20]  }
0x10a: {  	v32 =	vor.u32 s15, v5;
	v6 =	vmul.f32 v6, v7;
	v11 =	vmul.f32 v12, v11;
	v33 =	vld [tilespmem:s10+$0xFFFFFF90]  }
0x10b: {  	v7 =	vld.idx.msk [tilespmem:v19+s26+$0x0], $0xffff;
	v12 =	vmul.f32 v16, v22  }
0x10c: {  	s10 =	sadd.s32 $0x120, s10;
	v16 =	vld.idx.msk [tilespmem:v24+s26+$0x0], $0xffff;
	[tilespmem:s8+$0x30] =	vst v6  }
0x10d: {  	v6 =	vld [tilespmem:s10+$0x48];
	[tilespmem:s9+$0xFFFFFFD8] =	vst v12;
	v12 =	vmul.f32 v17, v27  }
0x10e: {  	v17 =	vld.idx.msk [tilespmem:v18+s26+$0x0], $0xffff;
	v14 =	vmul.f32 v14, v31;
	[tilespmem:s8+$0xFFFFFFA0] =	vst v11;
	s8 =	smov.u32 s9  }
0x10f: {  	v11 =	vld.idx.msk [tilespmem:v25+s26+$0x0], $0xffff;
	v15 =	vmul.f32 v15, v33;
	[tilespmem:s9+$0x78] =	vst v12  }
0x110: {  	v18 =	vor.u32 s13, v3;
	v12 =	vld [tilespmem:s10+$0xFFFFFFB8];
	[tilespmem:s9+$0x20] =	vst v14  }
0x111: {  	v14 =	vld [tilespmem:s10+$0x0];
	[tilespmem:s9+$0xFFFFFF90] =	vst v15  }
0x112: {  	v15 =	vld [tilespmem:s10+$0xFFFFFF70];
	v6 =	vmul.f32 v16, v6  }
0x113: {  	s9 =	sadd.s32 $0x120, s9;
	v19 =	vld.idx.msk [tilespmem:v10+s26+$0x0], $0xffff;
	v10 =	vmov v28  }
0x114: {  	[tilespmem:s9+$0x48] =	vst v6;
	v6 =	vld.idx.msk [tilespmem:v9+s26+$0x0], $0xffff;
	v9 =	vmov v30  }
0x115: {  	v12 =	vmul.f32 v17, v12;
	v16 =	vld.idx.msk [tilespmem:v18+s26+$0x0], $0xffff  }
0x116: {  	v11 =	vmul.f32 v11, v14;
	v14 =	vld [tilespmem:s10+$0x58]  }
0x117: {  	v7 =	vmul.f32 v7, v15;
	[tilespmem:s9+$0xFFFFFFB8] =	vst v12;
	v12 =	vld.idx.msk [tilespmem:v8+s26+$0x0], $0xffff;
	v8 =	vmov v32  }
0x118: {  	v15 =	vld.idx.msk [tilespmem:v23+s26+$0x0], $0xffff;
	[tilespmem:s9+$0x0] =	vst v11  }
0x119: {  	v11 =	vor.u32 s13, v4;
	[tilespmem:s9+$0xFFFFFF70] =	vst v7;
	v7 =	vld.idx.msk [tilespmem:v26+s26+$0x0], $0xffff  }
0x11a: {  	v17 =	vld.idx.msk [tilespmem:v20+s26+$0x0], $0xffff  }
0x11b: {  	v18 =	vld [tilespmem:s10+$0xFFFFFFC8];
	v14 =	vmul.f32 v16, v14  }
0x11c: {  	v16 =	vld [tilespmem:s10+$0x10]  }
0x11d: {  	v20 =	vld [tilespmem:s10+$0xFFFFFF80];
	[tilespmem:s9+$0x58] =	vst v14  }
0x11e: {  	v22 =	vld.idx.msk [tilespmem:v11+s26+$0x0], $0xffff  }
0x11f: {  	v23 =	vld [tilespmem:s10+$0x68]  }
0x120: {  	v11 =	vmul.f32 v15, v18;
	v24 =	vld [tilespmem:s6+$0xFFFFFFE8]  }
.Ltmp4:
0x121: {  	v14 =	vmul.f32 v7, v16;
	v7 =	vld [tilespmem:s6+$0x30];
	(pc) =	sbr.rel @p2 .LBB2_7-.Ltmp4, $4  }
0x122: {  	v15 =	vmul.f32 v17, v20;
	[tilespmem:s9+$0xFFFFFFC8] =	vst v11;
	v17 =	vor.u32 s13, v5;
	v11 =	vld [tilespmem:s6+$0xFFFFFFA0];
	s6 =	smov.u32 s10  }
0x123: {  	v16 =	vld.idx.msk [tilespmem:v13+s26+$0x0], $0xffff;
	[tilespmem:s9+$0x10] =	vst v14  }
0x124: {  	[tilespmem:s9+$0xFFFFFF80] =	vst v15;
	v14 =	vld.idx.msk [tilespmem:v29+s26+$0x0], $0xffff;
	v18 =	vmul.f32 v22, v23  }
0x125: {  	s15 =	sshll.u32 s11, $0x3;
	s11 =	sadd.s32 $0x4, s11;
	v15 =	vld.idx.msk [tilespmem:v21+s26+$0x0], $0xffff;
	v13 =	vmul.f32 v19, v24  }
0x126: {  	v19 =	vor.u32 s15, v1;
	s13 =	sadd.s32 $0x18, s15;
	v21 =	vld [tilespmem:s10+$0xFFFFFFD8]  }
0x127: {  	s16 =	sadd.s32 $0x10, s15;
	s11 =	sadd.s32 $0x120, s10;
	v30 =	vld [tilespmem:s10+$0x20];
	v20 =	vor.u32 s13, v1  }
0x128: {  	v22 =	vor.u32 s16, v1;
	v24 =	vld [tilespmem:s11+$0x48]  }
0x129: {  	s2 =	sadd.s32 $0x8, s15;
	v27 =	vld [tilespmem:s11+$0x0]  }
0x12a: {  	[tilespmem:s9+$0x68] =	vst v18;
	v18 =	vor.u32 s2, v1;
	v28 =	vld [tilespmem:s11+$0xFFFFFF70]  }
0x12b: {  	v19 =	vld.idx.msk [tilespmem:v19+s26+$0x0], $0xffff  }
0x12c: {  	v20 =	vld.idx.msk [tilespmem:v20+s26+$0x0], $0xffff  }
0x12d: {  	v22 =	vld.idx.msk [tilespmem:v22+s26+$0x0], $0xffff  }
0x12e: {  	v25 =	vld [tilespmem:s11+$0xFFFFFFB8]  }
0x12f: {  	v32 =	vor.u32 s15, v3;
	v16 =	vmul.f32 v16, v21;
	v18 =	vld.idx.msk [tilespmem:v18+s26+$0x0], $0xffff  }
0x130: {  	v31 =	vld [tilespmem:s10+$0xFFFFFF90];
	v26 =	vor.u32 s13, v3;
	v19 =	vmul.f32 v19, v28  }
0x131: {  	s12 =	sadd.s32 $0x120, s9;
	v23 =	vld [tilespmem:s10+$0x78];
	[tilespmem:s9+$0xFFFFFFD8] =	vst v16;
	v20 =	vmul.f32 v20, v24  }
0x132: {  	v29 =	vor.u32 s2, v3;
	v17 =	vld.idx.msk [tilespmem:v17+s26+$0x0], $0xffff;
	v22 =	vmul.f32 v22, v27;
	[tilespmem:s12+$0xFFFFFF70] =	vst v19  }
0x133: {  	v10 =	vld.idx.msk [tilespmem:v10+s26+$0x0], $0xffff;
	[tilespmem:s12+$0x48] =	vst v20  }
0x134: {  	v18 =	vmul.f32 v18, v25;
	[tilespmem:s12+$0x0] =	vst v22;
	v22 =	vld.idx.msk [tilespmem:v32+s26+$0x0], $0xffff  }
0x135: {  	v24 =	vor.u32 s16, v3;
	v20 =	vld.idx.msk [tilespmem:v26+s26+$0x0], $0xffff  }
0x136: {  	[tilespmem:s12+$0xFFFFFFB8] =	vst v18;
	v25 =	vld [tilespmem:s11+$0x58]  }
0x137: {  	v18 =	vld.idx.msk [tilespmem:v29+s26+$0x0], $0xffff  }
0x138: {  	v21 =	vld [tilespmem:s11+$0xFFFFFFC8]  }
0x139: {  	v14 =	vmul.f32 v14, v30;
	v26 =	vld [tilespmem:s11+$0x10]  }
0x13a: {  	v15 =	vmul.f32 v15, v31;
	v19 =	vld.idx.msk [tilespmem:v24+s26+$0x0], $0xffff;
	v24 =	vor.u32 s13, v4  }
0x13b: {  	[tilespmem:s9+$0x20] =	vst v14;
	v16 =	vld [tilespmem:s11+$0xFFFFFF80]  }
0x13c: {  	[tilespmem:s9+$0xFFFFFF90] =	vst v15;
	v9 =	vld.idx.msk [tilespmem:v9+s26+$0x0], $0xffff;
	v27 =	vor.u32 s2, v4;
	v14 =	vmul.f32 v20, v25  }
0x13d: {  	v8 =	vld.idx.msk [tilespmem:v8+s26+$0x0], $0xffff;
	v20 =	vor.u32 s16, v4  }
0x13e: {  	v29 =	vld [tilespmem:s6+$0xFFFFFFA0];
	[tilespmem:s12+$0x58] =	vst v14;
	v14 =	vmul.f32 v18, v21  }
0x13f: {  	v19 =	vmul.f32 v19, v26;
	v18 =	vld.idx.msk [tilespmem:v24+s26+$0x0], $0xffff  }
0x140: {  	v15 =	vor.u32 s15, v4;
	v16 =	vmul.f32 v22, v16;
	v21 =	vld [tilespmem:s11+$0x68];
	[tilespmem:s12+$0xFFFFFFC8] =	vst v14  }
0x141: {  	[tilespmem:s12+$0x10] =	vst v19;
	v14 =	vld.idx.msk [tilespmem:v27+s26+$0x0], $0xffff  }
0x142: {  	[tilespmem:s12+$0xFFFFFF80] =	vst v16;
	v16 =	vld.idx.msk [tilespmem:v20+s26+$0x0], $0xffff  }
0x143: {  	v19 =	vld [tilespmem:s11+$0xFFFFFFD8]  }
0x144: {  	v20 =	vor.u32 s13, v5;
	v22 =	vld [tilespmem:s11+$0x20]  }
0x145: {  	v15 =	vld.idx.msk [tilespmem:v15+s26+$0x0], $0xffff  }
0x146: {  	v25 =	vor.u32 s2, v5;
	v24 =	vld [tilespmem:s11+$0xFFFFFF90];
	v18 =	vmul.f32 v18, v21  }
0x147: {  	v26 =	vld [tilespmem:s6+$0xFFFFFFE8];
	v21 =	vor.u32 s16, v5  }
0x148: {  	v27 =	vld [tilespmem:s6+$0x30];
	[tilespmem:s12+$0x68] =	vst v18;
	v14 =	vmul.f32 v14, v19  }
0x149: {  	[tilespmem:s8+$0xFFFFFFE8] =	vst v13;
	v16 =	vmul.f32 v16, v22;
	v18 =	vld.idx.msk [tilespmem:v20+s26+$0x0], $0xffff  }
0x14a: {  	v6 =	vmul.f32 v6, v7;
	v28 =	vor.u32 s15, v5;
	v19 =	vld [tilespmem:s11+$0x78];
	[tilespmem:s12+$0xFFFFFFD8] =	vst v14  }
0x14b: {  	v11 =	vmul.f32 v12, v11;
	v14 =	vmul.f32 v15, v24;
	[tilespmem:s12+$0x20] =	vst v16;
	v15 =	vld.idx.msk [tilespmem:v25+s26+$0x0], $0xffff  }
0x14c: {  	[tilespmem:s8+$0x30] =	vst v6;
	v7 =	vld.idx.msk [tilespmem:v21+s26+$0x0], $0xffff  }
0x14d: {  	[tilespmem:s8+$0xFFFFFFA0] =	vst v11;
	v13 =	vld [tilespmem:s11+$0xFFFFFFE8]  }
0x14e: {  	v6 =	vmul.f32 v17, v23;
	v11 =	vld [tilespmem:s11+$0x30];
	[tilespmem:s12+$0xFFFFFF90] =	vst v14  }
0x14f: {  	v8 =	vmul.f32 v8, v29;
	v12 =	vld.idx.msk [tilespmem:v28+s26+$0x0], $0xffff  }
0x150: {  	[tilespmem:s9+$0x78] =	vst v6;
	v6 =	vmul.f32 v9, v27;
	v9 =	vld [tilespmem:s11+$0xFFFFFFA0]  }
0x151: {  	[tilespmem:s9+$0xFFFFFFA0] =	vst v8;
	v10 =	vmul.f32 v10, v26  }
0x152: {  	[tilespmem:s9+$0x30] =	vst v6;
	v6 =	vmul.f32 v18, v19  }
0x153: {  	[tilespmem:s9+$0xFFFFFFE8] =	vst v10;
	v8 =	vmul.f32 v15, v13  }
0x154: {  	s16 =	smul.u32 $0x680, s25;
	[tilespmem:s12+$0x78] =	vst v6;
	v6 =	vmul.f32 v7, v11  }
0x155: {  	[tilespmem:s12+$0xFFFFFFE8] =	vst v8;
	v7 =	vmul.f32 v12, v9  }
0x156: {  	p2 =	seq.s32 s25, $0x18;
	s8 =	sshra.s32 s16, $0x2;
	[tilespmem:s12+$0x30] =	vst v6  }
0x157: {  	s2 =	sadd.s32 $0xD868, s8;
	s9 =	smul.u32 @!p2 $0x1A0, s25;
	[tilespmem:s12+$0xFFFFFFA0] =	vst v7  }
0x158: {  	[spmem:s31] =	stream.indirect.scatter.add.f32 [tilespmem:s29], [sflag:$0x5], $0x48, s2, s18, $0xb8;
	[tilespmem:$0x1F1A8] =	vst v63  }
0x159: {  	s10 =	simm.s32 @!p2 $0x10108;
	s6 =	simm.s32 @!p2 $0x64;
	s2 =	sadd.s32 @!p2 $0xB168, s9  }
0x15a: {  	[tilespmem:s10], [sflag:$0x1] =	stream.indirect.gather @!p2 [hbm4b:s4+s6], $0x48, s2, s6, $0xb8;
	[tilespmem:$0x1F1A8] =	vst v63  }
0x15b: {  	s3 =	simm.s32 $0x2;
	s2 =	sadd.s32 @!p2 $0xDA08, s9;
	s10 =	simm.s32 @!p2 $0x17188  }
0x15c: {  	[tilespmem:s10], [sflag:$0x1] =	stream.indirect.gather @!p2 [hbm4b:s5+s6], $0x8, s2, s6, $0xb8;
	[tilespmem:$0x1F1A8] =	vst v63  }
0x15d: {  	s17 =	simm.s32 $0x4;
	_ =	swait.ge [sflag:s3], $0x1C20  }
0x15e: {  	v6 =	vor.u32 s17, v1;
	[sflag:s3] =	ssyncset.done $0x0  }
0x15f: {  	s23 =	simm.s32 $0x0;
	v7 =	vmul.u32 $0x48, v6;
	v6 =	vshll.u32 v6, $0x3;
	[sflag:s3] =	ssyncadd.s32 $0xFFFFE3E0  }
0x160: {  	v29 =	vor.u32 v0, v6;
	v6 =	vor.u32 s23, v1;
	_ =	swait.ge [sflag:s3], $0x320  }
0x161: {  	v8 =	vmul.u32 $0x48, v6;
	[sflag:s3] =	ssyncset.done $0x0  }
0x162: {  	v28 =	vadd.s32 v2, v7;
	s2 =	simm.s32 @!p1 $0x6;
	s6 =	simm.s32 $0x6;
	[sflag:s3] =	ssyncadd.s32 $0xFFFFFCE0  }
0x163: {  	v6 =	vshll.u32 v6, $0x3;
	v8 =	vadd.s32 v2, v8;
	v11 =	vor.u32 s6, v1;
	s3 =	simm.s32 $0x2;
	_ =	swait.ge @!p1 [sflag:s2], $0x1C20  }
0x164: {  	v17 =	vor.u32 v0, v6;
	v12 =	vmul.u32 $0x48, v11;
	v7 =	vor.u32 s3, v1;
	[sflag:s2] =	ssyncset.done @!p1 $0x0  }
0x165: {  	v9 =	vmul.u32 $0x48, v7;
	[sflag:s2] =	ssyncadd.s32 @!p1 $0xFFFFE3E0  }
0x166: {  	v6 =	vadd.s32 v2, v12;
	v7 =	vshll.u32 v7, $0x3;
	v10 =	vld.idx.msk [tilespmem:v29+s24+$0x0], $0xffff  }
0x167: {  	v19 =	vor.u32 v0, v7;
	v13 =	vadd.s32 v2, v9;
	v9 =	vld.idx.msk [tilespmem:v28+s22+$0x0], $0xffff  }
0x168: {  	v7 =	vshll.u32 v11, $0x3;
	v11 =	vld.idx.msk [tilespmem:v8+s22+$0x0], $0xffff  }
0x169: {  	s13 =	simm.s32 $0xA;
	v7 =	vor.u32 v0, v7;
	v20 =	vld.idx.msk [tilespmem:v17+s24+$0x0], $0xffff  }
0x16a: {  	v22 =	vor.u32 s13, v1;
	s12 =	simm.s32 $0x8  }
0x16b: {  	v26 =	vmul.u32 $0x48, v22;
	v22 =	vshll.u32 v22, $0x3;
	s11 =	simm.s32 $0xC;
	v14 =	vor.u32 s12, v1;
	s10 =	simm.s32 $0xE;
	v24 =	vld.idx.msk [tilespmem:v6+s22+$0x0], $0xffff  }
0x16c: {  	v12 =	vor.u32 s10, v1;
	v21 =	vld.idx.msk [tilespmem:v19+s24+$0x0], $0xffff;
	v9 =	vadd.f32 v10, v9;
	v10 =	vor.u32 s11, v1  }
0x16d: {  	v27 =	vmul.u32 $0x48, v12;
	v15 =	vld.idx.msk [tilespmem:v13+s22+$0x0], $0xffff;
	v18 =	vmul.u32 $0x48, v10;
	v10 =	vshll.u32 v10, $0x3  }
0x16e: {  	v30 =	vshll.u32 v12, $0x3;
	v25 =	vld.idx.msk [tilespmem:v7+s24+$0x0], $0xffff;
	v20 =	vadd.f32 v20, v11;
	v16 =	vor.u32 v0, v10  }
0x16f: {  	v23 =	vmul.f32 $2.000000030e-01, v9;
	v10 =	vmul.u32 $0x48, v14;
	v18 =	vadd.s32 v2, v18  }
0x170: {  	v11 =	vor.u32 v0, v22;
	vm0 =	vge.f32 v9, $0.0e+00;
	vm10 =	vge.f32 v20, $0.0e+00  }
0x171: {  	v9 =	vsel vm0, v9, v23;
	v23 =	vshll.u32 v14, $0x3;
	v14 =	vadd.s32 v2, v10  }
0x172: {  	v10 =	vadd.s32 v2, v26;
	v9 =	vmul.f32 $1.442695020e+00, v9;
	v12 =	vor.u32 v0, v23  }
0x173: {  	v21 =	vadd.f32 v21, v15;
	v24 =	vadd.f32 v25, v24;
	v25 =	vmul.f32 $2.000000030e-01, v20;
	v23 =	vld.idx.msk [tilespmem:v16+s24+$0x0], $0xffff  }
0x174: {  	v15 =	vor.u32 v0, v30;
	(erf) = vpow2.f32 v9;
	v9 =	vadd.s32 v2, v27;
	v22 =	vld.idx.msk [tilespmem:v18+s22+$0x0], $0xffff  }
0x175: {  	v26 =	vmul.f32 $2.000000030e-01, v21;
	v27 =	vmul.f32 $2.000000030e-01, v24;
	v20 =	vsel vm10, v20, v25  }
0x176: {  	s15 =	simm.s32 $0x16;
	vm1 =	vge.f32 v21, $0.0e+00;
	vm11 =	vge.f32 v24, $0.0e+00;
	v30 =	vmul.f32 $1.442695020e+00, v20  }
0x177: {  	s23 =	simm.s32 $0x12;
	v21 =	vsel vm1, v21, v26;
	v20 =	vsel vm11, v24, v27;
	v24 =	vor.u32 s15, v1  }
0x178: {  	s16 =	simm.s32 $0x10;
	s17 =	simm.s32 $0x14;
	v35 =	vld.idx.msk [tilespmem:v11+s24+$0x0], $0xffff;
	v27 =	vor.u32 s23, v1;
	v31 =	vmul.f32 $1.442695020e+00, v21;
	v33 =	vmul.f32 $1.442695020e+00, v20  }
0x179: {  	v25 =	vld.idx.msk [tilespmem:v14+s22+$0x0], $0xffff;
	v20 =	vor.u32 s16, v1;
	v21 =	vor.u32 s17, v1;
	v22 =	vadd.f32 v23, v22  }
0x17a: {  	v54 =	vld.idx.msk [tilespmem:v10+s22+$0x0], $0xffff;
	v39 =	vmul.u32 $0x48, v27;
	v56 =	vmul.u32 $0x48, v24;
	v27 =	vshll.u32 v27, $0x3  }
0x17b: {  	v26 =	vld.idx.msk [tilespmem:v12+s24+$0x0], $0xffff;
	v34 =	vmul.u32 $0x48, v21;
	v21 =	vshll.u32 v21, $0x3;
	v36 =	vmul.f32 $2.000000030e-01, v22  }
0x17c: {  	v40 =	vld.idx.msk [tilespmem:v15+s24+$0x0], $0xffff;
	v37 =	vmul.u32 $0x48, v20;
	v23 =	vor.u32 v0, v21;
	vm12 =	vge.f32 v22, $0.0e+00  }
0x17d: {  	v55 =	vshll.u32 v20, $0x3;
	v38 =	vld.idx.msk [tilespmem:v9+s22+$0x0], $0xffff;
	v21 =	vadd.s32 v2, v34;
	v22 =	vsel vm12, v22, v36  }
0x17e: {  	v57 =	vshll.u32 v24, $0x3;
	v24 =	vor.u32 v0, v55;
	v41 =	vmul.f32 $1.442695020e+00, v22  }
0x17f: {  	v27 =	vor.u32 v0, v27;
	v20 =	vadd.s32 v2, v37  }
0x180: {  	v32 =	vadd.f32 v35, v54;
	v58 =	vadd.f32 v26, v25;
	(erf) = vpow2.f32 v41  }
0x181: {  	v26 =	vadd.s32 v2, v56;
	v25 =	vor.u32 v0, v57;
	v22 =	vadd.s32 v2, v39;
	v34 =	vld.idx.msk [tilespmem:v23+s24+$0x0], $0xffff  }
0x182: {  	v61 =	vmul.f32 $2.000000030e-01, v32;
	v62 =	vpop (erf);
	v59 =	vadd.f32 v40, v38;
	v35 =	vld.idx.msk [tilespmem:v21+s22+$0x0], $0xffff;
	(erf) = vpow2.f32 v30  }
0x183: {  	vm14 =	vge.f32 v32, $0.0e+00;
	v60 =	vmul.f32 $2.000000030e-01, v58;
	[tilespmem:v29+s26+$0x0] =	vst.idx.msk $0xffff, v62;
	v29 =	vld.idx.msk [tilespmem:v24+s24+$0x0], $0xffff;
	(erf) = vpow2.f32 v31  }
0x184: {  	vm13 =	vge.f32 v58, $0.0e+00;
	v38 =	vsel vm14, v32, v61;
	v32 =	vld.idx.msk [tilespmem:v27+s24+$0x0], $0xffff;
	v63 =	vmul.f32 $2.000000030e-01, v59  }
0x185: {  	[tilespmem:v28+s1+$0x0] =	vst.idx.msk $0xffff, v62;
	v37 =	vsel vm13, v58, v60;
	vm15 =	vge.f32 v59, $0.0e+00;
	v28 =	vmul.f32 $1.442695020e+00, v38;
	v30 =	vld.idx.msk [tilespmem:v20+s22+$0x0], $0xffff  }
0x186: {  	s6 =	simm.s32 $0x8;
	s10 =	simm.s32 $0x1E;
	v36 =	vsel vm15, v59, v63;
	v31 =	vld.idx.msk [tilespmem:v22+s22+$0x0], $0xffff;
	(erf) = vpow2.f32 v33;
	v33 =	vmul.f32 $1.442695020e+00, v37  }
.LBB2_9:
0x187: {  	v37 =	vor.u32 s10, v1;
	v34 =	vadd.f32 v34, v35;
	v36 =	vmul.f32 $1.442695020e+00, v36;
	v39 =	vmovc v11;
	v11 =	vmovc v27  }
0x188: {  	s2 =	sadd.s32 $0xFFFFFFFA, s10;
	s11 =	sadd.s32 $0xFFFFFFFC, s10;
	s12 =	sadd.s32 $0xFFFFFFFE, s10;
	v38 =	vld.idx.msk [tilespmem:v26+s22+$0x0], $0xffff;
	v40 =	vmovc v6;
	v6 =	vmovc v9;
	v9 =	vmov v26;
	v41 =	vmov v7;
	v7 =	vmov v15  }
0x189: {  	s6 =	sadd.s32 $0x4, s6;
	v26 =	vor.u32 s2, v1;
	v27 =	vor.u32 s11, v1;
	v46 =	vor.u32 s12, v1;
	v42 =	vld.idx.msk [tilespmem:v25+s24+$0x0], $0xffff;
	v35 =	vpop (erf)  }
0x18a: {  	v15 =	vmovc v25;
	p3 =	slt.u32 s6, $0x2C;
	v43 =	vmul.u32 $0x48, v46;
	v44 =	vshll.u32 v46, $0x3;
	v45 =	vmul.f32 $2.000000030e-01, v34;
	[tilespmem:v16+s26+$0x0] =	vst.idx.msk $0xffff, v35;
	v16 =	vmovc v23  }
0x18b: {  	v25 =	vmul.u32 $0x48, v26;
	vm0 =	vge.f32 v34, $0.0e+00;
	v23 =	vor.u32 v0, v44;
	[tilespmem:v18+s1+$0x0] =	vst.idx.msk $0xffff, v35;
	v18 =	vpop (erf)  }
0x18c: {  	v35 =	vmul.u32 $0x48, v27;
	v43 =	vadd.s32 v2, v43;
	v34 =	vsel vm0, v34, v45;
	[tilespmem:v17+s26+$0x0] =	vst.idx.msk $0xffff, v18;
	v17 =	vpop (erf)  }
0x18d: {  	v26 =	vshll.u32 v26, $0x3;
	v44 =	vmul.u32 $0x48, v37;
	v34 =	vmul.f32 $1.442695020e+00, v34;
	[tilespmem:v8+s1+$0x0] =	vst.idx.msk $0xffff, v18;
	v18 =	vmovc v21;
	v21 =	vmovc v43  }
0x18e: {  	v37 =	vshll.u32 v37, $0x3;
	v45 =	vadd.s32 v2, v25;
	v25 =	vshll.u32 v27, $0x3;
	v8 =	vmovc v14;
	[tilespmem:v19+s26+$0x0] =	vst.idx.msk $0xffff, v17  }
0x18f: {  	v46 =	vadd.s32 v2, v35;
	v19 =	vor.u32 v0, v26;
	(erf) = vpow2.f32 v34;
	[tilespmem:v13+s1+$0x0] =	vst.idx.msk $0xffff, v17;
	v13 =	vpop (erf)  }
0x190: {  	v27 =	vor.u32 v0, v25;
	v25 =	vor.u32 v0, v37;
	v26 =	vadd.s32 v2, v44;
	v34 =	vld.idx.msk [tilespmem:v23+s24+$0x0], $0xffff  }
0x191: {  	v32 =	vadd.f32 v32, v31;
	v37 =	vadd.f32 v29, v30;
	v14 =	vmovc v20;
	v35 =	vld.idx.msk [tilespmem:v43+s22+$0x0], $0xffff;
	(erf) = vpow2.f32 v33  }
.Ltmp5:
0x192: {  	v20 =	vmovc v45;
	v38 =	vadd.f32 v42, v38;
	v17 =	vmov v12;
	(erf) = vpow2.f32 v28;
	[tilespmem:v41+s26+$0x0] =	vst.idx.msk $0xffff, v13;
	(pc) =	sbr.rel @p3 .LBB2_9-.Ltmp5, $4  }
0x193: {  	vm0 =	vge.f32 v37, $0.0e+00;
	v12 =	vmovc v24;
	v33 =	vmul.f32 $2.000000030e-01, v32;
	v28 =	vmul.f32 $2.000000030e-01, v37;
	v30 =	vld.idx.msk [tilespmem:v45+s22+$0x0], $0xffff;
	[tilespmem:v40+s1+$0x0] =	vst.idx.msk $0xffff, v13  }
0x194: {  	vm1 =	vge.f32 v32, $0.0e+00;
	v24 =	vmovc v19;
	vm2 =	vge.f32 v38, $0.0e+00;
	v40 =	vmul.f32 $2.000000030e-01, v38;
	v13 =	vmovc v10;
	v31 =	vld.idx.msk [tilespmem:v46+s22+$0x0], $0xffff  }
0x195: {  	v10 =	vmovc v22;
	v37 =	vsel vm0, v37, v28;
	v28 =	vsel vm1, v32, v33;
	v29 =	vld.idx.msk [tilespmem:v19+s24+$0x0], $0xffff;
	(erf) = vpow2.f32 v36  }
0x196: {  	s10 =	sadd.s32 $0x8, s10;
	v22 =	vmovc v46;
	v33 =	vmul.f32 $1.442695020e+00, v37;
	v28 =	vmul.f32 $1.442695020e+00, v28;
	v36 =	vsel vm2, v38, v40;
	v19 =	vmovc v39;
	v32 =	vld.idx.msk [tilespmem:v27+s24+$0x0], $0xffff  }
0x197: {  	v34 =	vadd.f32 v34, v35;
	_ =	sdelay $0x1  }
0x198: {  	v35 =	vmul.f32 $2.000000030e-01, v34  }
0x199: {  	vm0 =	vge.f32 v34, $0.0e+00  }
0x19a: {  	v51 =	vld.idx.msk [tilespmem:v26+s22+$0x0], $0xffff;
	v34 =	vsel vm0, v34, v35  }
0x19b: {  	v37 =	vld.idx.msk [tilespmem:v25+s24+$0x0], $0xffff;
	v34 =	vmul.f32 $1.442695020e+00, v34;
	_ =	sdelay $0x1  }
0x19c: {  	(erf) = vpow2.f32 v34  }
0x19d: {  	v52 =	vpop (erf);
	v29 =	vadd.f32 v29, v30  }
0x19e: {  	[tilespmem:v16+s26+$0x0] =	vst.idx.msk $0xffff, v52;
	v54 =	vadd.f32 v32, v31;
	(erf) = vpow2.f32 v33  }
0x19f: {  	v55 =	vmul.f32 $1.442695020e+00, v36;
	[tilespmem:v18+s1+$0x0] =	vst.idx.msk $0xffff, v52;
	v53 =	vpop (erf);
	v30 =	vmul.f32 $2.000000030e-01, v29;
	v57 =	vadd.f32 v37, v51  }
0x1a0: {  	[tilespmem:v17+s26+$0x0] =	vst.idx.msk $0xffff, v53;
	vm13 =	vge.f32 v29, $0.0e+00;
	v58 =	vmul.f32 $2.000000030e-01, v54;
	(erf) = vpow2.f32 v28  }
0x1a1: {  	v56 =	vpop (erf);
	[tilespmem:v8+s1+$0x0] =	vst.idx.msk $0xffff, v53;
	vm14 =	vge.f32 v54, $0.0e+00;
	v59 =	vsel vm13, v29, v30;
	v62 =	vmul.f32 $2.000000030e-01, v57  }
0x1a2: {  	[tilespmem:v19+s26+$0x0] =	vst.idx.msk $0xffff, v56;
	v61 =	vpop (erf);
	v60 =	vmul.f32 $1.442695020e+00, v59;
	v16 =	vsel vm14, v54, v58;
	(erf) = vpow2.f32 v55  }
0x1a3: {  	vm15 =	vge.f32 v57, $0.0e+00;
	[tilespmem:v7+s26+$0x0] =	vst.idx.msk $0xffff, v61;
	v7 =	vmul.f32 $1.442695020e+00, v16  }
0x1a4: {  	[tilespmem:v6+s1+$0x0] =	vst.idx.msk $0xffff, v61;
	v6 =	vsel vm15, v57, v62;
	(erf) = vpow2.f32 v60  }
0x1a5: {  	[tilespmem:v13+s1+$0x0] =	vst.idx.msk $0xffff, v56;
	v6 =	vmul.f32 $1.442695020e+00, v6;
	v63 =	vpop (erf)  }
0x1a6: {  	(erf) = vpow2.f32 v7;
	[tilespmem:v23+s26+$0x0] =	vst.idx.msk $0xffff, v63  }
0x1a7: {  	v7 =	vpop (erf);
	[tilespmem:v21+s1+$0x0] =	vst.idx.msk $0xffff, v63  }
0x1a8: {  	(erf) = vpow2.f32 v6;
	[tilespmem:v12+s26+$0x0] =	vst.idx.msk $0xffff, v7  }
0x1a9: {  	v6 =	vpop (erf);
	[tilespmem:v14+s1+$0x0] =	vst.idx.msk $0xffff, v7  }
0x1aa: {  	[tilespmem:v11+s26+$0x0] =	vst.idx.msk $0xffff, v6  }
0x1ab: {  	[tilespmem:v10+s1+$0x0] =	vst.idx.msk $0xffff, v6;
	v6 =	vpop (erf)  }
0x1ac: {  	[tilespmem:v15+s26+$0x0] =	vst.idx.msk $0xffff, v6  }
0x1ad: {  	[tilespmem:v9+s1+$0x0] =	vst.idx.msk $0xffff, v6;
	v6 =	vpop (erf)  }
0x1ae: {  	[tilespmem:v24+s26+$0x0] =	vst.idx.msk $0xffff, v6  }
0x1af: {  	[tilespmem:v20+s1+$0x0] =	vst.idx.msk $0xffff, v6;
	v7 =	vpop (erf)  }
0x1b0: {  	[tilespmem:v27+s26+$0x0] =	vst.idx.msk $0xffff, v7  }
0x1b1: {  	v6 =	vpop (erf);
	[tilespmem:v22+s1+$0x0] =	vst.idx.msk $0xffff, v7  }
0x1b2: {  	[tilespmem:v25+s26+$0x0] =	vst.idx.msk $0xffff, v6  }
0x1b3: {  	s3 =	smov.u32 s31;
	s2 =	simm.s32 $0x60;
	[tilespmem:v26+s1+$0x0] =	vst.idx.msk $0xffff, v6  }
.LBB2_11:
0x1b4: {  	v6 =	vor.u32 s2, v1  }
0x1b5: {  	v7 =	vmul.u32 $0x48, v6;
	v6 =	vshll.u32 v6, $0x3  }
0x1b6: {  	v6 =	vor.u32 v0, v6  }
0x1b7: {  	v7 =	vadd.s32 v2, v7;
	_ =	sdelay $0x3  }
0x1b8: {  	v9 =	vld.idx.msk [tilespmem:v6+s24+$0x0], $0xffff  }
0x1b9: {  	v8 =	vld.idx.msk [tilespmem:v7+s22+$0x0], $0xffff;
	_ =	sdelay $0x4  }
0x1ba: {  	v8 =	vadd.f32 v9, v8;
	_ =	sdelay $0x1  }
0x1bb: {  	v9 =	vmul.f32 $2.000000030e-01, v8  }
0x1bc: {  	vm0 =	vge.f32 v8, $0.0e+00  }
0x1bd: {  	v8 =	vsel vm0, v8, v9  }
0x1be: {  	v8 =	vmul.f32 $1.442695020e+00, v8;
	_ =	sdelay $0x1  }
0x1bf: {  	(erf) = vpow2.f32 v8;
	_ =	sdelay $0x5  }
0x1c0: {  	p3 =	sne.s32 s2, $0x62  }
.Ltmp6:
0x1c1: {  	_ = 	snop;
	(pc) =	sbr.rel @p3 .LBB2_11-.Ltmp6, $4  }
0x1c2: {  	_ = 	snop  }
0x1c3: {  	v8 =	vpop (erf)  }
0x1c4: {  	[tilespmem:v6+s26+$0x0] =	vst.idx.msk $0xffff, v8  }
0x1c5: {  	s2 =	sadd.s32 $0x2, s2;
	[tilespmem:v7+s1+$0x0] =	vst.idx.msk $0xffff, v8  }
0x1c6: {  	s23 =	simm.s32 $0x18  }
0x1c7: {  	v7 =	vor.u32 s23, v1  }
0x1c8: {  	s16 =	simm.s32 $0x8;
	s11 =	simm.s32 $0x11DB8  }
0x1c9: {  	s15 =	simm.s32 $0x10;
	v8 =	vor.u32 s16, v1;
	v10 =	vld [tilespmem:s11+$0x48]  }
0x1ca: {  	s13 =	simm.s32 $0x0;
	v9 =	vor.u32 s15, v1;
	v11 =	vld [tilespmem:s11+$0xFFFFFFB8]  }
0x1cb: {  	v6 =	vor.u32 s13, v1;
	v13 =	vld [tilespmem:s11+$0x0]  }
0x1cc: {  	v7 =	vld.idx.msk [tilespmem:v7+s26+$0x0], $0xffff  }
0x1cd: {  	v14 =	vld [tilespmem:s11+$0xFFFFFF70]  }
0x1ce: {  	v8 =	vld.idx.msk [tilespmem:v8+s26+$0x0], $0xffff  }
0x1cf: {  	v12 =	vor.u32 s23, v3;
	v9 =	vld.idx.msk [tilespmem:v9+s26+$0x0], $0xffff  }
0x1d0: {  	v6 =	vld.idx.msk [tilespmem:v6+s26+$0x0], $0xffff  }
0x1d1: {  	v7 =	vmul.f32 v7, v10  }
0x1d2: {  	s10 =	simm.s32 $0x19AB8;
	v15 =	vor.u32 s15, v3  }
0x1d3: {  	v10 =	vor.u32 s16, v3;
	v8 =	vmul.f32 v8, v11;
	[tilespmem:s10+$0x48] =	vst v7  }
0x1d4: {  	v9 =	vmul.f32 v9, v13;
	v11 =	vld.idx.msk [tilespmem:v12+s26+$0x0], $0xffff  }
0x1d5: {  	v6 =	vmul.f32 v6, v14;
	[tilespmem:s10+$0xFFFFFFB8] =	vst v8;
	v12 =	vld [tilespmem:s11+$0x58]  }
0x1d6: {  	v7 =	vor.u32 s13, v3;
	[tilespmem:s10+$0x0] =	vst v9  }
0x1d7: {  	[tilespmem:s10+$0xFFFFFF70] =	vst v6;
	v6 =	vld.idx.msk [tilespmem:v15+s26+$0x0], $0xffff  }
0x1d8: {  	v9 =	vor.u32 s23, v4;
	v8 =	vld.idx.msk [tilespmem:v10+s26+$0x0], $0xffff  }
0x1d9: {  	v10 =	vld [tilespmem:s11+$0xFFFFFFC8]  }
0x1da: {  	v13 =	vld [tilespmem:s11+$0xFFFFFF80];
	v11 =	vmul.f32 v11, v12  }
0x1db: {  	v7 =	vld.idx.msk [tilespmem:v7+s26+$0x0], $0xffff  }
0x1dc: {  	v12 =	vld [tilespmem:s11+$0x10];
	[tilespmem:s10+$0x58] =	vst v11;
	v11 =	vor.u32 s16, v4  }
0x1dd: {  	s2 =	simm.s32 $0x20;
	v9 =	vld.idx.msk [tilespmem:v9+s26+$0x0], $0xffff  }
0x1de: {  	s6 =	simm.s32 $0x11ED8;
	v8 =	vmul.f32 v8, v10;
	v10 =	vor.u32 s2, v1;
	v15 =	vld [tilespmem:s11+$0x68]  }
0x1df: {  	v17 =	vld [tilespmem:s6+$0x48];
	v14 =	vor.u32 s15, v4  }
0x1e0: {  	v16 =	vor.u32 s13, v4;
	v18 =	vld [tilespmem:s6+$0xFFFFFFB8];
	v7 =	vmul.f32 v7, v13;
	[tilespmem:s10+$0xFFFFFFC8] =	vst v8  }
0x1e1: {  	v6 =	vmul.f32 v6, v12;
	v8 =	vld.idx.msk [tilespmem:v11+s26+$0x0], $0xffff  }
0x1e2: {  	s12 =	simm.s32 $0x28;
	[tilespmem:s10+$0xFFFFFF80] =	vst v7;
	v11 =	vld [tilespmem:s11+$0xFFFFFFD8]  }
0x1e3: {  	v12 =	vor.u32 s12, v1;
	[tilespmem:s10+$0x10] =	vst v6;
	v10 =	vld.idx.msk [tilespmem:v10+s26+$0x0], $0xffff;
	v7 =	vmul.f32 v9, v15  }
0x1e4: {  	s17 =	simm.s32 $0x38;
	v6 =	vld.idx.msk [tilespmem:v14+s26+$0x0], $0xffff  }
0x1e5: {  	s31 =	simm.s32 $0x30;
	v9 =	vld.idx.msk [tilespmem:v16+s26+$0x0], $0xffff;
	[tilespmem:s10+$0x68] =	vst v7;
	v7 =	vor.u32 s17, v1  }
0x1e6: {  	v14 =	vld [tilespmem:s11+$0x20];
	v15 =	vor.u32 s31, v1  }
0x1e7: {  	v16 =	vld [tilespmem:s11+$0xFFFFFF90]  }
0x1e8: {  	v12 =	vld.idx.msk [tilespmem:v12+s26+$0x0], $0xffff  }
0x1e9: {  	v13 =	vld [tilespmem:s11+$0x78]  }
0x1ea: {  	v8 =	vmul.f32 v8, v11;
	v7 =	vld.idx.msk [tilespmem:v7+s26+$0x0], $0xffff  }
0x1eb: {  	v15 =	vld.idx.msk [tilespmem:v15+s26+$0x0], $0xffff  }
0x1ec: {  	v6 =	vmul.f32 v6, v14;
	v14 =	vld [tilespmem:s6+$0x0];
	[tilespmem:s10+$0xFFFFFFD8] =	vst v8;
	v8 =	vmul.f32 v9, v16  }
0x1ed: {  	v9 =	vor.u32 s17, v3;
	v16 =	vld [tilespmem:s6+$0xFFFFFF70]  }
0x1ee: {  	v20 =	vld [tilespmem:s11+$0xFFFFFFE8];
	[tilespmem:s10+$0xFFFFFF90] =	vst v8  }
0x1ef: {  	v19 =	vor.u32 s23, v5;
	[tilespmem:s10+$0x20] =	vst v6;
	v11 =	vld [tilespmem:s11+$0xFFFFFFA0];
	v8 =	vmul.f32 v7, v17  }
0x1f0: {  	v21 =	vor.u32 s2, v3;
	v7 =	vld [tilespmem:s11+$0x30];
	s11 =	simm.s32 $0x19BD8  }
0x1f1: {  	v6 =	vor.u32 s12, v3;
	[tilespmem:s11+$0x48] =	vst v8  }
0x1f2: {  	v10 =	vmul.f32 v10, v16;
	v17 =	vor.u32 s31, v3;
	v9 =	vld.idx.msk [tilespmem:v9+s26+$0x0], $0xffff  }
0x1f3: {  	v8 =	vmul.f32 v12, v18;
	v12 =	vmul.f32 v15, v14;
	v14 =	vld [tilespmem:s6+$0x58]  }
0x1f4: {  	v19 =	vld.idx.msk [tilespmem:v19+s26+$0x0], $0xffff;
	[tilespmem:s11+$0xFFFFFF70] =	vst v10  }
0x1f5: {  	v15 =	vld.idx.msk [tilespmem:v21+s26+$0x0], $0xffff;
	[tilespmem:s11+$0xFFFFFFB8] =	vst v8  }
0x1f6: {  	[tilespmem:s11+$0x0] =	vst v12;
	v12 =	vor.u32 s17, v4;
	v6 =	vld.idx.msk [tilespmem:v6+s26+$0x0], $0xffff  }
0x1f7: {  	v10 =	vld.idx.msk [tilespmem:v17+s26+$0x0], $0xffff  }
0x1f8: {  	v8 =	vor.u32 s16, v5;
	v16 =	vld [tilespmem:s6+$0xFFFFFFC8];
	v9 =	vmul.f32 v9, v14  }
0x1f9: {  	v17 =	vor.u32 s15, v5;
	v14 =	vld [tilespmem:s6+$0x10]  }
0x1fa: {  	v18 =	vor.u32 s13, v5;
	v63 =	vld [tilespmem:s6+$0xFFFFFF80];
	[tilespmem:s11+$0x58] =	vst v9  }
0x1fb: {  	v22 =	vor.u32 s12, v4;
	v25 =	vld.idx.msk [tilespmem:v12+s26+$0x0], $0xffff  }
0x1fc: {  	v24 =	vor.u32 s31, v4;
	v27 =	vld [tilespmem:s6+$0x68]  }
0x1fd: {  	v26 =	vor.u32 s2, v4;
	v23 =	vld.idx.msk [tilespmem:v8+s26+$0x0], $0xffff;
	v8 =	vmul.f32 v6, v16  }
0x1fe: {  	v6 =	vld.idx.msk [tilespmem:v17+s26+$0x0], $0xffff;
	v9 =	vmul.f32 v10, v14  }
0x1ff: {  	v17 =	vor.u32 s17, v5;
	v12 =	vld.idx.msk [tilespmem:v18+s26+$0x0], $0xffff;
	[tilespmem:s11+$0xFFFFFFC8] =	vst v8;
	v14 =	vmul.f32 v15, v63  }
0x200: {  	v13 =	vmul.f32 v19, v13;
	v16 =	vld.idx.msk [tilespmem:v22+s26+$0x0], $0xffff;
	[tilespmem:s11+$0x10] =	vst v9  }
0x201: {  	v8 =	vor.u32 s2, v5;
	[tilespmem:s11+$0xFFFFFF80] =	vst v14;
	v14 =	vld.idx.msk [tilespmem:v24+s26+$0x0], $0xffff;
	v18 =	vmul.f32 v25, v27  }
0x202: {  	[tilespmem:s10+$0x78] =	vst v13;
	s13 =	simm.s32 $0x40;
	s16 =	simm.s32 $0xC;
	s15 =	simm.s32 $0x11ED8;
	v10 =	vor.u32 s12, v5;
	v13 =	vmul.f32 v23, v20;
	v9 =	vor.u32 s31, v5;
	v15 =	vld.idx.msk [tilespmem:v26+s26+$0x0], $0xffff  }
.LBB2_13:
0x203: {  	p3 =	slt.u32 s16, $0x60;
	v19 =	vor.u32 s13, v1;
	v20 =	vor.u32 s13, v3;
	v21 =	vor.u32 s13, v4;
	s2 =	sadd.s32 $0x8, s13;
	s17 =	sadd.s32 $0x18, s13;
	v22 =	vld [tilespmem:s6+$0xFFFFFFD8];
	[tilespmem:s11+$0x68] =	vst v18  }
0x204: {  	s12 =	sadd.s32 $0x10, s13;
	v18 =	vor.u32 s2, v1;
	v23 =	vor.u32 s2, v3;
	v24 =	vor.u32 s17, v1;
	v17 =	vld.idx.msk [tilespmem:v17+s26+$0x0], $0xffff;
	[tilespmem:s10+$0xFFFFFFE8] =	vst v13  }
0x205: {  	v13 =	vor.u32 s2, v4;
	v25 =	vor.u32 s12, v1;
	v26 =	vor.u32 s12, v3;
	v27 =	vld [tilespmem:s6+$0x78]  }
0x206: {  	v28 =	vor.u32 s2, v5;
	v29 =	vor.u32 s12, v4;
	v30 =	vor.u32 s12, v5;
	v31 =	vld [tilespmem:s6+$0x20]  }
0x207: {  	v32 =	vor.u32 s13, v5;
	v6 =	vmul.f32 v6, v7;
	v11 =	vmul.f32 v12, v11;
	v33 =	vld [tilespmem:s6+$0xFFFFFF90]  }
0x208: {  	v7 =	vld.idx.msk [tilespmem:v19+s26+$0x0], $0xffff;
	v12 =	vmul.f32 v16, v22  }
0x209: {  	s6 =	sadd.s32 $0x120, s6;
	v16 =	vld.idx.msk [tilespmem:v24+s26+$0x0], $0xffff;
	[tilespmem:s10+$0x30] =	vst v6  }
0x20a: {  	v6 =	vld [tilespmem:s6+$0x48];
	[tilespmem:s11+$0xFFFFFFD8] =	vst v12;
	v12 =	vmul.f32 v17, v27  }
0x20b: {  	v17 =	vld.idx.msk [tilespmem:v18+s26+$0x0], $0xffff;
	v14 =	vmul.f32 v14, v31;
	[tilespmem:s10+$0xFFFFFFA0] =	vst v11;
	s10 =	smov.u32 s11  }
0x20c: {  	v11 =	vld.idx.msk [tilespmem:v25+s26+$0x0], $0xffff;
	v15 =	vmul.f32 v15, v33;
	[tilespmem:s11+$0x78] =	vst v12  }
0x20d: {  	v18 =	vor.u32 s17, v3;
	v12 =	vld [tilespmem:s6+$0xFFFFFFB8];
	[tilespmem:s11+$0x20] =	vst v14  }
0x20e: {  	v14 =	vld [tilespmem:s6+$0x0];
	[tilespmem:s11+$0xFFFFFF90] =	vst v15  }
0x20f: {  	v15 =	vld [tilespmem:s6+$0xFFFFFF70];
	v6 =	vmul.f32 v16, v6  }
0x210: {  	s11 =	sadd.s32 $0x120, s11;
	v19 =	vld.idx.msk [tilespmem:v10+s26+$0x0], $0xffff;
	v10 =	vmov v28  }
0x211: {  	[tilespmem:s11+$0x48] =	vst v6;
	v6 =	vld.idx.msk [tilespmem:v9+s26+$0x0], $0xffff;
	v9 =	vmov v30  }
0x212: {  	v12 =	vmul.f32 v17, v12;
	v16 =	vld.idx.msk [tilespmem:v18+s26+$0x0], $0xffff  }
0x213: {  	v11 =	vmul.f32 v11, v14;
	v14 =	vld [tilespmem:s6+$0x58]  }
0x214: {  	v7 =	vmul.f32 v7, v15;
	[tilespmem:s11+$0xFFFFFFB8] =	vst v12;
	v12 =	vld.idx.msk [tilespmem:v8+s26+$0x0], $0xffff;
	v8 =	vmov v32  }
0x215: {  	v15 =	vld.idx.msk [tilespmem:v23+s26+$0x0], $0xffff;
	[tilespmem:s11+$0x0] =	vst v11  }
0x216: {  	v11 =	vor.u32 s17, v4;
	[tilespmem:s11+$0xFFFFFF70] =	vst v7;
	v7 =	vld.idx.msk [tilespmem:v26+s26+$0x0], $0xffff  }
0x217: {  	v17 =	vld.idx.msk [tilespmem:v20+s26+$0x0], $0xffff  }
0x218: {  	v18 =	vld [tilespmem:s6+$0xFFFFFFC8];
	v14 =	vmul.f32 v16, v14  }
0x219: {  	v16 =	vld [tilespmem:s6+$0x10]  }
0x21a: {  	v20 =	vld [tilespmem:s6+$0xFFFFFF80];
	[tilespmem:s11+$0x58] =	vst v14  }
0x21b: {  	v22 =	vld.idx.msk [tilespmem:v11+s26+$0x0], $0xffff  }
0x21c: {  	v23 =	vld [tilespmem:s6+$0x68]  }
0x21d: {  	v11 =	vmul.f32 v15, v18;
	v24 =	vld [tilespmem:s15+$0xFFFFFFE8]  }
.Ltmp7:
0x21e: {  	v14 =	vmul.f32 v7, v16;
	v7 =	vld [tilespmem:s15+$0x30];
	(pc) =	sbr.rel @p3 .LBB2_13-.Ltmp7, $4  }
0x21f: {  	v15 =	vmul.f32 v17, v20;
	[tilespmem:s11+$0xFFFFFFC8] =	vst v11;
	v17 =	vor.u32 s17, v5;
	v11 =	vld [tilespmem:s15+$0xFFFFFFA0];
	s15 =	smov.u32 s6  }
0x220: {  	v16 =	vld.idx.msk [tilespmem:v13+s26+$0x0], $0xffff;
	[tilespmem:s11+$0x10] =	vst v14  }
0x221: {  	[tilespmem:s11+$0xFFFFFF80] =	vst v15;
	v14 =	vld.idx.msk [tilespmem:v29+s26+$0x0], $0xffff;
	v18 =	vmul.f32 v22, v23  }
0x222: {  	s13 =	sshll.u32 s16, $0x3;
	s16 =	sadd.s32 $0x4, s16;
	v15 =	vld.idx.msk [tilespmem:v21+s26+$0x0], $0xffff;
	v13 =	vmul.f32 v19, v24  }
0x223: {  	v19 =	vor.u32 s13, v1;
	s17 =	sadd.s32 $0x18, s13;
	v21 =	vld [tilespmem:s6+$0xFFFFFFD8]  }
0x224: {  	s23 =	sadd.s32 $0x10, s13;
	s16 =	sadd.s32 $0x120, s6;
	v30 =	vld [tilespmem:s6+$0x20];
	v20 =	vor.u32 s17, v1  }
0x225: {  	v22 =	vor.u32 s23, v1;
	v24 =	vld [tilespmem:s16+$0x48]  }
0x226: {  	s2 =	sadd.s32 $0x8, s13;
	v27 =	vld [tilespmem:s16+$0x0]  }
0x227: {  	[tilespmem:s11+$0x68] =	vst v18;
	v18 =	vor.u32 s2, v1;
	v28 =	vld [tilespmem:s16+$0xFFFFFF70]  }
0x228: {  	v19 =	vld.idx.msk [tilespmem:v19+s26+$0x0], $0xffff  }
0x229: {  	v20 =	vld.idx.msk [tilespmem:v20+s26+$0x0], $0xffff  }
0x22a: {  	v22 =	vld.idx.msk [tilespmem:v22+s26+$0x0], $0xffff  }
0x22b: {  	v25 =	vld [tilespmem:s16+$0xFFFFFFB8]  }
0x22c: {  	v32 =	vor.u32 s13, v3;
	v16 =	vmul.f32 v16, v21;
	v18 =	vld.idx.msk [tilespmem:v18+s26+$0x0], $0xffff  }
0x22d: {  	v31 =	vld [tilespmem:s6+$0xFFFFFF90];
	v26 =	vor.u32 s17, v3;
	v19 =	vmul.f32 v19, v28  }
0x22e: {  	s12 =	sadd.s32 $0x120, s11;
	v23 =	vld [tilespmem:s6+$0x78];
	[tilespmem:s11+$0xFFFFFFD8] =	vst v16;
	v20 =	vmul.f32 v20, v24  }
0x22f: {  	v29 =	vor.u32 s2, v3;
	v17 =	vld.idx.msk [tilespmem:v17+s26+$0x0], $0xffff;
	v22 =	vmul.f32 v22, v27;
	[tilespmem:s12+$0xFFFFFF70] =	vst v19  }
0x230: {  	v10 =	vld.idx.msk [tilespmem:v10+s26+$0x0], $0xffff;
	[tilespmem:s12+$0x48] =	vst v20  }
0x231: {  	v18 =	vmul.f32 v18, v25;
	[tilespmem:s12+$0x0] =	vst v22;
	v22 =	vld.idx.msk [tilespmem:v32+s26+$0x0], $0xffff  }
0x232: {  	v24 =	vor.u32 s23, v3;
	v20 =	vld.idx.msk [tilespmem:v26+s26+$0x0], $0xffff  }
0x233: {  	[tilespmem:s12+$0xFFFFFFB8] =	vst v18;
	v25 =	vld [tilespmem:s16+$0x58]  }
0x234: {  	v18 =	vld.idx.msk [tilespmem:v29+s26+$0x0], $0xffff  }
0x235: {  	v21 =	vld [tilespmem:s16+$0xFFFFFFC8]  }
0x236: {  	v14 =	vmul.f32 v14, v30;
	v26 =	vld [tilespmem:s16+$0x10]  }
0x237: {  	v15 =	vmul.f32 v15, v31;
	v19 =	vld.idx.msk [tilespmem:v24+s26+$0x0], $0xffff;
	v24 =	vor.u32 s17, v4  }
0x238: {  	[tilespmem:s11+$0x20] =	vst v14;
	v16 =	vld [tilespmem:s16+$0xFFFFFF80]  }
0x239: {  	[tilespmem:s11+$0xFFFFFF90] =	vst v15;
	v9 =	vld.idx.msk [tilespmem:v9+s26+$0x0], $0xffff;
	v27 =	vor.u32 s2, v4;
	v14 =	vmul.f32 v20, v25  }
0x23a: {  	v8 =	vld.idx.msk [tilespmem:v8+s26+$0x0], $0xffff;
	v20 =	vor.u32 s23, v4  }
0x23b: {  	v29 =	vld [tilespmem:s15+$0xFFFFFFA0];
	[tilespmem:s12+$0x58] =	vst v14;
	v14 =	vmul.f32 v18, v21  }
0x23c: {  	v19 =	vmul.f32 v19, v26;
	v18 =	vld.idx.msk [tilespmem:v24+s26+$0x0], $0xffff  }
0x23d: {  	v15 =	vor.u32 s13, v4;
	v16 =	vmul.f32 v22, v16;
	v21 =	vld [tilespmem:s16+$0x68];
	[tilespmem:s12+$0xFFFFFFC8] =	vst v14  }
0x23e: {  	[tilespmem:s12+$0x10] =	vst v19;
	v14 =	vld.idx.msk [tilespmem:v27+s26+$0x0], $0xffff  }
0x23f: {  	[tilespmem:s12+$0xFFFFFF80] =	vst v16;
	v16 =	vld.idx.msk [tilespmem:v20+s26+$0x0], $0xffff  }
0x240: {  	v19 =	vld [tilespmem:s16+$0xFFFFFFD8]  }
0x241: {  	v20 =	vor.u32 s17, v5;
	v22 =	vld [tilespmem:s16+$0x20]  }
0x242: {  	v15 =	vld.idx.msk [tilespmem:v15+s26+$0x0], $0xffff  }
0x243: {  	v25 =	vor.u32 s2, v5;
	v24 =	vld [tilespmem:s16+$0xFFFFFF90];
	v18 =	vmul.f32 v18, v21  }
0x244: {  	v26 =	vld [tilespmem:s15+$0xFFFFFFE8];
	v21 =	vor.u32 s23, v5  }
0x245: {  	v27 =	vld [tilespmem:s15+$0x30];
	[tilespmem:s12+$0x68] =	vst v18;
	v14 =	vmul.f32 v14, v19  }
0x246: {  	[tilespmem:s10+$0xFFFFFFE8] =	vst v13;
	v16 =	vmul.f32 v16, v22;
	v18 =	vld.idx.msk [tilespmem:v20+s26+$0x0], $0xffff  }
0x247: {  	v6 =	vmul.f32 v6, v7;
	v28 =	vor.u32 s13, v5;
	v19 =	vld [tilespmem:s16+$0x78];
	[tilespmem:s12+$0xFFFFFFD8] =	vst v14  }
0x248: {  	v11 =	vmul.f32 v12, v11;
	v14 =	vmul.f32 v15, v24;
	[tilespmem:s12+$0x20] =	vst v16;
	v15 =	vld.idx.msk [tilespmem:v25+s26+$0x0], $0xffff  }
0x249: {  	[tilespmem:s10+$0x30] =	vst v6;
	v7 =	vld.idx.msk [tilespmem:v21+s26+$0x0], $0xffff  }
0x24a: {  	[tilespmem:s10+$0xFFFFFFA0] =	vst v11;
	v13 =	vld [tilespmem:s16+$0xFFFFFFE8]  }
0x24b: {  	v6 =	vmul.f32 v17, v23;
	v11 =	vld [tilespmem:s16+$0x30];
	[tilespmem:s12+$0xFFFFFF90] =	vst v14  }
0x24c: {  	v8 =	vmul.f32 v8, v29;
	v12 =	vld.idx.msk [tilespmem:v28+s26+$0x0], $0xffff  }
0x24d: {  	[tilespmem:s11+$0x78] =	vst v6;
	v6 =	vmul.f32 v9, v27;
	v9 =	vld [tilespmem:s16+$0xFFFFFFA0]  }
0x24e: {  	[tilespmem:s11+$0xFFFFFFA0] =	vst v8;
	v10 =	vmul.f32 v10, v26  }
0x24f: {  	[tilespmem:s11+$0x30] =	vst v6;
	v6 =	vmul.f32 v18, v19  }
0x250: {  	[tilespmem:s11+$0xFFFFFFE8] =	vst v10;
	v8 =	vmul.f32 v15, v13  }
0x251: {  	[tilespmem:s12+$0x78] =	vst v6;
	v6 =	vmul.f32 v7, v11  }
0x252: {  	[tilespmem:s12+$0xFFFFFFE8] =	vst v8;
	v7 =	vmul.f32 v12, v9  }
0x253: {  	[tilespmem:s12+$0x30] =	vst v6  }
0x254: {  	s15 =	sadd.s32 $0xD8D0, s8;
	[tilespmem:s12+$0xFFFFFFA0] =	vst v7  }
0x255: {  	[spmem:s3] =	stream.indirect.scatter.add.f32 [tilespmem:s1], [sflag:$0x6], $0x48, s15, s18, $0xb8;
	[tilespmem:$0x1F1A8] =	vst v63  }
0x256: {  	s6 =	simm.s32 @!p2 $0x64;
	s10 =	simm.s32 @!p2 $0x11D28;
	s2 =	sadd.s32 @!p2 $0xB1D0, s9  }
0x257: {  	[tilespmem:s10], [sflag:$0x2] =	stream.indirect.gather @!p2 [hbm4b:s4+s6], $0x48, s2, s6, $0xb8;
	[tilespmem:$0x1F1A8] =	vst v63  }
0x258: {  	s16 =	simm.s32 $0x3;
	s2 =	sadd.s32 @!p2 $0xDA70, s9;
	s10 =	simm.s32 @!p2 $0x174A8  }
0x259: {  	[tilespmem:s10], [sflag:$0x2] =	stream.indirect.gather @!p2 [hbm4b:s5+s6], $0x8, s2, s6, $0xb8;
	[tilespmem:$0x1F1A8] =	vst v63  }
0x25a: {  	s17 =	simm.s32 $0x4;
	_ =	swait.ge [sflag:s16], $0x1C20  }
0x25b: {  	v6 =	vor.u32 s17, v1;
	[sflag:s16] =	ssyncset.done $0x0  }
0x25c: {  	s23 =	simm.s32 $0x0;
	v7 =	vmul.u32 $0x48, v6;
	v6 =	vshll.u32 v6, $0x3;
	[sflag:s16] =	ssyncadd.s32 $0xFFFFE3E0  }
0x25d: {  	s31 =	simm.s32 $0x2;
	v29 =	vor.u32 v0, v6;
	v6 =	vor.u32 s23, v1;
	_ =	swait.ge [sflag:s16], $0x320  }
0x25e: {  	v28 =	vadd.s32 v2, v7;
	v7 =	vor.u32 s31, v1;
	v8 =	vmul.u32 $0x48, v6;
	[sflag:s16] =	ssyncset.done $0x0  }
0x25f: {  	v9 =	vmul.u32 $0x48, v7;
	s2 =	simm.s32 @!p1 $0x7;
	[sflag:s16] =	ssyncadd.s32 $0xFFFFFCE0  }
0x260: {  	v8 =	vadd.s32 v2, v8;
	s10 =	simm.s32 $0x6;
	_ =	swait.ge @!p1 [sflag:s2], $0x1C20  }
0x261: {  	v6 =	vshll.u32 v6, $0x3;
	v13 =	vadd.s32 v2, v9;
	v11 =	vor.u32 s10, v1;
	[sflag:s2] =	ssyncset.done @!p1 $0x0  }
0x262: {  	v7 =	vshll.u32 v7, $0x3;
	v17 =	vor.u32 v0, v6;
	v12 =	vmul.u32 $0x48, v11;
	[sflag:s2] =	ssyncadd.s32 @!p1 $0xFFFFE3E0  }
0x263: {  	v19 =	vor.u32 v0, v7;
	v10 =	vld.idx.msk [tilespmem:v29+s30+$0x0], $0xffff  }
0x264: {  	v7 =	vshll.u32 v11, $0x3;
	v6 =	vadd.s32 v2, v12;
	v9 =	vld.idx.msk [tilespmem:v28+s28+$0x0], $0xffff  }
0x265: {  	v7 =	vor.u32 v0, v7;
	v11 =	vld.idx.msk [tilespmem:v8+s28+$0x0], $0xffff  }
0x266: {  	v15 =	vld.idx.msk [tilespmem:v13+s28+$0x0], $0xffff  }
0x267: {  	v20 =	vld.idx.msk [tilespmem:v17+s30+$0x0], $0xffff  }
0x268: {  	s15 =	simm.s32 $0xA;
	v21 =	vld.idx.msk [tilespmem:v19+s30+$0x0], $0xffff  }
0x269: {  	s13 =	simm.s32 $0x8;
	v22 =	vor.u32 s15, v1;
	v24 =	vld.idx.msk [tilespmem:v6+s28+$0x0], $0xffff  }
0x26a: {  	s11 =	simm.s32 $0xE;
	v14 =	vor.u32 s13, v1;
	s12 =	simm.s32 $0xC;
	v26 =	vmul.u32 $0x48, v22;
	v22 =	vshll.u32 v22, $0x3;
	v25 =	vld.idx.msk [tilespmem:v7+s30+$0x0], $0xffff  }
0x26b: {  	v12 =	vor.u32 s11, v1;
	v9 =	vadd.f32 v10, v9;
	v10 =	vor.u32 s12, v1  }
0x26c: {  	v27 =	vmul.u32 $0x48, v12;
	v18 =	vmul.u32 $0x48, v10;
	v10 =	vshll.u32 v10, $0x3  }
0x26d: {  	v30 =	vshll.u32 v12, $0x3;
	v20 =	vadd.f32 v20, v11;
	v16 =	vor.u32 v0, v10  }
0x26e: {  	v21 =	vadd.f32 v21, v15;
	v11 =	vor.u32 v0, v22;
	v18 =	vadd.s32 v2, v18  }
0x26f: {  	v24 =	vadd.f32 v25, v24;
	v23 =	vmul.f32 $2.000000030e-01, v9;
	v10 =	vmul.u32 $0x48, v14  }
0x270: {  	v15 =	vor.u32 v0, v30;
	vm0 =	vge.f32 v9, $0.0e+00;
	v25 =	vmul.f32 $2.000000030e-01, v20  }
0x271: {  	v9 =	vsel vm0, v9, v23;
	v23 =	vshll.u32 v14, $0x3;
	v14 =	vadd.s32 v2, v10  }
0x272: {  	v10 =	vadd.s32 v2, v26;
	v26 =	vmul.f32 $2.000000030e-01, v21;
	v12 =	vor.u32 v0, v23;
	v23 =	vld.idx.msk [tilespmem:v16+s30+$0x0], $0xffff  }
0x273: {  	vm10 =	vge.f32 v20, $0.0e+00;
	vm1 =	vge.f32 v21, $0.0e+00;
	v9 =	vmul.f32 $1.442695020e+00, v9;
	v22 =	vld.idx.msk [tilespmem:v18+s28+$0x0], $0xffff  }
0x274: {  	vm11 =	vge.f32 v24, $0.0e+00;
	v20 =	vsel vm10, v20, v25;
	v21 =	vsel vm1, v21, v26  }
0x275: {  	s23 =	simm.s32 $0x14;
	(erf) = vpow2.f32 v9;
	v9 =	vadd.s32 v2, v27;
	v27 =	vmul.f32 $2.000000030e-01, v24  }
0x276: {  	v30 =	vmul.f32 $1.442695020e+00, v20;
	v31 =	vmul.f32 $1.442695020e+00, v21;
	v21 =	vor.u32 s23, v1  }
0x277: {  	s31 =	simm.s32 $0x12;
	s16 =	simm.s32 $0x16;
	v35 =	vld.idx.msk [tilespmem:v11+s30+$0x0], $0xffff;
	v34 =	vmul.u32 $0x48, v21;
	v21 =	vshll.u32 v21, $0x3;
	v20 =	vsel vm11, v24, v27  }
0x278: {  	s17 =	simm.s32 $0x10;
	v25 =	vld.idx.msk [tilespmem:v14+s28+$0x0], $0xffff;
	v24 =	vor.u32 s16, v1;
	v27 =	vor.u32 s31, v1;
	v22 =	vadd.f32 v23, v22  }
0x279: {  	v54 =	vld.idx.msk [tilespmem:v10+s28+$0x0], $0xffff;
	v33 =	vmul.f32 $1.442695020e+00, v20;
	v20 =	vor.u32 s17, v1;
	v39 =	vmul.u32 $0x48, v27  }
0x27a: {  	v26 =	vld.idx.msk [tilespmem:v12+s30+$0x0], $0xffff;
	v56 =	vmul.u32 $0x48, v24;
	v27 =	vshll.u32 v27, $0x3;
	v36 =	vmul.f32 $2.000000030e-01, v22  }
0x27b: {  	v40 =	vld.idx.msk [tilespmem:v15+s30+$0x0], $0xffff;
	v37 =	vmul.u32 $0x48, v20;
	v23 =	vor.u32 v0, v21;
	vm12 =	vge.f32 v22, $0.0e+00  }
0x27c: {  	v55 =	vshll.u32 v20, $0x3;
	v38 =	vld.idx.msk [tilespmem:v9+s28+$0x0], $0xffff;
	v21 =	vadd.s32 v2, v34;
	v22 =	vsel vm12, v22, v36  }
0x27d: {  	v57 =	vshll.u32 v24, $0x3;
	v24 =	vor.u32 v0, v55;
	v41 =	vmul.f32 $1.442695020e+00, v22  }
0x27e: {  	v27 =	vor.u32 v0, v27;
	v20 =	vadd.s32 v2, v37  }
0x27f: {  	v32 =	vadd.f32 v35, v54;
	v58 =	vadd.f32 v26, v25;
	(erf) = vpow2.f32 v41  }
0x280: {  	v26 =	vadd.s32 v2, v56;
	v25 =	vor.u32 v0, v57;
	v22 =	vadd.s32 v2, v39;
	v34 =	vld.idx.msk [tilespmem:v23+s30+$0x0], $0xffff  }
0x281: {  	v61 =	vmul.f32 $2.000000030e-01, v32;
	v62 =	vpop (erf);
	v59 =	vadd.f32 v40, v38;
	v35 =	vld.idx.msk [tilespmem:v21+s28+$0x0], $0xffff;
	(erf) = vpow2.f32 v30  }
0x282: {  	vm14 =	vge.f32 v32, $0.0e+00;
	v60 =	vmul.f32 $2.000000030e-01, v58;
	[tilespmem:v29+s26+$0x0] =	vst.idx.msk $0xffff, v62;
	v29 =	vld.idx.msk [tilespmem:v24+s30+$0x0], $0xffff;
	(erf) = vpow2.f32 v31  }
0x283: {  	vm13 =	vge.f32 v58, $0.0e+00;
	v38 =	vsel vm14, v32, v61;
	v32 =	vld.idx.msk [tilespmem:v27+s30+$0x0], $0xffff;
	v63 =	vmul.f32 $2.000000030e-01, v59  }
0x284: {  	[tilespmem:v28+s14+$0x0] =	vst.idx.msk $0xffff, v62;
	v37 =	vsel vm13, v58, v60;
	vm15 =	vge.f32 v59, $0.0e+00;
	v28 =	vmul.f32 $1.442695020e+00, v38;
	v30 =	vld.idx.msk [tilespmem:v20+s28+$0x0], $0xffff  }
0x285: {  	s6 =	simm.s32 $0x8;
	s10 =	simm.s32 $0x1E;
	v36 =	vsel vm15, v59, v63;
	v31 =	vld.idx.msk [tilespmem:v22+s28+$0x0], $0xffff;
	(erf) = vpow2.f32 v33;
	v33 =	vmul.f32 $1.442695020e+00, v37  }
.LBB2_15:
0x286: {  	v37 =	vor.u32 s10, v1;
	v34 =	vadd.f32 v34, v35;
	v36 =	vmul.f32 $1.442695020e+00, v36;
	v39 =	vmovc v11;
	v11 =	vmovc v27  }
0x287: {  	s2 =	sadd.s32 $0xFFFFFFFA, s10;
	s11 =	sadd.s32 $0xFFFFFFFC, s10;
	s12 =	sadd.s32 $0xFFFFFFFE, s10;
	v38 =	vld.idx.msk [tilespmem:v26+s28+$0x0], $0xffff;
	v40 =	vmovc v6;
	v6 =	vmovc v9;
	v9 =	vmov v26;
	v41 =	vmov v7;
	v7 =	vmov v15  }
0x288: {  	s6 =	sadd.s32 $0x4, s6;
	v26 =	vor.u32 s2, v1;
	v27 =	vor.u32 s11, v1;
	v46 =	vor.u32 s12, v1;
	v42 =	vld.idx.msk [tilespmem:v25+s30+$0x0], $0xffff;
	v35 =	vpop (erf)  }
0x289: {  	v15 =	vmovc v25;
	p3 =	slt.u32 s6, $0x2C;
	v43 =	vmul.u32 $0x48, v46;
	v44 =	vshll.u32 v46, $0x3;
	v45 =	vmul.f32 $2.000000030e-01, v34;
	[tilespmem:v16+s26+$0x0] =	vst.idx.msk $0xffff, v35;
	v16 =	vmovc v23  }
0x28a: {  	v25 =	vmul.u32 $0x48, v26;
	vm0 =	vge.f32 v34, $0.0e+00;
	v23 =	vor.u32 v0, v44;
	[tilespmem:v18+s14+$0x0] =	vst.idx.msk $0xffff, v35;
	v18 =	vpop (erf)  }
0x28b: {  	v35 =	vmul.u32 $0x48, v27;
	v43 =	vadd.s32 v2, v43;
	v34 =	vsel vm0, v34, v45;
	[tilespmem:v17+s26+$0x0] =	vst.idx.msk $0xffff, v18;
	v17 =	vpop (erf)  }
0x28c: {  	v26 =	vshll.u32 v26, $0x3;
	v44 =	vmul.u32 $0x48, v37;
	v34 =	vmul.f32 $1.442695020e+00, v34;
	[tilespmem:v8+s14+$0x0] =	vst.idx.msk $0xffff, v18;
	v18 =	vmovc v21;
	v21 =	vmovc v43  }
0x28d: {  	v37 =	vshll.u32 v37, $0x3;
	v45 =	vadd.s32 v2, v25;
	v25 =	vshll.u32 v27, $0x3;
	v8 =	vmovc v14;
	[tilespmem:v19+s26+$0x0] =	vst.idx.msk $0xffff, v17  }
0x28e: {  	v46 =	vadd.s32 v2, v35;
	v19 =	vor.u32 v0, v26;
	(erf) = vpow2.f32 v34;
	[tilespmem:v13+s14+$0x0] =	vst.idx.msk $0xffff, v17;
	v13 =	vpop (erf)  }
0x28f: {  	v27 =	vor.u32 v0, v25;
	v25 =	vor.u32 v0, v37;
	v26 =	vadd.s32 v2, v44;
	v34 =	vld.idx.msk [tilespmem:v23+s30+$0x0], $0xffff  }
0x290: {  	v32 =	vadd.f32 v32, v31;
	v37 =	vadd.f32 v29, v30;
	v14 =	vmovc v20;
	v35 =	vld.idx.msk [tilespmem:v43+s28+$0x0], $0xffff;
	(erf) = vpow2.f32 v33  }
.Ltmp8:
0x291: {  	v20 =	vmovc v45;
	v38 =	vadd.f32 v42, v38;
	v17 =	vmov v12;
	(erf) = vpow2.f32 v28;
	[tilespmem:v41+s26+$0x0] =	vst.idx.msk $0xffff, v13;
	(pc) =	sbr.rel @p3 .LBB2_15-.Ltmp8, $4  }
0x292: {  	vm0 =	vge.f32 v37, $0.0e+00;
	v12 =	vmovc v24;
	v33 =	vmul.f32 $2.000000030e-01, v32;
	v28 =	vmul.f32 $2.000000030e-01, v37;
	v30 =	vld.idx.msk [tilespmem:v45+s28+$0x0], $0xffff;
	[tilespmem:v40+s14+$0x0] =	vst.idx.msk $0xffff, v13  }
0x293: {  	vm1 =	vge.f32 v32, $0.0e+00;
	v24 =	vmovc v19;
	vm2 =	vge.f32 v38, $0.0e+00;
	v40 =	vmul.f32 $2.000000030e-01, v38;
	v13 =	vmovc v10;
	v31 =	vld.idx.msk [tilespmem:v46+s28+$0x0], $0xffff  }
0x294: {  	v10 =	vmovc v22;
	v37 =	vsel vm0, v37, v28;
	v28 =	vsel vm1, v32, v33;
	v29 =	vld.idx.msk [tilespmem:v19+s30+$0x0], $0xffff;
	(erf) = vpow2.f32 v36  }
0x295: {  	s10 =	sadd.s32 $0x8, s10;
	v22 =	vmovc v46;
	v33 =	vmul.f32 $1.442695020e+00, v37;
	v28 =	vmul.f32 $1.442695020e+00, v28;
	v36 =	vsel vm2, v38, v40;
	v19 =	vmovc v39;
	v32 =	vld.idx.msk [tilespmem:v27+s30+$0x0], $0xffff  }
0x296: {  	v34 =	vadd.f32 v34, v35;
	_ =	sdelay $0x1  }
0x297: {  	v35 =	vmul.f32 $2.000000030e-01, v34  }
0x298: {  	vm0 =	vge.f32 v34, $0.0e+00  }
0x299: {  	v51 =	vld.idx.msk [tilespmem:v26+s28+$0x0], $0xffff;
	v34 =	vsel vm0, v34, v35  }
0x29a: {  	v37 =	vld.idx.msk [tilespmem:v25+s30+$0x0], $0xffff;
	v34 =	vmul.f32 $1.442695020e+00, v34;
	_ =	sdelay $0x1  }
0x29b: {  	(erf) = vpow2.f32 v34  }
0x29c: {  	v52 =	vpop (erf);
	v29 =	vadd.f32 v29, v30  }
0x29d: {  	[tilespmem:v16+s26+$0x0] =	vst.idx.msk $0xffff, v52;
	v54 =	vadd.f32 v32, v31;
	(erf) = vpow2.f32 v33  }
0x29e: {  	v55 =	vmul.f32 $1.442695020e+00, v36;
	[tilespmem:v18+s14+$0x0] =	vst.idx.msk $0xffff, v52;
	v53 =	vpop (erf);
	v30 =	vmul.f32 $2.000000030e-01, v29;
	v57 =	vadd.f32 v37, v51  }
0x29f: {  	[tilespmem:v17+s26+$0x0] =	vst.idx.msk $0xffff, v53;
	vm13 =	vge.f32 v29, $0.0e+00;
	v58 =	vmul.f32 $2.000000030e-01, v54;
	(erf) = vpow2.f32 v28  }
0x2a0: {  	v56 =	vpop (erf);
	[tilespmem:v8+s14+$0x0] =	vst.idx.msk $0xffff, v53;
	vm14 =	vge.f32 v54, $0.0e+00;
	v59 =	vsel vm13, v29, v30;
	v62 =	vmul.f32 $2.000000030e-01, v57  }
0x2a1: {  	[tilespmem:v19+s26+$0x0] =	vst.idx.msk $0xffff, v56;
	v61 =	vpop (erf);
	v60 =	vmul.f32 $1.442695020e+00, v59;
	v16 =	vsel vm14, v54, v58;
	(erf) = vpow2.f32 v55  }
0x2a2: {  	vm15 =	vge.f32 v57, $0.0e+00;
	[tilespmem:v7+s26+$0x0] =	vst.idx.msk $0xffff, v61;
	v7 =	vmul.f32 $1.442695020e+00, v16  }
0x2a3: {  	[tilespmem:v6+s14+$0x0] =	vst.idx.msk $0xffff, v61;
	v6 =	vsel vm15, v57, v62;
	(erf) = vpow2.f32 v60  }
0x2a4: {  	[tilespmem:v13+s14+$0x0] =	vst.idx.msk $0xffff, v56;
	v6 =	vmul.f32 $1.442695020e+00, v6;
	v63 =	vpop (erf)  }
0x2a5: {  	(erf) = vpow2.f32 v7;
	[tilespmem:v23+s26+$0x0] =	vst.idx.msk $0xffff, v63  }
0x2a6: {  	v7 =	vpop (erf);
	[tilespmem:v21+s14+$0x0] =	vst.idx.msk $0xffff, v63  }
0x2a7: {  	(erf) = vpow2.f32 v6;
	[tilespmem:v12+s26+$0x0] =	vst.idx.msk $0xffff, v7  }
0x2a8: {  	v6 =	vpop (erf);
	[tilespmem:v14+s14+$0x0] =	vst.idx.msk $0xffff, v7  }
0x2a9: {  	[tilespmem:v11+s26+$0x0] =	vst.idx.msk $0xffff, v6  }
0x2aa: {  	[tilespmem:v10+s14+$0x0] =	vst.idx.msk $0xffff, v6;
	v6 =	vpop (erf)  }
0x2ab: {  	[tilespmem:v15+s26+$0x0] =	vst.idx.msk $0xffff, v6  }
0x2ac: {  	[tilespmem:v9+s14+$0x0] =	vst.idx.msk $0xffff, v6;
	v6 =	vpop (erf)  }
0x2ad: {  	[tilespmem:v24+s26+$0x0] =	vst.idx.msk $0xffff, v6  }
0x2ae: {  	[tilespmem:v20+s14+$0x0] =	vst.idx.msk $0xffff, v6;
	v7 =	vpop (erf)  }
0x2af: {  	[tilespmem:v27+s26+$0x0] =	vst.idx.msk $0xffff, v7  }
0x2b0: {  	v6 =	vpop (erf);
	[tilespmem:v22+s14+$0x0] =	vst.idx.msk $0xffff, v7  }
0x2b1: {  	[tilespmem:v25+s26+$0x0] =	vst.idx.msk $0xffff, v6  }
0x2b2: {  	s2 =	simm.s32 $0x60;
	[tilespmem:v26+s14+$0x0] =	vst.idx.msk $0xffff, v6  }
.LBB2_17:
0x2b3: {  	v6 =	vor.u32 s2, v1  }
0x2b4: {  	v7 =	vmul.u32 $0x48, v6;
	v6 =	vshll.u32 v6, $0x3  }
0x2b5: {  	v6 =	vor.u32 v0, v6  }
0x2b6: {  	v7 =	vadd.s32 v2, v7;
	_ =	sdelay $0x3  }
0x2b7: {  	v9 =	vld.idx.msk [tilespmem:v6+s30+$0x0], $0xffff  }
0x2b8: {  	v8 =	vld.idx.msk [tilespmem:v7+s28+$0x0], $0xffff;
	_ =	sdelay $0x4  }
0x2b9: {  	v8 =	vadd.f32 v9, v8;
	_ =	sdelay $0x1  }
0x2ba: {  	v9 =	vmul.f32 $2.000000030e-01, v8  }
0x2bb: {  	vm0 =	vge.f32 v8, $0.0e+00  }
0x2bc: {  	v8 =	vsel vm0, v8, v9  }
0x2bd: {  	v8 =	vmul.f32 $1.442695020e+00, v8;
	_ =	sdelay $0x1  }
0x2be: {  	(erf) = vpow2.f32 v8;
	_ =	sdelay $0x5  }
0x2bf: {  	p3 =	sne.s32 s2, $0x62  }
.Ltmp9:
0x2c0: {  	_ = 	snop;
	(pc) =	sbr.rel @p3 .LBB2_17-.Ltmp9, $4  }
0x2c1: {  	_ = 	snop  }
0x2c2: {  	v8 =	vpop (erf)  }
0x2c3: {  	[tilespmem:v6+s26+$0x0] =	vst.idx.msk $0xffff, v8  }
0x2c4: {  	s2 =	sadd.s32 $0x2, s2;
	[tilespmem:v7+s14+$0x0] =	vst.idx.msk $0xffff, v8  }
0x2c5: {  	s23 =	simm.s32 $0x18  }
0x2c6: {  	v7 =	vor.u32 s23, v1  }
0x2c7: {  	s16 =	simm.s32 $0x8;
	s11 =	simm.s32 $0x139D8  }
0x2c8: {  	s15 =	simm.s32 $0x10;
	v8 =	vor.u32 s16, v1;
	v10 =	vld [tilespmem:s11+$0x48]  }
0x2c9: {  	s13 =	simm.s32 $0x0;
	v9 =	vor.u32 s15, v1;
	v11 =	vld [tilespmem:s11+$0xFFFFFFB8]  }
0x2ca: {  	v6 =	vor.u32 s13, v1;
	v13 =	vld [tilespmem:s11+$0x0]  }
0x2cb: {  	v7 =	vld.idx.msk [tilespmem:v7+s26+$0x0], $0xffff  }
0x2cc: {  	v14 =	vld [tilespmem:s11+$0xFFFFFF70]  }
0x2cd: {  	v8 =	vld.idx.msk [tilespmem:v8+s26+$0x0], $0xffff  }
0x2ce: {  	v12 =	vor.u32 s23, v3;
	v9 =	vld.idx.msk [tilespmem:v9+s26+$0x0], $0xffff  }
0x2cf: {  	v6 =	vld.idx.msk [tilespmem:v6+s26+$0x0], $0xffff  }
0x2d0: {  	v7 =	vmul.f32 v7, v10  }
0x2d1: {  	s10 =	simm.s32 $0x1B6D8;
	v15 =	vor.u32 s15, v3  }
0x2d2: {  	v10 =	vor.u32 s16, v3;
	v8 =	vmul.f32 v8, v11;
	[tilespmem:s10+$0x48] =	vst v7  }
0x2d3: {  	v9 =	vmul.f32 v9, v13;
	v11 =	vld.idx.msk [tilespmem:v12+s26+$0x0], $0xffff  }
0x2d4: {  	v6 =	vmul.f32 v6, v14;
	[tilespmem:s10+$0xFFFFFFB8] =	vst v8;
	v12 =	vld [tilespmem:s11+$0x58]  }
0x2d5: {  	v7 =	vor.u32 s13, v3;
	[tilespmem:s10+$0x0] =	vst v9  }
0x2d6: {  	[tilespmem:s10+$0xFFFFFF70] =	vst v6;
	v6 =	vld.idx.msk [tilespmem:v15+s26+$0x0], $0xffff  }
0x2d7: {  	v9 =	vor.u32 s23, v4;
	v8 =	vld.idx.msk [tilespmem:v10+s26+$0x0], $0xffff  }
0x2d8: {  	v10 =	vld [tilespmem:s11+$0xFFFFFFC8]  }
0x2d9: {  	v13 =	vld [tilespmem:s11+$0xFFFFFF80];
	v11 =	vmul.f32 v11, v12  }
0x2da: {  	v7 =	vld.idx.msk [tilespmem:v7+s26+$0x0], $0xffff  }
0x2db: {  	v12 =	vld [tilespmem:s11+$0x10];
	[tilespmem:s10+$0x58] =	vst v11;
	v11 =	vor.u32 s16, v4  }
0x2dc: {  	s2 =	simm.s32 $0x20;
	v9 =	vld.idx.msk [tilespmem:v9+s26+$0x0], $0xffff  }
0x2dd: {  	s6 =	simm.s32 $0x13AF8;
	v8 =	vmul.f32 v8, v10;
	v10 =	vor.u32 s2, v1;
	v15 =	vld [tilespmem:s11+$0x68]  }
0x2de: {  	v17 =	vld [tilespmem:s6+$0x48];
	v14 =	vor.u32 s15, v4  }
0x2df: {  	v16 =	vor.u32 s13, v4;
	v18 =	vld [tilespmem:s6+$0xFFFFFFB8];
	v7 =	vmul.f32 v7, v13;
	[tilespmem:s10+$0xFFFFFFC8] =	vst v8  }
0x2e0: {  	v6 =	vmul.f32 v6, v12;
	v8 =	vld.idx.msk [tilespmem:v11+s26+$0x0], $0xffff  }
0x2e1: {  	s12 =	simm.s32 $0x28;
	[tilespmem:s10+$0xFFFFFF80] =	vst v7;
	v11 =	vld [tilespmem:s11+$0xFFFFFFD8]  }
0x2e2: {  	v12 =	vor.u32 s12, v1;
	[tilespmem:s10+$0x10] =	vst v6;
	v10 =	vld.idx.msk [tilespmem:v10+s26+$0x0], $0xffff;
	v7 =	vmul.f32 v9, v15  }
0x2e3: {  	s17 =	simm.s32 $0x38;
	v6 =	vld.idx.msk [tilespmem:v14+s26+$0x0], $0xffff  }
0x2e4: {  	s31 =	simm.s32 $0x30;
	v9 =	vld.idx.msk [tilespmem:v16+s26+$0x0], $0xffff;
	[tilespmem:s10+$0x68] =	vst v7;
	v7 =	vor.u32 s17, v1  }
0x2e5: {  	v14 =	vld [tilespmem:s11+$0x20];
	v15 =	vor.u32 s31, v1  }
0x2e6: {  	v16 =	vld [tilespmem:s11+$0xFFFFFF90]  }
0x2e7: {  	v12 =	vld.idx.msk [tilespmem:v12+s26+$0x0], $0xffff  }
0x2e8: {  	v13 =	vld [tilespmem:s11+$0x78]  }
0x2e9: {  	v8 =	vmul.f32 v8, v11;
	v7 =	vld.idx.msk [tilespmem:v7+s26+$0x0], $0xffff  }
0x2ea: {  	v15 =	vld.idx.msk [tilespmem:v15+s26+$0x0], $0xffff  }
0x2eb: {  	v6 =	vmul.f32 v6, v14;
	v14 =	vld [tilespmem:s6+$0x0];
	[tilespmem:s10+$0xFFFFFFD8] =	vst v8;
	v8 =	vmul.f32 v9, v16  }
0x2ec: {  	v9 =	vor.u32 s17, v3;
	v16 =	vld [tilespmem:s6+$0xFFFFFF70]  }
0x2ed: {  	v20 =	vld [tilespmem:s11+$0xFFFFFFE8];
	[tilespmem:s10+$0xFFFFFF90] =	vst v8  }
0x2ee: {  	v19 =	vor.u32 s23, v5;
	[tilespmem:s10+$0x20] =	vst v6;
	v11 =	vld [tilespmem:s11+$0xFFFFFFA0];
	v8 =	vmul.f32 v7, v17  }
0x2ef: {  	v21 =	vor.u32 s2, v3;
	v7 =	vld [tilespmem:s11+$0x30];
	s11 =	simm.s32 $0x1B7F8  }
0x2f0: {  	v6 =	vor.u32 s12, v3;
	[tilespmem:s11+$0x48] =	vst v8  }
0x2f1: {  	v10 =	vmul.f32 v10, v16;
	v17 =	vor.u32 s31, v3;
	v9 =	vld.idx.msk [tilespmem:v9+s26+$0x0], $0xffff  }
0x2f2: {  	v8 =	vmul.f32 v12, v18;
	v12 =	vmul.f32 v15, v14;
	v14 =	vld [tilespmem:s6+$0x58]  }
0x2f3: {  	v19 =	vld.idx.msk [tilespmem:v19+s26+$0x0], $0xffff;
	[tilespmem:s11+$0xFFFFFF70] =	vst v10  }
0x2f4: {  	v15 =	vld.idx.msk [tilespmem:v21+s26+$0x0], $0xffff;
	[tilespmem:s11+$0xFFFFFFB8] =	vst v8  }
0x2f5: {  	[tilespmem:s11+$0x0] =	vst v12;
	v12 =	vor.u32 s17, v4;
	v6 =	vld.idx.msk [tilespmem:v6+s26+$0x0], $0xffff  }
0x2f6: {  	v10 =	vld.idx.msk [tilespmem:v17+s26+$0x0], $0xffff  }
0x2f7: {  	v8 =	vor.u32 s16, v5;
	v16 =	vld [tilespmem:s6+$0xFFFFFFC8];
	v9 =	vmul.f32 v9, v14  }
0x2f8: {  	v17 =	vor.u32 s15, v5;
	v14 =	vld [tilespmem:s6+$0x10]  }
0x2f9: {  	v18 =	vor.u32 s13, v5;
	v63 =	vld [tilespmem:s6+$0xFFFFFF80];
	[tilespmem:s11+$0x58] =	vst v9  }
0x2fa: {  	v22 =	vor.u32 s12, v4;
	v25 =	vld.idx.msk [tilespmem:v12+s26+$0x0], $0xffff  }
0x2fb: {  	v24 =	vor.u32 s31, v4;
	v27 =	vld [tilespmem:s6+$0x68]  }
0x2fc: {  	v26 =	vor.u32 s2, v4;
	v23 =	vld.idx.msk [tilespmem:v8+s26+$0x0], $0xffff;
	v8 =	vmul.f32 v6, v16  }
0x2fd: {  	v6 =	vld.idx.msk [tilespmem:v17+s26+$0x0], $0xffff;
	v9 =	vmul.f32 v10, v14  }
0x2fe: {  	v17 =	vor.u32 s17, v5;
	v12 =	vld.idx.msk [tilespmem:v18+s26+$0x0], $0xffff;
	[tilespmem:s11+$0xFFFFFFC8] =	vst v8;
	v14 =	vmul.f32 v15, v63  }
0x2ff: {  	v13 =	vmul.f32 v19, v13;
	v16 =	vld.idx.msk [tilespmem:v22+s26+$0x0], $0xffff;
	[tilespmem:s11+$0x10] =	vst v9  }
0x300: {  	v8 =	vor.u32 s2, v5;
	[tilespmem:s11+$0xFFFFFF80] =	vst v14;
	v14 =	vld.idx.msk [tilespmem:v24+s26+$0x0], $0xffff;
	v18 =	vmul.f32 v25, v27  }
0x301: {  	[tilespmem:s10+$0x78] =	vst v13;
	s13 =	simm.s32 $0x40;
	s16 =	simm.s32 $0xC;
	s15 =	simm.s32 $0x13AF8;
	v10 =	vor.u32 s12, v5;
	v13 =	vmul.f32 v23, v20;
	v9 =	vor.u32 s31, v5;
	v15 =	vld.idx.msk [tilespmem:v26+s26+$0x0], $0xffff  }
.LBB2_19:
0x302: {  	p3 =	slt.u32 s16, $0x60;
	v19 =	vor.u32 s13, v1;
	v20 =	vor.u32 s13, v3;
	v21 =	vor.u32 s13, v4;
	s2 =	sadd.s32 $0x8, s13;
	s17 =	sadd.s32 $0x18, s13;
	v22 =	vld [tilespmem:s6+$0xFFFFFFD8];
	[tilespmem:s11+$0x68] =	vst v18  }
0x303: {  	s12 =	sadd.s32 $0x10, s13;
	v18 =	vor.u32 s2, v1;
	v23 =	vor.u32 s2, v3;
	v24 =	vor.u32 s17, v1;
	v17 =	vld.idx.msk [tilespmem:v17+s26+$0x0], $0xffff;
	[tilespmem:s10+$0xFFFFFFE8] =	vst v13  }
0x304: {  	v13 =	vor.u32 s2, v4;
	v25 =	vor.u32 s12, v1;
	v26 =	vor.u32 s12, v3;
	v27 =	vld [tilespmem:s6+$0x78]  }
0x305: {  	v28 =	vor.u32 s2, v5;
	v29 =	vor.u32 s12, v4;
	v30 =	vor.u32 s12, v5;
	v31 =	vld [tilespmem:s6+$0x20]  }
0x306: {  	v32 =	vor.u32 s13, v5;
	v6 =	vmul.f32 v6, v7;
	v11 =	vmul.f32 v12, v11;
	v33 =	vld [tilespmem:s6+$0xFFFFFF90]  }
0x307: {  	v7 =	vld.idx.msk [tilespmem:v19+s26+$0x0], $0xffff;
	v12 =	vmul.f32 v16, v22  }
0x308: {  	s6 =	sadd.s32 $0x120, s6;
	v16 =	vld.idx.msk [tilespmem:v24+s26+$0x0], $0xffff;
	[tilespmem:s10+$0x30] =	vst v6  }
0x309: {  	v6 =	vld [tilespmem:s6+$0x48];
	[tilespmem:s11+$0xFFFFFFD8] =	vst v12;
	v12 =	vmul.f32 v17, v27  }
0x30a: {  	v17 =	vld.idx.msk [tilespmem:v18+s26+$0x0], $0xffff;
	v14 =	vmul.f32 v14, v31;
	[tilespmem:s10+$0xFFFFFFA0] =	vst v11;
	s10 =	smov.u32 s11  }
0x30b: {  	v11 =	vld.idx.msk [tilespmem:v25+s26+$0x0], $0xffff;
	v15 =	vmul.f32 v15, v33;
	[tilespmem:s11+$0x78] =	vst v12  }
0x30c: {  	v18 =	vor.u32 s17, v3;
	v12 =	vld [tilespmem:s6+$0xFFFFFFB8];
	[tilespmem:s11+$0x20] =	vst v14  }
0x30d: {  	v14 =	vld [tilespmem:s6+$0x0];
	[tilespmem:s11+$0xFFFFFF90] =	vst v15  }
0x30e: {  	v15 =	vld [tilespmem:s6+$0xFFFFFF70];
	v6 =	vmul.f32 v16, v6  }
0x30f: {  	s11 =	sadd.s32 $0x120, s11;
	v19 =	vld.idx.msk [tilespmem:v10+s26+$0x0], $0xffff;
	v10 =	vmov v28  }
0x310: {  	[tilespmem:s11+$0x48] =	vst v6;
	v6 =	vld.idx.msk [tilespmem:v9+s26+$0x0], $0xffff;
	v9 =	vmov v30  }
0x311: {  	v12 =	vmul.f32 v17, v12;
	v16 =	vld.idx.msk [tilespmem:v18+s26+$0x0], $0xffff  }
0x312: {  	v11 =	vmul.f32 v11, v14;
	v14 =	vld [tilespmem:s6+$0x58]  }
0x313: {  	v7 =	vmul.f32 v7, v15;
	[tilespmem:s11+$0xFFFFFFB8] =	vst v12;
	v12 =	vld.idx.msk [tilespmem:v8+s26+$0x0], $0xffff;
	v8 =	vmov v32  }
0x314: {  	v15 =	vld.idx.msk [tilespmem:v23+s26+$0x0], $0xffff;
	[tilespmem:s11+$0x0] =	vst v11  }
0x315: {  	v11 =	vor.u32 s17, v4;
	[tilespmem:s11+$0xFFFFFF70] =	vst v7;
	v7 =	vld.idx.msk [tilespmem:v26+s26+$0x0], $0xffff  }
0x316: {  	v17 =	vld.idx.msk [tilespmem:v20+s26+$0x0], $0xffff  }
0x317: {  	v18 =	vld [tilespmem:s6+$0xFFFFFFC8];
	v14 =	vmul.f32 v16, v14  }
0x318: {  	v16 =	vld [tilespmem:s6+$0x10]  }
0x319: {  	v20 =	vld [tilespmem:s6+$0xFFFFFF80];
	[tilespmem:s11+$0x58] =	vst v14  }
0x31a: {  	v22 =	vld.idx.msk [tilespmem:v11+s26+$0x0], $0xffff  }
0x31b: {  	v23 =	vld [tilespmem:s6+$0x68]  }
0x31c: {  	v11 =	vmul.f32 v15, v18;
	v24 =	vld [tilespmem:s15+$0xFFFFFFE8]  }
.Ltmp10:
0x31d: {  	v14 =	vmul.f32 v7, v16;
	v7 =	vld [tilespmem:s15+$0x30];
	(pc) =	sbr.rel @p3 .LBB2_19-.Ltmp10, $4  }
0x31e: {  	v15 =	vmul.f32 v17, v20;
	[tilespmem:s11+$0xFFFFFFC8] =	vst v11;
	v17 =	vor.u32 s17, v5;
	v11 =	vld [tilespmem:s15+$0xFFFFFFA0];
	s15 =	smov.u32 s6  }
0x31f: {  	v16 =	vld.idx.msk [tilespmem:v13+s26+$0x0], $0xffff;
	[tilespmem:s11+$0x10] =	vst v14  }
0x320: {  	[tilespmem:s11+$0xFFFFFF80] =	vst v15;
	v14 =	vld.idx.msk [tilespmem:v29+s26+$0x0], $0xffff;
	v18 =	vmul.f32 v22, v23  }
0x321: {  	s13 =	sshll.u32 s16, $0x3;
	s16 =	sadd.s32 $0x4, s16;
	v15 =	vld.idx.msk [tilespmem:v21+s26+$0x0], $0xffff;
	v13 =	vmul.f32 v19, v24  }
0x322: {  	v19 =	vor.u32 s13, v1;
	s17 =	sadd.s32 $0x18, s13;
	v21 =	vld [tilespmem:s6+$0xFFFFFFD8]  }
0x323: {  	s23 =	sadd.s32 $0x10, s13;
	s16 =	sadd.s32 $0x120, s6;
	v30 =	vld [tilespmem:s6+$0x20];
	v20 =	vor.u32 s17, v1  }
0x324: {  	v22 =	vor.u32 s23, v1;
	v24 =	vld [tilespmem:s16+$0x48]  }
0x325: {  	s2 =	sadd.s32 $0x8, s13;
	v27 =	vld [tilespmem:s16+$0x0]  }
0x326: {  	[tilespmem:s11+$0x68] =	vst v18;
	v18 =	vor.u32 s2, v1;
	v28 =	vld [tilespmem:s16+$0xFFFFFF70]  }
0x327: {  	v19 =	vld.idx.msk [tilespmem:v19+s26+$0x0], $0xffff  }
0x328: {  	v20 =	vld.idx.msk [tilespmem:v20+s26+$0x0], $0xffff  }
0x329: {  	v22 =	vld.idx.msk [tilespmem:v22+s26+$0x0], $0xffff  }
0x32a: {  	v25 =	vld [tilespmem:s16+$0xFFFFFFB8]  }
0x32b: {  	v32 =	vor.u32 s13, v3;
	v16 =	vmul.f32 v16, v21;
	v18 =	vld.idx.msk [tilespmem:v18+s26+$0x0], $0xffff  }
0x32c: {  	v31 =	vld [tilespmem:s6+$0xFFFFFF90];
	v26 =	vor.u32 s17, v3;
	v19 =	vmul.f32 v19, v28  }
0x32d: {  	s12 =	sadd.s32 $0x120, s11;
	v23 =	vld [tilespmem:s6+$0x78];
	[tilespmem:s11+$0xFFFFFFD8] =	vst v16;
	v20 =	vmul.f32 v20, v24  }
0x32e: {  	v29 =	vor.u32 s2, v3;
	v17 =	vld.idx.msk [tilespmem:v17+s26+$0x0], $0xffff;
	v22 =	vmul.f32 v22, v27;
	[tilespmem:s12+$0xFFFFFF70] =	vst v19  }
0x32f: {  	v10 =	vld.idx.msk [tilespmem:v10+s26+$0x0], $0xffff;
	[tilespmem:s12+$0x48] =	vst v20  }
0x330: {  	v18 =	vmul.f32 v18, v25;
	[tilespmem:s12+$0x0] =	vst v22;
	v22 =	vld.idx.msk [tilespmem:v32+s26+$0x0], $0xffff  }
0x331: {  	v24 =	vor.u32 s23, v3;
	v20 =	vld.idx.msk [tilespmem:v26+s26+$0x0], $0xffff  }
0x332: {  	[tilespmem:s12+$0xFFFFFFB8] =	vst v18;
	v25 =	vld [tilespmem:s16+$0x58]  }
0x333: {  	v18 =	vld.idx.msk [tilespmem:v29+s26+$0x0], $0xffff  }
0x334: {  	v21 =	vld [tilespmem:s16+$0xFFFFFFC8]  }
0x335: {  	v14 =	vmul.f32 v14, v30;
	v26 =	vld [tilespmem:s16+$0x10]  }
0x336: {  	v15 =	vmul.f32 v15, v31;
	v19 =	vld.idx.msk [tilespmem:v24+s26+$0x0], $0xffff;
	v24 =	vor.u32 s17, v4  }
0x337: {  	[tilespmem:s11+$0x20] =	vst v14;
	v16 =	vld [tilespmem:s16+$0xFFFFFF80]  }
0x338: {  	[tilespmem:s11+$0xFFFFFF90] =	vst v15;
	v9 =	vld.idx.msk [tilespmem:v9+s26+$0x0], $0xffff;
	v27 =	vor.u32 s2, v4;
	v14 =	vmul.f32 v20, v25  }
0x339: {  	v8 =	vld.idx.msk [tilespmem:v8+s26+$0x0], $0xffff;
	v20 =	vor.u32 s23, v4  }
0x33a: {  	v29 =	vld [tilespmem:s15+$0xFFFFFFA0];
	[tilespmem:s12+$0x58] =	vst v14;
	v14 =	vmul.f32 v18, v21  }
0x33b: {  	v19 =	vmul.f32 v19, v26;
	v18 =	vld.idx.msk [tilespmem:v24+s26+$0x0], $0xffff  }
0x33c: {  	v15 =	vor.u32 s13, v4;
	v16 =	vmul.f32 v22, v16;
	v21 =	vld [tilespmem:s16+$0x68];
	[tilespmem:s12+$0xFFFFFFC8] =	vst v14  }
0x33d: {  	[tilespmem:s12+$0x10] =	vst v19;
	v14 =	vld.idx.msk [tilespmem:v27+s26+$0x0], $0xffff  }
0x33e: {  	[tilespmem:s12+$0xFFFFFF80] =	vst v16;
	v16 =	vld.idx.msk [tilespmem:v20+s26+$0x0], $0xffff  }
0x33f: {  	v19 =	vld [tilespmem:s16+$0xFFFFFFD8]  }
0x340: {  	v20 =	vor.u32 s17, v5;
	v22 =	vld [tilespmem:s16+$0x20]  }
0x341: {  	v15 =	vld.idx.msk [tilespmem:v15+s26+$0x0], $0xffff  }
0x342: {  	v25 =	vor.u32 s2, v5;
	v24 =	vld [tilespmem:s16+$0xFFFFFF90];
	v18 =	vmul.f32 v18, v21  }
0x343: {  	v26 =	vld [tilespmem:s15+$0xFFFFFFE8];
	v21 =	vor.u32 s23, v5  }
0x344: {  	v27 =	vld [tilespmem:s15+$0x30];
	[tilespmem:s12+$0x68] =	vst v18;
	v14 =	vmul.f32 v14, v19  }
0x345: {  	[tilespmem:s10+$0xFFFFFFE8] =	vst v13;
	v16 =	vmul.f32 v16, v22;
	v18 =	vld.idx.msk [tilespmem:v20+s26+$0x0], $0xffff  }
0x346: {  	v6 =	vmul.f32 v6, v7;
	v28 =	vor.u32 s13, v5;
	v19 =	vld [tilespmem:s16+$0x78];
	[tilespmem:s12+$0xFFFFFFD8] =	vst v14  }
0x347: {  	v11 =	vmul.f32 v12, v11;
	v14 =	vmul.f32 v15, v24;
	[tilespmem:s12+$0x20] =	vst v16;
	v15 =	vld.idx.msk [tilespmem:v25+s26+$0x0], $0xffff  }
0x348: {  	[tilespmem:s10+$0x30] =	vst v6;
	v7 =	vld.idx.msk [tilespmem:v21+s26+$0x0], $0xffff  }
0x349: {  	[tilespmem:s10+$0xFFFFFFA0] =	vst v11;
	v13 =	vld [tilespmem:s16+$0xFFFFFFE8]  }
0x34a: {  	v6 =	vmul.f32 v17, v23;
	v11 =	vld [tilespmem:s16+$0x30];
	[tilespmem:s12+$0xFFFFFF90] =	vst v14  }
0x34b: {  	v8 =	vmul.f32 v8, v29;
	v12 =	vld.idx.msk [tilespmem:v28+s26+$0x0], $0xffff  }
0x34c: {  	[tilespmem:s11+$0x78] =	vst v6;
	v6 =	vmul.f32 v9, v27;
	v9 =	vld [tilespmem:s16+$0xFFFFFFA0]  }
0x34d: {  	[tilespmem:s11+$0xFFFFFFA0] =	vst v8;
	v10 =	vmul.f32 v10, v26  }
0x34e: {  	[tilespmem:s11+$0x30] =	vst v6;
	v6 =	vmul.f32 v18, v19  }
0x34f: {  	[tilespmem:s11+$0xFFFFFFE8] =	vst v10;
	v8 =	vmul.f32 v15, v13  }
0x350: {  	[tilespmem:s12+$0x78] =	vst v6;
	v6 =	vmul.f32 v7, v11  }
0x351: {  	[tilespmem:s12+$0xFFFFFFE8] =	vst v8;
	v7 =	vmul.f32 v12, v9  }
0x352: {  	[tilespmem:s12+$0x30] =	vst v6  }
0x353: {  	s15 =	sadd.s32 $0xD938, s8;
	[tilespmem:s12+$0xFFFFFFA0] =	vst v7  }
0x354: {  	[spmem:s3] =	stream.indirect.scatter.add.f32 [tilespmem:s14], [sflag:$0x7], $0x48, s15, s18, $0xb8;
	[tilespmem:$0x1F1A8] =	vst v63  }
0x355: {  	s6 =	simm.s32 @!p2 $0x64;
	s10 =	simm.s32 @!p2 $0x13948;
	s2 =	sadd.s32 @!p2 $0xB238, s9  }
0x356: {  	[tilespmem:s10], [sflag:$0x3] =	stream.indirect.gather @!p2 [hbm4b:s4+s6], $0x48, s2, s6, $0xb8;
	[tilespmem:$0x1F1A8] =	vst v63  }
0x357: {  	s16 =	simm.s32 $0x4;
	s2 =	sadd.s32 @!p2 $0xDAD8, s9;
	s9 =	simm.s32 @!p2 $0x177C8  }
0x358: {  	[tilespmem:s9], [sflag:$0x3] =	stream.indirect.gather @!p2 [hbm4b:s5+s6], $0x8, s2, s6, $0xb8;
	[tilespmem:$0x1F1A8] =	vst v63  }
0x359: {  	s17 =	simm.s32 $0x4;
	_ =	swait.ge [sflag:s16], $0x1C20  }
0x35a: {  	v6 =	vor.u32 s17, v1;
	[sflag:s16] =	ssyncset.done $0x0  }
0x35b: {  	s23 =	simm.s32 $0x0;
	v7 =	vmul.u32 $0x48, v6;
	v6 =	vshll.u32 v6, $0x3;
	[sflag:s16] =	ssyncadd.s32 $0xFFFFE3E0  }
0x35c: {  	s31 =	smov.u32 s3;
	v29 =	vor.u32 v0, v6;
	s3 =	simm.s32 $0x2;
	v6 =	vor.u32 s23, v1;
	_ =	swait.ge [sflag:s16], $0x320  }
0x35d: {  	v28 =	vadd.s32 v2, v7;
	v7 =	vor.u32 s3, v1;
	v8 =	vmul.u32 $0x48, v6;
	[sflag:s16] =	ssyncset.done $0x0  }
0x35e: {  	v9 =	vmul.u32 $0x48, v7;
	s2 =	simm.s32 @!p1 $0x8;
	[sflag:s16] =	ssyncadd.s32 $0xFFFFFCE0  }
0x35f: {  	v8 =	vadd.s32 v2, v8;
	s9 =	simm.s32 $0x6;
	_ =	swait.ge @!p1 [sflag:s2], $0x1C20  }
0x360: {  	v6 =	vshll.u32 v6, $0x3;
	v13 =	vadd.s32 v2, v9;
	v11 =	vor.u32 s9, v1;
	[sflag:s2] =	ssyncset.done @!p1 $0x0  }
0x361: {  	v7 =	vshll.u32 v7, $0x3;
	v17 =	vor.u32 v0, v6;
	v12 =	vmul.u32 $0x48, v11;
	[sflag:s2] =	ssyncadd.s32 @!p1 $0xFFFFE3E0  }
0x362: {  	v19 =	vor.u32 v0, v7;
	v10 =	vld.idx.msk [tilespmem:v29+s21+$0x0], $0xffff  }
0x363: {  	v7 =	vshll.u32 v11, $0x3;
	v6 =	vadd.s32 v2, v12;
	v9 =	vld.idx.msk [tilespmem:v28+s0+$0x0], $0xffff  }
0x364: {  	v7 =	vor.u32 v0, v7;
	v11 =	vld.idx.msk [tilespmem:v8+s0+$0x0], $0xffff  }
0x365: {  	v15 =	vld.idx.msk [tilespmem:v13+s0+$0x0], $0xffff  }
0x366: {  	v20 =	vld.idx.msk [tilespmem:v17+s21+$0x0], $0xffff  }
0x367: {  	s13 =	simm.s32 $0xA;
	v21 =	vld.idx.msk [tilespmem:v19+s21+$0x0], $0xffff  }
0x368: {  	v22 =	vor.u32 s13, v1;
	s12 =	simm.s32 $0x8;
	v24 =	vld.idx.msk [tilespmem:v6+s0+$0x0], $0xffff  }
0x369: {  	v26 =	vmul.u32 $0x48, v22;
	v22 =	vshll.u32 v22, $0x3;
	s11 =	simm.s32 $0xC;
	v14 =	vor.u32 s12, v1;
	s10 =	simm.s32 $0xE;
	v25 =	vld.idx.msk [tilespmem:v7+s21+$0x0], $0xffff  }
0x36a: {  	v12 =	vor.u32 s10, v1;
	v9 =	vadd.f32 v10, v9;
	v10 =	vor.u32 s11, v1  }
0x36b: {  	v27 =	vmul.u32 $0x48, v12;
	v18 =	vmul.u32 $0x48, v10;
	v10 =	vshll.u32 v10, $0x3  }
0x36c: {  	v30 =	vshll.u32 v12, $0x3;
	v20 =	vadd.f32 v20, v11;
	v16 =	vor.u32 v0, v10  }
0x36d: {  	v21 =	vadd.f32 v21, v15;
	v11 =	vor.u32 v0, v22;
	v18 =	vadd.s32 v2, v18  }
0x36e: {  	v24 =	vadd.f32 v25, v24;
	v23 =	vmul.f32 $2.000000030e-01, v9;
	v10 =	vmul.u32 $0x48, v14  }
0x36f: {  	v15 =	vor.u32 v0, v30;
	vm0 =	vge.f32 v9, $0.0e+00;
	v25 =	vmul.f32 $2.000000030e-01, v20  }
0x370: {  	v9 =	vsel vm0, v9, v23;
	v23 =	vshll.u32 v14, $0x3;
	v14 =	vadd.s32 v2, v10  }
0x371: {  	v10 =	vadd.s32 v2, v26;
	v26 =	vmul.f32 $2.000000030e-01, v21;
	v12 =	vor.u32 v0, v23;
	v23 =	vld.idx.msk [tilespmem:v16+s21+$0x0], $0xffff  }
0x372: {  	vm10 =	vge.f32 v20, $0.0e+00;
	vm1 =	vge.f32 v21, $0.0e+00;
	v9 =	vmul.f32 $1.442695020e+00, v9;
	v22 =	vld.idx.msk [tilespmem:v18+s0+$0x0], $0xffff  }
0x373: {  	vm11 =	vge.f32 v24, $0.0e+00;
	v20 =	vsel vm10, v20, v25;
	v21 =	vsel vm1, v21, v26  }
0x374: {  	s17 =	simm.s32 $0x14;
	(erf) = vpow2.f32 v9;
	v9 =	vadd.s32 v2, v27;
	v27 =	vmul.f32 $2.000000030e-01, v24  }
0x375: {  	v30 =	vmul.f32 $1.442695020e+00, v20;
	v31 =	vmul.f32 $1.442695020e+00, v21;
	v21 =	vor.u32 s17, v1  }
0x376: {  	s15 =	simm.s32 $0x16;
	s23 =	simm.s32 $0x12;
	v35 =	vld.idx.msk [tilespmem:v11+s21+$0x0], $0xffff;
	v34 =	vmul.u32 $0x48, v21;
	v21 =	vshll.u32 v21, $0x3;
	v20 =	vsel vm11, v24, v27  }
0x377: {  	s16 =	simm.s32 $0x10;
	v25 =	vld.idx.msk [tilespmem:v14+s0+$0x0], $0xffff;
	v24 =	vor.u32 s15, v1;
	v27 =	vor.u32 s23, v1;
	v22 =	vadd.f32 v23, v22  }
0x378: {  	v54 =	vld.idx.msk [tilespmem:v10+s0+$0x0], $0xffff;
	v33 =	vmul.f32 $1.442695020e+00, v20;
	v20 =	vor.u32 s16, v1;
	v39 =	vmul.u32 $0x48, v27  }
0x379: {  	v26 =	vld.idx.msk [tilespmem:v12+s21+$0x0], $0xffff;
	v56 =	vmul.u32 $0x48, v24;
	v27 =	vshll.u32 v27, $0x3;
	v36 =	vmul.f32 $2.000000030e-01, v22  }
0x37a: {  	v40 =	vld.idx.msk [tilespmem:v15+s21+$0x0], $0xffff;
	v37 =	vmul.u32 $0x48, v20;
	v23 =	vor.u32 v0, v21;
	vm12 =	vge.f32 v22, $0.0e+00  }
0x37b: {  	v55 =	vshll.u32 v20, $0x3;
	v38 =	vld.idx.msk [tilespmem:v9+s0+$0x0], $0xffff;
	v21 =	vadd.s32 v2, v34;
	v22 =	vsel vm12, v22, v36  }
0x37c: {  	v57 =	vshll.u32 v24, $0x3;
	v24 =	vor.u32 v0, v55;
	v41 =	vmul.f32 $1.442695020e+00, v22  }
0x37d: {  	v27 =	vor.u32 v0, v27;
	v20 =	vadd.s32 v2, v37  }
0x37e: {  	v32 =	vadd.f32 v35, v54;
	v58 =	vadd.f32 v26, v25;
	(erf) = vpow2.f32 v41  }
0x37f: {  	v26 =	vadd.s32 v2, v56;
	v25 =	vor.u32 v0, v57;
	v22 =	vadd.s32 v2, v39;
	v34 =	vld.idx.msk [tilespmem:v23+s21+$0x0], $0xffff  }
0x380: {  	v61 =	vmul.f32 $2.000000030e-01, v32;
	v62 =	vpop (erf);
	v59 =	vadd.f32 v40, v38;
	v35 =	vld.idx.msk [tilespmem:v21+s0+$0x0], $0xffff;
	(erf) = vpow2.f32 v30  }
0x381: {  	vm14 =	vge.f32 v32, $0.0e+00;
	v60 =	vmul.f32 $2.000000030e-01, v58;
	[tilespmem:v29+s26+$0x0] =	vst.idx.msk $0xffff, v62;
	v29 =	vld.idx.msk [tilespmem:v24+s21+$0x0], $0xffff;
	(erf) = vpow2.f32 v31  }
0x382: {  	vm13 =	vge.f32 v58, $0.0e+00;
	v38 =	vsel vm14, v32, v61;
	v32 =	vld.idx.msk [tilespmem:v27+s21+$0x0], $0xffff;
	v63 =	vmul.f32 $2.000000030e-01, v59  }
0x383: {  	[tilespmem:v28+s7+$0x0] =	vst.idx.msk $0xffff, v62;
	v37 =	vsel vm13, v58, v60;
	vm15 =	vge.f32 v59, $0.0e+00;
	v28 =	vmul.f32 $1.442695020e+00, v38;
	v30 =	vld.idx.msk [tilespmem:v20+s0+$0x0], $0xffff  }
0x384: {  	s6 =	simm.s32 $0x8;
	s9 =	simm.s32 $0x1E;
	v36 =	vsel vm15, v59, v63;
	v31 =	vld.idx.msk [tilespmem:v22+s0+$0x0], $0xffff;
	(erf) = vpow2.f32 v33;
	v33 =	vmul.f32 $1.442695020e+00, v37  }
.LBB2_21:
0x385: {  	v37 =	vor.u32 s9, v1;
	v34 =	vadd.f32 v34, v35;
	v36 =	vmul.f32 $1.442695020e+00, v36;
	v39 =	vmovc v11;
	v11 =	vmovc v27  }
0x386: {  	s2 =	sadd.s32 $0xFFFFFFFA, s9;
	s10 =	sadd.s32 $0xFFFFFFFC, s9;
	s11 =	sadd.s32 $0xFFFFFFFE, s9;
	v38 =	vld.idx.msk [tilespmem:v26+s0+$0x0], $0xffff;
	v40 =	vmovc v6;
	v6 =	vmovc v9;
	v9 =	vmov v26;
	v41 =	vmov v7;
	v7 =	vmov v15  }
0x387: {  	s6 =	sadd.s32 $0x4, s6;
	v26 =	vor.u32 s2, v1;
	v27 =	vor.u32 s10, v1;
	v46 =	vor.u32 s11, v1;
	v42 =	vld.idx.msk [tilespmem:v25+s21+$0x0], $0xffff;
	v35 =	vpop (erf)  }
0x388: {  	v15 =	vmovc v25;
	p1 =	slt.u32 s6, $0x2C;
	v43 =	vmul.u32 $0x48, v46;
	v44 =	vshll.u32 v46, $0x3;
	v45 =	vmul.f32 $2.000000030e-01, v34;
	[tilespmem:v16+s26+$0x0] =	vst.idx.msk $0xffff, v35;
	v16 =	vmovc v23  }
0x389: {  	v25 =	vmul.u32 $0x48, v26;
	vm0 =	vge.f32 v34, $0.0e+00;
	v23 =	vor.u32 v0, v44;
	[tilespmem:v18+s7+$0x0] =	vst.idx.msk $0xffff, v35;
	v18 =	vpop (erf)  }
0x38a: {  	v35 =	vmul.u32 $0x48, v27;
	v43 =	vadd.s32 v2, v43;
	v34 =	vsel vm0, v34, v45;
	[tilespmem:v17+s26+$0x0] =	vst.idx.msk $0xffff, v18;
	v17 =	vpop (erf)  }
0x38b: {  	v26 =	vshll.u32 v26, $0x3;
	v44 =	vmul.u32 $0x48, v37;
	v34 =	vmul.f32 $1.442695020e+00, v34;
	[tilespmem:v8+s7+$0x0] =	vst.idx.msk $0xffff, v18;
	v18 =	vmovc v21;
	v21 =	vmovc v43  }
0x38c: {  	v37 =	vshll.u32 v37, $0x3;
	v45 =	vadd.s32 v2, v25;
	v25 =	vshll.u32 v27, $0x3;
	v8 =	vmovc v14;
	[tilespmem:v19+s26+$0x0] =	vst.idx.msk $0xffff, v17  }
0x38d: {  	v46 =	vadd.s32 v2, v35;
	v19 =	vor.u32 v0, v26;
	(erf) = vpow2.f32 v34;
	[tilespmem:v13+s7+$0x0] =	vst.idx.msk $0xffff, v17;
	v13 =	vpop (erf)  }
0x38e: {  	v27 =	vor.u32 v0, v25;
	v25 =	vor.u32 v0, v37;
	v26 =	vadd.s32 v2, v44;
	v34 =	vld.idx.msk [tilespmem:v23+s21+$0x0], $0xffff  }
0x38f: {  	v32 =	vadd.f32 v32, v31;
	v37 =	vadd.f32 v29, v30;
	v14 =	vmovc v20;
	v35 =	vld.idx.msk [tilespmem:v43+s0+$0x0], $0xffff;
	(erf) = vpow2.f32 v33  }
.Ltmp11:
0x390: {  	v20 =	vmovc v45;
	v38 =	vadd.f32 v42, v38;
	v17 =	vmov v12;
	(erf) = vpow2.f32 v28;
	[tilespmem:v41+s26+$0x0] =	vst.idx.msk $0xffff, v13;
	(pc) =	sbr.rel @p1 .LBB2_21-.Ltmp11, $4  }
0x391: {  	vm0 =	vge.f32 v37, $0.0e+00;
	v12 =	vmovc v24;
	v33 =	vmul.f32 $2.000000030e-01, v32;
	v28 =	vmul.f32 $2.000000030e-01, v37;
	v30 =	vld.idx.msk [tilespmem:v45+s0+$0x0], $0xffff;
	[tilespmem:v40+s7+$0x0] =	vst.idx.msk $0xffff, v13  }
0x392: {  	vm1 =	vge.f32 v32, $0.0e+00;
	v24 =	vmovc v19;
	vm2 =	vge.f32 v38, $0.0e+00;
	v40 =	vmul.f32 $2.000000030e-01, v38;
	v13 =	vmovc v10;
	v31 =	vld.idx.msk [tilespmem:v46+s0+$0x0], $0xffff  }
0x393: {  	v10 =	vmovc v22;
	v37 =	vsel vm0, v37, v28;
	v28 =	vsel vm1, v32, v33;
	v29 =	vld.idx.msk [tilespmem:v19+s21+$0x0], $0xffff;
	(erf) = vpow2.f32 v36  }
0x394: {  	s9 =	sadd.s32 $0x8, s9;
	v22 =	vmovc v46;
	v33 =	vmul.f32 $1.442695020e+00, v37;
	v28 =	vmul.f32 $1.442695020e+00, v28;
	v36 =	vsel vm2, v38, v40;
	v19 =	vmovc v39;
	v32 =	vld.idx.msk [tilespmem:v27+s21+$0x0], $0xffff  }
0x395: {  	v34 =	vadd.f32 v34, v35;
	_ =	sdelay $0x1  }
0x396: {  	v35 =	vmul.f32 $2.000000030e-01, v34  }
0x397: {  	vm0 =	vge.f32 v34, $0.0e+00  }
0x398: {  	v51 =	vld.idx.msk [tilespmem:v26+s0+$0x0], $0xffff;
	v34 =	vsel vm0, v34, v35  }
0x399: {  	v37 =	vld.idx.msk [tilespmem:v25+s21+$0x0], $0xffff;
	v34 =	vmul.f32 $1.442695020e+00, v34;
	_ =	sdelay $0x1  }
0x39a: {  	(erf) = vpow2.f32 v34  }
0x39b: {  	v52 =	vpop (erf);
	v29 =	vadd.f32 v29, v30  }
0x39c: {  	[tilespmem:v16+s26+$0x0] =	vst.idx.msk $0xffff, v52;
	v54 =	vadd.f32 v32, v31;
	(erf) = vpow2.f32 v33  }
0x39d: {  	v55 =	vmul.f32 $1.442695020e+00, v36;
	[tilespmem:v18+s7+$0x0] =	vst.idx.msk $0xffff, v52;
	v53 =	vpop (erf);
	v30 =	vmul.f32 $2.000000030e-01, v29;
	v57 =	vadd.f32 v37, v51  }
0x39e: {  	[tilespmem:v17+s26+$0x0] =	vst.idx.msk $0xffff, v53;
	vm13 =	vge.f32 v29, $0.0e+00;
	v58 =	vmul.f32 $2.000000030e-01, v54;
	(erf) = vpow2.f32 v28  }
0x39f: {  	v56 =	vpop (erf);
	[tilespmem:v8+s7+$0x0] =	vst.idx.msk $0xffff, v53;
	vm14 =	vge.f32 v54, $0.0e+00;
	v59 =	vsel vm13, v29, v30;
	v62 =	vmul.f32 $2.000000030e-01, v57  }
0x3a0: {  	[tilespmem:v19+s26+$0x0] =	vst.idx.msk $0xffff, v56;
	v61 =	vpop (erf);
	v60 =	vmul.f32 $1.442695020e+00, v59;
	v16 =	vsel vm14, v54, v58;
	(erf) = vpow2.f32 v55  }
0x3a1: {  	vm15 =	vge.f32 v57, $0.0e+00;
	[tilespmem:v7+s26+$0x0] =	vst.idx.msk $0xffff, v61;
	v7 =	vmul.f32 $1.442695020e+00, v16  }
0x3a2: {  	[tilespmem:v6+s7+$0x0] =	vst.idx.msk $0xffff, v61;
	v6 =	vsel vm15, v57, v62;
	(erf) = vpow2.f32 v60  }
0x3a3: {  	[tilespmem:v13+s7+$0x0] =	vst.idx.msk $0xffff, v56;
	v6 =	vmul.f32 $1.442695020e+00, v6;
	v63 =	vpop (erf)  }
0x3a4: {  	(erf) = vpow2.f32 v7;
	[tilespmem:v23+s26+$0x0] =	vst.idx.msk $0xffff, v63  }
0x3a5: {  	v7 =	vpop (erf);
	[tilespmem:v21+s7+$0x0] =	vst.idx.msk $0xffff, v63  }
0x3a6: {  	(erf) = vpow2.f32 v6;
	[tilespmem:v12+s26+$0x0] =	vst.idx.msk $0xffff, v7  }
0x3a7: {  	v6 =	vpop (erf);
	[tilespmem:v14+s7+$0x0] =	vst.idx.msk $0xffff, v7  }
0x3a8: {  	[tilespmem:v11+s26+$0x0] =	vst.idx.msk $0xffff, v6  }
0x3a9: {  	[tilespmem:v10+s7+$0x0] =	vst.idx.msk $0xffff, v6;
	v6 =	vpop (erf)  }
0x3aa: {  	[tilespmem:v15+s26+$0x0] =	vst.idx.msk $0xffff, v6  }
0x3ab: {  	[tilespmem:v9+s7+$0x0] =	vst.idx.msk $0xffff, v6;
	v6 =	vpop (erf)  }
0x3ac: {  	[tilespmem:v24+s26+$0x0] =	vst.idx.msk $0xffff, v6  }
0x3ad: {  	[tilespmem:v20+s7+$0x0] =	vst.idx.msk $0xffff, v6;
	v7 =	vpop (erf)  }
0x3ae: {  	[tilespmem:v27+s26+$0x0] =	vst.idx.msk $0xffff, v7  }
0x3af: {  	v6 =	vpop (erf);
	[tilespmem:v22+s7+$0x0] =	vst.idx.msk $0xffff, v7  }
0x3b0: {  	[tilespmem:v25+s26+$0x0] =	vst.idx.msk $0xffff, v6  }
0x3b1: {  	s2 =	simm.s32 $0x60;
	[tilespmem:v26+s7+$0x0] =	vst.idx.msk $0xffff, v6  }
.LBB2_23:
0x3b2: {  	v6 =	vor.u32 s2, v1  }
0x3b3: {  	v7 =	vmul.u32 $0x48, v6;
	v6 =	vshll.u32 v6, $0x3  }
0x3b4: {  	v6 =	vor.u32 v0, v6  }
0x3b5: {  	v7 =	vadd.s32 v2, v7;
	_ =	sdelay $0x3  }
0x3b6: {  	v9 =	vld.idx.msk [tilespmem:v6+s21+$0x0], $0xffff  }
0x3b7: {  	v8 =	vld.idx.msk [tilespmem:v7+s0+$0x0], $0xffff;
	_ =	sdelay $0x4  }
0x3b8: {  	v8 =	vadd.f32 v9, v8;
	_ =	sdelay $0x1  }
0x3b9: {  	v9 =	vmul.f32 $2.000000030e-01, v8  }
0x3ba: {  	vm0 =	vge.f32 v8, $0.0e+00  }
0x3bb: {  	v8 =	vsel vm0, v8, v9  }
0x3bc: {  	v8 =	vmul.f32 $1.442695020e+00, v8;
	_ =	sdelay $0x1  }
0x3bd: {  	(erf) = vpow2.f32 v8;
	_ =	sdelay $0x5  }
0x3be: {  	p1 =	sne.s32 s2, $0x62  }
.Ltmp12:
0x3bf: {  	_ = 	snop;
	(pc) =	sbr.rel @p1 .LBB2_23-.Ltmp12, $4  }
0x3c0: {  	_ = 	snop  }
0x3c1: {  	v8 =	vpop (erf)  }
0x3c2: {  	[tilespmem:v6+s26+$0x0] =	vst.idx.msk $0xffff, v8  }
0x3c3: {  	s2 =	sadd.s32 $0x2, s2;
	[tilespmem:v7+s7+$0x0] =	vst.idx.msk $0xffff, v8  }
0x3c4: {  	s17 =	simm.s32 $0x18  }
0x3c5: {  	v7 =	vor.u32 s17, v1  }
0x3c6: {  	s15 =	simm.s32 $0x8;
	s10 =	simm.s32 $0x155F8  }
0x3c7: {  	s13 =	simm.s32 $0x10;
	v8 =	vor.u32 s15, v1;
	v10 =	vld [tilespmem:s10+$0x48]  }
0x3c8: {  	s11 =	simm.s32 $0x0;
	v9 =	vor.u32 s13, v1;
	v11 =	vld [tilespmem:s10+$0xFFFFFFB8]  }
0x3c9: {  	v6 =	vor.u32 s11, v1;
	v13 =	vld [tilespmem:s10+$0x0]  }
0x3ca: {  	v7 =	vld.idx.msk [tilespmem:v7+s26+$0x0], $0xffff  }
0x3cb: {  	v14 =	vld [tilespmem:s10+$0xFFFFFF70]  }
0x3cc: {  	v8 =	vld.idx.msk [tilespmem:v8+s26+$0x0], $0xffff  }
0x3cd: {  	v12 =	vor.u32 s17, v3;
	v9 =	vld.idx.msk [tilespmem:v9+s26+$0x0], $0xffff  }
0x3ce: {  	v6 =	vld.idx.msk [tilespmem:v6+s26+$0x0], $0xffff  }
0x3cf: {  	v7 =	vmul.f32 v7, v10  }
0x3d0: {  	s9 =	simm.s32 $0x1D2F8;
	v15 =	vor.u32 s13, v3  }
0x3d1: {  	v10 =	vor.u32 s15, v3;
	v8 =	vmul.f32 v8, v11;
	[tilespmem:s9+$0x48] =	vst v7  }
0x3d2: {  	v9 =	vmul.f32 v9, v13;
	v11 =	vld.idx.msk [tilespmem:v12+s26+$0x0], $0xffff  }
0x3d3: {  	v6 =	vmul.f32 v6, v14;
	[tilespmem:s9+$0xFFFFFFB8] =	vst v8;
	v12 =	vld [tilespmem:s10+$0x58]  }
0x3d4: {  	v7 =	vor.u32 s11, v3;
	[tilespmem:s9+$0x0] =	vst v9  }
0x3d5: {  	[tilespmem:s9+$0xFFFFFF70] =	vst v6;
	v6 =	vld.idx.msk [tilespmem:v15+s26+$0x0], $0xffff  }
0x3d6: {  	v9 =	vor.u32 s17, v4;
	v8 =	vld.idx.msk [tilespmem:v10+s26+$0x0], $0xffff  }
0x3d7: {  	v10 =	vld [tilespmem:s10+$0xFFFFFFC8]  }
0x3d8: {  	v13 =	vld [tilespmem:s10+$0xFFFFFF80];
	v11 =	vmul.f32 v11, v12  }
0x3d9: {  	v7 =	vld.idx.msk [tilespmem:v7+s26+$0x0], $0xffff  }
0x3da: {  	v12 =	vld [tilespmem:s10+$0x10];
	[tilespmem:s9+$0x58] =	vst v11;
	v11 =	vor.u32 s15, v4  }
0x3db: {  	s2 =	simm.s32 $0x20;
	v9 =	vld.idx.msk [tilespmem:v9+s26+$0x0], $0xffff  }
0x3dc: {  	s6 =	simm.s32 $0x15718;
	v8 =	vmul.f32 v8, v10;
	v10 =	vor.u32 s2, v1;
	v15 =	vld [tilespmem:s10+$0x68]  }
0x3dd: {  	v17 =	vld [tilespmem:s6+$0x48];
	v14 =	vor.u32 s13, v4  }
0x3de: {  	v16 =	vor.u32 s11, v4;
	v18 =	vld [tilespmem:s6+$0xFFFFFFB8];
	v7 =	vmul.f32 v7, v13;
	[tilespmem:s9+$0xFFFFFFC8] =	vst v8  }
0x3df: {  	v6 =	vmul.f32 v6, v12;
	v8 =	vld.idx.msk [tilespmem:v11+s26+$0x0], $0xffff  }
0x3e0: {  	s12 =	simm.s32 $0x28;
	[tilespmem:s9+$0xFFFFFF80] =	vst v7;
	v11 =	vld [tilespmem:s10+$0xFFFFFFD8]  }
0x3e1: {  	v12 =	vor.u32 s12, v1;
	[tilespmem:s9+$0x10] =	vst v6;
	v10 =	vld.idx.msk [tilespmem:v10+s26+$0x0], $0xffff;
	v7 =	vmul.f32 v9, v15  }
0x3e2: {  	s16 =	simm.s32 $0x38;
	v6 =	vld.idx.msk [tilespmem:v14+s26+$0x0], $0xffff  }
0x3e3: {  	s23 =	simm.s32 $0x30;
	v9 =	vld.idx.msk [tilespmem:v16+s26+$0x0], $0xffff;
	[tilespmem:s9+$0x68] =	vst v7;
	v7 =	vor.u32 s16, v1  }
0x3e4: {  	v14 =	vld [tilespmem:s10+$0x20];
	v15 =	vor.u32 s23, v1  }
0x3e5: {  	v16 =	vld [tilespmem:s10+$0xFFFFFF90]  }
0x3e6: {  	v12 =	vld.idx.msk [tilespmem:v12+s26+$0x0], $0xffff  }
0x3e7: {  	v13 =	vld [tilespmem:s10+$0x78]  }
0x3e8: {  	v8 =	vmul.f32 v8, v11;
	v7 =	vld.idx.msk [tilespmem:v7+s26+$0x0], $0xffff  }
0x3e9: {  	v15 =	vld.idx.msk [tilespmem:v15+s26+$0x0], $0xffff  }
0x3ea: {  	v6 =	vmul.f32 v6, v14;
	v14 =	vld [tilespmem:s6+$0x0];
	[tilespmem:s9+$0xFFFFFFD8] =	vst v8;
	v8 =	vmul.f32 v9, v16  }
0x3eb: {  	v9 =	vor.u32 s16, v3;
	v16 =	vld [tilespmem:s6+$0xFFFFFF70]  }
0x3ec: {  	v20 =	vld [tilespmem:s10+$0xFFFFFFE8];
	[tilespmem:s9+$0xFFFFFF90] =	vst v8  }
0x3ed: {  	v19 =	vor.u32 s17, v5;
	[tilespmem:s9+$0x20] =	vst v6;
	v11 =	vld [tilespmem:s10+$0xFFFFFFA0];
	v8 =	vmul.f32 v7, v17  }
0x3ee: {  	v21 =	vor.u32 s2, v3;
	v7 =	vld [tilespmem:s10+$0x30];
	s10 =	simm.s32 $0x1D418  }
0x3ef: {  	v6 =	vor.u32 s12, v3;
	[tilespmem:s10+$0x48] =	vst v8  }
0x3f0: {  	v10 =	vmul.f32 v10, v16;
	v17 =	vor.u32 s23, v3;
	v9 =	vld.idx.msk [tilespmem:v9+s26+$0x0], $0xffff  }
0x3f1: {  	v8 =	vmul.f32 v12, v18;
	v12 =	vmul.f32 v15, v14;
	v14 =	vld [tilespmem:s6+$0x58]  }
0x3f2: {  	v19 =	vld.idx.msk [tilespmem:v19+s26+$0x0], $0xffff;
	[tilespmem:s10+$0xFFFFFF70] =	vst v10  }
0x3f3: {  	v15 =	vld.idx.msk [tilespmem:v21+s26+$0x0], $0xffff;
	[tilespmem:s10+$0xFFFFFFB8] =	vst v8  }
0x3f4: {  	[tilespmem:s10+$0x0] =	vst v12;
	v12 =	vor.u32 s16, v4;
	v6 =	vld.idx.msk [tilespmem:v6+s26+$0x0], $0xffff  }
0x3f5: {  	v10 =	vld.idx.msk [tilespmem:v17+s26+$0x0], $0xffff  }
0x3f6: {  	v8 =	vor.u32 s15, v5;
	v16 =	vld [tilespmem:s6+$0xFFFFFFC8];
	v9 =	vmul.f32 v9, v14  }
0x3f7: {  	v17 =	vor.u32 s13, v5;
	v14 =	vld [tilespmem:s6+$0x10]  }
0x3f8: {  	v18 =	vor.u32 s11, v5;
	v63 =	vld [tilespmem:s6+$0xFFFFFF80];
	[tilespmem:s10+$0x58] =	vst v9  }
0x3f9: {  	v22 =	vor.u32 s12, v4;
	v25 =	vld.idx.msk [tilespmem:v12+s26+$0x0], $0xffff  }
0x3fa: {  	v24 =	vor.u32 s23, v4;
	v27 =	vld [tilespmem:s6+$0x68]  }
0x3fb: {  	v26 =	vor.u32 s2, v4;
	v23 =	vld.idx.msk [tilespmem:v8+s26+$0x0], $0xffff;
	v8 =	vmul.f32 v6, v16  }
0x3fc: {  	v6 =	vld.idx.msk [tilespmem:v17+s26+$0x0], $0xffff;
	v9 =	vmul.f32 v10, v14  }
0x3fd: {  	v17 =	vor.u32 s16, v5;
	v12 =	vld.idx.msk [tilespmem:v18+s26+$0x0], $0xffff;
	[tilespmem:s10+$0xFFFFFFC8] =	vst v8;
	v14 =	vmul.f32 v15, v63  }
0x3fe: {  	v13 =	vmul.f32 v19, v13;
	v16 =	vld.idx.msk [tilespmem:v22+s26+$0x0], $0xffff;
	[tilespmem:s10+$0x10] =	vst v9  }
0x3ff: {  	v8 =	vor.u32 s2, v5;
	[tilespmem:s10+$0xFFFFFF80] =	vst v14;
	v14 =	vld.idx.msk [tilespmem:v24+s26+$0x0], $0xffff;
	v18 =	vmul.f32 v25, v27  }
0x400: {  	[tilespmem:s9+$0x78] =	vst v13;
	s11 =	simm.s32 $0x15718;
	s15 =	simm.s32 $0xC;
	s13 =	simm.s32 $0x40;
	v10 =	vor.u32 s12, v5;
	v13 =	vmul.f32 v23, v20;
	v9 =	vor.u32 s23, v5;
	v15 =	vld.idx.msk [tilespmem:v26+s26+$0x0], $0xffff  }
.LBB2_25:
0x401: {  	p1 =	slt.u32 s15, $0x60;
	v19 =	vor.u32 s13, v1;
	v20 =	vor.u32 s13, v3;
	v21 =	vor.u32 s13, v4;
	s2 =	sadd.s32 $0x8, s13;
	s16 =	sadd.s32 $0x18, s13;
	v22 =	vld [tilespmem:s6+$0xFFFFFFD8];
	[tilespmem:s10+$0x68] =	vst v18  }
0x402: {  	s12 =	sadd.s32 $0x10, s13;
	v18 =	vor.u32 s2, v1;
	v23 =	vor.u32 s2, v3;
	v24 =	vor.u32 s16, v1;
	v17 =	vld.idx.msk [tilespmem:v17+s26+$0x0], $0xffff;
	[tilespmem:s9+$0xFFFFFFE8] =	vst v13  }
0x403: {  	v13 =	vor.u32 s2, v4;
	v25 =	vor.u32 s12, v1;
	v26 =	vor.u32 s12, v3;
	v27 =	vld [tilespmem:s6+$0x78]  }
0x404: {  	v28 =	vor.u32 s2, v5;
	v29 =	vor.u32 s12, v4;
	v30 =	vor.u32 s12, v5;
	v31 =	vld [tilespmem:s6+$0x20]  }
0x405: {  	v32 =	vor.u32 s13, v5;
	v6 =	vmul.f32 v6, v7;
	v11 =	vmul.f32 v12, v11;
	v33 =	vld [tilespmem:s6+$0xFFFFFF90]  }
0x406: {  	v7 =	vld.idx.msk [tilespmem:v19+s26+$0x0], $0xffff;
	v12 =	vmul.f32 v16, v22  }
0x407: {  	s6 =	sadd.s32 $0x120, s6;
	v16 =	vld.idx.msk [tilespmem:v24+s26+$0x0], $0xffff;
	[tilespmem:s9+$0x30] =	vst v6  }
0x408: {  	v6 =	vld [tilespmem:s6+$0x48];
	[tilespmem:s10+$0xFFFFFFD8] =	vst v12;
	v12 =	vmul.f32 v17, v27  }
0x409: {  	v17 =	vld.idx.msk [tilespmem:v18+s26+$0x0], $0xffff;
	v14 =	vmul.f32 v14, v31;
	[tilespmem:s9+$0xFFFFFFA0] =	vst v11;
	s9 =	smov.u32 s10  }
0x40a: {  	v11 =	vld.idx.msk [tilespmem:v25+s26+$0x0], $0xffff;
	v15 =	vmul.f32 v15, v33;
	[tilespmem:s10+$0x78] =	vst v12  }
0x40b: {  	v18 =	vor.u32 s16, v3;
	v12 =	vld [tilespmem:s6+$0xFFFFFFB8];
	[tilespmem:s10+$0x20] =	vst v14  }
0x40c: {  	v14 =	vld [tilespmem:s6+$0x0];
	[tilespmem:s10+$0xFFFFFF90] =	vst v15  }
0x40d: {  	v15 =	vld [tilespmem:s6+$0xFFFFFF70];
	v6 =	vmul.f32 v16, v6  }
0x40e: {  	s10 =	sadd.s32 $0x120, s10;
	v19 =	vld.idx.msk [tilespmem:v10+s26+$0x0], $0xffff;
	v10 =	vmov v28  }
0x40f: {  	[tilespmem:s10+$0x48] =	vst v6;
	v6 =	vld.idx.msk [tilespmem:v9+s26+$0x0], $0xffff;
	v9 =	vmov v30  }
0x410: {  	v12 =	vmul.f32 v17, v12;
	v16 =	vld.idx.msk [tilespmem:v18+s26+$0x0], $0xffff  }
0x411: {  	v11 =	vmul.f32 v11, v14;
	v14 =	vld [tilespmem:s6+$0x58]  }
0x412: {  	v7 =	vmul.f32 v7, v15;
	[tilespmem:s10+$0xFFFFFFB8] =	vst v12;
	v12 =	vld.idx.msk [tilespmem:v8+s26+$0x0], $0xffff;
	v8 =	vmov v32  }
0x413: {  	v15 =	vld.idx.msk [tilespmem:v23+s26+$0x0], $0xffff;
	[tilespmem:s10+$0x0] =	vst v11  }
0x414: {  	v11 =	vor.u32 s16, v4;
	[tilespmem:s10+$0xFFFFFF70] =	vst v7;
	v7 =	vld.idx.msk [tilespmem:v26+s26+$0x0], $0xffff  }
0x415: {  	v17 =	vld.idx.msk [tilespmem:v20+s26+$0x0], $0xffff  }
0x416: {  	v18 =	vld [tilespmem:s6+$0xFFFFFFC8];
	v14 =	vmul.f32 v16, v14  }
0x417: {  	v16 =	vld [tilespmem:s6+$0x10]  }
0x418: {  	v20 =	vld [tilespmem:s6+$0xFFFFFF80];
	[tilespmem:s10+$0x58] =	vst v14  }
0x419: {  	v22 =	vld.idx.msk [tilespmem:v11+s26+$0x0], $0xffff  }
0x41a: {  	v23 =	vld [tilespmem:s6+$0x68]  }
0x41b: {  	v11 =	vmul.f32 v15, v18;
	v24 =	vld [tilespmem:s11+$0xFFFFFFE8]  }
.Ltmp13:
0x41c: {  	v14 =	vmul.f32 v7, v16;
	v7 =	vld [tilespmem:s11+$0x30];
	(pc) =	sbr.rel @p1 .LBB2_25-.Ltmp13, $4  }
0x41d: {  	v15 =	vmul.f32 v17, v20;
	[tilespmem:s10+$0xFFFFFFC8] =	vst v11;
	v17 =	vor.u32 s16, v5;
	v11 =	vld [tilespmem:s11+$0xFFFFFFA0];
	s11 =	smov.u32 s6  }
0x41e: {  	v16 =	vld.idx.msk [tilespmem:v13+s26+$0x0], $0xffff;
	[tilespmem:s10+$0x10] =	vst v14  }
0x41f: {  	[tilespmem:s10+$0xFFFFFF80] =	vst v15;
	v14 =	vld.idx.msk [tilespmem:v29+s26+$0x0], $0xffff;
	v18 =	vmul.f32 v22, v23  }
0x420: {  	s13 =	sshll.u32 s15, $0x3;
	s15 =	sadd.s32 $0x4, s15;
	v15 =	vld.idx.msk [tilespmem:v21+s26+$0x0], $0xffff;
	v13 =	vmul.f32 v19, v24  }
0x421: {  	v21 =	vld [tilespmem:s6+$0xFFFFFFD8]  }
0x422: {  	v19 =	vor.u32 s13, v1;
	v30 =	vld [tilespmem:s6+$0x20]  }
0x423: {  	s16 =	sadd.s32 $0x18, s13;
	[tilespmem:s10+$0x68] =	vst v18;
	v31 =	vld [tilespmem:s6+$0xFFFFFF90]  }
0x424: {  	s15 =	sadd.s32 $0x120, s6;
	v20 =	vor.u32 s16, v1;
	v23 =	vld [tilespmem:s6+$0x78]  }
0x425: {  	s2 =	sadd.s32 $0x8, s13;
	v24 =	vld [tilespmem:s15+$0x48]  }
0x426: {  	s17 =	sadd.s32 $0x10, s13;
	v60 =	vor.u32 s2, v1;
	v28 =	vld [tilespmem:s15+$0xFFFFFF70]  }
0x427: {  	v22 =	vor.u32 s17, v1;
	v19 =	vld.idx.msk [tilespmem:v19+s26+$0x0], $0xffff  }
0x428: {  	v25 =	vld [tilespmem:s15+$0xFFFFFFB8]  }
0x429: {  	v20 =	vld.idx.msk [tilespmem:v20+s26+$0x0], $0xffff  }
0x42a: {  	v32 =	vor.u32 s13, v3;
	v27 =	vld [tilespmem:s15+$0x0]  }
0x42b: {  	v16 =	vmul.f32 v16, v21;
	v18 =	vld.idx.msk [tilespmem:v60+s26+$0x0], $0xffff  }
0x42c: {  	v26 =	vor.u32 s16, v3;
	v22 =	vld.idx.msk [tilespmem:v22+s26+$0x0], $0xffff;
	v19 =	vmul.f32 v19, v28  }
0x42d: {  	s12 =	sadd.s32 $0x120, s10;
	v17 =	vld.idx.msk [tilespmem:v17+s26+$0x0], $0xffff;
	[tilespmem:s10+$0xFFFFFFD8] =	vst v16  }
0x42e: {  	v29 =	vor.u32 s2, v3;
	v10 =	vld.idx.msk [tilespmem:v10+s26+$0x0], $0xffff;
	v20 =	vmul.f32 v20, v24;
	[tilespmem:s12+$0xFFFFFF70] =	vst v19  }
0x42f: {  	v61 =	vor.u32 s17, v3;
	v33 =	vld.idx.msk [tilespmem:v32+s26+$0x0], $0xffff  }
0x430: {  	v18 =	vmul.f32 v18, v25;
	[tilespmem:s12+$0x48] =	vst v20;
	v37 =	vld [tilespmem:s15+$0xFFFFFF80]  }
0x431: {  	v22 =	vmul.f32 v22, v27;
	v20 =	vld.idx.msk [tilespmem:v26+s26+$0x0], $0xffff  }
0x432: {  	[tilespmem:s12+$0xFFFFFFB8] =	vst v18;
	v62 =	vld [tilespmem:s15+$0x58]  }
0x433: {  	[tilespmem:s12+$0x0] =	vst v22;
	v18 =	vld.idx.msk [tilespmem:v29+s26+$0x0], $0xffff  }
0x434: {  	v41 =	vor.u32 s13, v4;
	v14 =	vmul.f32 v14, v30;
	v63 =	vld.idx.msk [tilespmem:v61+s26+$0x0], $0xffff  }
0x435: {  	v15 =	vmul.f32 v15, v31;
	v34 =	vld [tilespmem:s15+$0xFFFFFFC8]  }
0x436: {  	v35 =	vor.u32 s16, v4;
	[tilespmem:s10+$0x20] =	vst v14;
	v36 =	vld [tilespmem:s15+$0x10];
	v16 =	vmul.f32 v33, v37  }
0x437: {  	[tilespmem:s10+$0xFFFFFF90] =	vst v15;
	v9 =	vld.idx.msk [tilespmem:v9+s26+$0x0], $0xffff  }
0x438: {  	v38 =	vor.u32 s2, v4;
	v8 =	vld.idx.msk [tilespmem:v8+s26+$0x0], $0xffff;
	v39 =	vmul.f32 v20, v62;
	[tilespmem:s12+$0xFFFFFF80] =	vst v16  }
0x439: {  	v40 =	vor.u32 s17, v4;
	v15 =	vld.idx.msk [tilespmem:v41+s26+$0x0], $0xffff  }
0x43a: {  	v42 =	vmul.f32 v18, v34;
	[tilespmem:s12+$0x58] =	vst v39;
	v49 =	vld [tilespmem:s15+$0xFFFFFF90]  }
0x43b: {  	v19 =	vmul.f32 v63, v36;
	v43 =	vld.idx.msk [tilespmem:v35+s26+$0x0], $0xffff  }
0x43c: {  	[tilespmem:s12+$0xFFFFFFC8] =	vst v42;
	v44 =	vld [tilespmem:s15+$0x68]  }
0x43d: {  	[tilespmem:s12+$0x10] =	vst v19;
	v14 =	vld.idx.msk [tilespmem:v38+s26+$0x0], $0xffff  }
0x43e: {  	v45 =	vld.idx.msk [tilespmem:v40+s26+$0x0], $0xffff  }
0x43f: {  	v54 =	vor.u32 s13, v5;
	v46 =	vld [tilespmem:s15+$0xFFFFFFD8]  }
0x440: {  	v47 =	vor.u32 s16, v5;
	v48 =	vld [tilespmem:s15+$0x20]  }
0x441: {  	v51 =	vld [tilespmem:s11+$0xFFFFFFE8];
	v57 =	vmul.f32 v15, v49  }
0x442: {  	v50 =	vor.u32 s2, v5;
	v53 =	vld [tilespmem:s11+$0x30];
	v18 =	vmul.f32 v43, v44  }
0x443: {  	v52 =	vor.u32 s17, v5;
	v55 =	vld [tilespmem:s11+$0xFFFFFFA0];
	[tilespmem:s12+$0xFFFFFF90] =	vst v57  }
0x444: {  	v14 =	vmul.f32 v14, v46;
	[tilespmem:s12+$0x68] =	vst v18;
	v59 =	vld.idx.msk [tilespmem:v54+s26+$0x0], $0xffff  }
0x445: {  	v16 =	vmul.f32 v45, v48;
	v18 =	vld.idx.msk [tilespmem:v47+s26+$0x0], $0xffff  }
0x446: {  	[tilespmem:s12+$0xFFFFFFD8] =	vst v14;
	v56 =	vld [tilespmem:s15+$0x78]  }
0x447: {  	v6 =	vmul.f32 v6, v7;
	[tilespmem:s12+$0x20] =	vst v16;
	v58 =	vld.idx.msk [tilespmem:v50+s26+$0x0], $0xffff  }
0x448: {  	[tilespmem:s9+$0xFFFFFFE8] =	vst v13;
	v11 =	vmul.f32 v12, v11;
	v7 =	vld.idx.msk [tilespmem:v52+s26+$0x0], $0xffff  }
0x449: {  	[tilespmem:s9+$0x30] =	vst v6;
	v6 =	vmul.f32 v17, v23;
	v60 =	vld [tilespmem:s15+$0xFFFFFFE8]  }
0x44a: {  	[tilespmem:s9+$0xFFFFFFA0] =	vst v11;
	v10 =	vmul.f32 v10, v51;
	v61 =	vld [tilespmem:s15+$0x30]  }
0x44b: {  	[tilespmem:s10+$0x78] =	vst v6;
	v6 =	vmul.f32 v9, v53;
	v62 =	vld [tilespmem:s15+$0xFFFFFFA0]  }
0x44c: {  	v8 =	vmul.f32 v8, v55;
	[tilespmem:s10+$0xFFFFFFE8] =	vst v10  }
0x44d: {  	[tilespmem:s10+$0x30] =	vst v6;
	v6 =	vmul.f32 v18, v56  }
0x44e: {  	[tilespmem:s10+$0xFFFFFFA0] =	vst v8;
	v63 =	vmul.f32 v58, v60  }
.Ltmp14:
0x44f: {  	[tilespmem:s12+$0x78] =	vst v6;
	v6 =	vmul.f32 v7, v61;
	(pc) =	sbr.rel @p2 .LBB2_28-.Ltmp14, $4  }
0x450: {  	[tilespmem:s12+$0xFFFFFFE8] =	vst v63;
	v7 =	vmul.f32 v59, v62  }
0x451: {  	[tilespmem:s12+$0x30] =	vst v6  }
0x452: {  	s23 =	sadd.s32 $0xD9A0, s8;
	[tilespmem:s12+$0xFFFFFFA0] =	vst v7  }
0x453: {  	[spmem:s31] =	stream.indirect.scatter.add.f32 [tilespmem:s7], [sflag:$0x8], $0x48, s23, s18, $0xb8;
	[tilespmem:$0x1F1A8] =	vst v63  }
0x454: {  	s2 =	smul.u32 $0x1A0, s25  }
.Ltmp15:
0x455: {  	_ = 	snop;
	(pc) =	sbr.rel .LBB2_2-.Ltmp15, $4  }
0x456: {  	s6 =	sadd.s32 $0xB2A0, s2  }
0x457: {  	[tilespmem:s0], [sflag:$0x4] =	stream.indirect.gather [hbm4b:s4+s18], $0x48, s6, s18, $0xb8;
	[tilespmem:$0x1F1A8] =	vst v63  }
0x458: {  	s25 =	sadd.s32 $0x1, s25;
	s2 =	sadd.s32 $0xDB40, s2  }
0x459: {  	[tilespmem:s21], [sflag:$0x4] =	stream.indirect.gather [hbm4b:s5+s18], $0x8, s2, s18, $0xb8;
	[tilespmem:$0x1F1A8] =	vst v63  }
.LBB2_29:
0x45a: {  	_ =	sfence.sel $0x180000  }
0x45b: {  	[bflag:$0x0] =	sbarrier.arrive $0xFFFF  }
0x45c: {  	_ =	strace $0x90000047  }
0x45d: {  	s0 =	stileid.u32;
	[bflag:$0x2] =	sbarrier.arrive $0xFFFF  }
0x45e: {  	p0 =	sne.s32 s0, $0x0;
	s0 =	rddreg [dreg:$0x3]  }
0x45f: {  	s0 =	sadd.s32 @!p0 $0x100000, s0  }
0x460: {  	[sflag:s0] =	ssyncadd.tile.s32 @!p0 $0x1;
	_ =	shalt  }
.Lfunc_end2:
_tile_overlayer_lowered:
.L_overlay_start_2:
0x461: {  	(tag) =	ssettag $0x2  }
0x462: {  	s0 =	rddreg [dreg:$0x0];
	s2 =	stileid.u32  }
0x463: {  	s1 =	rddreg [dreg:$0x1];
	p0 =	sne.s32 s2, $0x0  }
0x464: {  	s3 =	rddreg [dreg:$0x2];
	[bflag:$0x3] =	sbarrier.arrive $0xFFFF;
	s2 =	simm.s32 @!p0 $0x1C09  }
0x465: {  	[timem:s3], [sflag:s2] =	dma.local @!p0 [hbm:s0], s1  }
0x466: {  	s0 =	simm.s32 @!p0 $0x9  }
0x467: {  	_ =	swait.ge @!p0 [sflag:s0], s1  }
0x468: {  	s1 =	ssub.s32 @!p0 $0x0, s1;
	[sflag:s0] =	ssyncset.done @!p0 $0x0  }
0x469: {  	[sflag:s0] =	ssyncadd.s32 @!p0 s1  }
0x46a: {  	[bflag:$0x3] =	sbarrier.arrive $0xFFFF  }
0x46b: {  	_ =	shalt  }

</sc_bundles>
